<compile_context>
chip_gen: v7x
topology: tpu7x:2x2x1
jax: 0.10.2.dev20260603
libtpu: 0.0.44.dev20260713+nightly
codegen_flags: <defaults>
</compile_context>

<pallas_src>
import functools

import jax
import jax.numpy as jnp
from jax import lax
from jax.experimental import pallas as pl
from jax.experimental.pallas import tpu as pltpu
from jax.experimental.pallas import tpu_sc as plsc

N = 10000
E = 320000
D = 128
NG = 64
NC = 2
NS = 16
K = 80
CW = 16
EPC = E // NC
EPT = EPC // NS
ITS = EPT // K
RPT = 624
RTAIL = N - NS * RPT

_MESH = dict(core_axis_name="c", subcore_axis_name="s")



KD = 2000
RLEN = RPT + RTAIL


@functools.partial(
    pl.kernel,
    out_type=jax.ShapeDtypeStruct((NC * N,), jnp.float32),
    mesh=plsc.VectorSubcoreMesh(**_MESH),
    compiler_params=pltpu.CompilerParams(needs_layout_passes=False),
    scratch_types=[
        pltpu.VMEM_SHARED((NS * N,), jnp.float32),
        pltpu.VMEM((N,), jnp.float32),
        pltpu.VMEM((KD,), jnp.int32),
        pltpu.VMEM((NS * RLEN,), jnp.float32),
    ],
)
def _deg_kernel(dst_hbm, out_hbm, shared, hist, dst_v, red_v):
    c = lax.axis_index("c")
    s = lax.axis_index("s")

    @pl.loop(0, N // 16, unroll=8)
    def _(i):
        hist[pl.ds(i * 16, 16)] = jnp.zeros((16,), jnp.float32)

    base = c * EPC + s * EPT
    ones16 = jnp.full((16,), 1.0, jnp.float32)

    @pl.loop(0, EPT // KD)
    def _(i):
        pltpu.sync_copy(dst_hbm.at[pl.ds(base + i * KD, KD)], dst_v)

        @pl.loop(0, KD // 16, unroll=8)
        def _(j):
            idx = dst_v[pl.ds(j * 16, 16)]
            plsc.addupdate_scatter(hist, [idx], ones16)

    pltpu.sync_copy(hist, shared.at[pl.ds(s * N, N)])
    plsc.subcore_barrier()

    n0 = s * RPT
    for p in range(NS):
        pltpu.sync_copy(shared.at[pl.ds(p * N + n0, RLEN)],
                        red_v.at[pl.ds(p * RLEN, RLEN)])

    @pl.loop(0, RLEN // 16, unroll=4)
    def _(j):
        acc = jnp.zeros((16,), jnp.float32)
        for p in range(NS):
            acc = acc + red_v[pl.ds(p * RLEN + j * 16, 16)]
        hist[pl.ds(j * 16, 16)] = acc

    pltpu.sync_copy(hist.at[pl.ds(0, RPT)], out_hbm.at[pl.ds(c * N + n0, RPT)])

    @pl.when(s == NS - 1)
    def _():
        pltpu.sync_copy(hist.at[pl.ds(RPT, RTAIL)],
                        out_hbm.at[pl.ds(c * N + n0 + RPT, RTAIL)])


@functools.partial(
    pl.kernel,
    out_type=jax.ShapeDtypeStruct((NC, N, D), jnp.float32),
    mesh=plsc.VectorSubcoreMesh(**_MESH),
    scratch_types=[
        pltpu.VMEM_SHARED((N, D), jnp.float32),
        [pltpu.VMEM((K,), jnp.int32) for _ in range(3)],
        [pltpu.VMEM((K,), jnp.int32) for _ in range(3)],
        [pltpu.VMEM((K, D), jnp.float32) for _ in range(3)],
        [pltpu.SemaphoreType.DMA for _ in range(3)],
    ],
)
def _edge_kernel(src_hbm, dst_hbm, ht_hbm, out_hbm,
                 acc, src_v, dst_v, rows, sem):
    c = lax.axis_index("c")
    s = lax.axis_index("s")
    r0 = s * RPT

    @pl.loop(0, K, unroll=4)
    def _(i):
        for j in range(D // 16):
            rows[0][i, pl.ds(j * 16, 16)] = jnp.zeros((16,), jnp.float32)

    for t in range(RPT // K):
        pltpu.sync_copy(rows[0], acc.at[pl.ds(r0 + t * K, K)])
    _rem = RPT - (RPT // K) * K
    if _rem:
        pltpu.sync_copy(rows[0].at[pl.ds(0, _rem)],
                        acc.at[pl.ds(r0 + RPT - _rem, _rem)])

    @pl.when(s == 0)
    def _():
        pltpu.sync_copy(rows[0].at[pl.ds(0, RTAIL)],
                        acc.at[pl.ds(NS * RPT, RTAIL)])

    plsc.subcore_barrier()
    base = c * EPC + s * EPT

    def _prime(b, q):
        e0 = base + q * K
        pltpu.sync_copy(src_hbm.at[pl.ds(e0, K)], src_v[b])
        pltpu.sync_copy(dst_hbm.at[pl.ds(e0, K)], dst_v[b])
        pltpu.async_copy(ht_hbm.at[src_v[b]], rows[b], sem[b])

    def _consume(b):
        pltpu.make_async_copy(ht_hbm.at[src_v[b]], rows[b], sem[b]).wait()
        pltpu.sync_copy(rows[b], acc.at[dst_v[b]], add=True)

    _prime(0, 0)
    _prime(1, 1)

    @pl.loop(0, (ITS - 2) // 3)
    def _(p):
        q = 3 * p
        for j in range(3):
            b = j
            pn = (j + 2) % 3
            pltpu.make_async_copy(ht_hbm.at[src_v[b]], rows[b], sem[b]).wait()
            e0 = base + (q + j + 2) * K
            pltpu.sync_copy(src_hbm.at[pl.ds(e0, K)], src_v[pn])
            pltpu.sync_copy(dst_hbm.at[pl.ds(e0, K)], dst_v[pn])
            pltpu.async_copy(ht_hbm.at[src_v[pn]], rows[pn], sem[pn])
            pltpu.sync_copy(rows[b], acc.at[dst_v[b]], add=True)

    _consume(0)
    _consume(1)

    plsc.subcore_barrier()
    pltpu.sync_copy(acc.at[pl.ds(r0, RPT)], out_hbm.at[c, pl.ds(r0, RPT)])

    @pl.when(s == 0)
    def _():
        pltpu.sync_copy(acc.at[pl.ds(NS * RPT, RTAIL)],
                        out_hbm.at[c, pl.ds(NS * RPT, RTAIL)])



_RB = 2000


def _dinv_of(d0_ref, d1_ref):
    deg = 1.0 + d0_ref[...] + d1_ref[...]
    return lax.rsqrt(deg)


def _ht1_body(x_ref, d0_ref, d1_ref, w_ref, o_ref):
    h = jnp.dot(x_ref[...], w_ref[...], preferred_element_type=jnp.float32)
    o_ref[...] = h * _dinv_of(d0_ref, d1_ref)


_ht1_call = pl.pallas_call(
    _ht1_body,
    grid=(N // _RB,),
    in_specs=[
        pl.BlockSpec((_RB, D), lambda i: (i, 0)),
        pl.BlockSpec((_RB, 1), lambda i: (i, 0)),
        pl.BlockSpec((_RB, 1), lambda i: (i, 0)),
        pl.BlockSpec((D, D), lambda i: (0, 0)),
    ],
    out_specs=pl.BlockSpec((_RB, D), lambda i: (i, 0)),
    out_shape=jax.ShapeDtypeStruct((N, D), jnp.float32),
)


def _ht2_body(acc_ref, ht1_ref, d0_ref, d1_ref, w_ref, b_ref, o_ref):
    dinv = _dinv_of(d0_ref, d1_ref)
    out1 = dinv * (ht1_ref[...] + acc_ref[0] + acc_ref[1]) + b_ref[...]
    o_ref[...] = jnp.dot(out1, w_ref[...], preferred_element_type=jnp.float32) * dinv


_ht2_call = pl.pallas_call(
    _ht2_body,
    grid=(N // _RB,),
    in_specs=[
        pl.BlockSpec((NC, _RB, D), lambda i: (0, i, 0)),
        pl.BlockSpec((_RB, D), lambda i: (i, 0)),
        pl.BlockSpec((_RB, 1), lambda i: (i, 0)),
        pl.BlockSpec((_RB, 1), lambda i: (i, 0)),
        pl.BlockSpec((D, D), lambda i: (0, 0)),
        pl.BlockSpec((1, D), lambda i: (0, 0)),
    ],
    out_specs=pl.BlockSpec((_RB, D), lambda i: (i, 0)),
    out_shape=jax.ShapeDtypeStruct((N, D), jnp.float32),
)


_PB = 1000
_NPB = N // _PB


def _head_body(acc_ref, ht2_ref, d0_ref, d1_ref, b2_ref, bi_ref, gf_ref,
               wg_ref, bg_ref, wo_ref, bo_ref, o_ref, sum_s, max_s, cnt_s):
    i = pl.program_id(0)

    @pl.when(i == 0)
    def _():
        sum_s[...] = jnp.zeros_like(sum_s)
        cnt_s[...] = jnp.zeros_like(cnt_s)
        max_s[...] = jnp.full_like(max_s, -jnp.inf)

    dinv = _dinv_of(d0_ref, d1_ref)
    h2 = dinv * (ht2_ref[...] + acc_ref[0] + acc_ref[1]) + b2_ref[...]

    b = bi_ref[0, 0, :]
    bc = b[:, None]
    oh = (bc == lax.broadcasted_iota(jnp.int32, (_PB, NG), 1)).astype(jnp.float32)
    sum_s[...] += lax.dot_general(oh, h2, (((0,), (0,)), ((), ())),
                                  preferred_element_type=jnp.float32)
    cnt_s[...] += jnp.sum(oh, axis=0)[:, None]

    gmin = jnp.min(b)
    gmax = jnp.max(b)
    for g in range(NG):
        @pl.when((gmin <= g) & (g <= gmax))
        def _():
            m = jnp.max(jnp.where(bc == g, h2, -jnp.inf), axis=0, keepdims=True)
            max_s[g:g + 1, :] = jnp.maximum(max_s[g:g + 1, :], m)

    @pl.when(i == _NPB - 1)
    def _():
        cnt = cnt_s[...]
        mean = sum_s[...] / jnp.maximum(cnt, 1.0)
        mx = jnp.where(cnt > 0.0, max_s[...], 0.0)
        gft = jnp.dot(gf_ref[...], wg_ref[...],
                      preferred_element_type=jnp.float32) + bg_ref[...]
        flat = jnp.concatenate([mean, mx, gft], axis=1)
        logits = jnp.dot(flat, wo_ref[...],
                         preferred_element_type=jnp.float32) + bo_ref[...]
        m0 = jnp.max(logits, axis=1, keepdims=True)
        lse = jnp.log(jnp.sum(jnp.exp(logits - m0), axis=1, keepdims=True)) + m0
        o_ref[...] = logits - lse


_head_call = pl.pallas_call(
    _head_body,
    grid=(_NPB,),
    in_specs=[
        pl.BlockSpec((NC, _PB, D), lambda i: (0, i, 0)),
        pl.BlockSpec((_PB, D), lambda i: (i, 0)),
        pl.BlockSpec((_PB, 1), lambda i: (i, 0)),
        pl.BlockSpec((_PB, 1), lambda i: (i, 0)),
        pl.BlockSpec((1, D), lambda i: (0, 0)),
        pl.BlockSpec((1, 1, _PB), lambda i: (i, 0, 0)),
        pl.BlockSpec((NG, 16), lambda i: (0, 0)),
        pl.BlockSpec((16, D), lambda i: (0, 0)),
        pl.BlockSpec((1, D), lambda i: (0, 0)),
        pl.BlockSpec((3 * D, 2), lambda i: (0, 0)),
        pl.BlockSpec((1, 2), lambda i: (0, 0)),
    ],
    out_specs=pl.BlockSpec((NG, 2), lambda i: (0, 0)),
    out_shape=jax.ShapeDtypeStruct((NG, 2), jnp.float32),
    scratch_shapes=[
        pltpu.VMEM((NG, D), jnp.float32),
        pltpu.VMEM((NG, D), jnp.float32),
        pltpu.VMEM((NG, D), jnp.float32),
    ],
)



def kernel(x, edges_idx, batch_idx, g_features, W1, b1, W2, b2, Wg, bg,
           Wout, bout):
    src = edges_idx[0]
    dst = edges_idx[1]

    degf = _deg_kernel(dst)
    d0 = degf[:N].reshape(N, 1)
    d1 = degf[N:].reshape(N, 1)
    ht1 = _ht1_call(x, d0, d1, W1)
    acc1 = _edge_kernel(src, dst, ht1)
    ht2 = _ht2_call(acc1, ht1, d0, d1, W2, b1.reshape(1, D))
    acc2 = _edge_kernel(src, dst, ht2)
    out = _head_call(acc2, ht2, d0, d1, b2.reshape(1, D),
                     batch_idx.reshape(_NPB, 1, _PB), g_features, Wg,
                     bg.reshape(1, D), Wout, bout.reshape(1, 2))
    return out

# --- scband reference (transcript-rebuilt; emitter-appended) ---
"""Pipeline reference for scband-basic-gnn-47914655154528 (READ-ONLY COPY).

The authoritative reference and input builder live on the scoring server;
editing this copy changes nothing except your own understanding.
"""

import jax, jax.numpy as jnp
import numpy as np

N_NODES = 10000
N_EDGES = 320000
D_FEAT = 128
EMB = 128
N_GRAPHS = 64
G_FEAT = 16


def setup_inputs(seed: int = 0) -> dict:
    key = jax.random.key(seed)
    ks = jax.random.split(key, 12)
    x = jax.random.normal(ks[0], (N_NODES, D_FEAT), dtype=jnp.float32)
    edges_idx = jax.random.randint(ks[1], (2, N_EDGES), 0, N_NODES, dtype=jnp.int64 if jax.config.jax_enable_x64 else jnp.int32).astype(jnp.int32)
    batch_idx = jnp.sort(jax.random.randint(ks[2], (N_NODES,), 0, N_GRAPHS).astype(jnp.int32))
    g_features = jax.random.normal(ks[3], (N_GRAPHS, G_FEAT), dtype=jnp.float32)
    W1 = jax.random.normal(ks[4], (D_FEAT, EMB), dtype=jnp.float32) * 0.05
    b1 = jnp.zeros((EMB,), dtype=jnp.float32)
    W2 = jax.random.normal(ks[5], (EMB, EMB), dtype=jnp.float32) * 0.05
    b2 = jnp.zeros((EMB,), dtype=jnp.float32)
    Wg = jax.random.normal(ks[6], (G_FEAT, EMB), dtype=jnp.float32) * 0.05
    bg = jnp.zeros((EMB,), dtype=jnp.float32)
    Wout = jax.random.normal(ks[7], (3 * EMB, 2), dtype=jnp.float32) * 0.05
    bout = jnp.zeros((2,), dtype=jnp.float32)
    return {"x": x, "edges_idx": edges_idx, "batch_idx": batch_idx, "g_features": g_features,
            "W1": W1, "b1": b1, "W2": W2, "b2": b2, "Wg": Wg, "bg": bg, "Wout": Wout, "bout": bout}


def gcn_conv(x, edge_index, W, b, num_nodes):
    # GCNConv: x' = D^{-1/2} (A + I) D^{-1/2} (X W) + b
    h = x @ W
    src = edge_index[0]
    dst = edge_index[1]
    loop = jnp.arange(num_nodes, dtype=src.dtype)
    src = jnp.concatenate([src, loop])
    dst = jnp.concatenate([dst, loop])
    deg = jnp.zeros((num_nodes,), dtype=h.dtype).at[dst].add(1.0)
    dinv = jnp.where(deg > 0, jax.lax.rsqrt(deg), 0.0)
    norm = dinv[src] * dinv[dst]
    msgs = h[src] * norm[:, None]
    out = jnp.zeros((num_nodes, h.shape[1]), dtype=h.dtype).at[dst].add(msgs)
    return out + b


def reference(x, edges_idx, batch_idx, g_features, W1, b1, W2, b2, Wg, bg, Wout, bout):
    num_nodes = x.shape[0]
    h = gcn_conv(x, edges_idx, W1, b1, num_nodes)
    h = gcn_conv(h, edges_idx, W2, b2, num_nodes)
    # global mean pool
    seg_sum = jax.ops.segment_sum(h, batch_idx, num_segments=N_GRAPHS)
    counts = jax.ops.segment_sum(jnp.ones((num_nodes,), dtype=h.dtype), batch_idx, num_segments=N_GRAPHS)
    mean_pool = seg_sum / jnp.maximum(counts, 1.0)[:, None]
    # global max pool
    max_pool = jax.ops.segment_max(h, batch_idx, num_segments=N_GRAPHS)
    max_pool = jnp.where(jnp.isfinite(max_pool), max_pool, 0.0)
    flatten = jnp.concatenate([mean_pool, max_pool], axis=1)
    # g_features last dim (16) > 1, so the graph-feature branch is active
    g_ft = g_features @ Wg + bg
    flatten = jnp.concatenate([flatten, g_ft], axis=1)
    logits = flatten @ Wout + bout
    out = jax.nn.log_softmax(logits, axis=-1)
    return out

if __name__ == "__main__":
    import jax
    _d = setup_inputs()
    print(jax.jit(kernel)(*tuple(_d.values())))

</pallas_src>

<mosaic_0001>
#map = affine_map<(d0, d1) -> (0)>
module attributes {stable_mosaic.version = 14 : i64} {
  func.func @_deg_kernel(%arg0: i32, %arg1: i32, %arg2: memref<320000xi32, #tpu.memory_space<hbm>>, %arg3: memref<20000xf32, #tpu.memory_space<hbm>>, %arg4: memref<160000xf32, #tpu.memory_space<vmem_shared>>, %arg5: memref<10000xf32, #tpu.memory_space<vmem>>, %arg6: memref<2000xi32, #tpu.memory_space<vmem>>, %arg7: memref<10240xf32, #tpu.memory_space<vmem>>) attributes {dimension_semantics = [#tpu.dimension_semantics<core_parallel>, #tpu.dimension_semantics<subcore_parallel>], iteration_bounds = array<i64: 2, 16>, scalar_prefetch = 0 : i64, scratch_operands = 4 : i64, tpu.core_type = #tpu.core_type<sc_vector_subcore>, window_params = [{transform_indices = #map}, {transform_indices = #map}]} {
    %scan3A = arith.constant 0 : i32
    %scan3A_0 = arith.constant 624 : i32
    %scan3A_1 = arith.addi %scan3A, %scan3A_0 : i32
    %scan3A_2 = arith.constant 8 : i32
    scf.for %scan3A_70 = %scan3A to %scan3A_1 step %scan3A_2  : i32 {
      %mul3A_71 = arith.constant 1 : i32
      %mul3A_72 = arith.muli %scan3A_70, %mul3A_71 : i32
      %add3A_73 = arith.constant 0 : i32
      %add3A_74 = arith.addi %add3A_73, %mul3A_72 : i32
      %broadcast_in_dim3A_75 = arith.constant 0.000000e+00 : f32
      %broadcast_in_dim3A_76 = vector.broadcast %broadcast_in_dim3A_75 : f32 to vector<16xf32>
      %mul3A_77 = arith.constant 16 : i32
      %mul3A_78 = arith.muli %add3A_74, %mul3A_77 : i32
      %swap3A_79 = arith.index_cast %mul3A_78 : i32 to index
      %swap3A_80 = tpu.vector_load %arg5[%swap3A_79] {strides = array<i32>} : memref<10000xf32, #tpu.memory_space<vmem>>, vector<16xf32>,
      tpu.vector_store %arg5[%swap3A_79], %broadcast_in_dim3A_76 {strides = array<i32>} : memref<10000xf32, #tpu.memory_space<vmem>>, vector<16xf32>,
      %scan3A_81 = arith.constant 1 : i32
      %scan3A_82 = arith.addi %scan3A_70, %scan3A_81 : i32
      %mul3A_83 = arith.constant 1 : i32
      %mul3A_84 = arith.muli %scan3A_82, %mul3A_83 : i32
      %add3A_85 = arith.constant 0 : i32
      %add3A_86 = arith.addi %add3A_85, %mul3A_84 : i32
      %broadcast_in_dim3A_87 = arith.constant 0.000000e+00 : f32
      %broadcast_in_dim3A_88 = vector.broadcast %broadcast_in_dim3A_87 : f32 to vector<16xf32>
      %mul3A_89 = arith.constant 16 : i32
      %mul3A_90 = arith.muli %add3A_86, %mul3A_89 : i32
      %swap3A_91 = arith.index_cast %mul3A_90 : i32 to index
      %swap3A_92 = tpu.vector_load %arg5[%swap3A_91] {strides = array<i32>} : memref<10000xf32, #tpu.memory_space<vmem>>, vector<16xf32>,
      tpu.vector_store %arg5[%swap3A_91], %broadcast_in_dim3A_88 {strides = array<i32>} : memref<10000xf32, #tpu.memory_space<vmem>>, vector<16xf32>,
      %scan3A_93 = arith.constant 2 : i32
      %scan3A_94 = arith.addi %scan3A_70, %scan3A_93 : i32
      %mul3A_95 = arith.constant 1 : i32
      %mul3A_96 = arith.muli %scan3A_94, %mul3A_95 : i32
      %add3A_97 = arith.constant 0 : i32
      %add3A_98 = arith.addi %add3A_97, %mul3A_96 : i32
      %broadcast_in_dim3A_99 = arith.constant 0.000000e+00 : f32
      %broadcast_in_dim3A_100 = vector.broadcast %broadcast_in_dim3A_99 : f32 to vector<16xf32>
      %mul3A_101 = arith.constant 16 : i32
      %mul3A_102 = arith.muli %add3A_98, %mul3A_101 : i32
      %swap3A_103 = arith.index_cast %mul3A_102 : i32 to index
      %swap3A_104 = tpu.vector_load %arg5[%swap3A_103] {strides = array<i32>} : memref<10000xf32, #tpu.memory_space<vmem>>, vector<16xf32>,
      tpu.vector_store %arg5[%swap3A_103], %broadcast_in_dim3A_100 {strides = array<i32>} : memref<10000xf32, #tpu.memory_space<vmem>>, vector<16xf32>,
      %scan3A_105 = arith.constant 3 : i32
      %scan3A_106 = arith.addi %scan3A_70, %scan3A_105 : i32
      %mul3A_107 = arith.constant 1 : i32
      %mul3A_108 = arith.muli %scan3A_106, %mul3A_107 : i32
      %add3A_109 = arith.constant 0 : i32
      %add3A_110 = arith.addi %add3A_109, %mul3A_108 : i32
      %broadcast_in_dim3A_111 = arith.constant 0.000000e+00 : f32
      %broadcast_in_dim3A_112 = vector.broadcast %broadcast_in_dim3A_111 : f32 to vector<16xf32>
      %mul3A_113 = arith.constant 16 : i32
      %mul3A_114 = arith.muli %add3A_110, %mul3A_113 : i32
      %swap3A_115 = arith.index_cast %mul3A_114 : i32 to index
      %swap3A_116 = tpu.vector_load %arg5[%swap3A_115] {strides = array<i32>} : memref<10000xf32, #tpu.memory_space<vmem>>, vector<16xf32>,
      tpu.vector_store %arg5[%swap3A_115], %broadcast_in_dim3A_112 {strides = array<i32>} : memref<10000xf32, #tpu.memory_space<vmem>>, vector<16xf32>,
      %scan3A_117 = arith.constant 4 : i32
      %scan3A_118 = arith.addi %scan3A_70, %scan3A_117 : i32
      %mul3A_119 = arith.constant 1 : i32
      %mul3A_120 = arith.muli %scan3A_118, %mul3A_119 : i32
      %add3A_121 = arith.constant 0 : i32
      %add3A_122 = arith.addi %add3A_121, %mul3A_120 : i32
      %broadcast_in_dim3A_123 = arith.constant 0.000000e+00 : f32
      %broadcast_in_dim3A_124 = vector.broadcast %broadcast_in_dim3A_123 : f32 to vector<16xf32>
      %mul3A_125 = arith.constant 16 : i32
      %mul3A_126 = arith.muli %add3A_122, %mul3A_125 : i32
      %swap3A_127 = arith.index_cast %mul3A_126 : i32 to index
      %swap3A_128 = tpu.vector_load %arg5[%swap3A_127] {strides = array<i32>} : memref<10000xf32, #tpu.memory_space<vmem>>, vector<16xf32>,
      tpu.vector_store %arg5[%swap3A_127], %broadcast_in_dim3A_124 {strides = array<i32>} : memref<10000xf32, #tpu.memory_space<vmem>>, vector<16xf32>,
      %scan3A_129 = arith.constant 5 : i32
      %scan3A_130 = arith.addi %scan3A_70, %scan3A_129 : i32
      %mul3A_131 = arith.constant 1 : i32
      %mul3A_132 = arith.muli %scan3A_130, %mul3A_131 : i32
      %add3A_133 = arith.constant 0 : i32
      %add3A_134 = arith.addi %add3A_133, %mul3A_132 : i32
      %broadcast_in_dim3A_135 = arith.constant 0.000000e+00 : f32
      %broadcast_in_dim3A_136 = vector.broadcast %broadcast_in_dim3A_135 : f32 to vector<16xf32>
      %mul3A_137 = arith.constant 16 : i32
      %mul3A_138 = arith.muli %add3A_134, %mul3A_137 : i32
      %swap3A_139 = arith.index_cast %mul3A_138 : i32 to index
      %swap3A_140 = tpu.vector_load %arg5[%swap3A_139] {strides = array<i32>} : memref<10000xf32, #tpu.memory_space<vmem>>, vector<16xf32>,
      tpu.vector_store %arg5[%swap3A_139], %broadcast_in_dim3A_136 {strides = array<i32>} : memref<10000xf32, #tpu.memory_space<vmem>>, vector<16xf32>,
      %scan3A_141 = arith.constant 6 : i32
      %scan3A_142 = arith.addi %scan3A_70, %scan3A_141 : i32
      %mul3A_143 = arith.constant 1 : i32
      %mul3A_144 = arith.muli %scan3A_142, %mul3A_143 : i32
      %add3A_145 = arith.constant 0 : i32
      %add3A_146 = arith.addi %add3A_145, %mul3A_144 : i32
      %broadcast_in_dim3A_147 = arith.constant 0.000000e+00 : f32
      %broadcast_in_dim3A_148 = vector.broadcast %broadcast_in_dim3A_147 : f32 to vector<16xf32>
      %mul3A_149 = arith.constant 16 : i32
      %mul3A_150 = arith.muli %add3A_146, %mul3A_149 : i32
      %swap3A_151 = arith.index_cast %mul3A_150 : i32 to index
      %swap3A_152 = tpu.vector_load %arg5[%swap3A_151] {strides = array<i32>} : memref<10000xf32, #tpu.memory_space<vmem>>, vector<16xf32>,
      tpu.vector_store %arg5[%swap3A_151], %broadcast_in_dim3A_148 {strides = array<i32>} : memref<10000xf32, #tpu.memory_space<vmem>>, vector<16xf32>,
      %scan3A_153 = arith.constant 7 : i32
      %scan3A_154 = arith.addi %scan3A_70, %scan3A_153 : i32
      %mul3A_155 = arith.constant 1 : i32
      %mul3A_156 = arith.muli %scan3A_154, %mul3A_155 : i32
      %add3A_157 = arith.constant 0 : i32
      %add3A_158 = arith.addi %add3A_157, %mul3A_156 : i32
      %broadcast_in_dim3A_159 = arith.constant 0.000000e+00 : f32
      %broadcast_in_dim3A_160 = vector.broadcast %broadcast_in_dim3A_159 : f32 to vector<16xf32>
      %mul3A_161 = arith.constant 16 : i32
      %mul3A_162 = arith.muli %add3A_158, %mul3A_161 : i32
      %swap3A_163 = arith.index_cast %mul3A_162 : i32 to index
      %swap3A_164 = tpu.vector_load %arg5[%swap3A_163] {strides = array<i32>} : memref<10000xf32, #tpu.memory_space<vmem>>, vector<16xf32>,
      tpu.vector_store %arg5[%swap3A_163], %broadcast_in_dim3A_160 {strides = array<i32>} : memref<10000xf32, #tpu.memory_space<vmem>>, vector<16xf32>,
    }
    %scan3A_3 = arith.constant 624 : i32
    %scan3A_4 = arith.addi %scan3A, %scan3A_3 : i32
    %mul3A = arith.constant 1 : i32
    %mul3A_5 = arith.muli %scan3A_4, %mul3A : i32
    %add3A = arith.constant 0 : i32
    %add3A_6 = arith.addi %add3A, %mul3A_5 : i32
    %broadcast_in_dim3A = arith.constant 0.000000e+00 : f32
    %broadcast_in_dim3A_7 = vector.broadcast %broadcast_in_dim3A : f32 to vector<16xf32>
    %mul3A_8 = arith.constant 16 : i32
    %mul3A_9 = arith.muli %add3A_6, %mul3A_8 : i32
    %swap3A = arith.index_cast %mul3A_9 : i32 to index
    %swap3A_10 = tpu.vector_load %arg5[%swap3A] {strides = array<i32>} : memref<10000xf32, #tpu.memory_space<vmem>>, vector<16xf32>,
    tpu.vector_store %arg5[%swap3A], %broadcast_in_dim3A_7 {strides = array<i32>} : memref<10000xf32, #tpu.memory_space<vmem>>, vector<16xf32>,
    %scan3A_11 = arith.constant 625 : i32
    %mul3A_12 = arith.constant 160000 : i32
    %mul3A_13 = arith.muli %arg0, %mul3A_12 : i32
    %mul3A_14 = arith.constant 10000 : i32
    %mul3A_15 = arith.muli %arg1, %mul3A_14 : i32
    %add3A_16 = arith.addi %mul3A_13, %mul3A_15 : i32
    %broadcast_in_dim3A_17 = arith.constant 1.000000e+00 : f32
    %broadcast_in_dim3A_18 = vector.broadcast %broadcast_in_dim3A_17 : f32 to vector<16xf32>
    %scan3A_19 = arith.constant 0 : i32
    %scan3A_20 = arith.constant 5 : i32
    %scan3A_21 = arith.addi %scan3A_19, %scan3A_20 : i32
    %scan3A_22 = arith.constant 1 : i32
    scf.for %scan3A_70 = %scan3A_19 to %scan3A_21 step %scan3A_22  : i32 {
      %mul3A_71 = arith.constant 1 : i32
      %mul3A_72 = arith.muli %scan3A_70, %mul3A_71 : i32
      %add3A_73 = arith.constant 0 : i32
      %add3A_74 = arith.addi %add3A_73, %mul3A_72 : i32
      %mul3A_75 = arith.constant 2000 : i32
      %mul3A_76 = arith.muli %add3A_74, %mul3A_75 : i32
      %add3A_77 = arith.addi %add3A_16, %mul3A_76 : i32
      "tpu.region"() ({
        %run_scoped3A = tpu.sem_alloc : memref<!tpu.dma_semaphore, #tpu.memory_space<semaphore_mem>>
        %dma_start3A = tpu.memref_slice %arg2[%add3A_77] : memref<320000xi32, #tpu.memory_space<hbm>> -> memref<2000xi32, #tpu.memory_space<hbm>>
        %dma_start3A_132 = tpu.memref_slice %arg2[%add3A_77] : memref<320000xi32, #tpu.memory_space<hbm>> -> memref<2000xi32, #tpu.memory_space<hbm>>
        tpu.enqueue_dma source(%dma_start3A_132 : memref<2000xi32, #tpu.memory_space<hbm>>) target(%arg6 : memref<2000xi32, #tpu.memory_space<vmem>>) target_semaphore(%run_scoped3A : memref<!tpu.dma_semaphore, #tpu.memory_space<semaphore_mem>>)
        %dma_wait3A = tpu.memref_slice %arg2[%add3A_77] : memref<320000xi32, #tpu.memory_space<hbm>> -> memref<2000xi32, #tpu.memory_space<hbm>>
        %dma_wait3A_133 = tpu.memref_slice %arg2[%add3A_77] : memref<320000xi32, #tpu.memory_space<hbm>> -> memref<2000xi32, #tpu.memory_space<hbm>>
        tpu.wait_dma2 semaphore(%run_scoped3A : memref<!tpu.dma_semaphore, #tpu.memory_space<semaphore_mem>>) src(%dma_wait3A_133 : memref<2000xi32, #tpu.memory_space<hbm>>) dst(%arg6 : memref<2000xi32, #tpu.memory_space<vmem>>)
        tpu.yield
      }) : () -> ()
      %scan3A_78 = arith.constant 0 : i32
      %scan3A_79 = arith.constant 120 : i32
      %scan3A_80 = arith.addi %scan3A_78, %scan3A_79 : i32
      %scan3A_81 = arith.constant 8 : i32
      scf.for %scan3A_132 = %scan3A_78 to %scan3A_80 step %scan3A_81  : i32 {
        %mul3A_133 = arith.constant 1 : i32
        %mul3A_134 = arith.muli %scan3A_132, %mul3A_133 : i32
        %add3A_135 = arith.constant 0 : i32
        %add3A_136 = arith.addi %add3A_135, %mul3A_134 : i32
        %mul3A_137 = arith.constant 16 : i32
        %mul3A_138 = arith.muli %add3A_136, %mul3A_137 : i32
        %get3A_139 = arith.index_cast %mul3A_138 : i32 to index
        %get3A_140 = tpu.vector_load %arg6[%get3A_139] {strides = array<i32>} : memref<2000xi32, #tpu.memory_space<vmem>>, vector<16xi32>,
        tpu.vector_store_idx %arg5[%get3A_140], %broadcast_in_dim3A_18 {add = true} : memref<10000xf32, #tpu.memory_space<vmem>>[vector<16xi32>], vector<16xf32>,
        %scan3A_141 = arith.constant 1 : i32
        %scan3A_142 = arith.addi %scan3A_132, %scan3A_141 : i32
        %mul3A_143 = arith.constant 1 : i32
        %mul3A_144 = arith.muli %scan3A_142, %mul3A_143 : i32
        %add3A_145 = arith.constant 0 : i32
        %add3A_146 = arith.addi %add3A_145, %mul3A_144 : i32
        %mul3A_147 = arith.constant 16 : i32
        %mul3A_148 = arith.muli %add3A_146, %mul3A_147 : i32
        %get3A_149 = arith.index_cast %mul3A_148 : i32 to index
        %get3A_150 = tpu.vector_load %arg6[%get3A_149] {strides = array<i32>} : memref<2000xi32, #tpu.memory_space<vmem>>, vector<16xi32>,
        tpu.vector_store_idx %arg5[%get3A_150], %broadcast_in_dim3A_18 {add = true} : memref<10000xf32, #tpu.memory_space<vmem>>[vector<16xi32>], vector<16xf32>,
        %scan3A_151 = arith.constant 2 : i32
        %scan3A_152 = arith.addi %scan3A_132, %scan3A_151 : i32
        %mul3A_153 = arith.constant 1 : i32
        %mul3A_154 = arith.muli %scan3A_152, %mul3A_153 : i32
        %add3A_155 = arith.constant 0 : i32
        %add3A_156 = arith.addi %add3A_155, %mul3A_154 : i32
        %mul3A_157 = arith.constant 16 : i32
        %mul3A_158 = arith.muli %add3A_156, %mul3A_157 : i32
        %get3A_159 = arith.index_cast %mul3A_158 : i32 to index
        %get3A_160 = tpu.vector_load %arg6[%get3A_159] {strides = array<i32>} : memref<2000xi32, #tpu.memory_space<vmem>>, vector<16xi32>,
        tpu.vector_store_idx %arg5[%get3A_160], %broadcast_in_dim3A_18 {add = true} : memref<10000xf32, #tpu.memory_space<vmem>>[vector<16xi32>], vector<16xf32>,
        %scan3A_161 = arith.constant 3 : i32
        %scan3A_162 = arith.addi %scan3A_132, %scan3A_161 : i32
        %mul3A_163 = arith.constant 1 : i32
        %mul3A_164 = arith.muli %scan3A_162, %mul3A_163 : i32
        %add3A_165 = arith.constant 0 : i32
        %add3A_166 = arith.addi %add3A_165, %mul3A_164 : i32
        %mul3A_167 = arith.constant 16 : i32
        %mul3A_168 = arith.muli %add3A_166, %mul3A_167 : i32
        %get3A_169 = arith.index_cast %mul3A_168 : i32 to index
        %get3A_170 = tpu.vector_load %arg6[%get3A_169] {strides = array<i32>} : memref<2000xi32, #tpu.memory_space<vmem>>, vector<16xi32>,
        tpu.vector_store_idx %arg5[%get3A_170], %broadcast_in_dim3A_18 {add = true} : memref<10000xf32, #tpu.memory_space<vmem>>[vector<16xi32>], vector<16xf32>,
        %scan3A_171 = arith.constant 4 : i32
        %scan3A_172 = arith.addi %scan3A_132, %scan3A_171 : i32
        %mul3A_173 = arith.constant 1 : i32
        %mul3A_174 = arith.muli %scan3A_172, %mul3A_173 : i32
        %add3A_175 = arith.constant 0 : i32
        %add3A_176 = arith.addi %add3A_175, %mul3A_174 : i32
        %mul3A_177 = arith.constant 16 : i32
        %mul3A_178 = arith.muli %add3A_176, %mul3A_177 : i32
        %get3A_179 = arith.index_cast %mul3A_178 : i32 to index
        %get3A_180 = tpu.vector_load %arg6[%get3A_179] {strides = array<i32>} : memref<2000xi32, #tpu.memory_space<vmem>>, vector<16xi32>,
        tpu.vector_store_idx %arg5[%get3A_180], %broadcast_in_dim3A_18 {add = true} : memref<10000xf32, #tpu.memory_space<vmem>>[vector<16xi32>], vector<16xf32>,
        %scan3A_181 = arith.constant 5 : i32
        %scan3A_182 = arith.addi %scan3A_132, %scan3A_181 : i32
        %mul3A_183 = arith.constant 1 : i32
        %mul3A_184 = arith.muli %scan3A_182, %mul3A_183 : i32
        %add3A_185 = arith.constant 0 : i32
        %add3A_186 = arith.addi %add3A_185, %mul3A_184 : i32
        %mul3A_187 = arith.constant 16 : i32
        %mul3A_188 = arith.muli %add3A_186, %mul3A_187 : i32
        %get3A_189 = arith.index_cast %mul3A_188 : i32 to index
        %get3A_190 = tpu.vector_load %arg6[%get3A_189] {strides = array<i32>} : memref<2000xi32, #tpu.memory_space<vmem>>, vector<16xi32>,
        tpu.vector_store_idx %arg5[%get3A_190], %broadcast_in_dim3A_18 {add = true} : memref<10000xf32, #tpu.memory_space<vmem>>[vector<16xi32>], vector<16xf32>,
        %scan3A_191 = arith.constant 6 : i32
        %scan3A_192 = arith.addi %scan3A_132, %scan3A_191 : i32
        %mul3A_193 = arith.constant 1 : i32
        %mul3A_194 = arith.muli %scan3A_192, %mul3A_193 : i32
        %add3A_195 = arith.constant 0 : i32
        %add3A_196 = arith.addi %add3A_195, %mul3A_194 : i32
        %mul3A_197 = arith.constant 16 : i32
        %mul3A_198 = arith.muli %add3A_196, %mul3A_197 : i32
        %get3A_199 = arith.index_cast %mul3A_198 : i32 to index
        %get3A_200 = tpu.vector_load %arg6[%get3A_199] {strides = array<i32>} : memref<2000xi32, #tpu.memory_space<vmem>>, vector<16xi32>,
        tpu.vector_store_idx %arg5[%get3A_200], %broadcast_in_dim3A_18 {add = true} : memref<10000xf32, #tpu.memory_space<vmem>>[vector<16xi32>], vector<16xf32>,
        %scan3A_201 = arith.constant 7 : i32
        %scan3A_202 = arith.addi %scan3A_132, %scan3A_201 : i32
        %mul3A_203 = arith.constant 1 : i32
        %mul3A_204 = arith.muli %scan3A_202, %mul3A_203 : i32
        %add3A_205 = arith.constant 0 : i32
        %add3A_206 = arith.addi %add3A_205, %mul3A_204 : i32
        %mul3A_207 = arith.constant 16 : i32
        %mul3A_208 = arith.muli %add3A_206, %mul3A_207 : i32
        %get3A_209 = arith.index_cast %mul3A_208 : i32 to index
        %get3A_210 = tpu.vector_load %arg6[%get3A_209] {strides = array<i32>} : memref<2000xi32, #tpu.memory_space<vmem>>, vector<16xi32>,
        tpu.vector_store_idx %arg5[%get3A_210], %broadcast_in_dim3A_18 {add = true} : memref<10000xf32, #tpu.memory_space<vmem>>[vector<16xi32>], vector<16xf32>,
      }
      %scan3A_82 = arith.constant 120 : i32
      %scan3A_83 = arith.addi %scan3A_78, %scan3A_82 : i32
      %mul3A_84 = arith.constant 1 : i32
      %mul3A_85 = arith.muli %scan3A_83, %mul3A_84 : i32
      %add3A_86 = arith.constant 0 : i32
      %add3A_87 = arith.addi %add3A_86, %mul3A_85 : i32
      %mul3A_88 = arith.constant 16 : i32
      %mul3A_89 = arith.muli %add3A_87, %mul3A_88 : i32
      %get3A = arith.index_cast %mul3A_89 : i32 to index
      %get3A_90 = tpu.vector_load %arg6[%get3A] {strides = array<i32>} : memref<2000xi32, #tpu.memory_space<vmem>>, vector<16xi32>,
      tpu.vector_store_idx %arg5[%get3A_90], %broadcast_in_dim3A_18 {add = true} : memref<10000xf32, #tpu.memory_space<vmem>>[vector<16xi32>], vector<16xf32>,
      %scan3A_91 = arith.constant 121 : i32
      %scan3A_92 = arith.addi %scan3A_78, %scan3A_91 : i32
      %mul3A_93 = arith.constant 1 : i32
      %mul3A_94 = arith.muli %scan3A_92, %mul3A_93 : i32
      %add3A_95 = arith.constant 0 : i32
      %add3A_96 = arith.addi %add3A_95, %mul3A_94 : i32
      %mul3A_97 = arith.constant 16 : i32
      %mul3A_98 = arith.muli %add3A_96, %mul3A_97 : i32
      %get3A_99 = arith.index_cast %mul3A_98 : i32 to index
      %get3A_100 = tpu.vector_load %arg6[%get3A_99] {strides = array<i32>} : memref<2000xi32, #tpu.memory_space<vmem>>, vector<16xi32>,
      tpu.vector_store_idx %arg5[%get3A_100], %broadcast_in_dim3A_18 {add = true} : memref<10000xf32, #tpu.memory_space<vmem>>[vector<16xi32>], vector<16xf32>,
      %scan3A_101 = arith.constant 122 : i32
      %scan3A_102 = arith.addi %scan3A_78, %scan3A_101 : i32
      %mul3A_103 = arith.constant 1 : i32
      %mul3A_104 = arith.muli %scan3A_102, %mul3A_103 : i32
      %add3A_105 = arith.constant 0 : i32
      %add3A_106 = arith.addi %add3A_105, %mul3A_104 : i32
      %mul3A_107 = arith.constant 16 : i32
      %mul3A_108 = arith.muli %add3A_106, %mul3A_107 : i32
      %get3A_109 = arith.index_cast %mul3A_108 : i32 to index
      %get3A_110 = tpu.vector_load %arg6[%get3A_109] {strides = array<i32>} : memref<2000xi32, #tpu.memory_space<vmem>>, vector<16xi32>,
      tpu.vector_store_idx %arg5[%get3A_110], %broadcast_in_dim3A_18 {add = true} : memref<10000xf32, #tpu.memory_space<vmem>>[vector<16xi32>], vector<16xf32>,
      %scan3A_111 = arith.constant 123 : i32
      %scan3A_112 = arith.addi %scan3A_78, %scan3A_111 : i32
      %mul3A_113 = arith.constant 1 : i32
      %mul3A_114 = arith.muli %scan3A_112, %mul3A_113 : i32
      %add3A_115 = arith.constant 0 : i32
      %add3A_116 = arith.addi %add3A_115, %mul3A_114 : i32
      %mul3A_117 = arith.constant 16 : i32
      %mul3A_118 = arith.muli %add3A_116, %mul3A_117 : i32
      %get3A_119 = arith.index_cast %mul3A_118 : i32 to index
      %get3A_120 = tpu.vector_load %arg6[%get3A_119] {strides = array<i32>} : memref<2000xi32, #tpu.memory_space<vmem>>, vector<16xi32>,
      tpu.vector_store_idx %arg5[%get3A_120], %broadcast_in_dim3A_18 {add = true} : memref<10000xf32, #tpu.memory_space<vmem>>[vector<16xi32>], vector<16xf32>,
      %scan3A_121 = arith.constant 124 : i32
      %scan3A_122 = arith.addi %scan3A_78, %scan3A_121 : i32
      %mul3A_123 = arith.constant 1 : i32
      %mul3A_124 = arith.muli %scan3A_122, %mul3A_123 : i32
      %add3A_125 = arith.constant 0 : i32
      %add3A_126 = arith.addi %add3A_125, %mul3A_124 : i32
      %mul3A_127 = arith.constant 16 : i32
      %mul3A_128 = arith.muli %add3A_126, %mul3A_127 : i32
      %get3A_129 = arith.index_cast %mul3A_128 : i32 to index
      %get3A_130 = tpu.vector_load %arg6[%get3A_129] {strides = array<i32>} : memref<2000xi32, #tpu.memory_space<vmem>>, vector<16xi32>,
      tpu.vector_store_idx %arg5[%get3A_130], %broadcast_in_dim3A_18 {add = true} : memref<10000xf32, #tpu.memory_space<vmem>>[vector<16xi32>], vector<16xf32>,
      %scan3A_131 = arith.constant 125 : i32
    }
    %scan3A_23 = arith.constant 5 : i32
    %mul3A_24 = arith.constant 10000 : i32
    %mul3A_25 = arith.muli %arg1, %mul3A_24 : i32
    "tpu.region"() ({
      %run_scoped3A = tpu.sem_alloc : memref<!tpu.dma_semaphore, #tpu.memory_space<semaphore_mem>>
      %dma_start3A = tpu.memref_slice %arg4[%mul3A_25] : memref<160000xf32, #tpu.memory_space<vmem_shared>> -> memref<10000xf32, #tpu.memory_space<vmem_shared>>
      %dma_start3A_70 = tpu.memref_slice %arg4[%mul3A_25] : memref<160000xf32, #tpu.memory_space<vmem_shared>> -> memref<10000xf32, #tpu.memory_space<vmem_shared>>
      tpu.enqueue_dma source(%arg5 : memref<10000xf32, #tpu.memory_space<vmem>>) target(%dma_start3A_70 : memref<10000xf32, #tpu.memory_space<vmem_shared>>) target_semaphore(%run_scoped3A : memref<!tpu.dma_semaphore, #tpu.memory_space<semaphore_mem>>)
      %dma_wait3A = tpu.memref_slice %arg4[%mul3A_25] : memref<160000xf32, #tpu.memory_space<vmem_shared>> -> memref<10000xf32, #tpu.memory_space<vmem_shared>>
      %dma_wait3A_71 = tpu.memref_slice %arg4[%mul3A_25] : memref<160000xf32, #tpu.memory_space<vmem_shared>> -> memref<10000xf32, #tpu.memory_space<vmem_shared>>
      tpu.wait_dma2 semaphore(%run_scoped3A : memref<!tpu.dma_semaphore, #tpu.memory_space<semaphore_mem>>) src(%arg5 : memref<10000xf32, #tpu.memory_space<vmem>>) dst(%dma_wait3A_71 : memref<10000xf32, #tpu.memory_space<vmem_shared>>)
      tpu.yield
    }) : () -> ()
    %barrier3A = arith.constant 0 : index
    tpu.barrier barrier_id(%barrier3A)
    %mul3A_26 = arith.constant 624 : i32
    %mul3A_27 = arith.muli %arg1, %mul3A_26 : i32
    %add3A_28 = arith.constant 0 : i32
    %add3A_29 = arith.addi %add3A_28, %mul3A_27 : i32
    "tpu.region"() ({
      %run_scoped3A = tpu.sem_alloc : memref<!tpu.dma_semaphore, #tpu.memory_space<semaphore_mem>>
      %dma_start3A = arith.constant 0 : i32
      %dma_start3A_70 = tpu.memref_slice %arg7[%dma_start3A] : memref<10240xf32, #tpu.memory_space<vmem>> -> memref<640xf32, #tpu.memory_space<vmem>>
      %dma_start3A_71 = tpu.memref_slice %arg4[%add3A_29] : memref<160000xf32, #tpu.memory_space<vmem_shared>> -> memref<640xf32, #tpu.memory_space<vmem_shared>>
      %dma_start3A_72 = arith.constant 0 : i32
      %dma_start3A_73 = tpu.memref_slice %arg7[%dma_start3A_72] : memref<10240xf32, #tpu.memory_space<vmem>> -> memref<640xf32, #tpu.memory_space<vmem>>
      %dma_start3A_74 = tpu.memref_slice %arg4[%add3A_29] : memref<160000xf32, #tpu.memory_space<vmem_shared>> -> memref<640xf32, #tpu.memory_space<vmem_shared>>
      tpu.enqueue_dma source(%dma_start3A_74 : memref<640xf32, #tpu.memory_space<vmem_shared>>) target(%dma_start3A_73 : memref<640xf32, #tpu.memory_space<vmem>>) target_semaphore(%run_scoped3A : memref<!tpu.dma_semaphore, #tpu.memory_space<semaphore_mem>>)
      %dma_wait3A = arith.constant 0 : i32
      %dma_wait3A_75 = tpu.memref_slice %arg7[%dma_wait3A] : memref<10240xf32, #tpu.memory_space<vmem>> -> memref<640xf32, #tpu.memory_space<vmem>>
      %dma_wait3A_76 = tpu.memref_slice %arg4[%add3A_29] : memref<160000xf32, #tpu.memory_space<vmem_shared>> -> memref<640xf32, #tpu.memory_space<vmem_shared>>
      %dma_wait3A_77 = arith.constant 0 : i32
      %dma_wait3A_78 = tpu.memref_slice %arg7[%dma_wait3A_77] : memref<10240xf32, #tpu.memory_space<vmem>> -> memref<640xf32, #tpu.memory_space<vmem>>
      %dma_wait3A_79 = tpu.memref_slice %arg4[%add3A_29] : memref<160000xf32, #tpu.memory_space<vmem_shared>> -> memref<640xf32, #tpu.memory_space<vmem_shared>>
      tpu.wait_dma2 semaphore(%run_scoped3A : memref<!tpu.dma_semaphore, #tpu.memory_space<semaphore_mem>>) src(%dma_wait3A_79 : memref<640xf32, #tpu.memory_space<vmem_shared>>) dst(%dma_wait3A_78 : memref<640xf32, #tpu.memory_space<vmem>>)
      tpu.yield
    }) : () -> ()
    %add3A_30 = arith.constant 10000 : i32
    %add3A_31 = arith.addi %add3A_30, %mul3A_27 : i32
    "tpu.region"() ({
      %run_scoped3A = tpu.sem_alloc : memref<!tpu.dma_semaphore, #tpu.memory_space<semaphore_mem>>
      %dma_start3A = arith.constant 640 : i32
      %dma_start3A_70 = tpu.memref_slice %arg7[%dma_start3A] : memref<10240xf32, #tpu.memory_space<vmem>> -> memref<640xf32, #tpu.memory_space<vmem>>
      %dma_start3A_71 = tpu.memref_slice %arg4[%add3A_31] : memref<160000xf32, #tpu.memory_space<vmem_shared>> -> memref<640xf32, #tpu.memory_space<vmem_shared>>
      %dma_start3A_72 = arith.constant 640 : i32
      %dma_start3A_73 = tpu.memref_slice %arg7[%dma_start3A_72] : memref<10240xf32, #tpu.memory_space<vmem>> -> memref<640xf32, #tpu.memory_space<vmem>>
      %dma_start3A_74 = tpu.memref_slice %arg4[%add3A_31] : memref<160000xf32, #tpu.memory_space<vmem_shared>> -> memref<640xf32, #tpu.memory_space<vmem_shared>>
      tpu.enqueue_dma source(%dma_start3A_74 : memref<640xf32, #tpu.memory_space<vmem_shared>>) target(%dma_start3A_73 : memref<640xf32, #tpu.memory_space<vmem>>) target_semaphore(%run_scoped3A : memref<!tpu.dma_semaphore, #tpu.memory_space<semaphore_mem>>)
      %dma_wait3A = arith.constant 640 : i32
      %dma_wait3A_75 = tpu.memref_slice %arg7[%dma_wait3A] : memref<10240xf32, #tpu.memory_space<vmem>> -> memref<640xf32, #tpu.memory_space<vmem>>
      %dma_wait3A_76 = tpu.memref_slice %arg4[%add3A_31] : memref<160000xf32, #tpu.memory_space<vmem_shared>> -> memref<640xf32, #tpu.memory_space<vmem_shared>>
      %dma_wait3A_77 = arith.constant 640 : i32
      %dma_wait3A_78 = tpu.memref_slice %arg7[%dma_wait3A_77] : memref<10240xf32, #tpu.memory_space<vmem>> -> memref<640xf32, #tpu.memory_space<vmem>>
      %dma_wait3A_79 = tpu.memref_slice %arg4[%add3A_31] : memref<160000xf32, #tpu.memory_space<vmem_shared>> -> memref<640xf32, #tpu.memory_space<vmem_shared>>
      tpu.wait_dma2 semaphore(%run_scoped3A : memref<!tpu.dma_semaphore, #tpu.memory_space<semaphore_mem>>) src(%dma_wait3A_79 : memref<640xf32, #tpu.memory_space<vmem_shared>>) dst(%dma_wait3A_78 : memref<640xf32, #tpu.memory_space<vmem>>)
      tpu.yield
    }) : () -> ()
    %add3A_32 = arith.constant 20000 : i32
    %add3A_33 = arith.addi %add3A_32, %mul3A_27 : i32
    "tpu.region"() ({
      %run_scoped3A = tpu.sem_alloc : memref<!tpu.dma_semaphore, #tpu.memory_space<semaphore_mem>>
      %dma_start3A = arith.constant 1280 : i32
      %dma_start3A_70 = tpu.memref_slice %arg7[%dma_start3A] : memref<10240xf32, #tpu.memory_space<vmem>> -> memref<640xf32, #tpu.memory_space<vmem>>
      %dma_start3A_71 = tpu.memref_slice %arg4[%add3A_33] : memref<160000xf32, #tpu.memory_space<vmem_shared>> -> memref<640xf32, #tpu.memory_space<vmem_shared>>
      %dma_start3A_72 = arith.constant 1280 : i32
      %dma_start3A_73 = tpu.memref_slice %arg7[%dma_start3A_72] : memref<10240xf32, #tpu.memory_space<vmem>> -> memref<640xf32, #tpu.memory_space<vmem>>
      %dma_start3A_74 = tpu.memref_slice %arg4[%add3A_33] : memref<160000xf32, #tpu.memory_space<vmem_shared>> -> memref<640xf32, #tpu.memory_space<vmem_shared>>
      tpu.enqueue_dma source(%dma_start3A_74 : memref<640xf32, #tpu.memory_space<vmem_shared>>) target(%dma_start3A_73 : memref<640xf32, #tpu.memory_space<vmem>>) target_semaphore(%run_scoped3A : memref<!tpu.dma_semaphore, #tpu.memory_space<semaphore_mem>>)
      %dma_wait3A = arith.constant 1280 : i32
      %dma_wait3A_75 = tpu.memref_slice %arg7[%dma_wait3A] : memref<10240xf32, #tpu.memory_space<vmem>> -> memref<640xf32, #tpu.memory_space<vmem>>
      %dma_wait3A_76 = tpu.memref_slice %arg4[%add3A_33] : memref<160000xf32, #tpu.memory_space<vmem_shared>> -> memref<640xf32, #tpu.memory_space<vmem_shared>>
      %dma_wait3A_77 = arith.constant 1280 : i32
      %dma_wait3A_78 = tpu.memref_slice %arg7[%dma_wait3A_77] : memref<10240xf32, #tpu.memory_space<vmem>> -> memref<640xf32, #tpu.memory_space<vmem>>
      %dma_wait3A_79 = tpu.memref_slice %arg4[%add3A_33] : memref<160000xf32, #tpu.memory_space<vmem_shared>> -> memref<640xf32, #tpu.memory_space<vmem_shared>>
      tpu.wait_dma2 semaphore(%run_scoped3A : memref<!tpu.dma_semaphore, #tpu.memory_space<semaphore_mem>>) src(%dma_wait3A_79 : memref<640xf32, #tpu.memory_space<vmem_shared>>) dst(%dma_wait3A_78 : memref<640xf32, #tpu.memory_space<vmem>>)
      tpu.yield
    }) : () -> ()
    %add3A_34 = arith.constant 30000 : i32
    %add3A_35 = arith.addi %add3A_34, %mul3A_27 : i32
    "tpu.region"() ({
      %run_scoped3A = tpu.sem_alloc : memref<!tpu.dma_semaphore, #tpu.memory_space<semaphore_mem>>
      %dma_start3A = arith.constant 1920 : i32
      %dma_start3A_70 = tpu.memref_slice %arg7[%dma_start3A] : memref<10240xf32, #tpu.memory_space<vmem>> -> memref<640xf32, #tpu.memory_space<vmem>>
      %dma_start3A_71 = tpu.memref_slice %arg4[%add3A_35] : memref<160000xf32, #tpu.memory_space<vmem_shared>> -> memref<640xf32, #tpu.memory_space<vmem_shared>>
      %dma_start3A_72 = arith.constant 1920 : i32
      %dma_start3A_73 = tpu.memref_slice %arg7[%dma_start3A_72] : memref<10240xf32, #tpu.memory_space<vmem>> -> memref<640xf32, #tpu.memory_space<vmem>>
      %dma_start3A_74 = tpu.memref_slice %arg4[%add3A_35] : memref<160000xf32, #tpu.memory_space<vmem_shared>> -> memref<640xf32, #tpu.memory_space<vmem_shared>>
      tpu.enqueue_dma source(%dma_start3A_74 : memref<640xf32, #tpu.memory_space<vmem_shared>>) target(%dma_start3A_73 : memref<640xf32, #tpu.memory_space<vmem>>) target_semaphore(%run_scoped3A : memref<!tpu.dma_semaphore, #tpu.memory_space<semaphore_mem>>)
      %dma_wait3A = arith.constant 1920 : i32
      %dma_wait3A_75 = tpu.memref_slice %arg7[%dma_wait3A] : memref<10240xf32, #tpu.memory_space<vmem>> -> memref<640xf32, #tpu.memory_space<vmem>>
      %dma_wait3A_76 = tpu.memref_slice %arg4[%add3A_35] : memref<160000xf32, #tpu.memory_space<vmem_shared>> -> memref<640xf32, #tpu.memory_space<vmem_shared>>
      %dma_wait3A_77 = arith.constant 1920 : i32
      %dma_wait3A_78 = tpu.memref_slice %arg7[%dma_wait3A_77] : memref<10240xf32, #tpu.memory_space<vmem>> -> memref<640xf32, #tpu.memory_space<vmem>>
      %dma_wait3A_79 = tpu.memref_slice %arg4[%add3A_35] : memref<160000xf32, #tpu.memory_space<vmem_shared>> -> memref<640xf32, #tpu.memory_space<vmem_shared>>
      tpu.wait_dma2 semaphore(%run_scoped3A : memref<!tpu.dma_semaphore, #tpu.memory_space<semaphore_mem>>) src(%dma_wait3A_79 : memref<640xf32, #tpu.memory_space<vmem_shared>>) dst(%dma_wait3A_78 : memref<640xf32, #tpu.memory_space<vmem>>)
      tpu.yield
    }) : () -> ()
    %add3A_36 = arith.constant 40000 : i32
    %add3A_37 = arith.addi %add3A_36, %mul3A_27 : i32
    "tpu.region"() ({
      %run_scoped3A = tpu.sem_alloc : memref<!tpu.dma_semaphore, #tpu.memory_space<semaphore_mem>>
      %dma_start3A = arith.constant 2560 : i32
      %dma_start3A_70 = tpu.memref_slice %arg7[%dma_start3A] : memref<10240xf32, #tpu.memory_space<vmem>> -> memref<640xf32, #tpu.memory_space<vmem>>
      %dma_start3A_71 = tpu.memref_slice %arg4[%add3A_37] : memref<160000xf32, #tpu.memory_space<vmem_shared>> -> memref<640xf32, #tpu.memory_space<vmem_shared>>
      %dma_start3A_72 = arith.constant 2560 : i32
      %dma_start3A_73 = tpu.memref_slice %arg7[%dma_start3A_72] : memref<10240xf32, #tpu.memory_space<vmem>> -> memref<640xf32, #tpu.memory_space<vmem>>
      %dma_start3A_74 = tpu.memref_slice %arg4[%add3A_37] : memref<160000xf32, #tpu.memory_space<vmem_shared>> -> memref<640xf32, #tpu.memory_space<vmem_shared>>
      tpu.enqueue_dma source(%dma_start3A_74 : memref<640xf32, #tpu.memory_space<vmem_shared>>) target(%dma_start3A_73 : memref<640xf32, #tpu.memory_space<vmem>>) target_semaphore(%run_scoped3A : memref<!tpu.dma_semaphore, #tpu.memory_space<semaphore_mem>>)
      %dma_wait3A = arith.constant 2560 : i32
      %dma_wait3A_75 = tpu.memref_slice %arg7[%dma_wait3A] : memref<10240xf32, #tpu.memory_space<vmem>> -> memref<640xf32, #tpu.memory_space<vmem>>
      %dma_wait3A_76 = tpu.memref_slice %arg4[%add3A_37] : memref<160000xf32, #tpu.memory_space<vmem_shared>> -> memref<640xf32, #tpu.memory_space<vmem_shared>>
      %dma_wait3A_77 = arith.constant 2560 : i32
      %dma_wait3A_78 = tpu.memref_slice %arg7[%dma_wait3A_77] : memref<10240xf32, #tpu.memory_space<vmem>> -> memref<640xf32, #tpu.memory_space<vmem>>
      %dma_wait3A_79 = tpu.memref_slice %arg4[%add3A_37] : memref<160000xf32, #tpu.memory_space<vmem_shared>> -> memref<640xf32, #tpu.memory_space<vmem_shared>>
      tpu.wait_dma2 semaphore(%run_scoped3A : memref<!tpu.dma_semaphore, #tpu.memory_space<semaphore_mem>>) src(%dma_wait3A_79 : memref<640xf32, #tpu.memory_space<vmem_shared>>) dst(%dma_wait3A_78 : memref<640xf32, #tpu.memory_space<vmem>>)
      tpu.yield
    }) : () -> ()
    %add3A_38 = arith.constant 50000 : i32
    %add3A_39 = arith.addi %add3A_38, %mul3A_27 : i32
    "tpu.region"() ({
      %run_scoped3A = tpu.sem_alloc : memref<!tpu.dma_semaphore, #tpu.memory_space<semaphore_mem>>
      %dma_start3A = arith.constant 3200 : i32
      %dma_start3A_70 = tpu.memref_slice %arg7[%dma_start3A] : memref<10240xf32, #tpu.memory_space<vmem>> -> memref<640xf32, #tpu.memory_space<vmem>>
      %dma_start3A_71 = tpu.memref_slice %arg4[%add3A_39] : memref<160000xf32, #tpu.memory_space<vmem_shared>> -> memref<640xf32, #tpu.memory_space<vmem_shared>>
      %dma_start3A_72 = arith.constant 3200 : i32
      %dma_start3A_73 = tpu.memref_slice %arg7[%dma_start3A_72] : memref<10240xf32, #tpu.memory_space<vmem>> -> memref<640xf32, #tpu.memory_space<vmem>>
      %dma_start3A_74 = tpu.memref_slice %arg4[%add3A_39] : memref<160000xf32, #tpu.memory_space<vmem_shared>> -> memref<640xf32, #tpu.memory_space<vmem_shared>>
      tpu.enqueue_dma source(%dma_start3A_74 : memref<640xf32, #tpu.memory_space<vmem_shared>>) target(%dma_start3A_73 : memref<640xf32, #tpu.memory_space<vmem>>) target_semaphore(%run_scoped3A : memref<!tpu.dma_semaphore, #tpu.memory_space<semaphore_mem>>)
      %dma_wait3A = arith.constant 3200 : i32
      %dma_wait3A_75 = tpu.memref_slice %arg7[%dma_wait3A] : memref<10240xf32, #tpu.memory_space<vmem>> -> memref<640xf32, #tpu.memory_space<vmem>>
      %dma_wait3A_76 = tpu.memref_slice %arg4[%add3A_39] : memref<160000xf32, #tpu.memory_space<vmem_shared>> -> memref<640xf32, #tpu.memory_space<vmem_shared>>
      %dma_wait3A_77 = arith.constant 3200 : i32
      %dma_wait3A_78 = tpu.memref_slice %arg7[%dma_wait3A_77] : memref<10240xf32, #tpu.memory_space<vmem>> -> memref<640xf32, #tpu.memory_space<vmem>>
      %dma_wait3A_79 = tpu.memref_slice %arg4[%add3A_39] : memref<160000xf32, #tpu.memory_space<vmem_shared>> -> memref<640xf32, #tpu.memory_space<vmem_shared>>
      tpu.wait_dma2 semaphore(%run_scoped3A : memref<!tpu.dma_semaphore, #tpu.memory_space<semaphore_mem>>) src(%dma_wait3A_79 : memref<640xf32, #tpu.memory_space<vmem_shared>>) dst(%dma_wait3A_78 : memref<640xf32, #tpu.memory_space<vmem>>)
      tpu.yield
    }) : () -> ()
    %add3A_40 = arith.constant 60000 : i32
    %add3A_41 = arith.addi %add3A_40, %mul3A_27 : i32
    "tpu.region"() ({
      %run_scoped3A = tpu.sem_alloc : memref<!tpu.dma_semaphore, #tpu.memory_space<semaphore_mem>>
      %dma_start3A = arith.constant 3840 : i32
      %dma_start3A_70 = tpu.memref_slice %arg7[%dma_start3A] : memref<10240xf32, #tpu.memory_space<vmem>> -> memref<640xf32, #tpu.memory_space<vmem>>
      %dma_start3A_71 = tpu.memref_slice %arg4[%add3A_41] : memref<160000xf32, #tpu.memory_space<vmem_shared>> -> memref<640xf32, #tpu.memory_space<vmem_shared>>
      %dma_start3A_72 = arith.constant 3840 : i32
      %dma_start3A_73 = tpu.memref_slice %arg7[%dma_start3A_72] : memref<10240xf32, #tpu.memory_space<vmem>> -> memref<640xf32, #tpu.memory_space<vmem>>
      %dma_start3A_74 = tpu.memref_slice %arg4[%add3A_41] : memref<160000xf32, #tpu.memory_space<vmem_shared>> -> memref<640xf32, #tpu.memory_space<vmem_shared>>
      tpu.enqueue_dma source(%dma_start3A_74 : memref<640xf32, #tpu.memory_space<vmem_shared>>) target(%dma_start3A_73 : memref<640xf32, #tpu.memory_space<vmem>>) target_semaphore(%run_scoped3A : memref<!tpu.dma_semaphore, #tpu.memory_space<semaphore_mem>>)
      %dma_wait3A = arith.constant 3840 : i32
      %dma_wait3A_75 = tpu.memref_slice %arg7[%dma_wait3A] : memref<10240xf32, #tpu.memory_space<vmem>> -> memref<640xf32, #tpu.memory_space<vmem>>
      %dma_wait3A_76 = tpu.memref_slice %arg4[%add3A_41] : memref<160000xf32, #tpu.memory_space<vmem_shared>> -> memref<640xf32, #tpu.memory_space<vmem_shared>>
      %dma_wait3A_77 = arith.constant 3840 : i32
      %dma_wait3A_78 = tpu.memref_slice %arg7[%dma_wait3A_77] : memref<10240xf32, #tpu.memory_space<vmem>> -> memref<640xf32, #tpu.memory_space<vmem>>
      %dma_wait3A_79 = tpu.memref_slice %arg4[%add3A_41] : memref<160000xf32, #tpu.memory_space<vmem_shared>> -> memref<640xf32, #tpu.memory_space<vmem_shared>>
      tpu.wait_dma2 semaphore(%run_scoped3A : memref<!tpu.dma_semaphore, #tpu.memory_space<semaphore_mem>>) src(%dma_wait3A_79 : memref<640xf32, #tpu.memory_space<vmem_shared>>) dst(%dma_wait3A_78 : memref<640xf32, #tpu.memory_space<vmem>>)
      tpu.yield
    }) : () -> ()
    %add3A_42 = arith.constant 70000 : i32
    %add3A_43 = arith.addi %add3A_42, %mul3A_27 : i32
    "tpu.region"() ({
      %run_scoped3A = tpu.sem_alloc : memref<!tpu.dma_semaphore, #tpu.memory_space<semaphore_mem>>
      %dma_start3A = arith.constant 4480 : i32
      %dma_start3A_70 = tpu.memref_slice %arg7[%dma_start3A] : memref<10240xf32, #tpu.memory_space<vmem>> -> memref<640xf32, #tpu.memory_space<vmem>>
      %dma_start3A_71 = tpu.memref_slice %arg4[%add3A_43] : memref<160000xf32, #tpu.memory_space<vmem_shared>> -> memref<640xf32, #tpu.memory_space<vmem_shared>>
      %dma_start3A_72 = arith.constant 4480 : i32
      %dma_start3A_73 = tpu.memref_slice %arg7[%dma_start3A_72] : memref<10240xf32, #tpu.memory_space<vmem>> -> memref<640xf32, #tpu.memory_space<vmem>>
      %dma_start3A_74 = tpu.memref_slice %arg4[%add3A_43] : memref<160000xf32, #tpu.memory_space<vmem_shared>> -> memref<640xf32, #tpu.memory_space<vmem_shared>>
      tpu.enqueue_dma source(%dma_start3A_74 : memref<640xf32, #tpu.memory_space<vmem_shared>>) target(%dma_start3A_73 : memref<640xf32, #tpu.memory_space<vmem>>) target_semaphore(%run_scoped3A : memref<!tpu.dma_semaphore, #tpu.memory_space<semaphore_mem>>)
      %dma_wait3A = arith.constant 4480 : i32
      %dma_wait3A_75 = tpu.memref_slice %arg7[%dma_wait3A] : memref<10240xf32, #tpu.memory_space<vmem>> -> memref<640xf32, #tpu.memory_space<vmem>>
      %dma_wait3A_76 = tpu.memref_slice %arg4[%add3A_43] : memref<160000xf32, #tpu.memory_space<vmem_shared>> -> memref<640xf32, #tpu.memory_space<vmem_shared>>
      %dma_wait3A_77 = arith.constant 4480 : i32
      %dma_wait3A_78 = tpu.memref_slice %arg7[%dma_wait3A_77] : memref<10240xf32, #tpu.memory_space<vmem>> -> memref<640xf32, #tpu.memory_space<vmem>>
      %dma_wait3A_79 = tpu.memref_slice %arg4[%add3A_43] : memref<160000xf32, #tpu.memory_space<vmem_shared>> -> memref<640xf32, #tpu.memory_space<vmem_shared>>
      tpu.wait_dma2 semaphore(%run_scoped3A : memref<!tpu.dma_semaphore, #tpu.memory_space<semaphore_mem>>) src(%dma_wait3A_79 : memref<640xf32, #tpu.memory_space<vmem_shared>>) dst(%dma_wait3A_78 : memref<640xf32, #tpu.memory_space<vmem>>)
      tpu.yield
    }) : () -> ()
    %add3A_44 = arith.constant 80000 : i32
    %add3A_45 = arith.addi %add3A_44, %mul3A_27 : i32
    "tpu.region"() ({
      %run_scoped3A = tpu.sem_alloc : memref<!tpu.dma_semaphore, #tpu.memory_space<semaphore_mem>>
      %dma_start3A = arith.constant 5120 : i32
      %dma_start3A_70 = tpu.memref_slice %arg7[%dma_start3A] : memref<10240xf32, #tpu.memory_space<vmem>> -> memref<640xf32, #tpu.memory_space<vmem>>
      %dma_start3A_71 = tpu.memref_slice %arg4[%add3A_45] : memref<160000xf32, #tpu.memory_space<vmem_shared>> -> memref<640xf32, #tpu.memory_space<vmem_shared>>
      %dma_start3A_72 = arith.constant 5120 : i32
      %dma_start3A_73 = tpu.memref_slice %arg7[%dma_start3A_72] : memref<10240xf32, #tpu.memory_space<vmem>> -> memref<640xf32, #tpu.memory_space<vmem>>
      %dma_start3A_74 = tpu.memref_slice %arg4[%add3A_45] : memref<160000xf32, #tpu.memory_space<vmem_shared>> -> memref<640xf32, #tpu.memory_space<vmem_shared>>
      tpu.enqueue_dma source(%dma_start3A_74 : memref<640xf32, #tpu.memory_space<vmem_shared>>) target(%dma_start3A_73 : memref<640xf32, #tpu.memory_space<vmem>>) target_semaphore(%run_scoped3A : memref<!tpu.dma_semaphore, #tpu.memory_space<semaphore_mem>>)
      %dma_wait3A = arith.constant 5120 : i32
      %dma_wait3A_75 = tpu.memref_slice %arg7[%dma_wait3A] : memref<10240xf32, #tpu.memory_space<vmem>> -> memref<640xf32, #tpu.memory_space<vmem>>
      %dma_wait3A_76 = tpu.memref_slice %arg4[%add3A_45] : memref<160000xf32, #tpu.memory_space<vmem_shared>> -> memref<640xf32, #tpu.memory_space<vmem_shared>>
      %dma_wait3A_77 = arith.constant 5120 : i32
      %dma_wait3A_78 = tpu.memref_slice %arg7[%dma_wait3A_77] : memref<10240xf32, #tpu.memory_space<vmem>> -> memref<640xf32, #tpu.memory_space<vmem>>
      %dma_wait3A_79 = tpu.memref_slice %arg4[%add3A_45] : memref<160000xf32, #tpu.memory_space<vmem_shared>> -> memref<640xf32, #tpu.memory_space<vmem_shared>>
      tpu.wait_dma2 semaphore(%run_scoped3A : memref<!tpu.dma_semaphore, #tpu.memory_space<semaphore_mem>>) src(%dma_wait3A_79 : memref<640xf32, #tpu.memory_space<vmem_shared>>) dst(%dma_wait3A_78 : memref<640xf32, #tpu.memory_space<vmem>>)
      tpu.yield
    }) : () -> ()
    %add3A_46 = arith.constant 90000 : i32
    %add3A_47 = arith.addi %add3A_46, %mul3A_27 : i32
    "tpu.region"() ({
      %run_scoped3A = tpu.sem_alloc : memref<!tpu.dma_semaphore, #tpu.memory_space<semaphore_mem>>
      %dma_start3A = arith.constant 5760 : i32
      %dma_start3A_70 = tpu.memref_slice %arg7[%dma_start3A] : memref<10240xf32, #tpu.memory_space<vmem>> -> memref<640xf32, #tpu.memory_space<vmem>>
      %dma_start3A_71 = tpu.memref_slice %arg4[%add3A_47] : memref<160000xf32, #tpu.memory_space<vmem_shared>> -> memref<640xf32, #tpu.memory_space<vmem_shared>>
      %dma_start3A_72 = arith.constant 5760 : i32
      %dma_start3A_73 = tpu.memref_slice %arg7[%dma_start3A_72] : memref<10240xf32, #tpu.memory_space<vmem>> -> memref<640xf32, #tpu.memory_space<vmem>>
      %dma_start3A_74 = tpu.memref_slice %arg4[%add3A_47] : memref<160000xf32, #tpu.memory_space<vmem_shared>> -> memref<640xf32, #tpu.memory_space<vmem_shared>>
      tpu.enqueue_dma source(%dma_start3A_74 : memref<640xf32, #tpu.memory_space<vmem_shared>>) target(%dma_start3A_73 : memref<640xf32, #tpu.memory_space<vmem>>) target_semaphore(%run_scoped3A : memref<!tpu.dma_semaphore, #tpu.memory_space<semaphore_mem>>)
      %dma_wait3A = arith.constant 5760 : i32
      %dma_wait3A_75 = tpu.memref_slice %arg7[%dma_wait3A] : memref<10240xf32, #tpu.memory_space<vmem>> -> memref<640xf32, #tpu.memory_space<vmem>>
      %dma_wait3A_76 = tpu.memref_slice %arg4[%add3A_47] : memref<160000xf32, #tpu.memory_space<vmem_shared>> -> memref<640xf32, #tpu.memory_space<vmem_shared>>
      %dma_wait3A_77 = arith.constant 5760 : i32
      %dma_wait3A_78 = tpu.memref_slice %arg7[%dma_wait3A_77] : memref<10240xf32, #tpu.memory_space<vmem>> -> memref<640xf32, #tpu.memory_space<vmem>>
      %dma_wait3A_79 = tpu.memref_slice %arg4[%add3A_47] : memref<160000xf32, #tpu.memory_space<vmem_shared>> -> memref<640xf32, #tpu.memory_space<vmem_shared>>
      tpu.wait_dma2 semaphore(%run_scoped3A : memref<!tpu.dma_semaphore, #tpu.memory_space<semaphore_mem>>) src(%dma_wait3A_79 : memref<640xf32, #tpu.memory_space<vmem_shared>>) dst(%dma_wait3A_78 : memref<640xf32, #tpu.memory_space<vmem>>)
      tpu.yield
    }) : () -> ()
    %add3A_48 = arith.constant 100000 : i32
    %add3A_49 = arith.addi %add3A_48, %mul3A_27 : i32
    "tpu.region"() ({
      %run_scoped3A = tpu.sem_alloc : memref<!tpu.dma_semaphore, #tpu.memory_space<semaphore_mem>>
      %dma_start3A = arith.constant 6400 : i32
      %dma_start3A_70 = tpu.memref_slice %arg7[%dma_start3A] : memref<10240xf32, #tpu.memory_space<vmem>> -> memref<640xf32, #tpu.memory_space<vmem>>
      %dma_start3A_71 = tpu.memref_slice %arg4[%add3A_49] : memref<160000xf32, #tpu.memory_space<vmem_shared>> -> memref<640xf32, #tpu.memory_space<vmem_shared>>
      %dma_start3A_72 = arith.constant 6400 : i32
      %dma_start3A_73 = tpu.memref_slice %arg7[%dma_start3A_72] : memref<10240xf32, #tpu.memory_space<vmem>> -> memref<640xf32, #tpu.memory_space<vmem>>
      %dma_start3A_74 = tpu.memref_slice %arg4[%add3A_49] : memref<160000xf32, #tpu.memory_space<vmem_shared>> -> memref<640xf32, #tpu.memory_space<vmem_shared>>
      tpu.enqueue_dma source(%dma_start3A_74 : memref<640xf32, #tpu.memory_space<vmem_shared>>) target(%dma_start3A_73 : memref<640xf32, #tpu.memory_space<vmem>>) target_semaphore(%run_scoped3A : memref<!tpu.dma_semaphore, #tpu.memory_space<semaphore_mem>>)
      %dma_wait3A = arith.constant 6400 : i32
      %dma_wait3A_75 = tpu.memref_slice %arg7[%dma_wait3A] : memref<10240xf32, #tpu.memory_space<vmem>> -> memref<640xf32, #tpu.memory_space<vmem>>
      %dma_wait3A_76 = tpu.memref_slice %arg4[%add3A_49] : memref<160000xf32, #tpu.memory_space<vmem_shared>> -> memref<640xf32, #tpu.memory_space<vmem_shared>>
      %dma_wait3A_77 = arith.constant 6400 : i32
      %dma_wait3A_78 = tpu.memref_slice %arg7[%dma_wait3A_77] : memref<10240xf32, #tpu.memory_space<vmem>> -> memref<640xf32, #tpu.memory_space<vmem>>
      %dma_wait3A_79 = tpu.memref_slice %arg4[%add3A_49] : memref<160000xf32, #tpu.memory_space<vmem_shared>> -> memref<640xf32, #tpu.memory_space<vmem_shared>>
      tpu.wait_dma2 semaphore(%run_scoped3A : memref<!tpu.dma_semaphore, #tpu.memory_space<semaphore_mem>>) src(%dma_wait3A_79 : memref<640xf32, #tpu.memory_space<vmem_shared>>) dst(%dma_wait3A_78 : memref<640xf32, #tpu.memory_space<vmem>>)
      tpu.yield
    }) : () -> ()
    %add3A_50 = arith.constant 110000 : i32
    %add3A_51 = arith.addi %add3A_50, %mul3A_27 : i32
    "tpu.region"() ({
      %run_scoped3A = tpu.sem_alloc : memref<!tpu.dma_semaphore, #tpu.memory_space<semaphore_mem>>
      %dma_start3A = arith.constant 7040 : i32
      %dma_start3A_70 = tpu.memref_slice %arg7[%dma_start3A] : memref<10240xf32, #tpu.memory_space<vmem>> -> memref<640xf32, #tpu.memory_space<vmem>>
      %dma_start3A_71 = tpu.memref_slice %arg4[%add3A_51] : memref<160000xf32, #tpu.memory_space<vmem_shared>> -> memref<640xf32, #tpu.memory_space<vmem_shared>>
      %dma_start3A_72 = arith.constant 7040 : i32
      %dma_start3A_73 = tpu.memref_slice %arg7[%dma_start3A_72] : memref<10240xf32, #tpu.memory_space<vmem>> -> memref<640xf32, #tpu.memory_space<vmem>>
      %dma_start3A_74 = tpu.memref_slice %arg4[%add3A_51] : memref<160000xf32, #tpu.memory_space<vmem_shared>> -> memref<640xf32, #tpu.memory_space<vmem_shared>>
      tpu.enqueue_dma source(%dma_start3A_74 : memref<640xf32, #tpu.memory_space<vmem_shared>>) target(%dma_start3A_73 : memref<640xf32, #tpu.memory_space<vmem>>) target_semaphore(%run_scoped3A : memref<!tpu.dma_semaphore, #tpu.memory_space<semaphore_mem>>)
      %dma_wait3A = arith.constant 7040 : i32
      %dma_wait3A_75 = tpu.memref_slice %arg7[%dma_wait3A] : memref<10240xf32, #tpu.memory_space<vmem>> -> memref<640xf32, #tpu.memory_space<vmem>>
      %dma_wait3A_76 = tpu.memref_slice %arg4[%add3A_51] : memref<160000xf32, #tpu.memory_space<vmem_shared>> -> memref<640xf32, #tpu.memory_space<vmem_shared>>
      %dma_wait3A_77 = arith.constant 7040 : i32
      %dma_wait3A_78 = tpu.memref_slice %arg7[%dma_wait3A_77] : memref<10240xf32, #tpu.memory_space<vmem>> -> memref<640xf32, #tpu.memory_space<vmem>>
      %dma_wait3A_79 = tpu.memref_slice %arg4[%add3A_51] : memref<160000xf32, #tpu.memory_space<vmem_shared>> -> memref<640xf32, #tpu.memory_space<vmem_shared>>
      tpu.wait_dma2 semaphore(%run_scoped3A : memref<!tpu.dma_semaphore, #tpu.memory_space<semaphore_mem>>) src(%dma_wait3A_79 : memref<640xf32, #tpu.memory_space<vmem_shared>>) dst(%dma_wait3A_78 : memref<640xf32, #tpu.memory_space<vmem>>)
      tpu.yield
    }) : () -> ()
    %add3A_52 = arith.constant 120000 : i32
    %add3A_53 = arith.addi %add3A_52, %mul3A_27 : i32
    "tpu.region"() ({
      %run_scoped3A = tpu.sem_alloc : memref<!tpu.dma_semaphore, #tpu.memory_space<semaphore_mem>>
      %dma_start3A = arith.constant 7680 : i32
      %dma_start3A_70 = tpu.memref_slice %arg7[%dma_start3A] : memref<10240xf32, #tpu.memory_space<vmem>> -> memref<640xf32, #tpu.memory_space<vmem>>
      %dma_start3A_71 = tpu.memref_slice %arg4[%add3A_53] : memref<160000xf32, #tpu.memory_space<vmem_shared>> -> memref<640xf32, #tpu.memory_space<vmem_shared>>
      %dma_start3A_72 = arith.constant 7680 : i32
      %dma_start3A_73 = tpu.memref_slice %arg7[%dma_start3A_72] : memref<10240xf32, #tpu.memory_space<vmem>> -> memref<640xf32, #tpu.memory_space<vmem>>
      %dma_start3A_74 = tpu.memref_slice %arg4[%add3A_53] : memref<160000xf32, #tpu.memory_space<vmem_shared>> -> memref<640xf32, #tpu.memory_space<vmem_shared>>
      tpu.enqueue_dma source(%dma_start3A_74 : memref<640xf32, #tpu.memory_space<vmem_shared>>) target(%dma_start3A_73 : memref<640xf32, #tpu.memory_space<vmem>>) target_semaphore(%run_scoped3A : memref<!tpu.dma_semaphore, #tpu.memory_space<semaphore_mem>>)
      %dma_wait3A = arith.constant 7680 : i32
      %dma_wait3A_75 = tpu.memref_slice %arg7[%dma_wait3A] : memref<10240xf32, #tpu.memory_space<vmem>> -> memref<640xf32, #tpu.memory_space<vmem>>
      %dma_wait3A_76 = tpu.memref_slice %arg4[%add3A_53] : memref<160000xf32, #tpu.memory_space<vmem_shared>> -> memref<640xf32, #tpu.memory_space<vmem_shared>>
      %dma_wait3A_77 = arith.constant 7680 : i32
      %dma_wait3A_78 = tpu.memref_slice %arg7[%dma_wait3A_77] : memref<10240xf32, #tpu.memory_space<vmem>> -> memref<640xf32, #tpu.memory_space<vmem>>
      %dma_wait3A_79 = tpu.memref_slice %arg4[%add3A_53] : memref<160000xf32, #tpu.memory_space<vmem_shared>> -> memref<640xf32, #tpu.memory_space<vmem_shared>>
      tpu.wait_dma2 semaphore(%run_scoped3A : memref<!tpu.dma_semaphore, #tpu.memory_space<semaphore_mem>>) src(%dma_wait3A_79 : memref<640xf32, #tpu.memory_space<vmem_shared>>) dst(%dma_wait3A_78 : memref<640xf32, #tpu.memory_space<vmem>>)
      tpu.yield
    }) : () -> ()
    %add3A_54 = arith.constant 130000 : i32
    %add3A_55 = arith.addi %add3A_54, %mul3A_27 : i32
    "tpu.region"() ({
      %run_scoped3A = tpu.sem_alloc : memref<!tpu.dma_semaphore, #tpu.memory_space<semaphore_mem>>
      %dma_start3A = arith.constant 8320 : i32
      %dma_start3A_70 = tpu.memref_slice %arg7[%dma_start3A] : memref<10240xf32, #tpu.memory_space<vmem>> -> memref<640xf32, #tpu.memory_space<vmem>>
      %dma_start3A_71 = tpu.memref_slice %arg4[%add3A_55] : memref<160000xf32, #tpu.memory_space<vmem_shared>> -> memref<640xf32, #tpu.memory_space<vmem_shared>>
      %dma_start3A_72 = arith.constant 8320 : i32
      %dma_start3A_73 = tpu.memref_slice %arg7[%dma_start3A_72] : memref<10240xf32, #tpu.memory_space<vmem>> -> memref<640xf32, #tpu.memory_space<vmem>>
      %dma_start3A_74 = tpu.memref_slice %arg4[%add3A_55] : memref<160000xf32, #tpu.memory_space<vmem_shared>> -> memref<640xf32, #tpu.memory_space<vmem_shared>>
      tpu.enqueue_dma source(%dma_start3A_74 : memref<640xf32, #tpu.memory_space<vmem_shared>>) target(%dma_start3A_73 : memref<640xf32, #tpu.memory_space<vmem>>) target_semaphore(%run_scoped3A : memref<!tpu.dma_semaphore, #tpu.memory_space<semaphore_mem>>)
      %dma_wait3A = arith.constant 8320 : i32
      %dma_wait3A_75 = tpu.memref_slice %arg7[%dma_wait3A] : memref<10240xf32, #tpu.memory_space<vmem>> -> memref<640xf32, #tpu.memory_space<vmem>>
      %dma_wait3A_76 = tpu.memref_slice %arg4[%add3A_55] : memref<160000xf32, #tpu.memory_space<vmem_shared>> -> memref<640xf32, #tpu.memory_space<vmem_shared>>
      %dma_wait3A_77 = arith.constant 8320 : i32
      %dma_wait3A_78 = tpu.memref_slice %arg7[%dma_wait3A_77] : memref<10240xf32, #tpu.memory_space<vmem>> -> memref<640xf32, #tpu.memory_space<vmem>>
      %dma_wait3A_79 = tpu.memref_slice %arg4[%add3A_55] : memref<160000xf32, #tpu.memory_space<vmem_shared>> -> memref<640xf32, #tpu.memory_space<vmem_shared>>
      tpu.wait_dma2 semaphore(%run_scoped3A : memref<!tpu.dma_semaphore, #tpu.memory_space<semaphore_mem>>) src(%dma_wait3A_79 : memref<640xf32, #tpu.memory_space<vmem_shared>>) dst(%dma_wait3A_78 : memref<640xf32, #tpu.memory_space<vmem>>)
      tpu.yield
    }) : () -> ()
    %add3A_56 = arith.constant 140000 : i32
    %add3A_57 = arith.addi %add3A_56, %mul3A_27 : i32
    "tpu.region"() ({
      %run_scoped3A = tpu.sem_alloc : memref<!tpu.dma_semaphore, #tpu.memory_space<semaphore_mem>>
      %dma_start3A = arith.constant 8960 : i32
      %dma_start3A_70 = tpu.memref_slice %arg7[%dma_start3A] : memref<10240xf32, #tpu.memory_space<vmem>> -> memref<640xf32, #tpu.memory_space<vmem>>
      %dma_start3A_71 = tpu.memref_slice %arg4[%add3A_57] : memref<160000xf32, #tpu.memory_space<vmem_shared>> -> memref<640xf32, #tpu.memory_space<vmem_shared>>
      %dma_start3A_72 = arith.constant 8960 : i32
      %dma_start3A_73 = tpu.memref_slice %arg7[%dma_start3A_72] : memref<10240xf32, #tpu.memory_space<vmem>> -> memref<640xf32, #tpu.memory_space<vmem>>
      %dma_start3A_74 = tpu.memref_slice %arg4[%add3A_57] : memref<160000xf32, #tpu.memory_space<vmem_shared>> -> memref<640xf32, #tpu.memory_space<vmem_shared>>
      tpu.enqueue_dma source(%dma_start3A_74 : memref<640xf32, #tpu.memory_space<vmem_shared>>) target(%dma_start3A_73 : memref<640xf32, #tpu.memory_space<vmem>>) target_semaphore(%run_scoped3A : memref<!tpu.dma_semaphore, #tpu.memory_space<semaphore_mem>>)
      %dma_wait3A = arith.constant 8960 : i32
      %dma_wait3A_75 = tpu.memref_slice %arg7[%dma_wait3A] : memref<10240xf32, #tpu.memory_space<vmem>> -> memref<640xf32, #tpu.memory_space<vmem>>
      %dma_wait3A_76 = tpu.memref_slice %arg4[%add3A_57] : memref<160000xf32, #tpu.memory_space<vmem_shared>> -> memref<640xf32, #tpu.memory_space<vmem_shared>>
      %dma_wait3A_77 = arith.constant 8960 : i32
      %dma_wait3A_78 = tpu.memref_slice %arg7[%dma_wait3A_77] : memref<10240xf32, #tpu.memory_space<vmem>> -> memref<640xf32, #tpu.memory_space<vmem>>
      %dma_wait3A_79 = tpu.memref_slice %arg4[%add3A_57] : memref<160000xf32, #tpu.memory_space<vmem_shared>> -> memref<640xf32, #tpu.memory_space<vmem_shared>>
      tpu.wait_dma2 semaphore(%run_scoped3A : memref<!tpu.dma_semaphore, #tpu.memory_space<semaphore_mem>>) src(%dma_wait3A_79 : memref<640xf32, #tpu.memory_space<vmem_shared>>) dst(%dma_wait3A_78 : memref<640xf32, #tpu.memory_space<vmem>>)
      tpu.yield
    }) : () -> ()
    %add3A_58 = arith.constant 150000 : i32
    %add3A_59 = arith.addi %add3A_58, %mul3A_27 : i32
    "tpu.region"() ({
      %run_scoped3A = tpu.sem_alloc : memref<!tpu.dma_semaphore, #tpu.memory_space<semaphore_mem>>
      %dma_start3A = arith.constant 9600 : i32
      %dma_start3A_70 = tpu.memref_slice %arg7[%dma_start3A] : memref<10240xf32, #tpu.memory_space<vmem>> -> memref<640xf32, #tpu.memory_space<vmem>>
      %dma_start3A_71 = tpu.memref_slice %arg4[%add3A_59] : memref<160000xf32, #tpu.memory_space<vmem_shared>> -> memref<640xf32, #tpu.memory_space<vmem_shared>>
      %dma_start3A_72 = arith.constant 9600 : i32
      %dma_start3A_73 = tpu.memref_slice %arg7[%dma_start3A_72] : memref<10240xf32, #tpu.memory_space<vmem>> -> memref<640xf32, #tpu.memory_space<vmem>>
      %dma_start3A_74 = tpu.memref_slice %arg4[%add3A_59] : memref<160000xf32, #tpu.memory_space<vmem_shared>> -> memref<640xf32, #tpu.memory_space<vmem_shared>>
      tpu.enqueue_dma source(%dma_start3A_74 : memref<640xf32, #tpu.memory_space<vmem_shared>>) target(%dma_start3A_73 : memref<640xf32, #tpu.memory_space<vmem>>) target_semaphore(%run_scoped3A : memref<!tpu.dma_semaphore, #tpu.memory_space<semaphore_mem>>)
      %dma_wait3A = arith.constant 9600 : i32
      %dma_wait3A_75 = tpu.memref_slice %arg7[%dma_wait3A] : memref<10240xf32, #tpu.memory_space<vmem>> -> memref<640xf32, #tpu.memory_space<vmem>>
      %dma_wait3A_76 = tpu.memref_slice %arg4[%add3A_59] : memref<160000xf32, #tpu.memory_space<vmem_shared>> -> memref<640xf32, #tpu.memory_space<vmem_shared>>
      %dma_wait3A_77 = arith.constant 9600 : i32
      %dma_wait3A_78 = tpu.memref_slice %arg7[%dma_wait3A_77] : memref<10240xf32, #tpu.memory_space<vmem>> -> memref<640xf32, #tpu.memory_space<vmem>>
      %dma_wait3A_79 = tpu.memref_slice %arg4[%add3A_59] : memref<160000xf32, #tpu.memory_space<vmem_shared>> -> memref<640xf32, #tpu.memory_space<vmem_shared>>
      tpu.wait_dma2 semaphore(%run_scoped3A : memref<!tpu.dma_semaphore, #tpu.memory_space<semaphore_mem>>) src(%dma_wait3A_79 : memref<640xf32, #tpu.memory_space<vmem_shared>>) dst(%dma_wait3A_78 : memref<640xf32, #tpu.memory_space<vmem>>)
      tpu.yield
    }) : () -> ()
    %scan3A_60 = arith.constant 0 : i32
    %scan3A_61 = arith.constant 40 : i32
    %scan3A_62 = arith.addi %scan3A_60, %scan3A_61 : i32
    %scan3A_63 = arith.constant 4 : i32
    scf.for %scan3A_70 = %scan3A_60 to %scan3A_62 step %scan3A_63  : i32 {
      %mul3A_71 = arith.constant 1 : i32
      %mul3A_72 = arith.muli %scan3A_70, %mul3A_71 : i32
      %add3A_73 = arith.constant 0 : i32
      %add3A_74 = arith.addi %add3A_73, %mul3A_72 : i32
      %broadcast_in_dim3A_75 = arith.constant 0.000000e+00 : f32
      %broadcast_in_dim3A_76 = vector.broadcast %broadcast_in_dim3A_75 : f32 to vector<16xf32>
      %mul3A_77 = arith.constant 16 : i32
      %mul3A_78 = arith.muli %add3A_74, %mul3A_77 : i32
      %add3A_79 = arith.constant 0 : i32
      %add3A_80 = arith.addi %add3A_79, %mul3A_78 : i32
      %get3A = arith.index_cast %add3A_80 : i32 to index
      %get3A_81 = tpu.vector_load %arg7[%get3A] {strides = array<i32>} : memref<10240xf32, #tpu.memory_space<vmem>>, vector<16xf32>,
      %add3A_82 = arith.addf %broadcast_in_dim3A_76, %get3A_81 : vector<16xf32>
      %mul3A_83 = arith.constant 16 : i32
      %mul3A_84 = arith.muli %add3A_74, %mul3A_83 : i32
      %add3A_85 = arith.constant 640 : i32
      %add3A_86 = arith.addi %add3A_85, %mul3A_84 : i32
      %get3A_87 = arith.index_cast %add3A_86 : i32 to index
      %get3A_88 = tpu.vector_load %arg7[%get3A_87] {strides = array<i32>} : memref<10240xf32, #tpu.memory_space<vmem>>, vector<16xf32>,
      %add3A_89 = arith.addf %add3A_82, %get3A_88 : vector<16xf32>
      %mul3A_90 = arith.constant 16 : i32
      %mul3A_91 = arith.muli %add3A_74, %mul3A_90 : i32
      %add3A_92 = arith.constant 1280 : i32
      %add3A_93 = arith.addi %add3A_92, %mul3A_91 : i32
      %get3A_94 = arith.index_cast %add3A_93 : i32 to index
      %get3A_95 = tpu.vector_load %arg7[%get3A_94] {strides = array<i32>} : memref<10240xf32, #tpu.memory_space<vmem>>, vector<16xf32>,
      %add3A_96 = arith.addf %add3A_89, %get3A_95 : vector<16xf32>
      %mul3A_97 = arith.constant 16 : i32
      %mul3A_98 = arith.muli %add3A_74, %mul3A_97 : i32
      %add3A_99 = arith.constant 1920 : i32
      %add3A_100 = arith.addi %add3A_99, %mul3A_98 : i32
      %get3A_101 = arith.index_cast %add3A_100 : i32 to index
      %get3A_102 = tpu.vector_load %arg7[%get3A_101] {strides = array<i32>} : memref<10240xf32, #tpu.memory_space<vmem>>, vector<16xf32>,
      %add3A_103 = arith.addf %add3A_96, %get3A_102 : vector<16xf32>
      %mul3A_104 = arith.constant 16 : i32
      %mul3A_105 = arith.muli %add3A_74, %mul3A_104 : i32
      %add3A_106 = arith.constant 2560 : i32
      %add3A_107 = arith.addi %add3A_106, %mul3A_105 : i32
      %get3A_108 = arith.index_cast %add3A_107 : i32 to index
      %get3A_109 = tpu.vector_load %arg7[%get3A_108] {strides = array<i32>} : memref<10240xf32, #tpu.memory_space<vmem>>, vector<16xf32>,
      %add3A_110 = arith.addf %add3A_103, %get3A_109 : vector<16xf32>
      %mul3A_111 = arith.constant 16 : i32
      %mul3A_112 = arith.muli %add3A_74, %mul3A_111 : i32
      %add3A_113 = arith.constant 3200 : i32
      %add3A_114 = arith.addi %add3A_113, %mul3A_112 : i32
      %get3A_115 = arith.index_cast %add3A_114 : i32 to index
      %get3A_116 = tpu.vector_load %arg7[%get3A_115] {strides = array<i32>} : memref<10240xf32, #tpu.memory_space<vmem>>, vector<16xf32>,
      %add3A_117 = arith.addf %add3A_110, %get3A_116 : vector<16xf32>
      %mul3A_118 = arith.constant 16 : i32
      %mul3A_119 = arith.muli %add3A_74, %mul3A_118 : i32
      %add3A_120 = arith.constant 3840 : i32
      %add3A_121 = arith.addi %add3A_120, %mul3A_119 : i32
      %get3A_122 = arith.index_cast %add3A_121 : i32 to index
      %get3A_123 = tpu.vector_load %arg7[%get3A_122] {strides = array<i32>} : memref<10240xf32, #tpu.memory_space<vmem>>, vector<16xf32>,
      %add3A_124 = arith.addf %add3A_117, %get3A_123 : vector<16xf32>
      %mul3A_125 = arith.constant 16 : i32
      %mul3A_126 = arith.muli %add3A_74, %mul3A_125 : i32
      %add3A_127 = arith.constant 4480 : i32
      %add3A_128 = arith.addi %add3A_127, %mul3A_126 : i32
      %get3A_129 = arith.index_cast %add3A_128 : i32 to index
      %get3A_130 = tpu.vector_load %arg7[%get3A_129] {strides = array<i32>} : memref<10240xf32, #tpu.memory_space<vmem>>, vector<16xf32>,
      %add3A_131 = arith.addf %add3A_124, %get3A_130 : vector<16xf32>
      %mul3A_132 = arith.constant 16 : i32
      %mul3A_133 = arith.muli %add3A_74, %mul3A_132 : i32
      %add3A_134 = arith.constant 5120 : i32
      %add3A_135 = arith.addi %add3A_134, %mul3A_133 : i32
      %get3A_136 = arith.index_cast %add3A_135 : i32 to index
      %get3A_137 = tpu.vector_load %arg7[%get3A_136] {strides = array<i32>} : memref<10240xf32, #tpu.memory_space<vmem>>, vector<16xf32>,
      %add3A_138 = arith.addf %add3A_131, %get3A_137 : vector<16xf32>
      %mul3A_139 = arith.constant 16 : i32
      %mul3A_140 = arith.muli %add3A_74, %mul3A_139 : i32
      %add3A_141 = arith.constant 5760 : i32
      %add3A_142 = arith.addi %add3A_141, %mul3A_140 : i32
      %get3A_143 = arith.index_cast %add3A_142 : i32 to index
      %get3A_144 = tpu.vector_load %arg7[%get3A_143] {strides = array<i32>} : memref<10240xf32, #tpu.memory_space<vmem>>, vector<16xf32>,
      %add3A_145 = arith.addf %add3A_138, %get3A_144 : vector<16xf32>
      %mul3A_146 = arith.constant 16 : i32
      %mul3A_147 = arith.muli %add3A_74, %mul3A_146 : i32
      %add3A_148 = arith.constant 6400 : i32
      %add3A_149 = arith.addi %add3A_148, %mul3A_147 : i32
      %get3A_150 = arith.index_cast %add3A_149 : i32 to index
      %get3A_151 = tpu.vector_load %arg7[%get3A_150] {strides = array<i32>} : memref<10240xf32, #tpu.memory_space<vmem>>, vector<16xf32>,
      %add3A_152 = arith.addf %add3A_145, %get3A_151 : vector<16xf32>
      %mul3A_153 = arith.constant 16 : i32
      %mul3A_154 = arith.muli %add3A_74, %mul3A_153 : i32
      %add3A_155 = arith.constant 7040 : i32
      %add3A_156 = arith.addi %add3A_155, %mul3A_154 : i32
      %get3A_157 = arith.index_cast %add3A_156 : i32 to index
      %get3A_158 = tpu.vector_load %arg7[%get3A_157] {strides = array<i32>} : memref<10240xf32, #tpu.memory_space<vmem>>, vector<16xf32>,
      %add3A_159 = arith.addf %add3A_152, %get3A_158 : vector<16xf32>
      %mul3A_160 = arith.constant 16 : i32
      %mul3A_161 = arith.muli %add3A_74, %mul3A_160 : i32
      %add3A_162 = arith.constant 7680 : i32
      %add3A_163 = arith.addi %add3A_162, %mul3A_161 : i32
      %get3A_164 = arith.index_cast %add3A_163 : i32 to index
      %get3A_165 = tpu.vector_load %arg7[%get3A_164] {strides = array<i32>} : memref<10240xf32, #tpu.memory_space<vmem>>, vector<16xf32>,
      %add3A_166 = arith.addf %add3A_159, %get3A_165 : vector<16xf32>
      %mul3A_167 = arith.constant 16 : i32
      %mul3A_168 = arith.muli %add3A_74, %mul3A_167 : i32
      %add3A_169 = arith.constant 8320 : i32
      %add3A_170 = arith.addi %add3A_169, %mul3A_168 : i32
      %get3A_171 = arith.index_cast %add3A_170 : i32 to index
      %get3A_172 = tpu.vector_load %arg7[%get3A_171] {strides = array<i32>} : memref<10240xf32, #tpu.memory_space<vmem>>, vector<16xf32>,
      %add3A_173 = arith.addf %add3A_166, %get3A_172 : vector<16xf32>
      %mul3A_174 = arith.constant 16 : i32
      %mul3A_175 = arith.muli %add3A_74, %mul3A_174 : i32
      %add3A_176 = arith.constant 8960 : i32
      %add3A_177 = arith.addi %add3A_176, %mul3A_175 : i32
      %get3A_178 = arith.index_cast %add3A_177 : i32 to index
      %get3A_179 = tpu.vector_load %arg7[%get3A_178] {strides = array<i32>} : memref<10240xf32, #tpu.memory_space<vmem>>, vector<16xf32>,
      %add3A_180 = arith.addf %add3A_173, %get3A_179 : vector<16xf32>
      %mul3A_181 = arith.constant 16 : i32
      %mul3A_182 = arith.muli %add3A_74, %mul3A_181 : i32
      %add3A_183 = arith.constant 9600 : i32
      %add3A_184 = arith.addi %add3A_183, %mul3A_182 : i32
      %get3A_185 = arith.index_cast %add3A_184 : i32 to index
      %get3A_186 = tpu.vector_load %arg7[%get3A_185] {strides = array<i32>} : memref<10240xf32, #tpu.memory_space<vmem>>, vector<16xf32>,
      %add3A_187 = arith.addf %add3A_180, %get3A_186 : vector<16xf32>
      %mul3A_188 = arith.constant 16 : i32
      %mul3A_189 = arith.muli %add3A_74, %mul3A_188 : i32
      %swap3A_190 = arith.index_cast %mul3A_189 : i32 to index
      %swap3A_191 = tpu.vector_load %arg5[%swap3A_190] {strides = array<i32>} : memref<10000xf32, #tpu.memory_space<vmem>>, vector<16xf32>,
      tpu.vector_store %arg5[%swap3A_190], %add3A_187 {strides = array<i32>} : memref<10000xf32, #tpu.memory_space<vmem>>, vector<16xf32>,
      %scan3A_192 = arith.constant 1 : i32
      %scan3A_193 = arith.addi %scan3A_70, %scan3A_192 : i32
      %mul3A_194 = arith.constant 1 : i32
      %mul3A_195 = arith.muli %scan3A_193, %mul3A_194 : i32
      %add3A_196 = arith.constant 0 : i32
      %add3A_197 = arith.addi %add3A_196, %mul3A_195 : i32
      %broadcast_in_dim3A_198 = arith.constant 0.000000e+00 : f32
      %broadcast_in_dim3A_199 = vector.broadcast %broadcast_in_dim3A_198 : f32 to vector<16xf32>
      %mul3A_200 = arith.constant 16 : i32
      %mul3A_201 = arith.muli %add3A_197, %mul3A_200 : i32
      %add3A_202 = arith.constant 0 : i32
      %add3A_203 = arith.addi %add3A_202, %mul3A_201 : i32
      %get3A_204 = arith.index_cast %add3A_203 : i32 to index
      %get3A_205 = tpu.vector_load %arg7[%get3A_204] {strides = array<i32>} : memref<10240xf32, #tpu.memory_space<vmem>>, vector<16xf32>,
      %add3A_206 = arith.addf %broadcast_in_dim3A_199, %get3A_205 : vector<16xf32>
      %mul3A_207 = arith.constant 16 : i32
      %mul3A_208 = arith.muli %add3A_197, %mul3A_207 : i32
      %add3A_209 = arith.constant 640 : i32
      %add3A_210 = arith.addi %add3A_209, %mul3A_208 : i32
      %get3A_211 = arith.index_cast %add3A_210 : i32 to index
      %get3A_212 = tpu.vector_load %arg7[%get3A_211] {strides = array<i32>} : memref<10240xf32, #tpu.memory_space<vmem>>, vector<16xf32>,
      %add3A_213 = arith.addf %add3A_206, %get3A_212 : vector<16xf32>
      %mul3A_214 = arith.constant 16 : i32
      %mul3A_215 = arith.muli %add3A_197, %mul3A_214 : i32
      %add3A_216 = arith.constant 1280 : i32
      %add3A_217 = arith.addi %add3A_216, %mul3A_215 : i32
      %get3A_218 = arith.index_cast %add3A_217 : i32 to index
      %get3A_219 = tpu.vector_load %arg7[%get3A_218] {strides = array<i32>} : memref<10240xf32, #tpu.memory_space<vmem>>, vector<16xf32>,
      %add3A_220 = arith.addf %add3A_213, %get3A_219 : vector<16xf32>
      %mul3A_221 = arith.constant 16 : i32
      %mul3A_222 = arith.muli %add3A_197, %mul3A_221 : i32
      %add3A_223 = arith.constant 1920 : i32
      %add3A_224 = arith.addi %add3A_223, %mul3A_222 : i32
      %get3A_225 = arith.index_cast %add3A_224 : i32 to index
      %get3A_226 = tpu.vector_load %arg7[%get3A_225] {strides = array<i32>} : memref<10240xf32, #tpu.memory_space<vmem>>, vector<16xf32>,
      %add3A_227 = arith.addf %add3A_220, %get3A_226 : vector<16xf32>
      %mul3A_228 = arith.constant 16 : i32
      %mul3A_229 = arith.muli %add3A_197, %mul3A_228 : i32
      %add3A_230 = arith.constant 2560 : i32
      %add3A_231 = arith.addi %add3A_230, %mul3A_229 : i32
      %get3A_232 = arith.index_cast %add3A_231 : i32 to index
      %get3A_233 = tpu.vector_load %arg7[%get3A_232] {strides = array<i32>} : memref<10240xf32, #tpu.memory_space<vmem>>, vector<16xf32>,
      %add3A_234 = arith.addf %add3A_227, %get3A_233 : vector<16xf32>
      %mul3A_235 = arith.constant 16 : i32
      %mul3A_236 = arith.muli %add3A_197, %mul3A_235 : i32
      %add3A_237 = arith.constant 3200 : i32
      %add3A_238 = arith.addi %add3A_237, %mul3A_236 : i32
      %get3A_239 = arith.index_cast %add3A_238 : i32 to index
      %get3A_240 = tpu.vector_load %arg7[%get3A_239] {strides = array<i32>} : memref<10240xf32, #tpu.memory_space<vmem>>, vector<16xf32>,
      %add3A_241 = arith.addf %add3A_234, %get3A_240 : vector<16xf32>
      %mul3A_242 = arith.constant 16 : i32
      %mul3A_243 = arith.muli %add3A_197, %mul3A_242 : i32
      %add3A_244 = arith.constant 3840 : i32
      %add3A_245 = arith.addi %add3A_244, %mul3A_243 : i32
      %get3A_246 = arith.index_cast %add3A_245 : i32 to index
      %get3A_247 = tpu.vector_load %arg7[%get3A_246] {strides = array<i32>} : memref<10240xf32, #tpu.memory_space<vmem>>, vector<16xf32>,
      %add3A_248 = arith.addf %add3A_241, %get3A_247 : vector<16xf32>
      %mul3A_249 = arith.constant 16 : i32
      %mul3A_250 = arith.muli %add3A_197, %mul3A_249 : i32
      %add3A_251 = arith.constant 4480 : i32
      %add3A_252 = arith.addi %add3A_251, %mul3A_250 : i32
      %get3A_253 = arith.index_cast %add3A_252 : i32 to index
      %get3A_254 = tpu.vector_load %arg7[%get3A_253] {strides = array<i32>} : memref<10240xf32, #tpu.memory_space<vmem>>, vector<16xf32>,
      %add3A_255 = arith.addf %add3A_248, %get3A_254 : vector<16xf32>
      %mul3A_256 = arith.constant 16 : i32
      %mul3A_257 = arith.muli %add3A_197, %mul3A_256 : i32
      %add3A_258 = arith.constant 5120 : i32
      %add3A_259 = arith.addi %add3A_258, %mul3A_257 : i32
      %get3A_260 = arith.index_cast %add3A_259 : i32 to index
      %get3A_261 = tpu.vector_load %arg7[%get3A_260] {strides = array<i32>} : memref<10240xf32, #tpu.memory_space<vmem>>, vector<16xf32>,
      %add3A_262 = arith.addf %add3A_255, %get3A_261 : vector<16xf32>
      %mul3A_263 = arith.constant 16 : i32
      %mul3A_264 = arith.muli %add3A_197, %mul3A_263 : i32
      %add3A_265 = arith.constant 5760 : i32
      %add3A_266 = arith.addi %add3A_265, %mul3A_264 : i32
      %get3A_267 = arith.index_cast %add3A_266 : i32 to index
      %get3A_268 = tpu.vector_load %arg7[%get3A_267] {strides = array<i32>} : memref<10240xf32, #tpu.memory_space<vmem>>, vector<16xf32>,
      %add3A_269 = arith.addf %add3A_262, %get3A_268 : vector<16xf32>
      %mul3A_270 = arith.constant 16 : i32
      %mul3A_271 = arith.muli %add3A_197, %mul3A_270 : i32
      %add3A_272 = arith.constant 6400 : i32
      %add3A_273 = arith.addi %add3A_272, %mul3A_271 : i32
      %get3A_274 = arith.index_cast %add3A_273 : i32 to index
      %get3A_275 = tpu.vector_load %arg7[%get3A_274] {strides = array<i32>} : memref<10240xf32, #tpu.memory_space<vmem>>, vector<16xf32>,
      %add3A_276 = arith.addf %add3A_269, %get3A_275 : vector<16xf32>
      %mul3A_277 = arith.constant 16 : i32
      %mul3A_278 = arith.muli %add3A_197, %mul3A_277 : i32
      %add3A_279 = arith.constant 7040 : i32
      %add3A_280 = arith.addi %add3A_279, %mul3A_278 : i32
      %get3A_281 = arith.index_cast %add3A_280 : i32 to index
      %get3A_282 = tpu.vector_load %arg7[%get3A_281] {strides = array<i32>} : memref<10240xf32, #tpu.memory_space<vmem>>, vector<16xf32>,
      %add3A_283 = arith.addf %add3A_276, %get3A_282 : vector<16xf32>
      %mul3A_284 = arith.constant 16 : i32
      %mul3A_285 = arith.muli %add3A_197, %mul3A_284 : i32
      %add3A_286 = arith.constant 7680 : i32
      %add3A_287 = arith.addi %add3A_286, %mul3A_285 : i32
      %get3A_288 = arith.index_cast %add3A_287 : i32 to index
      %get3A_289 = tpu.vector_load %arg7[%get3A_288] {strides = array<i32>} : memref<10240xf32, #tpu.memory_space<vmem>>, vector<16xf32>,
      %add3A_290 = arith.addf %add3A_283, %get3A_289 : vector<16xf32>
      %mul3A_291 = arith.constant 16 : i32
      %mul3A_292 = arith.muli %add3A_197, %mul3A_291 : i32
      %add3A_293 = arith.constant 8320 : i32
      %add3A_294 = arith.addi %add3A_293, %mul3A_292 : i32
      %get3A_295 = arith.index_cast %add3A_294 : i32 to index
      %get3A_296 = tpu.vector_load %arg7[%get3A_295] {strides = array<i32>} : memref<10240xf32, #tpu.memory_space<vmem>>, vector<16xf32>,
      %add3A_297 = arith.addf %add3A_290, %get3A_296 : vector<16xf32>
      %mul3A_298 = arith.constant 16 : i32
      %mul3A_299 = arith.muli %add3A_197, %mul3A_298 : i32
      %add3A_300 = arith.constant 8960 : i32
      %add3A_301 = arith.addi %add3A_300, %mul3A_299 : i32
      %get3A_302 = arith.index_cast %add3A_301 : i32 to index
      %get3A_303 = tpu.vector_load %arg7[%get3A_302] {strides = array<i32>} : memref<10240xf32, #tpu.memory_space<vmem>>, vector<16xf32>,
      %add3A_304 = arith.addf %add3A_297, %get3A_303 : vector<16xf32>
      %mul3A_305 = arith.constant 16 : i32
      %mul3A_306 = arith.muli %add3A_197, %mul3A_305 : i32
      %add3A_307 = arith.constant 9600 : i32
      %add3A_308 = arith.addi %add3A_307, %mul3A_306 : i32
      %get3A_309 = arith.index_cast %add3A_308 : i32 to index
      %get3A_310 = tpu.vector_load %arg7[%get3A_309] {strides = array<i32>} : memref<10240xf32, #tpu.memory_space<vmem>>, vector<16xf32>,
      %add3A_311 = arith.addf %add3A_304, %get3A_310 : vector<16xf32>
      %mul3A_312 = arith.constant 16 : i32
      %mul3A_313 = arith.muli %add3A_197, %mul3A_312 : i32
      %swap3A_314 = arith.index_cast %mul3A_313 : i32 to index
      %swap3A_315 = tpu.vector_load %arg5[%swap3A_314] {strides = array<i32>} : memref<10000xf32, #tpu.memory_space<vmem>>, vector<16xf32>,
      tpu.vector_store %arg5[%swap3A_314], %add3A_311 {strides = array<i32>} : memref<10000xf32, #tpu.memory_space<vmem>>, vector<16xf32>,
      %scan3A_316 = arith.constant 2 : i32
      %scan3A_317 = arith.addi %scan3A_70, %scan3A_316 : i32
      %mul3A_318 = arith.constant 1 : i32
      %mul3A_319 = arith.muli %scan3A_317, %mul3A_318 : i32
      %add3A_320 = arith.constant 0 : i32
      %add3A_321 = arith.addi %add3A_320, %mul3A_319 : i32
      %broadcast_in_dim3A_322 = arith.constant 0.000000e+00 : f32
      %broadcast_in_dim3A_323 = vector.broadcast %broadcast_in_dim3A_322 : f32 to vector<16xf32>
      %mul3A_324 = arith.constant 16 : i32
      %mul3A_325 = arith.muli %add3A_321, %mul3A_324 : i32
      %add3A_326 = arith.constant 0 : i32
      %add3A_327 = arith.addi %add3A_326, %mul3A_325 : i32
      %get3A_328 = arith.index_cast %add3A_327 : i32 to index
      %get3A_329 = tpu.vector_load %arg7[%get3A_328] {strides = array<i32>} : memref<10240xf32, #tpu.memory_space<vmem>>, vector<16xf32>,
      %add3A_330 = arith.addf %broadcast_in_dim3A_323, %get3A_329 : vector<16xf32>
      %mul3A_331 = arith.constant 16 : i32
      %mul3A_332 = arith.muli %add3A_321, %mul3A_331 : i32
      %add3A_333 = arith.constant 640 : i32
      %add3A_334 = arith.addi %add3A_333, %mul3A_332 : i32
      %get3A_335 = arith.index_cast %add3A_334 : i32 to index
      %get3A_336 = tpu.vector_load %arg7[%get3A_335] {strides = array<i32>} : memref<10240xf32, #tpu.memory_space<vmem>>, vector<16xf32>,
      %add3A_337 = arith.addf %add3A_330, %get3A_336 : vector<16xf32>
      %mul3A_338 = arith.constant 16 : i32
      %mul3A_339 = arith.muli %add3A_321, %mul3A_338 : i32
      %add3A_340 = arith.constant 1280 : i32
      %add3A_341 = arith.addi %add3A_340, %mul3A_339 : i32
      %get3A_342 = arith.index_cast %add3A_341 : i32 to index
      %get3A_343 = tpu.vector_load %arg7[%get3A_342] {strides = array<i32>} : memref<10240xf32, #tpu.memory_space<vmem>>, vector<16xf32>,
      %add3A_344 = arith.addf %add3A_337, %get3A_343 : vector<16xf32>
      %mul3A_345 = arith.constant 16 : i32
      %mul3A_346 = arith.muli %add3A_321, %mul3A_345 : i32
      %add3A_347 = arith.constant 1920 : i32
      %add3A_348 = arith.addi %add3A_347, %mul3A_346 : i32
      %get3A_349 = arith.index_cast %add3A_348 : i32 to index
      %get3A_350 = tpu.vector_load %arg7[%get3A_349] {strides = array<i32>} : memref<10240xf32, #tpu.memory_space<vmem>>, vector<16xf32>,
      %add3A_351 = arith.addf %add3A_344, %get3A_350 : vector<16xf32>
      %mul3A_352 = arith.constant 16 : i32
      %mul3A_353 = arith.muli %add3A_321, %mul3A_352 : i32
      %add3A_354 = arith.constant 2560 : i32
      %add3A_355 = arith.addi %add3A_354, %mul3A_353 : i32
      %get3A_356 = arith.index_cast %add3A_355 : i32 to index
      %get3A_357 = tpu.vector_load %arg7[%get3A_356] {strides = array<i32>} : memref<10240xf32, #tpu.memory_space<vmem>>, vector<16xf32>,
      %add3A_358 = arith.addf %add3A_351, %get3A_357 : vector<16xf32>
      %mul3A_359 = arith.constant 16 : i32
      %mul3A_360 = arith.muli %add3A_321, %mul3A_359 : i32
      %add3A_361 = arith.constant 3200 : i32
      %add3A_362 = arith.addi %add3A_361, %mul3A_360 : i32
      %get3A_363 = arith.index_cast %add3A_362 : i32 to index
      %get3A_364 = tpu.vector_load %arg7[%get3A_363] {strides = array<i32>} : memref<10240xf32, #tpu.memory_space<vmem>>, vector<16xf32>,
      %add3A_365 = arith.addf %add3A_358, %get3A_364 : vector<16xf32>
      %mul3A_366 = arith.constant 16 : i32
      %mul3A_367 = arith.muli %add3A_321, %mul3A_366 : i32
      %add3A_368 = arith.constant 3840 : i32
      %add3A_369 = arith.addi %add3A_368, %mul3A_367 : i32
      %get3A_370 = arith.index_cast %add3A_369 : i32 to index
      %get3A_371 = tpu.vector_load %arg7[%get3A_370] {strides = array<i32>} : memref<10240xf32, #tpu.memory_space<vmem>>, vector<16xf32>,
      %add3A_372 = arith.addf %add3A_365, %get3A_371 : vector<16xf32>
      %mul3A_373 = arith.constant 16 : i32
      %mul3A_374 = arith.muli %add3A_321, %mul3A_373 : i32
      %add3A_375 = arith.constant 4480 : i32
      %add3A_376 = arith.addi %add3A_375, %mul3A_374 : i32
      %get3A_377 = arith.index_cast %add3A_376 : i32 to index
      %get3A_378 = tpu.vector_load %arg7[%get3A_377] {strides = array<i32>} : memref<10240xf32, #tpu.memory_space<vmem>>, vector<16xf32>,
      %add3A_379 = arith.addf %add3A_372, %get3A_378 : vector<16xf32>
      %mul3A_380 = arith.constant 16 : i32
      %mul3A_381 = arith.muli %add3A_321, %mul3A_380 : i32
      %add3A_382 = arith.constant 5120 : i32
      %add3A_383 = arith.addi %add3A_382, %mul3A_381 : i32
      %get3A_384 = arith.index_cast %add3A_383 : i32 to index
      %get3A_385 = tpu.vector_load %arg7[%get3A_384] {strides = array<i32>} : memref<10240xf32, #tpu.memory_space<vmem>>, vector<16xf32>,
      %add3A_386 = arith.addf %add3A_379, %get3A_385 : vector<16xf32>
      %mul3A_387 = arith.constant 16 : i32
      %mul3A_388 = arith.muli %add3A_321, %mul3A_387 : i32
      %add3A_389 = arith.constant 5760 : i32
      %add3A_390 = arith.addi %add3A_389, %mul3A_388 : i32
      %get3A_391 = arith.index_cast %add3A_390 : i32 to index
      %get3A_392 = tpu.vector_load %arg7[%get3A_391] {strides = array<i32>} : memref<10240xf32, #tpu.memory_space<vmem>>, vector<16xf32>,
      %add3A_393 = arith.addf %add3A_386, %get3A_392 : vector<16xf32>
      %mul3A_394 = arith.constant 16 : i32
      %mul3A_395 = arith.muli %add3A_321, %mul3A_394 : i32
      %add3A_396 = arith.constant 6400 : i32
      %add3A_397 = arith.addi %add3A_396, %mul3A_395 : i32
      %get3A_398 = arith.index_cast %add3A_397 : i32 to index
      %get3A_399 = tpu.vector_load %arg7[%get3A_398] {strides = array<i32>} : memref<10240xf32, #tpu.memory_space<vmem>>, vector<16xf32>,
      %add3A_400 = arith.addf %add3A_393, %get3A_399 : vector<16xf32>
      %mul3A_401 = arith.constant 16 : i32
      %mul3A_402 = arith.muli %add3A_321, %mul3A_401 : i32
      %add3A_403 = arith.constant 7040 : i32
      %add3A_404 = arith.addi %add3A_403, %mul3A_402 : i32
      %get3A_405 = arith.index_cast %add3A_404 : i32 to index
      %get3A_406 = tpu.vector_load %arg7[%get3A_405] {strides = array<i32>} : memref<10240xf32, #tpu.memory_space<vmem>>, vector<16xf32>,
      %add3A_407 = arith.addf %add3A_400, %get3A_406 : vector<16xf32>
      %mul3A_408 = arith.constant 16 : i32
      %mul3A_409 = arith.muli %add3A_321, %mul3A_408 : i32
      %add3A_410 = arith.constant 7680 : i32
      %add3A_411 = arith.addi %add3A_410, %mul3A_409 : i32
      %get3A_412 = arith.index_cast %add3A_411 : i32 to index
      %get3A_413 = tpu.vector_load %arg7[%get3A_412] {strides = array<i32>} : memref<10240xf32, #tpu.memory_space<vmem>>, vector<16xf32>,
      %add3A_414 = arith.addf %add3A_407, %get3A_413 : vector<16xf32>
      %mul3A_415 = arith.constant 16 : i32
      %mul3A_416 = arith.muli %add3A_321, %mul3A_415 : i32
      %add3A_417 = arith.constant 8320 : i32
      %add3A_418 = arith.addi %add3A_417, %mul3A_416 : i32
      %get3A_419 = arith.index_cast %add3A_418 : i32 to index
      %get3A_420 = tpu.vector_load %arg7[%get3A_419] {strides = array<i32>} : memref<10240xf32, #tpu.memory_space<vmem>>, vector<16xf32>,
      %add3A_421 = arith.addf %add3A_414, %get3A_420 : vector<16xf32>
      %mul3A_422 = arith.constant 16 : i32
      %mul3A_423 = arith.muli %add3A_321, %mul3A_422 : i32
      %add3A_424 = arith.constant 8960 : i32
      %add3A_425 = arith.addi %add3A_424, %mul3A_423 : i32
      %get3A_426 = arith.index_cast %add3A_425 : i32 to index
      %get3A_427 = tpu.vector_load %arg7[%get3A_426] {strides = array<i32>} : memref<10240xf32, #tpu.memory_space<vmem>>, vector<16xf32>,
      %add3A_428 = arith.addf %add3A_421, %get3A_427 : vector<16xf32>
      %mul3A_429 = arith.constant 16 : i32
      %mul3A_430 = arith.muli %add3A_321, %mul3A_429 : i32
      %add3A_431 = arith.constant 9600 : i32
      %add3A_432 = arith.addi %add3A_431, %mul3A_430 : i32
      %get3A_433 = arith.index_cast %add3A_432 : i32 to index
      %get3A_434 = tpu.vector_load %arg7[%get3A_433] {strides = array<i32>} : memref<10240xf32, #tpu.memory_space<vmem>>, vector<16xf32>,
      %add3A_435 = arith.addf %add3A_428, %get3A_434 : vector<16xf32>
      %mul3A_436 = arith.constant 16 : i32
      %mul3A_437 = arith.muli %add3A_321, %mul3A_436 : i32
      %swap3A_438 = arith.index_cast %mul3A_437 : i32 to index
      %swap3A_439 = tpu.vector_load %arg5[%swap3A_438] {strides = array<i32>} : memref<10000xf32, #tpu.memory_space<vmem>>, vector<16xf32>,
      tpu.vector_store %arg5[%swap3A_438], %add3A_435 {strides = array<i32>} : memref<10000xf32, #tpu.memory_space<vmem>>, vector<16xf32>,
      %scan3A_440 = arith.constant 3 : i32
      %scan3A_441 = arith.addi %scan3A_70, %scan3A_440 : i32
      %mul3A_442 = arith.constant 1 : i32
      %mul3A_443 = arith.muli %scan3A_441, %mul3A_442 : i32
      %add3A_444 = arith.constant 0 : i32
      %add3A_445 = arith.addi %add3A_444, %mul3A_443 : i32
      %broadcast_in_dim3A_446 = arith.constant 0.000000e+00 : f32
      %broadcast_in_dim3A_447 = vector.broadcast %broadcast_in_dim3A_446 : f32 to vector<16xf32>
      %mul3A_448 = arith.constant 16 : i32
      %mul3A_449 = arith.muli %add3A_445, %mul3A_448 : i32
      %add3A_450 = arith.constant 0 : i32
      %add3A_451 = arith.addi %add3A_450, %mul3A_449 : i32
      %get3A_452 = arith.index_cast %add3A_451 : i32 to index
      %get3A_453 = tpu.vector_load %arg7[%get3A_452] {strides = array<i32>} : memref<10240xf32, #tpu.memory_space<vmem>>, vector<16xf32>,
      %add3A_454 = arith.addf %broadcast_in_dim3A_447, %get3A_453 : vector<16xf32>
      %mul3A_455 = arith.constant 16 : i32
      %mul3A_456 = arith.muli %add3A_445, %mul3A_455 : i32
      %add3A_457 = arith.constant 640 : i32
      %add3A_458 = arith.addi %add3A_457, %mul3A_456 : i32
      %get3A_459 = arith.index_cast %add3A_458 : i32 to index
      %get3A_460 = tpu.vector_load %arg7[%get3A_459] {strides = array<i32>} : memref<10240xf32, #tpu.memory_space<vmem>>, vector<16xf32>,
      %add3A_461 = arith.addf %add3A_454, %get3A_460 : vector<16xf32>
      %mul3A_462 = arith.constant 16 : i32
      %mul3A_463 = arith.muli %add3A_445, %mul3A_462 : i32
      %add3A_464 = arith.constant 1280 : i32
      %add3A_465 = arith.addi %add3A_464, %mul3A_463 : i32
      %get3A_466 = arith.index_cast %add3A_465 : i32 to index
      %get3A_467 = tpu.vector_load %arg7[%get3A_466] {strides = array<i32>} : memref<10240xf32, #tpu.memory_space<vmem>>, vector<16xf32>,
      %add3A_468 = arith.addf %add3A_461, %get3A_467 : vector<16xf32>
      %mul3A_469 = arith.constant 16 : i32
      %mul3A_470 = arith.muli %add3A_445, %mul3A_469 : i32
      %add3A_471 = arith.constant 1920 : i32
      %add3A_472 = arith.addi %add3A_471, %mul3A_470 : i32
      %get3A_473 = arith.index_cast %add3A_472 : i32 to index
      %get3A_474 = tpu.vector_load %arg7[%get3A_473] {strides = array<i32>} : memref<10240xf32, #tpu.memory_space<vmem>>, vector<16xf32>,
      %add3A_475 = arith.addf %add3A_468, %get3A_474 : vector<16xf32>
      %mul3A_476 = arith.constant 16 : i32
      %mul3A_477 = arith.muli %add3A_445, %mul3A_476 : i32
      %add3A_478 = arith.constant 2560 : i32
      %add3A_479 = arith.addi %add3A_478, %mul3A_477 : i32
      %get3A_480 = arith.index_cast %add3A_479 : i32 to index
      %get3A_481 = tpu.vector_load %arg7[%get3A_480] {strides = array<i32>} : memref<10240xf32, #tpu.memory_space<vmem>>, vector<16xf32>,
      %add3A_482 = arith.addf %add3A_475, %get3A_481 : vector<16xf32>
      %mul3A_483 = arith.constant 16 : i32
      %mul3A_484 = arith.muli %add3A_445, %mul3A_483 : i32
      %add3A_485 = arith.constant 3200 : i32
      %add3A_486 = arith.addi %add3A_485, %mul3A_484 : i32
      %get3A_487 = arith.index_cast %add3A_486 : i32 to index
      %get3A_488 = tpu.vector_load %arg7[%get3A_487] {strides = array<i32>} : memref<10240xf32, #tpu.memory_space<vmem>>, vector<16xf32>,
      %add3A_489 = arith.addf %add3A_482, %get3A_488 : vector<16xf32>
      %mul3A_490 = arith.constant 16 : i32
      %mul3A_491 = arith.muli %add3A_445, %mul3A_490 : i32
      %add3A_492 = arith.constant 3840 : i32
      %add3A_493 = arith.addi %add3A_492, %mul3A_491 : i32
      %get3A_494 = arith.index_cast %add3A_493 : i32 to index
      %get3A_495 = tpu.vector_load %arg7[%get3A_494] {strides = array<i32>} : memref<10240xf32, #tpu.memory_space<vmem>>, vector<16xf32>,
      %add3A_496 = arith.addf %add3A_489, %get3A_495 : vector<16xf32>
      %mul3A_497 = arith.constant 16 : i32
      %mul3A_498 = arith.muli %add3A_445, %mul3A_497 : i32
      %add3A_499 = arith.constant 4480 : i32
      %add3A_500 = arith.addi %add3A_499, %mul3A_498 : i32
      %get3A_501 = arith.index_cast %add3A_500 : i32 to index
      %get3A_502 = tpu.vector_load %arg7[%get3A_501] {strides = array<i32>} : memref<10240xf32, #tpu.memory_space<vmem>>, vector<16xf32>,
      %add3A_503 = arith.addf %add3A_496, %get3A_502 : vector<16xf32>
      %mul3A_504 = arith.constant 16 : i32
      %mul3A_505 = arith.muli %add3A_445, %mul3A_504 : i32
      %add3A_506 = arith.constant 5120 : i32
      %add3A_507 = arith.addi %add3A_506, %mul3A_505 : i32
      %get3A_508 = arith.index_cast %add3A_507 : i32 to index
      %get3A_509 = tpu.vector_load %arg7[%get3A_508] {strides = array<i32>} : memref<10240xf32, #tpu.memory_space<vmem>>, vector<16xf32>,
      %add3A_510 = arith.addf %add3A_503, %get3A_509 : vector<16xf32>
      %mul3A_511 = arith.constant 16 : i32
      %mul3A_512 = arith.muli %add3A_445, %mul3A_511 : i32
      %add3A_513 = arith.constant 5760 : i32
      %add3A_514 = arith.addi %add3A_513, %mul3A_512 : i32
      %get3A_515 = arith.index_cast %add3A_514 : i32 to index
      %get3A_516 = tpu.vector_load %arg7[%get3A_515] {strides = array<i32>} : memref<10240xf32, #tpu.memory_space<vmem>>, vector<16xf32>,
      %add3A_517 = arith.addf %add3A_510, %get3A_516 : vector<16xf32>
      %mul3A_518 = arith.constant 16 : i32
      %mul3A_519 = arith.muli %add3A_445, %mul3A_518 : i32
      %add3A_520 = arith.constant 6400 : i32
      %add3A_521 = arith.addi %add3A_520, %mul3A_519 : i32
      %get3A_522 = arith.index_cast %add3A_521 : i32 to index
      %get3A_523 = tpu.vector_load %arg7[%get3A_522] {strides = array<i32>} : memref<10240xf32, #tpu.memory_space<vmem>>, vector<16xf32>,
      %add3A_524 = arith.addf %add3A_517, %get3A_523 : vector<16xf32>
      %mul3A_525 = arith.constant 16 : i32
      %mul3A_526 = arith.muli %add3A_445, %mul3A_525 : i32
      %add3A_527 = arith.constant 7040 : i32
      %add3A_528 = arith.addi %add3A_527, %mul3A_526 : i32
      %get3A_529 = arith.index_cast %add3A_528 : i32 to index
      %get3A_530 = tpu.vector_load %arg7[%get3A_529] {strides = array<i32>} : memref<10240xf32, #tpu.memory_space<vmem>>, vector<16xf32>,
      %add3A_531 = arith.addf %add3A_524, %get3A_530 : vector<16xf32>
      %mul3A_532 = arith.constant 16 : i32
      %mul3A_533 = arith.muli %add3A_445, %mul3A_532 : i32
      %add3A_534 = arith.constant 7680 : i32
      %add3A_535 = arith.addi %add3A_534, %mul3A_533 : i32
      %get3A_536 = arith.index_cast %add3A_535 : i32 to index
      %get3A_537 = tpu.vector_load %arg7[%get3A_536] {strides = array<i32>} : memref<10240xf32, #tpu.memory_space<vmem>>, vector<16xf32>,
      %add3A_538 = arith.addf %add3A_531, %get3A_537 : vector<16xf32>
      %mul3A_539 = arith.constant 16 : i32
      %mul3A_540 = arith.muli %add3A_445, %mul3A_539 : i32
      %add3A_541 = arith.constant 8320 : i32
      %add3A_542 = arith.addi %add3A_541, %mul3A_540 : i32
      %get3A_543 = arith.index_cast %add3A_542 : i32 to index
      %get3A_544 = tpu.vector_load %arg7[%get3A_543] {strides = array<i32>} : memref<10240xf32, #tpu.memory_space<vmem>>, vector<16xf32>,
      %add3A_545 = arith.addf %add3A_538, %get3A_544 : vector<16xf32>
      %mul3A_546 = arith.constant 16 : i32
      %mul3A_547 = arith.muli %add3A_445, %mul3A_546 : i32
      %add3A_548 = arith.constant 8960 : i32
      %add3A_549 = arith.addi %add3A_548, %mul3A_547 : i32
      %get3A_550 = arith.index_cast %add3A_549 : i32 to index
      %get3A_551 = tpu.vector_load %arg7[%get3A_550] {strides = array<i32>} : memref<10240xf32, #tpu.memory_space<vmem>>, vector<16xf32>,
      %add3A_552 = arith.addf %add3A_545, %get3A_551 : vector<16xf32>
      %mul3A_553 = arith.constant 16 : i32
      %mul3A_554 = arith.muli %add3A_445, %mul3A_553 : i32
      %add3A_555 = arith.constant 9600 : i32
      %add3A_556 = arith.addi %add3A_555, %mul3A_554 : i32
      %get3A_557 = arith.index_cast %add3A_556 : i32 to index
      %get3A_558 = tpu.vector_load %arg7[%get3A_557] {strides = array<i32>} : memref<10240xf32, #tpu.memory_space<vmem>>, vector<16xf32>,
      %add3A_559 = arith.addf %add3A_552, %get3A_558 : vector<16xf32>
      %mul3A_560 = arith.constant 16 : i32
      %mul3A_561 = arith.muli %add3A_445, %mul3A_560 : i32
      %swap3A_562 = arith.index_cast %mul3A_561 : i32 to index
      %swap3A_563 = tpu.vector_load %arg5[%swap3A_562] {strides = array<i32>} : memref<10000xf32, #tpu.memory_space<vmem>>, vector<16xf32>,
      tpu.vector_store %arg5[%swap3A_562], %add3A_559 {strides = array<i32>} : memref<10000xf32, #tpu.memory_space<vmem>>, vector<16xf32>,
    }
    %scan3A_64 = arith.constant 40 : i32
    %mul3A_65 = arith.constant 10000 : i32
    %mul3A_66 = arith.muli %arg0, %mul3A_65 : i32
    %add3A_67 = arith.addi %mul3A_66, %mul3A_27 : i32
    "tpu.region"() ({
      %run_scoped3A = tpu.sem_alloc : memref<!tpu.dma_semaphore, #tpu.memory_space<semaphore_mem>>
      %dma_start3A = arith.constant 0 : i32
      %dma_start3A_70 = tpu.memref_slice %arg5[%dma_start3A] : memref<10000xf32, #tpu.memory_space<vmem>> -> memref<624xf32, #tpu.memory_space<vmem>>
      %dma_start3A_71 = tpu.memref_slice %arg3[%add3A_67] : memref<20000xf32, #tpu.memory_space<hbm>> -> memref<624xf32, #tpu.memory_space<hbm>>
      %dma_start3A_72 = tpu.memref_slice %arg3[%add3A_67] : memref<20000xf32, #tpu.memory_space<hbm>> -> memref<624xf32, #tpu.memory_space<hbm>>
      %dma_start3A_73 = arith.constant 0 : i32
      %dma_start3A_74 = tpu.memref_slice %arg5[%dma_start3A_73] : memref<10000xf32, #tpu.memory_space<vmem>> -> memref<624xf32, #tpu.memory_space<vmem>>
      tpu.enqueue_dma source(%dma_start3A_74 : memref<624xf32, #tpu.memory_space<vmem>>) target(%dma_start3A_72 : memref<624xf32, #tpu.memory_space<hbm>>) target_semaphore(%run_scoped3A : memref<!tpu.dma_semaphore, #tpu.memory_space<semaphore_mem>>)
      %dma_wait3A = arith.constant 0 : i32
      %dma_wait3A_75 = tpu.memref_slice %arg5[%dma_wait3A] : memref<10000xf32, #tpu.memory_space<vmem>> -> memref<624xf32, #tpu.memory_space<vmem>>
      %dma_wait3A_76 = tpu.memref_slice %arg3[%add3A_67] : memref<20000xf32, #tpu.memory_space<hbm>> -> memref<624xf32, #tpu.memory_space<hbm>>
      %dma_wait3A_77 = tpu.memref_slice %arg3[%add3A_67] : memref<20000xf32, #tpu.memory_space<hbm>> -> memref<624xf32, #tpu.memory_space<hbm>>
      %dma_wait3A_78 = arith.constant 0 : i32
      %dma_wait3A_79 = tpu.memref_slice %arg5[%dma_wait3A_78] : memref<10000xf32, #tpu.memory_space<vmem>> -> memref<624xf32, #tpu.memory_space<vmem>>
      tpu.wait_dma2 semaphore(%run_scoped3A : memref<!tpu.dma_semaphore, #tpu.memory_space<semaphore_mem>>) src(%dma_wait3A_79 : memref<624xf32, #tpu.memory_space<vmem>>) dst(%dma_wait3A_77 : memref<624xf32, #tpu.memory_space<hbm>>)
      tpu.yield
    }) : () -> ()
    %eq3A = arith.constant 15 : i32
    %eq3A_68 = arith.cmpi eq, %arg1, %eq3A : i32
    %convert_element_type3A = arith.extui %eq3A_68 : i1 to i32
    %cond3A = arith.constant 0 : i32
    %cond3A_69 = arith.cmpi ne, %convert_element_type3A, %cond3A : i32
    scf.if %cond3A_69 {
      %mul3A_70 = arith.constant 10000 : i32
      %mul3A_71 = arith.muli %arg0, %mul3A_70 : i32
      %add3A_72 = arith.addi %mul3A_71, %mul3A_27 : i32
      %add3A_73 = arith.constant 624 : i32
      %add3A_74 = arith.addi %add3A_72, %add3A_73 : i32
      "tpu.region"() ({
        %run_scoped3A = tpu.sem_alloc : memref<!tpu.dma_semaphore, #tpu.memory_space<semaphore_mem>>
        %dma_start3A = arith.constant 624 : i32
        %dma_start3A_75 = tpu.memref_slice %arg5[%dma_start3A] : memref<10000xf32, #tpu.memory_space<vmem>> -> memref<16xf32, #tpu.memory_space<vmem>>
        %dma_start3A_76 = tpu.memref_slice %arg3[%add3A_74] : memref<20000xf32, #tpu.memory_space<hbm>> -> memref<16xf32, #tpu.memory_space<hbm>>
        %dma_start3A_77 = tpu.memref_slice %arg3[%add3A_74] : memref<20000xf32, #tpu.memory_space<hbm>> -> memref<16xf32, #tpu.memory_space<hbm>>
        %dma_start3A_78 = arith.constant 624 : i32
        %dma_start3A_79 = tpu.memref_slice %arg5[%dma_start3A_78] : memref<10000xf32, #tpu.memory_space<vmem>> -> memref<16xf32, #tpu.memory_space<vmem>>
        tpu.enqueue_dma source(%dma_start3A_79 : memref<16xf32, #tpu.memory_space<vmem>>) target(%dma_start3A_77 : memref<16xf32, #tpu.memory_space<hbm>>) target_semaphore(%run_scoped3A : memref<!tpu.dma_semaphore, #tpu.memory_space<semaphore_mem>>)
        %dma_wait3A = arith.constant 624 : i32
        %dma_wait3A_80 = tpu.memref_slice %arg5[%dma_wait3A] : memref<10000xf32, #tpu.memory_space<vmem>> -> memref<16xf32, #tpu.memory_space<vmem>>
        %dma_wait3A_81 = tpu.memref_slice %arg3[%add3A_74] : memref<20000xf32, #tpu.memory_space<hbm>> -> memref<16xf32, #tpu.memory_space<hbm>>
        %dma_wait3A_82 = tpu.memref_slice %arg3[%add3A_74] : memref<20000xf32, #tpu.memory_space<hbm>> -> memref<16xf32, #tpu.memory_space<hbm>>
        %dma_wait3A_83 = arith.constant 624 : i32
        %dma_wait3A_84 = tpu.memref_slice %arg5[%dma_wait3A_83] : memref<10000xf32, #tpu.memory_space<vmem>> -> memref<16xf32, #tpu.memory_space<vmem>>
        tpu.wait_dma2 semaphore(%run_scoped3A : memref<!tpu.dma_semaphore, #tpu.memory_space<semaphore_mem>>) src(%dma_wait3A_84 : memref<16xf32, #tpu.memory_space<vmem>>) dst(%dma_wait3A_82 : memref<16xf32, #tpu.memory_space<hbm>>)
        tpu.yield
      }) : () -> ()
    } else {
    }
    return
  }
}

#map = affine_map<(d0, d1) -> (0)>
#map1 = affine_map<(d0, d1) -> (0, 0)>
#map2 = affine_map<(d0, d1) -> (0, 0, 0)>
module attributes {stable_mosaic.version = 14 : i64} {
  func.func @_edge_kernel(%arg0: i32, %arg1: i32, %arg2: memref<320000xi32, #tpu.memory_space<hbm>>, %arg3: memref<320000xi32, #tpu.memory_space<hbm>>, %arg4: memref<10000x128xf32, #tpu.memory_space<hbm>>, %arg5: memref<2x10000x128xf32, #tpu.memory_space<hbm>>, %arg6: memref<10000x128xf32, #tpu.memory_space<vmem_shared>>, %arg7: memref<80xi32, #tpu.memory_space<vmem>>, %arg8: memref<80xi32, #tpu.memory_space<vmem>>, %arg9: memref<80xi32, #tpu.memory_space<vmem>>, %arg10: memref<80xi32, #tpu.memory_space<vmem>>, %arg11: memref<80xi32, #tpu.memory_space<vmem>>, %arg12: memref<80xi32, #tpu.memory_space<vmem>>, %arg13: memref<80x128xf32, #tpu.memory_space<vmem>>, %arg14: memref<80x128xf32, #tpu.memory_space<vmem>>, %arg15: memref<80x128xf32, #tpu.memory_space<vmem>>, %arg16: memref<!tpu.dma_semaphore, #tpu.memory_space<semaphore_mem>>, %arg17: memref<!tpu.dma_semaphore, #tpu.memory_space<semaphore_mem>>, %arg18: memref<!tpu.dma_semaphore, #tpu.memory_space<semaphore_mem>>) attributes {dimension_semantics = [#tpu.dimension_semantics<core_parallel>, #tpu.dimension_semantics<subcore_parallel>], iteration_bounds = array<i64: 2, 16>, scalar_prefetch = 0 : i64, scratch_operands = 13 : i64, tpu.core_type = #tpu.core_type<sc_vector_subcore>, window_params = [{transform_indices = #map}, {transform_indices = #map}, {transform_indices = #map1}, {transform_indices = #map2}]} {
    %mul3A = arith.constant 624 : i32
    %mul3A_0 = arith.muli %arg1, %mul3A : i32
    %scan3A = arith.constant 0 : i32
    %scan3A_1 = arith.constant 80 : i32
    %scan3A_2 = arith.addi %scan3A, %scan3A_1 : i32
    %scan3A_3 = arith.constant 4 : i32
    scf.for %scan3A_53 = %scan3A to %scan3A_2 step %scan3A_3  : i32 {
      %mul3A_54 = arith.constant 1 : i32
      %mul3A_55 = arith.muli %scan3A_53, %mul3A_54 : i32
      %add3A_56 = arith.constant 0 : i32
      %add3A_57 = arith.addi %add3A_56, %mul3A_55 : i32
      %broadcast_in_dim3A = arith.constant 0.000000e+00 : f32
      %broadcast_in_dim3A_58 = vector.broadcast %broadcast_in_dim3A : f32 to vector<16xf32>
      %swap3A = arith.index_cast %add3A_57 : i32 to index
      %swap3A_59 = arith.constant 0 : index
      %swap3A_60 = tpu.vector_load %arg13[%swap3A, %swap3A_59] {strides = array<i32>} : memref<80x128xf32, #tpu.memory_space<vmem>>, vector<1x16xf32>,
      %swap3A_61 = vector.shape_cast %swap3A_60 : vector<1x16xf32> to vector<16xf32>
      %swap3A_62 = vector.shape_cast %broadcast_in_dim3A_58 : vector<16xf32> to vector<1x16xf32>
      tpu.vector_store %arg13[%swap3A, %swap3A_59], %swap3A_62 {strides = array<i32>} : memref<80x128xf32, #tpu.memory_space<vmem>>, vector<1x16xf32>,
      %broadcast_in_dim3A_63 = arith.constant 0.000000e+00 : f32
      %broadcast_in_dim3A_64 = vector.broadcast %broadcast_in_dim3A_63 : f32 to vector<16xf32>
      %swap3A_65 = arith.index_cast %add3A_57 : i32 to index
      %swap3A_66 = arith.constant 16 : index
      %swap3A_67 = tpu.vector_load %arg13[%swap3A_65, %swap3A_66] {strides = array<i32>} : memref<80x128xf32, #tpu.memory_space<vmem>>, vector<1x16xf32>,
      %swap3A_68 = vector.shape_cast %swap3A_67 : vector<1x16xf32> to vector<16xf32>
      %swap3A_69 = vector.shape_cast %broadcast_in_dim3A_64 : vector<16xf32> to vector<1x16xf32>
      tpu.vector_store %arg13[%swap3A_65, %swap3A_66], %swap3A_69 {strides = array<i32>} : memref<80x128xf32, #tpu.memory_space<vmem>>, vector<1x16xf32>,
      %broadcast_in_dim3A_70 = arith.constant 0.000000e+00 : f32
      %broadcast_in_dim3A_71 = vector.broadcast %broadcast_in_dim3A_70 : f32 to vector<16xf32>
      %swap3A_72 = arith.index_cast %add3A_57 : i32 to index
      %swap3A_73 = arith.constant 32 : index
      %swap3A_74 = tpu.vector_load %arg13[%swap3A_72, %swap3A_73] {strides = array<i32>} : memref<80x128xf32, #tpu.memory_space<vmem>>, vector<1x16xf32>,
      %swap3A_75 = vector.shape_cast %swap3A_74 : vector<1x16xf32> to vector<16xf32>
      %swap3A_76 = vector.shape_cast %broadcast_in_dim3A_71 : vector<16xf32> to vector<1x16xf32>
      tpu.vector_store %arg13[%swap3A_72, %swap3A_73], %swap3A_76 {strides = array<i32>} : memref<80x128xf32, #tpu.memory_space<vmem>>, vector<1x16xf32>,
      %broadcast_in_dim3A_77 = arith.constant 0.000000e+00 : f32
      %broadcast_in_dim3A_78 = vector.broadcast %broadcast_in_dim3A_77 : f32 to vector<16xf32>
      %swap3A_79 = arith.index_cast %add3A_57 : i32 to index
      %swap3A_80 = arith.constant 48 : index
      %swap3A_81 = tpu.vector_load %arg13[%swap3A_79, %swap3A_80] {strides = array<i32>} : memref<80x128xf32, #tpu.memory_space<vmem>>, vector<1x16xf32>,
      %swap3A_82 = vector.shape_cast %swap3A_81 : vector<1x16xf32> to vector<16xf32>
      %swap3A_83 = vector.shape_cast %broadcast_in_dim3A_78 : vector<16xf32> to vector<1x16xf32>
      tpu.vector_store %arg13[%swap3A_79, %swap3A_80], %swap3A_83 {strides = array<i32>} : memref<80x128xf32, #tpu.memory_space<vmem>>, vector<1x16xf32>,
      %broadcast_in_dim3A_84 = arith.constant 0.000000e+00 : f32
      %broadcast_in_dim3A_85 = vector.broadcast %broadcast_in_dim3A_84 : f32 to vector<16xf32>
      %swap3A_86 = arith.index_cast %add3A_57 : i32 to index
      %swap3A_87 = arith.constant 64 : index
      %swap3A_88 = tpu.vector_load %arg13[%swap3A_86, %swap3A_87] {strides = array<i32>} : memref<80x128xf32, #tpu.memory_space<vmem>>, vector<1x16xf32>,
      %swap3A_89 = vector.shape_cast %swap3A_88 : vector<1x16xf32> to vector<16xf32>
      %swap3A_90 = vector.shape_cast %broadcast_in_dim3A_85 : vector<16xf32> to vector<1x16xf32>
      tpu.vector_store %arg13[%swap3A_86, %swap3A_87], %swap3A_90 {strides = array<i32>} : memref<80x128xf32, #tpu.memory_space<vmem>>, vector<1x16xf32>,
      %broadcast_in_dim3A_91 = arith.constant 0.000000e+00 : f32
      %broadcast_in_dim3A_92 = vector.broadcast %broadcast_in_dim3A_91 : f32 to vector<16xf32>
      %swap3A_93 = arith.index_cast %add3A_57 : i32 to index
      %swap3A_94 = arith.constant 80 : index
      %swap3A_95 = tpu.vector_load %arg13[%swap3A_93, %swap3A_94] {strides = array<i32>} : memref<80x128xf32, #tpu.memory_space<vmem>>, vector<1x16xf32>,
      %swap3A_96 = vector.shape_cast %swap3A_95 : vector<1x16xf32> to vector<16xf32>
      %swap3A_97 = vector.shape_cast %broadcast_in_dim3A_92 : vector<16xf32> to vector<1x16xf32>
      tpu.vector_store %arg13[%swap3A_93, %swap3A_94], %swap3A_97 {strides = array<i32>} : memref<80x128xf32, #tpu.memory_space<vmem>>, vector<1x16xf32>,
      %broadcast_in_dim3A_98 = arith.constant 0.000000e+00 : f32
      %broadcast_in_dim3A_99 = vector.broadcast %broadcast_in_dim3A_98 : f32 to vector<16xf32>
      %swap3A_100 = arith.index_cast %add3A_57 : i32 to index
      %swap3A_101 = arith.constant 96 : index
      %swap3A_102 = tpu.vector_load %arg13[%swap3A_100, %swap3A_101] {strides = array<i32>} : memref<80x128xf32, #tpu.memory_space<vmem>>, vector<1x16xf32>,
      %swap3A_103 = vector.shape_cast %swap3A_102 : vector<1x16xf32> to vector<16xf32>
      %swap3A_104 = vector.shape_cast %broadcast_in_dim3A_99 : vector<16xf32> to vector<1x16xf32>
      tpu.vector_store %arg13[%swap3A_100, %swap3A_101], %swap3A_104 {strides = array<i32>} : memref<80x128xf32, #tpu.memory_space<vmem>>, vector<1x16xf32>,
      %broadcast_in_dim3A_105 = arith.constant 0.000000e+00 : f32
      %broadcast_in_dim3A_106 = vector.broadcast %broadcast_in_dim3A_105 : f32 to vector<16xf32>
      %swap3A_107 = arith.index_cast %add3A_57 : i32 to index
      %swap3A_108 = arith.constant 112 : index
      %swap3A_109 = tpu.vector_load %arg13[%swap3A_107, %swap3A_108] {strides = array<i32>} : memref<80x128xf32, #tpu.memory_space<vmem>>, vector<1x16xf32>,
      %swap3A_110 = vector.shape_cast %swap3A_109 : vector<1x16xf32> to vector<16xf32>
      %swap3A_111 = vector.shape_cast %broadcast_in_dim3A_106 : vector<16xf32> to vector<1x16xf32>
      tpu.vector_store %arg13[%swap3A_107, %swap3A_108], %swap3A_111 {strides = array<i32>} : memref<80x128xf32, #tpu.memory_space<vmem>>, vector<1x16xf32>,
      %scan3A_112 = arith.constant 1 : i32
      %scan3A_113 = arith.addi %scan3A_53, %scan3A_112 : i32
      %mul3A_114 = arith.constant 1 : i32
      %mul3A_115 = arith.muli %scan3A_113, %mul3A_114 : i32
      %add3A_116 = arith.constant 0 : i32
      %add3A_117 = arith.addi %add3A_116, %mul3A_115 : i32
      %broadcast_in_dim3A_118 = arith.constant 0.000000e+00 : f32
      %broadcast_in_dim3A_119 = vector.broadcast %broadcast_in_dim3A_118 : f32 to vector<16xf32>
      %swap3A_120 = arith.index_cast %add3A_117 : i32 to index
      %swap3A_121 = arith.constant 0 : index
      %swap3A_122 = tpu.vector_load %arg13[%swap3A_120, %swap3A_121] {strides = array<i32>} : memref<80x128xf32, #tpu.memory_space<vmem>>, vector<1x16xf32>,
      %swap3A_123 = vector.shape_cast %swap3A_122 : vector<1x16xf32> to vector<16xf32>
      %swap3A_124 = vector.shape_cast %broadcast_in_dim3A_119 : vector<16xf32> to vector<1x16xf32>
      tpu.vector_store %arg13[%swap3A_120, %swap3A_121], %swap3A_124 {strides = array<i32>} : memref<80x128xf32, #tpu.memory_space<vmem>>, vector<1x16xf32>,
      %broadcast_in_dim3A_125 = arith.constant 0.000000e+00 : f32
      %broadcast_in_dim3A_126 = vector.broadcast %broadcast_in_dim3A_125 : f32 to vector<16xf32>
      %swap3A_127 = arith.index_cast %add3A_117 : i32 to index
      %swap3A_128 = arith.constant 16 : index
      %swap3A_129 = tpu.vector_load %arg13[%swap3A_127, %swap3A_128] {strides = array<i32>} : memref<80x128xf32, #tpu.memory_space<vmem>>, vector<1x16xf32>,
      %swap3A_130 = vector.shape_cast %swap3A_129 : vector<1x16xf32> to vector<16xf32>
      %swap3A_131 = vector.shape_cast %broadcast_in_dim3A_126 : vector<16xf32> to vector<1x16xf32>
      tpu.vector_store %arg13[%swap3A_127, %swap3A_128], %swap3A_131 {strides = array<i32>} : memref<80x128xf32, #tpu.memory_space<vmem>>, vector<1x16xf32>,
      %broadcast_in_dim3A_132 = arith.constant 0.000000e+00 : f32
      %broadcast_in_dim3A_133 = vector.broadcast %broadcast_in_dim3A_132 : f32 to vector<16xf32>
      %swap3A_134 = arith.index_cast %add3A_117 : i32 to index
      %swap3A_135 = arith.constant 32 : index
      %swap3A_136 = tpu.vector_load %arg13[%swap3A_134, %swap3A_135] {strides = array<i32>} : memref<80x128xf32, #tpu.memory_space<vmem>>, vector<1x16xf32>,
      %swap3A_137 = vector.shape_cast %swap3A_136 : vector<1x16xf32> to vector<16xf32>
      %swap3A_138 = vector.shape_cast %broadcast_in_dim3A_133 : vector<16xf32> to vector<1x16xf32>
      tpu.vector_store %arg13[%swap3A_134, %swap3A_135], %swap3A_138 {strides = array<i32>} : memref<80x128xf32, #tpu.memory_space<vmem>>, vector<1x16xf32>,
      %broadcast_in_dim3A_139 = arith.constant 0.000000e+00 : f32
      %broadcast_in_dim3A_140 = vector.broadcast %broadcast_in_dim3A_139 : f32 to vector<16xf32>
      %swap3A_141 = arith.index_cast %add3A_117 : i32 to index
      %swap3A_142 = arith.constant 48 : index
      %swap3A_143 = tpu.vector_load %arg13[%swap3A_141, %swap3A_142] {strides = array<i32>} : memref<80x128xf32, #tpu.memory_space<vmem>>, vector<1x16xf32>,
      %swap3A_144 = vector.shape_cast %swap3A_143 : vector<1x16xf32> to vector<16xf32>
      %swap3A_145 = vector.shape_cast %broadcast_in_dim3A_140 : vector<16xf32> to vector<1x16xf32>
      tpu.vector_store %arg13[%swap3A_141, %swap3A_142], %swap3A_145 {strides = array<i32>} : memref<80x128xf32, #tpu.memory_space<vmem>>, vector<1x16xf32>,
      %broadcast_in_dim3A_146 = arith.constant 0.000000e+00 : f32
      %broadcast_in_dim3A_147 = vector.broadcast %broadcast_in_dim3A_146 : f32 to vector<16xf32>
      %swap3A_148 = arith.index_cast %add3A_117 : i32 to index
      %swap3A_149 = arith.constant 64 : index
      %swap3A_150 = tpu.vector_load %arg13[%swap3A_148, %swap3A_149] {strides = array<i32>} : memref<80x128xf32, #tpu.memory_space<vmem>>, vector<1x16xf32>,
      %swap3A_151 = vector.shape_cast %swap3A_150 : vector<1x16xf32> to vector<16xf32>
      %swap3A_152 = vector.shape_cast %broadcast_in_dim3A_147 : vector<16xf32> to vector<1x16xf32>
      tpu.vector_store %arg13[%swap3A_148, %swap3A_149], %swap3A_152 {strides = array<i32>} : memref<80x128xf32, #tpu.memory_space<vmem>>, vector<1x16xf32>,
      %broadcast_in_dim3A_153 = arith.constant 0.000000e+00 : f32
      %broadcast_in_dim3A_154 = vector.broadcast %broadcast_in_dim3A_153 : f32 to vector<16xf32>
      %swap3A_155 = arith.index_cast %add3A_117 : i32 to index
      %swap3A_156 = arith.constant 80 : index
      %swap3A_157 = tpu.vector_load %arg13[%swap3A_155, %swap3A_156] {strides = array<i32>} : memref<80x128xf32, #tpu.memory_space<vmem>>, vector<1x16xf32>,
      %swap3A_158 = vector.shape_cast %swap3A_157 : vector<1x16xf32> to vector<16xf32>
      %swap3A_159 = vector.shape_cast %broadcast_in_dim3A_154 : vector<16xf32> to vector<1x16xf32>
      tpu.vector_store %arg13[%swap3A_155, %swap3A_156], %swap3A_159 {strides = array<i32>} : memref<80x128xf32, #tpu.memory_space<vmem>>, vector<1x16xf32>,
      %broadcast_in_dim3A_160 = arith.constant 0.000000e+00 : f32
      %broadcast_in_dim3A_161 = vector.broadcast %broadcast_in_dim3A_160 : f32 to vector<16xf32>
      %swap3A_162 = arith.index_cast %add3A_117 : i32 to index
      %swap3A_163 = arith.constant 96 : index
      %swap3A_164 = tpu.vector_load %arg13[%swap3A_162, %swap3A_163] {strides = array<i32>} : memref<80x128xf32, #tpu.memory_space<vmem>>, vector<1x16xf32>,
      %swap3A_165 = vector.shape_cast %swap3A_164 : vector<1x16xf32> to vector<16xf32>
      %swap3A_166 = vector.shape_cast %broadcast_in_dim3A_161 : vector<16xf32> to vector<1x16xf32>
      tpu.vector_store %arg13[%swap3A_162, %swap3A_163], %swap3A_166 {strides = array<i32>} : memref<80x128xf32, #tpu.memory_space<vmem>>, vector<1x16xf32>,
      %broadcast_in_dim3A_167 = arith.constant 0.000000e+00 : f32
      %broadcast_in_dim3A_168 = vector.broadcast %broadcast_in_dim3A_167 : f32 to vector<16xf32>
      %swap3A_169 = arith.index_cast %add3A_117 : i32 to index
      %swap3A_170 = arith.constant 112 : index
      %swap3A_171 = tpu.vector_load %arg13[%swap3A_169, %swap3A_170] {strides = array<i32>} : memref<80x128xf32, #tpu.memory_space<vmem>>, vector<1x16xf32>,
      %swap3A_172 = vector.shape_cast %swap3A_171 : vector<1x16xf32> to vector<16xf32>
      %swap3A_173 = vector.shape_cast %broadcast_in_dim3A_168 : vector<16xf32> to vector<1x16xf32>
      tpu.vector_store %arg13[%swap3A_169, %swap3A_170], %swap3A_173 {strides = array<i32>} : memref<80x128xf32, #tpu.memory_space<vmem>>, vector<1x16xf32>,
      %scan3A_174 = arith.constant 2 : i32
      %scan3A_175 = arith.addi %scan3A_53, %scan3A_174 : i32
      %mul3A_176 = arith.constant 1 : i32
      %mul3A_177 = arith.muli %scan3A_175, %mul3A_176 : i32
      %add3A_178 = arith.constant 0 : i32
      %add3A_179 = arith.addi %add3A_178, %mul3A_177 : i32
      %broadcast_in_dim3A_180 = arith.constant 0.000000e+00 : f32
      %broadcast_in_dim3A_181 = vector.broadcast %broadcast_in_dim3A_180 : f32 to vector<16xf32>
      %swap3A_182 = arith.index_cast %add3A_179 : i32 to index
      %swap3A_183 = arith.constant 0 : index
      %swap3A_184 = tpu.vector_load %arg13[%swap3A_182, %swap3A_183] {strides = array<i32>} : memref<80x128xf32, #tpu.memory_space<vmem>>, vector<1x16xf32>,
      %swap3A_185 = vector.shape_cast %swap3A_184 : vector<1x16xf32> to vector<16xf32>
      %swap3A_186 = vector.shape_cast %broadcast_in_dim3A_181 : vector<16xf32> to vector<1x16xf32>
      tpu.vector_store %arg13[%swap3A_182, %swap3A_183], %swap3A_186 {strides = array<i32>} : memref<80x128xf32, #tpu.memory_space<vmem>>, vector<1x16xf32>,
      %broadcast_in_dim3A_187 = arith.constant 0.000000e+00 : f32
      %broadcast_in_dim3A_188 = vector.broadcast %broadcast_in_dim3A_187 : f32 to vector<16xf32>
      %swap3A_189 = arith.index_cast %add3A_179 : i32 to index
      %swap3A_190 = arith.constant 16 : index
      %swap3A_191 = tpu.vector_load %arg13[%swap3A_189, %swap3A_190] {strides = array<i32>} : memref<80x128xf32, #tpu.memory_space<vmem>>, vector<1x16xf32>,
      %swap3A_192 = vector.shape_cast %swap3A_191 : vector<1x16xf32> to vector<16xf32>
      %swap3A_193 = vector.shape_cast %broadcast_in_dim3A_188 : vector<16xf32> to vector<1x16xf32>
      tpu.vector_store %arg13[%swap3A_189, %swap3A_190], %swap3A_193 {strides = array<i32>} : memref<80x128xf32, #tpu.memory_space<vmem>>, vector<1x16xf32>,
      %broadcast_in_dim3A_194 = arith.constant 0.000000e+00 : f32
      %broadcast_in_dim3A_195 = vector.broadcast %broadcast_in_dim3A_194 : f32 to vector<16xf32>
      %swap3A_196 = arith.index_cast %add3A_179 : i32 to index
      %swap3A_197 = arith.constant 32 : index
      %swap3A_198 = tpu.vector_load %arg13[%swap3A_196, %swap3A_197] {strides = array<i32>} : memref<80x128xf32, #tpu.memory_space<vmem>>, vector<1x16xf32>,
      %swap3A_199 = vector.shape_cast %swap3A_198 : vector<1x16xf32> to vector<16xf32>
      %swap3A_200 = vector.shape_cast %broadcast_in_dim3A_195 : vector<16xf32> to vector<1x16xf32>
      tpu.vector_store %arg13[%swap3A_196, %swap3A_197], %swap3A_200 {strides = array<i32>} : memref<80x128xf32, #tpu.memory_space<vmem>>, vector<1x16xf32>,
      %broadcast_in_dim3A_201 = arith.constant 0.000000e+00 : f32
      %broadcast_in_dim3A_202 = vector.broadcast %broadcast_in_dim3A_201 : f32 to vector<16xf32>
      %swap3A_203 = arith.index_cast %add3A_179 : i32 to index
      %swap3A_204 = arith.constant 48 : index
      %swap3A_205 = tpu.vector_load %arg13[%swap3A_203, %swap3A_204] {strides = array<i32>} : memref<80x128xf32, #tpu.memory_space<vmem>>, vector<1x16xf32>,
      %swap3A_206 = vector.shape_cast %swap3A_205 : vector<1x16xf32> to vector<16xf32>
      %swap3A_207 = vector.shape_cast %broadcast_in_dim3A_202 : vector<16xf32> to vector<1x16xf32>
      tpu.vector_store %arg13[%swap3A_203, %swap3A_204], %swap3A_207 {strides = array<i32>} : memref<80x128xf32, #tpu.memory_space<vmem>>, vector<1x16xf32>,
      %broadcast_in_dim3A_208 = arith.constant 0.000000e+00 : f32
      %broadcast_in_dim3A_209 = vector.broadcast %broadcast_in_dim3A_208 : f32 to vector<16xf32>
      %swap3A_210 = arith.index_cast %add3A_179 : i32 to index
      %swap3A_211 = arith.constant 64 : index
      %swap3A_212 = tpu.vector_load %arg13[%swap3A_210, %swap3A_211] {strides = array<i32>} : memref<80x128xf32, #tpu.memory_space<vmem>>, vector<1x16xf32>,
      %swap3A_213 = vector.shape_cast %swap3A_212 : vector<1x16xf32> to vector<16xf32>
      %swap3A_214 = vector.shape_cast %broadcast_in_dim3A_209 : vector<16xf32> to vector<1x16xf32>
      tpu.vector_store %arg13[%swap3A_210, %swap3A_211], %swap3A_214 {strides = array<i32>} : memref<80x128xf32, #tpu.memory_space<vmem>>, vector<1x16xf32>,
      %broadcast_in_dim3A_215 = arith.constant 0.000000e+00 : f32
      %broadcast_in_dim3A_216 = vector.broadcast %broadcast_in_dim3A_215 : f32 to vector<16xf32>
      %swap3A_217 = arith.index_cast %add3A_179 : i32 to index
      %swap3A_218 = arith.constant 80 : index
      %swap3A_219 = tpu.vector_load %arg13[%swap3A_217, %swap3A_218] {strides = array<i32>} : memref<80x128xf32, #tpu.memory_space<vmem>>, vector<1x16xf32>,
      %swap3A_220 = vector.shape_cast %swap3A_219 : vector<1x16xf32> to vector<16xf32>
      %swap3A_221 = vector.shape_cast %broadcast_in_dim3A_216 : vector<16xf32> to vector<1x16xf32>
      tpu.vector_store %arg13[%swap3A_217, %swap3A_218], %swap3A_221 {strides = array<i32>} : memref<80x128xf32, #tpu.memory_space<vmem>>, vector<1x16xf32>,
      %broadcast_in_dim3A_222 = arith.constant 0.000000e+00 : f32
      %broadcast_in_dim3A_223 = vector.broadcast %broadcast_in_dim3A_222 : f32 to vector<16xf32>
      %swap3A_224 = arith.index_cast %add3A_179 : i32 to index
      %swap3A_225 = arith.constant 96 : index
      %swap3A_226 = tpu.vector_load %arg13[%swap3A_224, %swap3A_225] {strides = array<i32>} : memref<80x128xf32, #tpu.memory_space<vmem>>, vector<1x16xf32>,
      %swap3A_227 = vector.shape_cast %swap3A_226 : vector<1x16xf32> to vector<16xf32>
      %swap3A_228 = vector.shape_cast %broadcast_in_dim3A_223 : vector<16xf32> to vector<1x16xf32>
      tpu.vector_store %arg13[%swap3A_224, %swap3A_225], %swap3A_228 {strides = array<i32>} : memref<80x128xf32, #tpu.memory_space<vmem>>, vector<1x16xf32>,
      %broadcast_in_dim3A_229 = arith.constant 0.000000e+00 : f32
      %broadcast_in_dim3A_230 = vector.broadcast %broadcast_in_dim3A_229 : f32 to vector<16xf32>
      %swap3A_231 = arith.index_cast %add3A_179 : i32 to index
      %swap3A_232 = arith.constant 112 : index
      %swap3A_233 = tpu.vector_load %arg13[%swap3A_231, %swap3A_232] {strides = array<i32>} : memref<80x128xf32, #tpu.memory_space<vmem>>, vector<1x16xf32>,
      %swap3A_234 = vector.shape_cast %swap3A_233 : vector<1x16xf32> to vector<16xf32>
      %swap3A_235 = vector.shape_cast %broadcast_in_dim3A_230 : vector<16xf32> to vector<1x16xf32>
      tpu.vector_store %arg13[%swap3A_231, %swap3A_232], %swap3A_235 {strides = array<i32>} : memref<80x128xf32, #tpu.memory_space<vmem>>, vector<1x16xf32>,
      %scan3A_236 = arith.constant 3 : i32
      %scan3A_237 = arith.addi %scan3A_53, %scan3A_236 : i32
      %mul3A_238 = arith.constant 1 : i32
      %mul3A_239 = arith.muli %scan3A_237, %mul3A_238 : i32
      %add3A_240 = arith.constant 0 : i32
      %add3A_241 = arith.addi %add3A_240, %mul3A_239 : i32
      %broadcast_in_dim3A_242 = arith.constant 0.000000e+00 : f32
      %broadcast_in_dim3A_243 = vector.broadcast %broadcast_in_dim3A_242 : f32 to vector<16xf32>
      %swap3A_244 = arith.index_cast %add3A_241 : i32 to index
      %swap3A_245 = arith.constant 0 : index
      %swap3A_246 = tpu.vector_load %arg13[%swap3A_244, %swap3A_245] {strides = array<i32>} : memref<80x128xf32, #tpu.memory_space<vmem>>, vector<1x16xf32>,
      %swap3A_247 = vector.shape_cast %swap3A_246 : vector<1x16xf32> to vector<16xf32>
      %swap3A_248 = vector.shape_cast %broadcast_in_dim3A_243 : vector<16xf32> to vector<1x16xf32>
      tpu.vector_store %arg13[%swap3A_244, %swap3A_245], %swap3A_248 {strides = array<i32>} : memref<80x128xf32, #tpu.memory_space<vmem>>, vector<1x16xf32>,
      %broadcast_in_dim3A_249 = arith.constant 0.000000e+00 : f32
      %broadcast_in_dim3A_250 = vector.broadcast %broadcast_in_dim3A_249 : f32 to vector<16xf32>
      %swap3A_251 = arith.index_cast %add3A_241 : i32 to index
      %swap3A_252 = arith.constant 16 : index
      %swap3A_253 = tpu.vector_load %arg13[%swap3A_251, %swap3A_252] {strides = array<i32>} : memref<80x128xf32, #tpu.memory_space<vmem>>, vector<1x16xf32>,
      %swap3A_254 = vector.shape_cast %swap3A_253 : vector<1x16xf32> to vector<16xf32>
      %swap3A_255 = vector.shape_cast %broadcast_in_dim3A_250 : vector<16xf32> to vector<1x16xf32>
      tpu.vector_store %arg13[%swap3A_251, %swap3A_252], %swap3A_255 {strides = array<i32>} : memref<80x128xf32, #tpu.memory_space<vmem>>, vector<1x16xf32>,
      %broadcast_in_dim3A_256 = arith.constant 0.000000e+00 : f32
      %broadcast_in_dim3A_257 = vector.broadcast %broadcast_in_dim3A_256 : f32 to vector<16xf32>
      %swap3A_258 = arith.index_cast %add3A_241 : i32 to index
      %swap3A_259 = arith.constant 32 : index
      %swap3A_260 = tpu.vector_load %arg13[%swap3A_258, %swap3A_259] {strides = array<i32>} : memref<80x128xf32, #tpu.memory_space<vmem>>, vector<1x16xf32>,
      %swap3A_261 = vector.shape_cast %swap3A_260 : vector<1x16xf32> to vector<16xf32>
      %swap3A_262 = vector.shape_cast %broadcast_in_dim3A_257 : vector<16xf32> to vector<1x16xf32>
      tpu.vector_store %arg13[%swap3A_258, %swap3A_259], %swap3A_262 {strides = array<i32>} : memref<80x128xf32, #tpu.memory_space<vmem>>, vector<1x16xf32>,
      %broadcast_in_dim3A_263 = arith.constant 0.000000e+00 : f32
      %broadcast_in_dim3A_264 = vector.broadcast %broadcast_in_dim3A_263 : f32 to vector<16xf32>
      %swap3A_265 = arith.index_cast %add3A_241 : i32 to index
      %swap3A_266 = arith.constant 48 : index
      %swap3A_267 = tpu.vector_load %arg13[%swap3A_265, %swap3A_266] {strides = array<i32>} : memref<80x128xf32, #tpu.memory_space<vmem>>, vector<1x16xf32>,
      %swap3A_268 = vector.shape_cast %swap3A_267 : vector<1x16xf32> to vector<16xf32>
      %swap3A_269 = vector.shape_cast %broadcast_in_dim3A_264 : vector<16xf32> to vector<1x16xf32>
      tpu.vector_store %arg13[%swap3A_265, %swap3A_266], %swap3A_269 {strides = array<i32>} : memref<80x128xf32, #tpu.memory_space<vmem>>, vector<1x16xf32>,
      %broadcast_in_dim3A_270 = arith.constant 0.000000e+00 : f32
      %broadcast_in_dim3A_271 = vector.broadcast %broadcast_in_dim3A_270 : f32 to vector<16xf32>
      %swap3A_272 = arith.index_cast %add3A_241 : i32 to index
      %swap3A_273 = arith.constant 64 : index
      %swap3A_274 = tpu.vector_load %arg13[%swap3A_272, %swap3A_273] {strides = array<i32>} : memref<80x128xf32, #tpu.memory_space<vmem>>, vector<1x16xf32>,
      %swap3A_275 = vector.shape_cast %swap3A_274 : vector<1x16xf32> to vector<16xf32>
      %swap3A_276 = vector.shape_cast %broadcast_in_dim3A_271 : vector<16xf32> to vector<1x16xf32>
      tpu.vector_store %arg13[%swap3A_272, %swap3A_273], %swap3A_276 {strides = array<i32>} : memref<80x128xf32, #tpu.memory_space<vmem>>, vector<1x16xf32>,
      %broadcast_in_dim3A_277 = arith.constant 0.000000e+00 : f32
      %broadcast_in_dim3A_278 = vector.broadcast %broadcast_in_dim3A_277 : f32 to vector<16xf32>
      %swap3A_279 = arith.index_cast %add3A_241 : i32 to index
      %swap3A_280 = arith.constant 80 : index
      %swap3A_281 = tpu.vector_load %arg13[%swap3A_279, %swap3A_280] {strides = array<i32>} : memref<80x128xf32, #tpu.memory_space<vmem>>, vector<1x16xf32>,
      %swap3A_282 = vector.shape_cast %swap3A_281 : vector<1x16xf32> to vector<16xf32>
      %swap3A_283 = vector.shape_cast %broadcast_in_dim3A_278 : vector<16xf32> to vector<1x16xf32>
      tpu.vector_store %arg13[%swap3A_279, %swap3A_280], %swap3A_283 {strides = array<i32>} : memref<80x128xf32, #tpu.memory_space<vmem>>, vector<1x16xf32>,
      %broadcast_in_dim3A_284 = arith.constant 0.000000e+00 : f32
      %broadcast_in_dim3A_285 = vector.broadcast %broadcast_in_dim3A_284 : f32 to vector<16xf32>
      %swap3A_286 = arith.index_cast %add3A_241 : i32 to index
      %swap3A_287 = arith.constant 96 : index
      %swap3A_288 = tpu.vector_load %arg13[%swap3A_286, %swap3A_287] {strides = array<i32>} : memref<80x128xf32, #tpu.memory_space<vmem>>, vector<1x16xf32>,
      %swap3A_289 = vector.shape_cast %swap3A_288 : vector<1x16xf32> to vector<16xf32>
      %swap3A_290 = vector.shape_cast %broadcast_in_dim3A_285 : vector<16xf32> to vector<1x16xf32>
      tpu.vector_store %arg13[%swap3A_286, %swap3A_287], %swap3A_290 {strides = array<i32>} : memref<80x128xf32, #tpu.memory_space<vmem>>, vector<1x16xf32>,
      %broadcast_in_dim3A_291 = arith.constant 0.000000e+00 : f32
      %broadcast_in_dim3A_292 = vector.broadcast %broadcast_in_dim3A_291 : f32 to vector<16xf32>
      %swap3A_293 = arith.index_cast %add3A_241 : i32 to index
      %swap3A_294 = arith.constant 112 : index
      %swap3A_295 = tpu.vector_load %arg13[%swap3A_293, %swap3A_294] {strides = array<i32>} : memref<80x128xf32, #tpu.memory_space<vmem>>, vector<1x16xf32>,
      %swap3A_296 = vector.shape_cast %swap3A_295 : vector<1x16xf32> to vector<16xf32>
      %swap3A_297 = vector.shape_cast %broadcast_in_dim3A_292 : vector<16xf32> to vector<1x16xf32>
      tpu.vector_store %arg13[%swap3A_293, %swap3A_294], %swap3A_297 {strides = array<i32>} : memref<80x128xf32, #tpu.memory_space<vmem>>, vector<1x16xf32>,
    }
    %scan3A_4 = arith.constant 80 : i32
    %add3A = arith.constant 0 : i32
    %add3A_5 = arith.addi %mul3A_0, %add3A : i32
    "tpu.region"() ({
      %run_scoped3A = tpu.sem_alloc : memref<!tpu.dma_semaphore, #tpu.memory_space<semaphore_mem>>
      %dma_start3A_53 = arith.constant 0 : i32
      %dma_start3A_54 = tpu.memref_slice %arg6[%add3A_5, %dma_start3A_53] : memref<10000x128xf32, #tpu.memory_space<vmem_shared>> -> memref<80x128xf32, #tpu.memory_space<vmem_shared>>
      %dma_start3A_55 = arith.constant 0 : i32
      %dma_start3A_56 = tpu.memref_slice %arg6[%add3A_5, %dma_start3A_55] : memref<10000x128xf32, #tpu.memory_space<vmem_shared>> -> memref<80x128xf32, #tpu.memory_space<vmem_shared>>
      tpu.enqueue_dma source(%arg13 : memref<80x128xf32, #tpu.memory_space<vmem>>) target(%dma_start3A_56 : memref<80x128xf32, #tpu.memory_space<vmem_shared>>) target_semaphore(%run_scoped3A : memref<!tpu.dma_semaphore, #tpu.memory_space<semaphore_mem>>)
      %dma_wait3A_57 = arith.constant 0 : i32
      %dma_wait3A_58 = tpu.memref_slice %arg6[%add3A_5, %dma_wait3A_57] : memref<10000x128xf32, #tpu.memory_space<vmem_shared>> -> memref<80x128xf32, #tpu.memory_space<vmem_shared>>
      %dma_wait3A_59 = arith.constant 0 : i32
      %dma_wait3A_60 = tpu.memref_slice %arg6[%add3A_5, %dma_wait3A_59] : memref<10000x128xf32, #tpu.memory_space<vmem_shared>> -> memref<80x128xf32, #tpu.memory_space<vmem_shared>>
      tpu.wait_dma2 semaphore(%run_scoped3A : memref<!tpu.dma_semaphore, #tpu.memory_space<semaphore_mem>>) src(%arg13 : memref<80x128xf32, #tpu.memory_space<vmem>>) dst(%dma_wait3A_60 : memref<80x128xf32, #tpu.memory_space<vmem_shared>>)
      tpu.yield
    }) : () -> ()
    %add3A_6 = arith.constant 80 : i32
    %add3A_7 = arith.addi %mul3A_0, %add3A_6 : i32
    "tpu.region"() ({
      %run_scoped3A = tpu.sem_alloc : memref<!tpu.dma_semaphore, #tpu.memory_space<semaphore_mem>>
      %dma_start3A_53 = arith.constant 0 : i32
      %dma_start3A_54 = tpu.memref_slice %arg6[%add3A_7, %dma_start3A_53] : memref<10000x128xf32, #tpu.memory_space<vmem_shared>> -> memref<80x128xf32, #tpu.memory_space<vmem_shared>>
      %dma_start3A_55 = arith.constant 0 : i32
      %dma_start3A_56 = tpu.memref_slice %arg6[%add3A_7, %dma_start3A_55] : memref<10000x128xf32, #tpu.memory_space<vmem_shared>> -> memref<80x128xf32, #tpu.memory_space<vmem_shared>>
      tpu.enqueue_dma source(%arg13 : memref<80x128xf32, #tpu.memory_space<vmem>>) target(%dma_start3A_56 : memref<80x128xf32, #tpu.memory_space<vmem_shared>>) target_semaphore(%run_scoped3A : memref<!tpu.dma_semaphore, #tpu.memory_space<semaphore_mem>>)
      %dma_wait3A_57 = arith.constant 0 : i32
      %dma_wait3A_58 = tpu.memref_slice %arg6[%add3A_7, %dma_wait3A_57] : memref<10000x128xf32, #tpu.memory_space<vmem_shared>> -> memref<80x128xf32, #tpu.memory_space<vmem_shared>>
      %dma_wait3A_59 = arith.constant 0 : i32
      %dma_wait3A_60 = tpu.memref_slice %arg6[%add3A_7, %dma_wait3A_59] : memref<10000x128xf32, #tpu.memory_space<vmem_shared>> -> memref<80x128xf32, #tpu.memory_space<vmem_shared>>
      tpu.wait_dma2 semaphore(%run_scoped3A : memref<!tpu.dma_semaphore, #tpu.memory_space<semaphore_mem>>) src(%arg13 : memref<80x128xf32, #tpu.memory_space<vmem>>) dst(%dma_wait3A_60 : memref<80x128xf32, #tpu.memory_space<vmem_shared>>)
      tpu.yield
    }) : () -> ()
    %add3A_8 = arith.constant 160 : i32
    %add3A_9 = arith.addi %mul3A_0, %add3A_8 : i32
    "tpu.region"() ({
      %run_scoped3A = tpu.sem_alloc : memref<!tpu.dma_semaphore, #tpu.memory_space<semaphore_mem>>
      %dma_start3A_53 = arith.constant 0 : i32
      %dma_start3A_54 = tpu.memref_slice %arg6[%add3A_9, %dma_start3A_53] : memref<10000x128xf32, #tpu.memory_space<vmem_shared>> -> memref<80x128xf32, #tpu.memory_space<vmem_shared>>
      %dma_start3A_55 = arith.constant 0 : i32
      %dma_start3A_56 = tpu.memref_slice %arg6[%add3A_9, %dma_start3A_55] : memref<10000x128xf32, #tpu.memory_space<vmem_shared>> -> memref<80x128xf32, #tpu.memory_space<vmem_shared>>
      tpu.enqueue_dma source(%arg13 : memref<80x128xf32, #tpu.memory_space<vmem>>) target(%dma_start3A_56 : memref<80x128xf32, #tpu.memory_space<vmem_shared>>) target_semaphore(%run_scoped3A : memref<!tpu.dma_semaphore, #tpu.memory_space<semaphore_mem>>)
      %dma_wait3A_57 = arith.constant 0 : i32
      %dma_wait3A_58 = tpu.memref_slice %arg6[%add3A_9, %dma_wait3A_57] : memref<10000x128xf32, #tpu.memory_space<vmem_shared>> -> memref<80x128xf32, #tpu.memory_space<vmem_shared>>
      %dma_wait3A_59 = arith.constant 0 : i32
      %dma_wait3A_60 = tpu.memref_slice %arg6[%add3A_9, %dma_wait3A_59] : memref<10000x128xf32, #tpu.memory_space<vmem_shared>> -> memref<80x128xf32, #tpu.memory_space<vmem_shared>>
      tpu.wait_dma2 semaphore(%run_scoped3A : memref<!tpu.dma_semaphore, #tpu.memory_space<semaphore_mem>>) src(%arg13 : memref<80x128xf32, #tpu.memory_space<vmem>>) dst(%dma_wait3A_60 : memref<80x128xf32, #tpu.memory_space<vmem_shared>>)
      tpu.yield
    }) : () -> ()
    %add3A_10 = arith.constant 240 : i32
    %add3A_11 = arith.addi %mul3A_0, %add3A_10 : i32
    "tpu.region"() ({
      %run_scoped3A = tpu.sem_alloc : memref<!tpu.dma_semaphore, #tpu.memory_space<semaphore_mem>>
      %dma_start3A_53 = arith.constant 0 : i32
      %dma_start3A_54 = tpu.memref_slice %arg6[%add3A_11, %dma_start3A_53] : memref<10000x128xf32, #tpu.memory_space<vmem_shared>> -> memref<80x128xf32, #tpu.memory_space<vmem_shared>>
      %dma_start3A_55 = arith.constant 0 : i32
      %dma_start3A_56 = tpu.memref_slice %arg6[%add3A_11, %dma_start3A_55] : memref<10000x128xf32, #tpu.memory_space<vmem_shared>> -> memref<80x128xf32, #tpu.memory_space<vmem_shared>>
      tpu.enqueue_dma source(%arg13 : memref<80x128xf32, #tpu.memory_space<vmem>>) target(%dma_start3A_56 : memref<80x128xf32, #tpu.memory_space<vmem_shared>>) target_semaphore(%run_scoped3A : memref<!tpu.dma_semaphore, #tpu.memory_space<semaphore_mem>>)
      %dma_wait3A_57 = arith.constant 0 : i32
      %dma_wait3A_58 = tpu.memref_slice %arg6[%add3A_11, %dma_wait3A_57] : memref<10000x128xf32, #tpu.memory_space<vmem_shared>> -> memref<80x128xf32, #tpu.memory_space<vmem_shared>>
      %dma_wait3A_59 = arith.constant 0 : i32
      %dma_wait3A_60 = tpu.memref_slice %arg6[%add3A_11, %dma_wait3A_59] : memref<10000x128xf32, #tpu.memory_space<vmem_shared>> -> memref<80x128xf32, #tpu.memory_space<vmem_shared>>
      tpu.wait_dma2 semaphore(%run_scoped3A : memref<!tpu.dma_semaphore, #tpu.memory_space<semaphore_mem>>) src(%arg13 : memref<80x128xf32, #tpu.memory_space<vmem>>) dst(%dma_wait3A_60 : memref<80x128xf32, #tpu.memory_space<vmem_shared>>)
      tpu.yield
    }) : () -> ()
    %add3A_12 = arith.constant 320 : i32
    %add3A_13 = arith.addi %mul3A_0, %add3A_12 : i32
    "tpu.region"() ({
      %run_scoped3A = tpu.sem_alloc : memref<!tpu.dma_semaphore, #tpu.memory_space<semaphore_mem>>
      %dma_start3A_53 = arith.constant 0 : i32
      %dma_start3A_54 = tpu.memref_slice %arg6[%add3A_13, %dma_start3A_53] : memref<10000x128xf32, #tpu.memory_space<vmem_shared>> -> memref<80x128xf32, #tpu.memory_space<vmem_shared>>
      %dma_start3A_55 = arith.constant 0 : i32
      %dma_start3A_56 = tpu.memref_slice %arg6[%add3A_13, %dma_start3A_55] : memref<10000x128xf32, #tpu.memory_space<vmem_shared>> -> memref<80x128xf32, #tpu.memory_space<vmem_shared>>
      tpu.enqueue_dma source(%arg13 : memref<80x128xf32, #tpu.memory_space<vmem>>) target(%dma_start3A_56 : memref<80x128xf32, #tpu.memory_space<vmem_shared>>) target_semaphore(%run_scoped3A : memref<!tpu.dma_semaphore, #tpu.memory_space<semaphore_mem>>)
      %dma_wait3A_57 = arith.constant 0 : i32
      %dma_wait3A_58 = tpu.memref_slice %arg6[%add3A_13, %dma_wait3A_57] : memref<10000x128xf32, #tpu.memory_space<vmem_shared>> -> memref<80x128xf32, #tpu.memory_space<vmem_shared>>
      %dma_wait3A_59 = arith.constant 0 : i32
      %dma_wait3A_60 = tpu.memref_slice %arg6[%add3A_13, %dma_wait3A_59] : memref<10000x128xf32, #tpu.memory_space<vmem_shared>> -> memref<80x128xf32, #tpu.memory_space<vmem_shared>>
      tpu.wait_dma2 semaphore(%run_scoped3A : memref<!tpu.dma_semaphore, #tpu.memory_space<semaphore_mem>>) src(%arg13 : memref<80x128xf32, #tpu.memory_space<vmem>>) dst(%dma_wait3A_60 : memref<80x128xf32, #tpu.memory_space<vmem_shared>>)
      tpu.yield
    }) : () -> ()
    %add3A_14 = arith.constant 400 : i32
    %add3A_15 = arith.addi %mul3A_0, %add3A_14 : i32
    "tpu.region"() ({
      %run_scoped3A = tpu.sem_alloc : memref<!tpu.dma_semaphore, #tpu.memory_space<semaphore_mem>>
      %dma_start3A_53 = arith.constant 0 : i32
      %dma_start3A_54 = tpu.memref_slice %arg6[%add3A_15, %dma_start3A_53] : memref<10000x128xf32, #tpu.memory_space<vmem_shared>> -> memref<80x128xf32, #tpu.memory_space<vmem_shared>>
      %dma_start3A_55 = arith.constant 0 : i32
      %dma_start3A_56 = tpu.memref_slice %arg6[%add3A_15, %dma_start3A_55] : memref<10000x128xf32, #tpu.memory_space<vmem_shared>> -> memref<80x128xf32, #tpu.memory_space<vmem_shared>>
      tpu.enqueue_dma source(%arg13 : memref<80x128xf32, #tpu.memory_space<vmem>>) target(%dma_start3A_56 : memref<80x128xf32, #tpu.memory_space<vmem_shared>>) target_semaphore(%run_scoped3A : memref<!tpu.dma_semaphore, #tpu.memory_space<semaphore_mem>>)
      %dma_wait3A_57 = arith.constant 0 : i32
      %dma_wait3A_58 = tpu.memref_slice %arg6[%add3A_15, %dma_wait3A_57] : memref<10000x128xf32, #tpu.memory_space<vmem_shared>> -> memref<80x128xf32, #tpu.memory_space<vmem_shared>>
      %dma_wait3A_59 = arith.constant 0 : i32
      %dma_wait3A_60 = tpu.memref_slice %arg6[%add3A_15, %dma_wait3A_59] : memref<10000x128xf32, #tpu.memory_space<vmem_shared>> -> memref<80x128xf32, #tpu.memory_space<vmem_shared>>
      tpu.wait_dma2 semaphore(%run_scoped3A : memref<!tpu.dma_semaphore, #tpu.memory_space<semaphore_mem>>) src(%arg13 : memref<80x128xf32, #tpu.memory_space<vmem>>) dst(%dma_wait3A_60 : memref<80x128xf32, #tpu.memory_space<vmem_shared>>)
      tpu.yield
    }) : () -> ()
    %add3A_16 = arith.constant 480 : i32
    %add3A_17 = arith.addi %mul3A_0, %add3A_16 : i32
    "tpu.region"() ({
      %run_scoped3A = tpu.sem_alloc : memref<!tpu.dma_semaphore, #tpu.memory_space<semaphore_mem>>
      %dma_start3A_53 = arith.constant 0 : i32
      %dma_start3A_54 = tpu.memref_slice %arg6[%add3A_17, %dma_start3A_53] : memref<10000x128xf32, #tpu.memory_space<vmem_shared>> -> memref<80x128xf32, #tpu.memory_space<vmem_shared>>
      %dma_start3A_55 = arith.constant 0 : i32
      %dma_start3A_56 = tpu.memref_slice %arg6[%add3A_17, %dma_start3A_55] : memref<10000x128xf32, #tpu.memory_space<vmem_shared>> -> memref<80x128xf32, #tpu.memory_space<vmem_shared>>
      tpu.enqueue_dma source(%arg13 : memref<80x128xf32, #tpu.memory_space<vmem>>) target(%dma_start3A_56 : memref<80x128xf32, #tpu.memory_space<vmem_shared>>) target_semaphore(%run_scoped3A : memref<!tpu.dma_semaphore, #tpu.memory_space<semaphore_mem>>)
      %dma_wait3A_57 = arith.constant 0 : i32
      %dma_wait3A_58 = tpu.memref_slice %arg6[%add3A_17, %dma_wait3A_57] : memref<10000x128xf32, #tpu.memory_space<vmem_shared>> -> memref<80x128xf32, #tpu.memory_space<vmem_shared>>
      %dma_wait3A_59 = arith.constant 0 : i32
      %dma_wait3A_60 = tpu.memref_slice %arg6[%add3A_17, %dma_wait3A_59] : memref<10000x128xf32, #tpu.memory_space<vmem_shared>> -> memref<80x128xf32, #tpu.memory_space<vmem_shared>>
      tpu.wait_dma2 semaphore(%run_scoped3A : memref<!tpu.dma_semaphore, #tpu.memory_space<semaphore_mem>>) src(%arg13 : memref<80x128xf32, #tpu.memory_space<vmem>>) dst(%dma_wait3A_60 : memref<80x128xf32, #tpu.memory_space<vmem_shared>>)
      tpu.yield
    }) : () -> ()
    %add3A_18 = arith.constant 624 : i32
    %add3A_19 = arith.addi %mul3A_0, %add3A_18 : i32
    %sub3A = arith.constant 64 : i32
    %sub3A_20 = arith.subi %add3A_19, %sub3A : i32
    "tpu.region"() ({
      %run_scoped3A = tpu.sem_alloc : memref<!tpu.dma_semaphore, #tpu.memory_space<semaphore_mem>>
      %dma_start3A_53 = arith.constant 0 : i32
      %dma_start3A_54 = arith.constant 0 : i32
      %dma_start3A_55 = tpu.memref_slice %arg13[%dma_start3A_53, %dma_start3A_54] : memref<80x128xf32, #tpu.memory_space<vmem>> -> memref<64x128xf32, #tpu.memory_space<vmem>>
      %dma_start3A_56 = arith.constant 0 : i32
      %dma_start3A_57 = tpu.memref_slice %arg6[%sub3A_20, %dma_start3A_56] : memref<10000x128xf32, #tpu.memory_space<vmem_shared>> -> memref<64x128xf32, #tpu.memory_space<vmem_shared>>
      %dma_start3A_58 = arith.constant 0 : i32
      %dma_start3A_59 = tpu.memref_slice %arg6[%sub3A_20, %dma_start3A_58] : memref<10000x128xf32, #tpu.memory_space<vmem_shared>> -> memref<64x128xf32, #tpu.memory_space<vmem_shared>>
      %dma_start3A_60 = arith.constant 0 : i32
      %dma_start3A_61 = arith.constant 0 : i32
      %dma_start3A_62 = tpu.memref_slice %arg13[%dma_start3A_60, %dma_start3A_61] : memref<80x128xf32, #tpu.memory_space<vmem>> -> memref<64x128xf32, #tpu.memory_space<vmem>>
      tpu.enqueue_dma source(%dma_start3A_62 : memref<64x128xf32, #tpu.memory_space<vmem>>) target(%dma_start3A_59 : memref<64x128xf32, #tpu.memory_space<vmem_shared>>) target_semaphore(%run_scoped3A : memref<!tpu.dma_semaphore, #tpu.memory_space<semaphore_mem>>)
      %dma_wait3A_63 = arith.constant 0 : i32
      %dma_wait3A_64 = arith.constant 0 : i32
      %dma_wait3A_65 = tpu.memref_slice %arg13[%dma_wait3A_63, %dma_wait3A_64] : memref<80x128xf32, #tpu.memory_space<vmem>> -> memref<64x128xf32, #tpu.memory_space<vmem>>
      %dma_wait3A_66 = arith.constant 0 : i32
      %dma_wait3A_67 = tpu.memref_slice %arg6[%sub3A_20, %dma_wait3A_66] : memref<10000x128xf32, #tpu.memory_space<vmem_shared>> -> memref<64x128xf32, #tpu.memory_space<vmem_shared>>
      %dma_wait3A_68 = arith.constant 0 : i32
      %dma_wait3A_69 = tpu.memref_slice %arg6[%sub3A_20, %dma_wait3A_68] : memref<10000x128xf32, #tpu.memory_space<vmem_shared>> -> memref<64x128xf32, #tpu.memory_space<vmem_shared>>
      %dma_wait3A_70 = arith.constant 0 : i32
      %dma_wait3A_71 = arith.constant 0 : i32
      %dma_wait3A_72 = tpu.memref_slice %arg13[%dma_wait3A_70, %dma_wait3A_71] : memref<80x128xf32, #tpu.memory_space<vmem>> -> memref<64x128xf32, #tpu.memory_space<vmem>>
      tpu.wait_dma2 semaphore(%run_scoped3A : memref<!tpu.dma_semaphore, #tpu.memory_space<semaphore_mem>>) src(%dma_wait3A_72 : memref<64x128xf32, #tpu.memory_space<vmem>>) dst(%dma_wait3A_69 : memref<64x128xf32, #tpu.memory_space<vmem_shared>>)
      tpu.yield
    }) : () -> ()
    %eq3A = arith.constant 0 : i32
    %eq3A_21 = arith.cmpi eq, %arg1, %eq3A : i32
    %convert_element_type3A = arith.extui %eq3A_21 : i1 to i32
    %cond3A = arith.constant 0 : i32
    %cond3A_22 = arith.cmpi ne, %convert_element_type3A, %cond3A : i32
    scf.if %cond3A_22 {
      "tpu.region"() ({
        %run_scoped3A = tpu.sem_alloc : memref<!tpu.dma_semaphore, #tpu.memory_space<semaphore_mem>>
        %dma_start3A_53 = arith.constant 0 : i32
        %dma_start3A_54 = arith.constant 0 : i32
        %dma_start3A_55 = tpu.memref_slice %arg13[%dma_start3A_53, %dma_start3A_54] : memref<80x128xf32, #tpu.memory_space<vmem>> -> memref<16x128xf32, #tpu.memory_space<vmem>>
        %dma_start3A_56 = arith.constant 9984 : i32
        %dma_start3A_57 = arith.constant 0 : i32
        %dma_start3A_58 = tpu.memref_slice %arg6[%dma_start3A_56, %dma_start3A_57] : memref<10000x128xf32, #tpu.memory_space<vmem_shared>> -> memref<16x128xf32, #tpu.memory_space<vmem_shared>>
        %dma_start3A_59 = arith.constant 9984 : i32
        %dma_start3A_60 = arith.constant 0 : i32
        %dma_start3A_61 = tpu.memref_slice %arg6[%dma_start3A_59, %dma_start3A_60] : memref<10000x128xf32, #tpu.memory_space<vmem_shared>> -> memref<16x128xf32, #tpu.memory_space<vmem_shared>>
        %dma_start3A_62 = arith.constant 0 : i32
        %dma_start3A_63 = arith.constant 0 : i32
        %dma_start3A_64 = tpu.memref_slice %arg13[%dma_start3A_62, %dma_start3A_63] : memref<80x128xf32, #tpu.memory_space<vmem>> -> memref<16x128xf32, #tpu.memory_space<vmem>>
        tpu.enqueue_dma source(%dma_start3A_64 : memref<16x128xf32, #tpu.memory_space<vmem>>) target(%dma_start3A_61 : memref<16x128xf32, #tpu.memory_space<vmem_shared>>) target_semaphore(%run_scoped3A : memref<!tpu.dma_semaphore, #tpu.memory_space<semaphore_mem>>)
        %dma_wait3A_65 = arith.constant 0 : i32
        %dma_wait3A_66 = arith.constant 0 : i32
        %dma_wait3A_67 = tpu.memref_slice %arg13[%dma_wait3A_65, %dma_wait3A_66] : memref<80x128xf32, #tpu.memory_space<vmem>> -> memref<16x128xf32, #tpu.memory_space<vmem>>
        %dma_wait3A_68 = arith.constant 9984 : i32
        %dma_wait3A_69 = arith.constant 0 : i32
        %dma_wait3A_70 = tpu.memref_slice %arg6[%dma_wait3A_68, %dma_wait3A_69] : memref<10000x128xf32, #tpu.memory_space<vmem_shared>> -> memref<16x128xf32, #tpu.memory_space<vmem_shared>>
        %dma_wait3A_71 = arith.constant 9984 : i32
        %dma_wait3A_72 = arith.constant 0 : i32
        %dma_wait3A_73 = tpu.memref_slice %arg6[%dma_wait3A_71, %dma_wait3A_72] : memref<10000x128xf32, #tpu.memory_space<vmem_shared>> -> memref<16x128xf32, #tpu.memory_space<vmem_shared>>
        %dma_wait3A_74 = arith.constant 0 : i32
        %dma_wait3A_75 = arith.constant 0 : i32
        %dma_wait3A_76 = tpu.memref_slice %arg13[%dma_wait3A_74, %dma_wait3A_75] : memref<80x128xf32, #tpu.memory_space<vmem>> -> memref<16x128xf32, #tpu.memory_space<vmem>>
        tpu.wait_dma2 semaphore(%run_scoped3A : memref<!tpu.dma_semaphore, #tpu.memory_space<semaphore_mem>>) src(%dma_wait3A_76 : memref<16x128xf32, #tpu.memory_space<vmem>>) dst(%dma_wait3A_73 : memref<16x128xf32, #tpu.memory_space<vmem_shared>>)
        tpu.yield
      }) : () -> ()
    } else {
    }
    %barrier3A = arith.constant 0 : index
    tpu.barrier barrier_id(%barrier3A)
    %mul3A_23 = arith.constant 160000 : i32
    %mul3A_24 = arith.muli %arg0, %mul3A_23 : i32
    %mul3A_25 = arith.constant 10000 : i32
    %mul3A_26 = arith.muli %arg1, %mul3A_25 : i32
    %add3A_27 = arith.addi %mul3A_24, %mul3A_26 : i32
    %add3A_28 = arith.constant 0 : i32
    %add3A_29 = arith.addi %add3A_27, %add3A_28 : i32
    "tpu.region"() ({
      %run_scoped3A = tpu.sem_alloc : memref<!tpu.dma_semaphore, #tpu.memory_space<semaphore_mem>>
      %dma_start3A_53 = tpu.memref_slice %arg2[%add3A_29] : memref<320000xi32, #tpu.memory_space<hbm>> -> memref<80xi32, #tpu.memory_space<hbm>>
      %dma_start3A_54 = tpu.memref_slice %arg2[%add3A_29] : memref<320000xi32, #tpu.memory_space<hbm>> -> memref<80xi32, #tpu.memory_space<hbm>>
      tpu.enqueue_dma source(%dma_start3A_54 : memref<80xi32, #tpu.memory_space<hbm>>) target(%arg7 : memref<80xi32, #tpu.memory_space<vmem>>) target_semaphore(%run_scoped3A : memref<!tpu.dma_semaphore, #tpu.memory_space<semaphore_mem>>)
      %dma_wait3A_55 = tpu.memref_slice %arg2[%add3A_29] : memref<320000xi32, #tpu.memory_space<hbm>> -> memref<80xi32, #tpu.memory_space<hbm>>
      %dma_wait3A_56 = tpu.memref_slice %arg2[%add3A_29] : memref<320000xi32, #tpu.memory_space<hbm>> -> memref<80xi32, #tpu.memory_space<hbm>>
      tpu.wait_dma2 semaphore(%run_scoped3A : memref<!tpu.dma_semaphore, #tpu.memory_space<semaphore_mem>>) src(%dma_wait3A_56 : memref<80xi32, #tpu.memory_space<hbm>>) dst(%arg7 : memref<80xi32, #tpu.memory_space<vmem>>)
      tpu.yield
    }) : () -> ()
    "tpu.region"() ({
      %run_scoped3A = tpu.sem_alloc : memref<!tpu.dma_semaphore, #tpu.memory_space<semaphore_mem>>
      %dma_start3A_53 = tpu.memref_slice %arg3[%add3A_29] : memref<320000xi32, #tpu.memory_space<hbm>> -> memref<80xi32, #tpu.memory_space<hbm>>
      %dma_start3A_54 = tpu.memref_slice %arg3[%add3A_29] : memref<320000xi32, #tpu.memory_space<hbm>> -> memref<80xi32, #tpu.memory_space<hbm>>
      tpu.enqueue_dma source(%dma_start3A_54 : memref<80xi32, #tpu.memory_space<hbm>>) target(%arg10 : memref<80xi32, #tpu.memory_space<vmem>>) target_semaphore(%run_scoped3A : memref<!tpu.dma_semaphore, #tpu.memory_space<semaphore_mem>>)
      %dma_wait3A_55 = tpu.memref_slice %arg3[%add3A_29] : memref<320000xi32, #tpu.memory_space<hbm>> -> memref<80xi32, #tpu.memory_space<hbm>>
      %dma_wait3A_56 = tpu.memref_slice %arg3[%add3A_29] : memref<320000xi32, #tpu.memory_space<hbm>> -> memref<80xi32, #tpu.memory_space<hbm>>
      tpu.wait_dma2 semaphore(%run_scoped3A : memref<!tpu.dma_semaphore, #tpu.memory_space<semaphore_mem>>) src(%dma_wait3A_56 : memref<80xi32, #tpu.memory_space<hbm>>) dst(%arg10 : memref<80xi32, #tpu.memory_space<vmem>>)
      tpu.yield
    }) : () -> ()
    %dma_start3A = arith.constant 0 : i32
    %dma_start3A_30 = arith.constant 0 : i32
    %dma_start3A_31 = tpu.memref_slice %arg4[%dma_start3A, %dma_start3A_30] : memref<10000x128xf32, #tpu.memory_space<hbm>> -> memref<10000x128xf32, #tpu.memory_space<hbm>>
    tpu.enqueue_indirect_dma source(%dma_start3A_31 : memref<10000x128xf32, #tpu.memory_space<hbm>>) target(%arg13 : memref<80x128xf32, #tpu.memory_space<vmem>>) offsets(%arg7 : memref<80xi32, #tpu.memory_space<vmem>>) semaphore(%arg16 : memref<!tpu.dma_semaphore, #tpu.memory_space<semaphore_mem>>)
    %add3A_32 = arith.constant 80 : i32
    %add3A_33 = arith.addi %add3A_27, %add3A_32 : i32
    "tpu.region"() ({
      %run_scoped3A = tpu.sem_alloc : memref<!tpu.dma_semaphore, #tpu.memory_space<semaphore_mem>>
      %dma_start3A_53 = tpu.memref_slice %arg2[%add3A_33] : memref<320000xi32, #tpu.memory_space<hbm>> -> memref<80xi32, #tpu.memory_space<hbm>>
      %dma_start3A_54 = tpu.memref_slice %arg2[%add3A_33] : memref<320000xi32, #tpu.memory_space<hbm>> -> memref<80xi32, #tpu.memory_space<hbm>>
      tpu.enqueue_dma source(%dma_start3A_54 : memref<80xi32, #tpu.memory_space<hbm>>) target(%arg8 : memref<80xi32, #tpu.memory_space<vmem>>) target_semaphore(%run_scoped3A : memref<!tpu.dma_semaphore, #tpu.memory_space<semaphore_mem>>)
      %dma_wait3A_55 = tpu.memref_slice %arg2[%add3A_33] : memref<320000xi32, #tpu.memory_space<hbm>> -> memref<80xi32, #tpu.memory_space<hbm>>
      %dma_wait3A_56 = tpu.memref_slice %arg2[%add3A_33] : memref<320000xi32, #tpu.memory_space<hbm>> -> memref<80xi32, #tpu.memory_space<hbm>>
      tpu.wait_dma2 semaphore(%run_scoped3A : memref<!tpu.dma_semaphore, #tpu.memory_space<semaphore_mem>>) src(%dma_wait3A_56 : memref<80xi32, #tpu.memory_space<hbm>>) dst(%arg8 : memref<80xi32, #tpu.memory_space<vmem>>)
      tpu.yield
    }) : () -> ()
    "tpu.region"() ({
      %run_scoped3A = tpu.sem_alloc : memref<!tpu.dma_semaphore, #tpu.memory_space<semaphore_mem>>
      %dma_start3A_53 = tpu.memref_slice %arg3[%add3A_33] : memref<320000xi32, #tpu.memory_space<hbm>> -> memref<80xi32, #tpu.memory_space<hbm>>
      %dma_start3A_54 = tpu.memref_slice %arg3[%add3A_33] : memref<320000xi32, #tpu.memory_space<hbm>> -> memref<80xi32, #tpu.memory_space<hbm>>
      tpu.enqueue_dma source(%dma_start3A_54 : memref<80xi32, #tpu.memory_space<hbm>>) target(%arg11 : memref<80xi32, #tpu.memory_space<vmem>>) target_semaphore(%run_scoped3A : memref<!tpu.dma_semaphore, #tpu.memory_space<semaphore_mem>>)
      %dma_wait3A_55 = tpu.memref_slice %arg3[%add3A_33] : memref<320000xi32, #tpu.memory_space<hbm>> -> memref<80xi32, #tpu.memory_space<hbm>>
      %dma_wait3A_56 = tpu.memref_slice %arg3[%add3A_33] : memref<320000xi32, #tpu.memory_space<hbm>> -> memref<80xi32, #tpu.memory_space<hbm>>
      tpu.wait_dma2 semaphore(%run_scoped3A : memref<!tpu.dma_semaphore, #tpu.memory_space<semaphore_mem>>) src(%dma_wait3A_56 : memref<80xi32, #tpu.memory_space<hbm>>) dst(%arg11 : memref<80xi32, #tpu.memory_space<vmem>>)
      tpu.yield
    }) : () -> ()
    %dma_start3A_34 = arith.constant 0 : i32
    %dma_start3A_35 = arith.constant 0 : i32
    %dma_start3A_36 = tpu.memref_slice %arg4[%dma_start3A_34, %dma_start3A_35] : memref<10000x128xf32, #tpu.memory_space<hbm>> -> memref<10000x128xf32, #tpu.memory_space<hbm>>
    tpu.enqueue_indirect_dma source(%dma_start3A_36 : memref<10000x128xf32, #tpu.memory_space<hbm>>) target(%arg14 : memref<80x128xf32, #tpu.memory_space<vmem>>) offsets(%arg8 : memref<80xi32, #tpu.memory_space<vmem>>) semaphore(%arg17 : memref<!tpu.dma_semaphore, #tpu.memory_space<semaphore_mem>>)
    %scan3A_37 = arith.constant 0 : i32
    %scan3A_38 = arith.constant 41 : i32
    %scan3A_39 = arith.addi %scan3A_37, %scan3A_38 : i32
    %scan3A_40 = arith.constant 1 : i32
    scf.for %scan3A_53 = %scan3A_37 to %scan3A_39 step %scan3A_40  : i32 {
      %mul3A_54 = arith.constant 1 : i32
      %mul3A_55 = arith.muli %scan3A_53, %mul3A_54 : i32
      %add3A_56 = arith.constant 0 : i32
      %add3A_57 = arith.addi %add3A_56, %mul3A_55 : i32
      %mul3A_58 = arith.constant 3 : i32
      %mul3A_59 = arith.muli %mul3A_58, %add3A_57 : i32
      %dma_wait3A_60 = arith.constant 0 : i32
      %dma_wait3A_61 = arith.constant 0 : i32
      %dma_wait3A_62 = tpu.memref_slice %arg4[%dma_wait3A_60, %dma_wait3A_61] : memref<10000x128xf32, #tpu.memory_space<hbm>> -> memref<10000x128xf32, #tpu.memory_space<hbm>>
      tpu.wait_indirect_dma semaphore(%arg16 : memref<!tpu.dma_semaphore, #tpu.memory_space<semaphore_mem>>) src(%dma_wait3A_62 : memref<10000x128xf32, #tpu.memory_space<hbm>>) dst(%arg13 : memref<80x128xf32, #tpu.memory_space<vmem>>)
      %add3A_63 = arith.constant 0 : i32
      %add3A_64 = arith.addi %mul3A_59, %add3A_63 : i32
      %add3A_65 = arith.constant 2 : i32
      %add3A_66 = arith.addi %add3A_64, %add3A_65 : i32
      %mul3A_67 = arith.constant 80 : i32
      %mul3A_68 = arith.muli %add3A_66, %mul3A_67 : i32
      %add3A_69 = arith.addi %add3A_27, %mul3A_68 : i32
      "tpu.region"() ({
        %run_scoped3A = tpu.sem_alloc : memref<!tpu.dma_semaphore, #tpu.memory_space<semaphore_mem>>
        %dma_start3A_99 = tpu.memref_slice %arg2[%add3A_69] : memref<320000xi32, #tpu.memory_space<hbm>> -> memref<80xi32, #tpu.memory_space<hbm>>
        %dma_start3A_100 = tpu.memref_slice %arg2[%add3A_69] : memref<320000xi32, #tpu.memory_space<hbm>> -> memref<80xi32, #tpu.memory_space<hbm>>
        tpu.enqueue_dma source(%dma_start3A_100 : memref<80xi32, #tpu.memory_space<hbm>>) target(%arg9 : memref<80xi32, #tpu.memory_space<vmem>>) target_semaphore(%run_scoped3A : memref<!tpu.dma_semaphore, #tpu.memory_space<semaphore_mem>>)
        %dma_wait3A_101 = tpu.memref_slice %arg2[%add3A_69] : memref<320000xi32, #tpu.memory_space<hbm>> -> memref<80xi32, #tpu.memory_space<hbm>>
        %dma_wait3A_102 = tpu.memref_slice %arg2[%add3A_69] : memref<320000xi32, #tpu.memory_space<hbm>> -> memref<80xi32, #tpu.memory_space<hbm>>
        tpu.wait_dma2 semaphore(%run_scoped3A : memref<!tpu.dma_semaphore, #tpu.memory_space<semaphore_mem>>) src(%dma_wait3A_102 : memref<80xi32, #tpu.memory_space<hbm>>) dst(%arg9 : memref<80xi32, #tpu.memory_space<vmem>>)
        tpu.yield
      }) : () -> ()
      "tpu.region"() ({
        %run_scoped3A = tpu.sem_alloc : memref<!tpu.dma_semaphore, #tpu.memory_space<semaphore_mem>>
        %dma_start3A_99 = tpu.memref_slice %arg3[%add3A_69] : memref<320000xi32, #tpu.memory_space<hbm>> -> memref<80xi32, #tpu.memory_space<hbm>>
        %dma_start3A_100 = tpu.memref_slice %arg3[%add3A_69] : memref<320000xi32, #tpu.memory_space<hbm>> -> memref<80xi32, #tpu.memory_space<hbm>>
        tpu.enqueue_dma source(%dma_start3A_100 : memref<80xi32, #tpu.memory_space<hbm>>) target(%arg12 : memref<80xi32, #tpu.memory_space<vmem>>) target_semaphore(%run_scoped3A : memref<!tpu.dma_semaphore, #tpu.memory_space<semaphore_mem>>)
        %dma_wait3A_101 = tpu.memref_slice %arg3[%add3A_69] : memref<320000xi32, #tpu.memory_space<hbm>> -> memref<80xi32, #tpu.memory_space<hbm>>
        %dma_wait3A_102 = tpu.memref_slice %arg3[%add3A_69] : memref<320000xi32, #tpu.memory_space<hbm>> -> memref<80xi32, #tpu.memory_space<hbm>>
        tpu.wait_dma2 semaphore(%run_scoped3A : memref<!tpu.dma_semaphore, #tpu.memory_space<semaphore_mem>>) src(%dma_wait3A_102 : memref<80xi32, #tpu.memory_space<hbm>>) dst(%arg12 : memref<80xi32, #tpu.memory_space<vmem>>)
        tpu.yield
      }) : () -> ()
      %dma_start3A_70 = arith.constant 0 : i32
      %dma_start3A_71 = arith.constant 0 : i32
      %dma_start3A_72 = tpu.memref_slice %arg4[%dma_start3A_70, %dma_start3A_71] : memref<10000x128xf32, #tpu.memory_space<hbm>> -> memref<10000x128xf32, #tpu.memory_space<hbm>>
      tpu.enqueue_indirect_dma source(%dma_start3A_72 : memref<10000x128xf32, #tpu.memory_space<hbm>>) target(%arg15 : memref<80x128xf32, #tpu.memory_space<vmem>>) offsets(%arg9 : memref<80xi32, #tpu.memory_space<vmem>>) semaphore(%arg18 : memref<!tpu.dma_semaphore, #tpu.memory_space<semaphore_mem>>)
      "tpu.region"() ({
        %run_scoped3A = tpu.sem_alloc : memref<!tpu.dma_semaphore, #tpu.memory_space<semaphore_mem>>
        %dma_start3A_99 = arith.constant 0 : i32
        %dma_start3A_100 = arith.constant 0 : i32
        %dma_start3A_101 = tpu.memref_slice %arg6[%dma_start3A_99, %dma_start3A_100] : memref<10000x128xf32, #tpu.memory_space<vmem_shared>> -> memref<10000x128xf32, #tpu.memory_space<vmem_shared>>
        tpu.enqueue_indirect_dma source(%arg13 : memref<80x128xf32, #tpu.memory_space<vmem>>) target(%dma_start3A_101 : memref<10000x128xf32, #tpu.memory_space<vmem_shared>>) offsets(%arg10 : memref<80xi32, #tpu.memory_space<vmem>>) semaphore(%run_scoped3A : memref<!tpu.dma_semaphore, #tpu.memory_space<semaphore_mem>>) {add = true}
        %dma_wait3A_102 = arith.constant 0 : i32
        %dma_wait3A_103 = arith.constant 0 : i32
        %dma_wait3A_104 = tpu.memref_slice %arg6[%dma_wait3A_102, %dma_wait3A_103] : memref<10000x128xf32, #tpu.memory_space<vmem_shared>> -> memref<10000x128xf32, #tpu.memory_space<vmem_shared>>
        tpu.wait_indirect_dma semaphore(%run_scoped3A : memref<!tpu.dma_semaphore, #tpu.memory_space<semaphore_mem>>) src(%arg13 : memref<80x128xf32, #tpu.memory_space<vmem>>) dst(%dma_wait3A_104 : memref<10000x128xf32, #tpu.memory_space<vmem_shared>>)
        tpu.yield
      }) : () -> ()
      %dma_wait3A_73 = arith.constant 0 : i32
      %dma_wait3A_74 = arith.constant 0 : i32
      %dma_wait3A_75 = tpu.memref_slice %arg4[%dma_wait3A_73, %dma_wait3A_74] : memref<10000x128xf32, #tpu.memory_space<hbm>> -> memref<10000x128xf32, #tpu.memory_space<hbm>>
      tpu.wait_indirect_dma semaphore(%arg17 : memref<!tpu.dma_semaphore, #tpu.memory_space<semaphore_mem>>) src(%dma_wait3A_75 : memref<10000x128xf32, #tpu.memory_space<hbm>>) dst(%arg14 : memref<80x128xf32, #tpu.memory_space<vmem>>)
      %add3A_76 = arith.constant 1 : i32
      %add3A_77 = arith.addi %mul3A_59, %add3A_76 : i32
      %add3A_78 = arith.constant 2 : i32
      %add3A_79 = arith.addi %add3A_77, %add3A_78 : i32
      %mul3A_80 = arith.constant 80 : i32
      %mul3A_81 = arith.muli %add3A_79, %mul3A_80 : i32
      %add3A_82 = arith.addi %add3A_27, %mul3A_81 : i32
      "tpu.region"() ({
        %run_scoped3A = tpu.sem_alloc : memref<!tpu.dma_semaphore, #tpu.memory_space<semaphore_mem>>
        %dma_start3A_99 = tpu.memref_slice %arg2[%add3A_82] : memref<320000xi32, #tpu.memory_space<hbm>> -> memref<80xi32, #tpu.memory_space<hbm>>
        %dma_start3A_100 = tpu.memref_slice %arg2[%add3A_82] : memref<320000xi32, #tpu.memory_space<hbm>> -> memref<80xi32, #tpu.memory_space<hbm>>
        tpu.enqueue_dma source(%dma_start3A_100 : memref<80xi32, #tpu.memory_space<hbm>>) target(%arg7 : memref<80xi32, #tpu.memory_space<vmem>>) target_semaphore(%run_scoped3A : memref<!tpu.dma_semaphore, #tpu.memory_space<semaphore_mem>>)
        %dma_wait3A_101 = tpu.memref_slice %arg2[%add3A_82] : memref<320000xi32, #tpu.memory_space<hbm>> -> memref<80xi32, #tpu.memory_space<hbm>>
        %dma_wait3A_102 = tpu.memref_slice %arg2[%add3A_82] : memref<320000xi32, #tpu.memory_space<hbm>> -> memref<80xi32, #tpu.memory_space<hbm>>
        tpu.wait_dma2 semaphore(%run_scoped3A : memref<!tpu.dma_semaphore, #tpu.memory_space<semaphore_mem>>) src(%dma_wait3A_102 : memref<80xi32, #tpu.memory_space<hbm>>) dst(%arg7 : memref<80xi32, #tpu.memory_space<vmem>>)
        tpu.yield
      }) : () -> ()
      "tpu.region"() ({
        %run_scoped3A = tpu.sem_alloc : memref<!tpu.dma_semaphore, #tpu.memory_space<semaphore_mem>>
        %dma_start3A_99 = tpu.memref_slice %arg3[%add3A_82] : memref<320000xi32, #tpu.memory_space<hbm>> -> memref<80xi32, #tpu.memory_space<hbm>>
        %dma_start3A_100 = tpu.memref_slice %arg3[%add3A_82] : memref<320000xi32, #tpu.memory_space<hbm>> -> memref<80xi32, #tpu.memory_space<hbm>>
        tpu.enqueue_dma source(%dma_start3A_100 : memref<80xi32, #tpu.memory_space<hbm>>) target(%arg10 : memref<80xi32, #tpu.memory_space<vmem>>) target_semaphore(%run_scoped3A : memref<!tpu.dma_semaphore, #tpu.memory_space<semaphore_mem>>)
        %dma_wait3A_101 = tpu.memref_slice %arg3[%add3A_82] : memref<320000xi32, #tpu.memory_space<hbm>> -> memref<80xi32, #tpu.memory_space<hbm>>
        %dma_wait3A_102 = tpu.memref_slice %arg3[%add3A_82] : memref<320000xi32, #tpu.memory_space<hbm>> -> memref<80xi32, #tpu.memory_space<hbm>>
        tpu.wait_dma2 semaphore(%run_scoped3A : memref<!tpu.dma_semaphore, #tpu.memory_space<semaphore_mem>>) src(%dma_wait3A_102 : memref<80xi32, #tpu.memory_space<hbm>>) dst(%arg10 : memref<80xi32, #tpu.memory_space<vmem>>)
        tpu.yield
      }) : () -> ()
      %dma_start3A_83 = arith.constant 0 : i32
      %dma_start3A_84 = arith.constant 0 : i32
      %dma_start3A_85 = tpu.memref_slice %arg4[%dma_start3A_83, %dma_start3A_84] : memref<10000x128xf32, #tpu.memory_space<hbm>> -> memref<10000x128xf32, #tpu.memory_space<hbm>>
      tpu.enqueue_indirect_dma source(%dma_start3A_85 : memref<10000x128xf32, #tpu.memory_space<hbm>>) target(%arg13 : memref<80x128xf32, #tpu.memory_space<vmem>>) offsets(%arg7 : memref<80xi32, #tpu.memory_space<vmem>>) semaphore(%arg16 : memref<!tpu.dma_semaphore, #tpu.memory_space<semaphore_mem>>)
      "tpu.region"() ({
        %run_scoped3A = tpu.sem_alloc : memref<!tpu.dma_semaphore, #tpu.memory_space<semaphore_mem>>
        %dma_start3A_99 = arith.constant 0 : i32
        %dma_start3A_100 = arith.constant 0 : i32
        %dma_start3A_101 = tpu.memref_slice %arg6[%dma_start3A_99, %dma_start3A_100] : memref<10000x128xf32, #tpu.memory_space<vmem_shared>> -> memref<10000x128xf32, #tpu.memory_space<vmem_shared>>
        tpu.enqueue_indirect_dma source(%arg14 : memref<80x128xf32, #tpu.memory_space<vmem>>) target(%dma_start3A_101 : memref<10000x128xf32, #tpu.memory_space<vmem_shared>>) offsets(%arg11 : memref<80xi32, #tpu.memory_space<vmem>>) semaphore(%run_scoped3A : memref<!tpu.dma_semaphore, #tpu.memory_space<semaphore_mem>>) {add = true}
        %dma_wait3A_102 = arith.constant 0 : i32
        %dma_wait3A_103 = arith.constant 0 : i32
        %dma_wait3A_104 = tpu.memref_slice %arg6[%dma_wait3A_102, %dma_wait3A_103] : memref<10000x128xf32, #tpu.memory_space<vmem_shared>> -> memref<10000x128xf32, #tpu.memory_space<vmem_shared>>
        tpu.wait_indirect_dma semaphore(%run_scoped3A : memref<!tpu.dma_semaphore, #tpu.memory_space<semaphore_mem>>) src(%arg14 : memref<80x128xf32, #tpu.memory_space<vmem>>) dst(%dma_wait3A_104 : memref<10000x128xf32, #tpu.memory_space<vmem_shared>>)
        tpu.yield
      }) : () -> ()
      %dma_wait3A_86 = arith.constant 0 : i32
      %dma_wait3A_87 = arith.constant 0 : i32
      %dma_wait3A_88 = tpu.memref_slice %arg4[%dma_wait3A_86, %dma_wait3A_87] : memref<10000x128xf32, #tpu.memory_space<hbm>> -> memref<10000x128xf32, #tpu.memory_space<hbm>>
      tpu.wait_indirect_dma semaphore(%arg18 : memref<!tpu.dma_semaphore, #tpu.memory_space<semaphore_mem>>) src(%dma_wait3A_88 : memref<10000x128xf32, #tpu.memory_space<hbm>>) dst(%arg15 : memref<80x128xf32, #tpu.memory_space<vmem>>)
      %add3A_89 = arith.constant 2 : i32
      %add3A_90 = arith.addi %mul3A_59, %add3A_89 : i32
      %add3A_91 = arith.constant 2 : i32
      %add3A_92 = arith.addi %add3A_90, %add3A_91 : i32
      %mul3A_93 = arith.constant 80 : i32
      %mul3A_94 = arith.muli %add3A_92, %mul3A_93 : i32
      %add3A_95 = arith.addi %add3A_27, %mul3A_94 : i32
      "tpu.region"() ({
        %run_scoped3A = tpu.sem_alloc : memref<!tpu.dma_semaphore, #tpu.memory_space<semaphore_mem>>
        %dma_start3A_99 = tpu.memref_slice %arg2[%add3A_95] : memref<320000xi32, #tpu.memory_space<hbm>> -> memref<80xi32, #tpu.memory_space<hbm>>
        %dma_start3A_100 = tpu.memref_slice %arg2[%add3A_95] : memref<320000xi32, #tpu.memory_space<hbm>> -> memref<80xi32, #tpu.memory_space<hbm>>
        tpu.enqueue_dma source(%dma_start3A_100 : memref<80xi32, #tpu.memory_space<hbm>>) target(%arg8 : memref<80xi32, #tpu.memory_space<vmem>>) target_semaphore(%run_scoped3A : memref<!tpu.dma_semaphore, #tpu.memory_space<semaphore_mem>>)
        %dma_wait3A_101 = tpu.memref_slice %arg2[%add3A_95] : memref<320000xi32, #tpu.memory_space<hbm>> -> memref<80xi32, #tpu.memory_space<hbm>>
        %dma_wait3A_102 = tpu.memref_slice %arg2[%add3A_95] : memref<320000xi32, #tpu.memory_space<hbm>> -> memref<80xi32, #tpu.memory_space<hbm>>
        tpu.wait_dma2 semaphore(%run_scoped3A : memref<!tpu.dma_semaphore, #tpu.memory_space<semaphore_mem>>) src(%dma_wait3A_102 : memref<80xi32, #tpu.memory_space<hbm>>) dst(%arg8 : memref<80xi32, #tpu.memory_space<vmem>>)
        tpu.yield
      }) : () -> ()
      "tpu.region"() ({
        %run_scoped3A = tpu.sem_alloc : memref<!tpu.dma_semaphore, #tpu.memory_space<semaphore_mem>>
        %dma_start3A_99 = tpu.memref_slice %arg3[%add3A_95] : memref<320000xi32, #tpu.memory_space<hbm>> -> memref<80xi32, #tpu.memory_space<hbm>>
        %dma_start3A_100 = tpu.memref_slice %arg3[%add3A_95] : memref<320000xi32, #tpu.memory_space<hbm>> -> memref<80xi32, #tpu.memory_space<hbm>>
        tpu.enqueue_dma source(%dma_start3A_100 : memref<80xi32, #tpu.memory_space<hbm>>) target(%arg11 : memref<80xi32, #tpu.memory_space<vmem>>) target_semaphore(%run_scoped3A : memref<!tpu.dma_semaphore, #tpu.memory_space<semaphore_mem>>)
        %dma_wait3A_101 = tpu.memref_slice %arg3[%add3A_95] : memref<320000xi32, #tpu.memory_space<hbm>> -> memref<80xi32, #tpu.memory_space<hbm>>
        %dma_wait3A_102 = tpu.memref_slice %arg3[%add3A_95] : memref<320000xi32, #tpu.memory_space<hbm>> -> memref<80xi32, #tpu.memory_space<hbm>>
        tpu.wait_dma2 semaphore(%run_scoped3A : memref<!tpu.dma_semaphore, #tpu.memory_space<semaphore_mem>>) src(%dma_wait3A_102 : memref<80xi32, #tpu.memory_space<hbm>>) dst(%arg11 : memref<80xi32, #tpu.memory_space<vmem>>)
        tpu.yield
      }) : () -> ()
      %dma_start3A_96 = arith.constant 0 : i32
      %dma_start3A_97 = arith.constant 0 : i32
      %dma_start3A_98 = tpu.memref_slice %arg4[%dma_start3A_96, %dma_start3A_97] : memref<10000x128xf32, #tpu.memory_space<hbm>> -> memref<10000x128xf32, #tpu.memory_space<hbm>>
      tpu.enqueue_indirect_dma source(%dma_start3A_98 : memref<10000x128xf32, #tpu.memory_space<hbm>>) target(%arg14 : memref<80x128xf32, #tpu.memory_space<vmem>>) offsets(%arg8 : memref<80xi32, #tpu.memory_space<vmem>>) semaphore(%arg17 : memref<!tpu.dma_semaphore, #tpu.memory_space<semaphore_mem>>)
      "tpu.region"() ({
        %run_scoped3A = tpu.sem_alloc : memref<!tpu.dma_semaphore, #tpu.memory_space<semaphore_mem>>
        %dma_start3A_99 = arith.constant 0 : i32
        %dma_start3A_100 = arith.constant 0 : i32
        %dma_start3A_101 = tpu.memref_slice %arg6[%dma_start3A_99, %dma_start3A_100] : memref<10000x128xf32, #tpu.memory_space<vmem_shared>> -> memref<10000x128xf32, #tpu.memory_space<vmem_shared>>
        tpu.enqueue_indirect_dma source(%arg15 : memref<80x128xf32, #tpu.memory_space<vmem>>) target(%dma_start3A_101 : memref<10000x128xf32, #tpu.memory_space<vmem_shared>>) offsets(%arg12 : memref<80xi32, #tpu.memory_space<vmem>>) semaphore(%run_scoped3A : memref<!tpu.dma_semaphore, #tpu.memory_space<semaphore_mem>>) {add = true}
        %dma_wait3A_102 = arith.constant 0 : i32
        %dma_wait3A_103 = arith.constant 0 : i32
        %dma_wait3A_104 = tpu.memref_slice %arg6[%dma_wait3A_102, %dma_wait3A_103] : memref<10000x128xf32, #tpu.memory_space<vmem_shared>> -> memref<10000x128xf32, #tpu.memory_space<vmem_shared>>
        tpu.wait_indirect_dma semaphore(%run_scoped3A : memref<!tpu.dma_semaphore, #tpu.memory_space<semaphore_mem>>) src(%arg15 : memref<80x128xf32, #tpu.memory_space<vmem>>) dst(%dma_wait3A_104 : memref<10000x128xf32, #tpu.memory_space<vmem_shared>>)
        tpu.yield
      }) : () -> ()
    }
    %scan3A_41 = arith.constant 41 : i32
    %dma_wait3A = arith.constant 0 : i32
    %dma_wait3A_42 = arith.constant 0 : i32
    %dma_wait3A_43 = tpu.memref_slice %arg4[%dma_wait3A, %dma_wait3A_42] : memref<10000x128xf32, #tpu.memory_space<hbm>> -> memref<10000x128xf32, #tpu.memory_space<hbm>>
    tpu.wait_indirect_dma semaphore(%arg16 : memref<!tpu.dma_semaphore, #tpu.memory_space<semaphore_mem>>) src(%dma_wait3A_43 : memref<10000x128xf32, #tpu.memory_space<hbm>>) dst(%arg13 : memref<80x128xf32, #tpu.memory_space<vmem>>)
    "tpu.region"() ({
      %run_scoped3A = tpu.sem_alloc : memref<!tpu.dma_semaphore, #tpu.memory_space<semaphore_mem>>
      %dma_start3A_53 = arith.constant 0 : i32
      %dma_start3A_54 = arith.constant 0 : i32
      %dma_start3A_55 = tpu.memref_slice %arg6[%dma_start3A_53, %dma_start3A_54] : memref<10000x128xf32, #tpu.memory_space<vmem_shared>> -> memref<10000x128xf32, #tpu.memory_space<vmem_shared>>
      tpu.enqueue_indirect_dma source(%arg13 : memref<80x128xf32, #tpu.memory_space<vmem>>) target(%dma_start3A_55 : memref<10000x128xf32, #tpu.memory_space<vmem_shared>>) offsets(%arg10 : memref<80xi32, #tpu.memory_space<vmem>>) semaphore(%run_scoped3A : memref<!tpu.dma_semaphore, #tpu.memory_space<semaphore_mem>>) {add = true}
      %dma_wait3A_56 = arith.constant 0 : i32
      %dma_wait3A_57 = arith.constant 0 : i32
      %dma_wait3A_58 = tpu.memref_slice %arg6[%dma_wait3A_56, %dma_wait3A_57] : memref<10000x128xf32, #tpu.memory_space<vmem_shared>> -> memref<10000x128xf32, #tpu.memory_space<vmem_shared>>
      tpu.wait_indirect_dma semaphore(%run_scoped3A : memref<!tpu.dma_semaphore, #tpu.memory_space<semaphore_mem>>) src(%arg13 : memref<80x128xf32, #tpu.memory_space<vmem>>) dst(%dma_wait3A_58 : memref<10000x128xf32, #tpu.memory_space<vmem_shared>>)
      tpu.yield
    }) : () -> ()
    %dma_wait3A_44 = arith.constant 0 : i32
    %dma_wait3A_45 = arith.constant 0 : i32
    %dma_wait3A_46 = tpu.memref_slice %arg4[%dma_wait3A_44, %dma_wait3A_45] : memref<10000x128xf32, #tpu.memory_space<hbm>> -> memref<10000x128xf32, #tpu.memory_space<hbm>>
    tpu.wait_indirect_dma semaphore(%arg17 : memref<!tpu.dma_semaphore, #tpu.memory_space<semaphore_mem>>) src(%dma_wait3A_46 : memref<10000x128xf32, #tpu.memory_space<hbm>>) dst(%arg14 : memref<80x128xf32, #tpu.memory_space<vmem>>)
    "tpu.region"() ({
      %run_scoped3A = tpu.sem_alloc : memref<!tpu.dma_semaphore, #tpu.memory_space<semaphore_mem>>
      %dma_start3A_53 = arith.constant 0 : i32
      %dma_start3A_54 = arith.constant 0 : i32
      %dma_start3A_55 = tpu.memref_slice %arg6[%dma_start3A_53, %dma_start3A_54] : memref<10000x128xf32, #tpu.memory_space<vmem_shared>> -> memref<10000x128xf32, #tpu.memory_space<vmem_shared>>
      tpu.enqueue_indirect_dma source(%arg14 : memref<80x128xf32, #tpu.memory_space<vmem>>) target(%dma_start3A_55 : memref<10000x128xf32, #tpu.memory_space<vmem_shared>>) offsets(%arg11 : memref<80xi32, #tpu.memory_space<vmem>>) semaphore(%run_scoped3A : memref<!tpu.dma_semaphore, #tpu.memory_space<semaphore_mem>>) {add = true}
      %dma_wait3A_56 = arith.constant 0 : i32
      %dma_wait3A_57 = arith.constant 0 : i32
      %dma_wait3A_58 = tpu.memref_slice %arg6[%dma_wait3A_56, %dma_wait3A_57] : memref<10000x128xf32, #tpu.memory_space<vmem_shared>> -> memref<10000x128xf32, #tpu.memory_space<vmem_shared>>
      tpu.wait_indirect_dma semaphore(%run_scoped3A : memref<!tpu.dma_semaphore, #tpu.memory_space<semaphore_mem>>) src(%arg14 : memref<80x128xf32, #tpu.memory_space<vmem>>) dst(%dma_wait3A_58 : memref<10000x128xf32, #tpu.memory_space<vmem_shared>>)
      tpu.yield
    }) : () -> ()
    %barrier3A_47 = arith.constant 0 : index
    tpu.barrier barrier_id(%barrier3A_47)
    "tpu.region"() ({
      %run_scoped3A = tpu.sem_alloc : memref<!tpu.dma_semaphore, #tpu.memory_space<semaphore_mem>>
      %dma_start3A_53 = arith.constant 0 : i32
      %dma_start3A_54 = tpu.memref_slice %arg5[%arg0, %mul3A_0, %dma_start3A_53] : memref<2x10000x128xf32, #tpu.memory_space<hbm>> -> memref<1x624x128xf32, #tpu.memory_space<hbm>>
      %dma_start3A_55 = tpu.memref_squeeze %dma_start3A_54 : memref<1x624x128xf32, #tpu.memory_space<hbm>> -> memref<624x128xf32, #tpu.memory_space<hbm>>
      %dma_start3A_56 = arith.constant 0 : i32
      %dma_start3A_57 = tpu.memref_slice %arg6[%mul3A_0, %dma_start3A_56] : memref<10000x128xf32, #tpu.memory_space<vmem_shared>> -> memref<624x128xf32, #tpu.memory_space<vmem_shared>>
      tpu.enqueue_dma source(%dma_start3A_57 : memref<624x128xf32, #tpu.memory_space<vmem_shared>>) target(%dma_start3A_55 : memref<624x128xf32, #tpu.memory_space<hbm>>) target_semaphore(%run_scoped3A : memref<!tpu.dma_semaphore, #tpu.memory_space<semaphore_mem>>)
      %dma_wait3A_58 = arith.constant 0 : i32
      %dma_wait3A_59 = tpu.memref_slice %arg5[%arg0, %mul3A_0, %dma_wait3A_58] : memref<2x10000x128xf32, #tpu.memory_space<hbm>> -> memref<1x624x128xf32, #tpu.memory_space<hbm>>
      %dma_wait3A_60 = tpu.memref_squeeze %dma_wait3A_59 : memref<1x624x128xf32, #tpu.memory_space<hbm>> -> memref<624x128xf32, #tpu.memory_space<hbm>>
      %dma_wait3A_61 = arith.constant 0 : i32
      %dma_wait3A_62 = tpu.memref_slice %arg6[%mul3A_0, %dma_wait3A_61] : memref<10000x128xf32, #tpu.memory_space<vmem_shared>> -> memref<624x128xf32, #tpu.memory_space<vmem_shared>>
      tpu.wait_dma2 semaphore(%run_scoped3A : memref<!tpu.dma_semaphore, #tpu.memory_space<semaphore_mem>>) src(%dma_wait3A_62 : memref<624x128xf32, #tpu.memory_space<vmem_shared>>) dst(%dma_wait3A_60 : memref<624x128xf32, #tpu.memory_space<hbm>>)
      tpu.yield
    }) : () -> ()
    %eq3A_48 = arith.constant 0 : i32
    %eq3A_49 = arith.cmpi eq, %arg1, %eq3A_48 : i32
    %convert_element_type3A_50 = arith.extui %eq3A_49 : i1 to i32
    %cond3A_51 = arith.constant 0 : i32
    %cond3A_52 = arith.cmpi ne, %convert_element_type3A_50, %cond3A_51 : i32
    scf.if %cond3A_52 {
      "tpu.region"() ({
        %run_scoped3A = tpu.sem_alloc : memref<!tpu.dma_semaphore, #tpu.memory_space<semaphore_mem>>
        %dma_start3A_53 = arith.constant 9984 : i32
        %dma_start3A_54 = arith.constant 0 : i32
        %dma_start3A_55 = tpu.memref_slice %arg5[%arg0, %dma_start3A_53, %dma_start3A_54] : memref<2x10000x128xf32, #tpu.memory_space<hbm>> -> memref<1x16x128xf32, #tpu.memory_space<hbm>>
        %dma_start3A_56 = tpu.memref_squeeze %dma_start3A_55 : memref<1x16x128xf32, #tpu.memory_space<hbm>> -> memref<16x128xf32, #tpu.memory_space<hbm>>
        %dma_start3A_57 = arith.constant 9984 : i32
        %dma_start3A_58 = arith.constant 0 : i32
        %dma_start3A_59 = tpu.memref_slice %arg6[%dma_start3A_57, %dma_start3A_58] : memref<10000x128xf32, #tpu.memory_space<vmem_shared>> -> memref<16x128xf32, #tpu.memory_space<vmem_shared>>
        tpu.enqueue_dma source(%dma_start3A_59 : memref<16x128xf32, #tpu.memory_space<vmem_shared>>) target(%dma_start3A_56 : memref<16x128xf32, #tpu.memory_space<hbm>>) target_semaphore(%run_scoped3A : memref<!tpu.dma_semaphore, #tpu.memory_space<semaphore_mem>>)
        %dma_wait3A_60 = arith.constant 9984 : i32
        %dma_wait3A_61 = arith.constant 0 : i32
        %dma_wait3A_62 = tpu.memref_slice %arg5[%arg0, %dma_wait3A_60, %dma_wait3A_61] : memref<2x10000x128xf32, #tpu.memory_space<hbm>> -> memref<1x16x128xf32, #tpu.memory_space<hbm>>
        %dma_wait3A_63 = tpu.memref_squeeze %dma_wait3A_62 : memref<1x16x128xf32, #tpu.memory_space<hbm>> -> memref<16x128xf32, #tpu.memory_space<hbm>>
        %dma_wait3A_64 = arith.constant 9984 : i32
        %dma_wait3A_65 = arith.constant 0 : i32
        %dma_wait3A_66 = tpu.memref_slice %arg6[%dma_wait3A_64, %dma_wait3A_65] : memref<10000x128xf32, #tpu.memory_space<vmem_shared>> -> memref<16x128xf32, #tpu.memory_space<vmem_shared>>
        tpu.wait_dma2 semaphore(%run_scoped3A : memref<!tpu.dma_semaphore, #tpu.memory_space<semaphore_mem>>) src(%dma_wait3A_66 : memref<16x128xf32, #tpu.memory_space<vmem_shared>>) dst(%dma_wait3A_63 : memref<16x128xf32, #tpu.memory_space<hbm>>)
        tpu.yield
      }) : () -> ()
    } else {
    }
    return
  }
}

#map = affine_map<(d0, d1) -> (0)>
#map1 = affine_map<(d0, d1) -> (0, 0)>
#map2 = affine_map<(d0, d1) -> (0, 0, 0)>
module attributes {stable_mosaic.version = 14 : i64} {
  func.func @_edge_kernel(%arg0: i32, %arg1: i32, %arg2: memref<320000xi32, #tpu.memory_space<hbm>>, %arg3: memref<320000xi32, #tpu.memory_space<hbm>>, %arg4: memref<10000x128xf32, #tpu.memory_space<hbm>>, %arg5: memref<2x10000x128xf32, #tpu.memory_space<hbm>>, %arg6: memref<10000x128xf32, #tpu.memory_space<vmem_shared>>, %arg7: memref<80xi32, #tpu.memory_space<vmem>>, %arg8: memref<80xi32, #tpu.memory_space<vmem>>, %arg9: memref<80xi32, #tpu.memory_space<vmem>>, %arg10: memref<80xi32, #tpu.memory_space<vmem>>, %arg11: memref<80xi32, #tpu.memory_space<vmem>>, %arg12: memref<80xi32, #tpu.memory_space<vmem>>, %arg13: memref<80x128xf32, #tpu.memory_space<vmem>>, %arg14: memref<80x128xf32, #tpu.memory_space<vmem>>, %arg15: memref<80x128xf32, #tpu.memory_space<vmem>>, %arg16: memref<!tpu.dma_semaphore, #tpu.memory_space<semaphore_mem>>, %arg17: memref<!tpu.dma_semaphore, #tpu.memory_space<semaphore_mem>>, %arg18: memref<!tpu.dma_semaphore, #tpu.memory_space<semaphore_mem>>) attributes {dimension_semantics = [#tpu.dimension_semantics<core_parallel>, #tpu.dimension_semantics<subcore_parallel>], iteration_bounds = array<i64: 2, 16>, scalar_prefetch = 0 : i64, scratch_operands = 13 : i64, tpu.core_type = #tpu.core_type<sc_vector_subcore>, window_params = [{transform_indices = #map}, {transform_indices = #map}, {transform_indices = #map1}, {transform_indices = #map2}]} {
    %mul3A = arith.constant 624 : i32
    %mul3A_0 = arith.muli %arg1, %mul3A : i32
    %scan3A = arith.constant 0 : i32
    %scan3A_1 = arith.constant 80 : i32
    %scan3A_2 = arith.addi %scan3A, %scan3A_1 : i32
    %scan3A_3 = arith.constant 4 : i32
    scf.for %scan3A_53 = %scan3A to %scan3A_2 step %scan3A_3  : i32 {
      %mul3A_54 = arith.constant 1 : i32
      %mul3A_55 = arith.muli %scan3A_53, %mul3A_54 : i32
      %add3A_56 = arith.constant 0 : i32
      %add3A_57 = arith.addi %add3A_56, %mul3A_55 : i32
      %broadcast_in_dim3A = arith.constant 0.000000e+00 : f32
      %broadcast_in_dim3A_58 = vector.broadcast %broadcast_in_dim3A : f32 to vector<16xf32>
      %swap3A = arith.index_cast %add3A_57 : i32 to index
      %swap3A_59 = arith.constant 0 : index
      %swap3A_60 = tpu.vector_load %arg13[%swap3A, %swap3A_59] {strides = array<i32>} : memref<80x128xf32, #tpu.memory_space<vmem>>, vector<1x16xf32>,
      %swap3A_61 = vector.shape_cast %swap3A_60 : vector<1x16xf32> to vector<16xf32>
      %swap3A_62 = vector.shape_cast %broadcast_in_dim3A_58 : vector<16xf32> to vector<1x16xf32>
      tpu.vector_store %arg13[%swap3A, %swap3A_59], %swap3A_62 {strides = array<i32>} : memref<80x128xf32, #tpu.memory_space<vmem>>, vector<1x16xf32>,
      %broadcast_in_dim3A_63 = arith.constant 0.000000e+00 : f32
      %broadcast_in_dim3A_64 = vector.broadcast %broadcast_in_dim3A_63 : f32 to vector<16xf32>
      %swap3A_65 = arith.index_cast %add3A_57 : i32 to index
      %swap3A_66 = arith.constant 16 : index
      %swap3A_67 = tpu.vector_load %arg13[%swap3A_65, %swap3A_66] {strides = array<i32>} : memref<80x128xf32, #tpu.memory_space<vmem>>, vector<1x16xf32>,
      %swap3A_68 = vector.shape_cast %swap3A_67 : vector<1x16xf32> to vector<16xf32>
      %swap3A_69 = vector.shape_cast %broadcast_in_dim3A_64 : vector<16xf32> to vector<1x16xf32>
      tpu.vector_store %arg13[%swap3A_65, %swap3A_66], %swap3A_69 {strides = array<i32>} : memref<80x128xf32, #tpu.memory_space<vmem>>, vector<1x16xf32>,
      %broadcast_in_dim3A_70 = arith.constant 0.000000e+00 : f32
      %broadcast_in_dim3A_71 = vector.broadcast %broadcast_in_dim3A_70 : f32 to vector<16xf32>
      %swap3A_72 = arith.index_cast %add3A_57 : i32 to index
      %swap3A_73 = arith.constant 32 : index
      %swap3A_74 = tpu.vector_load %arg13[%swap3A_72, %swap3A_73] {strides = array<i32>} : memref<80x128xf32, #tpu.memory_space<vmem>>, vector<1x16xf32>,
      %swap3A_75 = vector.shape_cast %swap3A_74 : vector<1x16xf32> to vector<16xf32>
      %swap3A_76 = vector.shape_cast %broadcast_in_dim3A_71 : vector<16xf32> to vector<1x16xf32>
      tpu.vector_store %arg13[%swap3A_72, %swap3A_73], %swap3A_76 {strides = array<i32>} : memref<80x128xf32, #tpu.memory_space<vmem>>, vector<1x16xf32>,
      %broadcast_in_dim3A_77 = arith.constant 0.000000e+00 : f32
      %broadcast_in_dim3A_78 = vector.broadcast %broadcast_in_dim3A_77 : f32 to vector<16xf32>
      %swap3A_79 = arith.index_cast %add3A_57 : i32 to index
      %swap3A_80 = arith.constant 48 : index
      %swap3A_81 = tpu.vector_load %arg13[%swap3A_79, %swap3A_80] {strides = array<i32>} : memref<80x128xf32, #tpu.memory_space<vmem>>, vector<1x16xf32>,
      %swap3A_82 = vector.shape_cast %swap3A_81 : vector<1x16xf32> to vector<16xf32>
      %swap3A_83 = vector.shape_cast %broadcast_in_dim3A_78 : vector<16xf32> to vector<1x16xf32>
      tpu.vector_store %arg13[%swap3A_79, %swap3A_80], %swap3A_83 {strides = array<i32>} : memref<80x128xf32, #tpu.memory_space<vmem>>, vector<1x16xf32>,
      %broadcast_in_dim3A_84 = arith.constant 0.000000e+00 : f32
      %broadcast_in_dim3A_85 = vector.broadcast %broadcast_in_dim3A_84 : f32 to vector<16xf32>
      %swap3A_86 = arith.index_cast %add3A_57 : i32 to index
      %swap3A_87 = arith.constant 64 : index
      %swap3A_88 = tpu.vector_load %arg13[%swap3A_86, %swap3A_87] {strides = array<i32>} : memref<80x128xf32, #tpu.memory_space<vmem>>, vector<1x16xf32>,
      %swap3A_89 = vector.shape_cast %swap3A_88 : vector<1x16xf32> to vector<16xf32>
      %swap3A_90 = vector.shape_cast %broadcast_in_dim3A_85 : vector<16xf32> to vector<1x16xf32>
      tpu.vector_store %arg13[%swap3A_86, %swap3A_87], %swap3A_90 {strides = array<i32>} : memref<80x128xf32, #tpu.memory_space<vmem>>, vector<1x16xf32>,
      %broadcast_in_dim3A_91 = arith.constant 0.000000e+00 : f32
      %broadcast_in_dim3A_92 = vector.broadcast %broadcast_in_dim3A_91 : f32 to vector<16xf32>
      %swap3A_93 = arith.index_cast %add3A_57 : i32 to index
      %swap3A_94 = arith.constant 80 : index
      %swap3A_95 = tpu.vector_load %arg13[%swap3A_93, %swap3A_94] {strides = array<i32>} : memref<80x128xf32, #tpu.memory_space<vmem>>, vector<1x16xf32>,
      %swap3A_96 = vector.shape_cast %swap3A_95 : vector<1x16xf32> to vector<16xf32>
      %swap3A_97 = vector.shape_cast %broadcast_in_dim3A_92 : vector<16xf32> to vector<1x16xf32>
      tpu.vector_store %arg13[%swap3A_93, %swap3A_94], %swap3A_97 {strides = array<i32>} : memref<80x128xf32, #tpu.memory_space<vmem>>, vector<1x16xf32>,
      %broadcast_in_dim3A_98 = arith.constant 0.000000e+00 : f32
      %broadcast_in_dim3A_99 = vector.broadcast %broadcast_in_dim3A_98 : f32 to vector<16xf32>
      %swap3A_100 = arith.index_cast %add3A_57 : i32 to index
      %swap3A_101 = arith.constant 96 : index
      %swap3A_102 = tpu.vector_load %arg13[%swap3A_100, %swap3A_101] {strides = array<i32>} : memref<80x128xf32, #tpu.memory_space<vmem>>, vector<1x16xf32>,
      %swap3A_103 = vector.shape_cast %swap3A_102 : vector<1x16xf32> to vector<16xf32>
      %swap3A_104 = vector.shape_cast %broadcast_in_dim3A_99 : vector<16xf32> to vector<1x16xf32>
      tpu.vector_store %arg13[%swap3A_100, %swap3A_101], %swap3A_104 {strides = array<i32>} : memref<80x128xf32, #tpu.memory_space<vmem>>, vector<1x16xf32>,
      %broadcast_in_dim3A_105 = arith.constant 0.000000e+00 : f32
      %broadcast_in_dim3A_106 = vector.broadcast %broadcast_in_dim3A_105 : f32 to vector<16xf32>
      %swap3A_107 = arith.index_cast %add3A_57 : i32 to index
      %swap3A_108 = arith.constant 112 : index
      %swap3A_109 = tpu.vector_load %arg13[%swap3A_107, %swap3A_108] {strides = array<i32>} : memref<80x128xf32, #tpu.memory_space<vmem>>, vector<1x16xf32>,
      %swap3A_110 = vector.shape_cast %swap3A_109 : vector<1x16xf32> to vector<16xf32>
      %swap3A_111 = vector.shape_cast %broadcast_in_dim3A_106 : vector<16xf32> to vector<1x16xf32>
      tpu.vector_store %arg13[%swap3A_107, %swap3A_108], %swap3A_111 {strides = array<i32>} : memref<80x128xf32, #tpu.memory_space<vmem>>, vector<1x16xf32>,
      %scan3A_112 = arith.constant 1 : i32
      %scan3A_113 = arith.addi %scan3A_53, %scan3A_112 : i32
      %mul3A_114 = arith.constant 1 : i32
      %mul3A_115 = arith.muli %scan3A_113, %mul3A_114 : i32
      %add3A_116 = arith.constant 0 : i32
      %add3A_117 = arith.addi %add3A_116, %mul3A_115 : i32
      %broadcast_in_dim3A_118 = arith.constant 0.000000e+00 : f32
      %broadcast_in_dim3A_119 = vector.broadcast %broadcast_in_dim3A_118 : f32 to vector<16xf32>
      %swap3A_120 = arith.index_cast %add3A_117 : i32 to index
      %swap3A_121 = arith.constant 0 : index
      %swap3A_122 = tpu.vector_load %arg13[%swap3A_120, %swap3A_121] {strides = array<i32>} : memref<80x128xf32, #tpu.memory_space<vmem>>, vector<1x16xf32>,
      %swap3A_123 = vector.shape_cast %swap3A_122 : vector<1x16xf32> to vector<16xf32>
      %swap3A_124 = vector.shape_cast %broadcast_in_dim3A_119 : vector<16xf32> to vector<1x16xf32>
      tpu.vector_store %arg13[%swap3A_120, %swap3A_121], %swap3A_124 {strides = array<i32>} : memref<80x128xf32, #tpu.memory_space<vmem>>, vector<1x16xf32>,
      %broadcast_in_dim3A_125 = arith.constant 0.000000e+00 : f32
      %broadcast_in_dim3A_126 = vector.broadcast %broadcast_in_dim3A_125 : f32 to vector<16xf32>
      %swap3A_127 = arith.index_cast %add3A_117 : i32 to index
      %swap3A_128 = arith.constant 16 : index
      %swap3A_129 = tpu.vector_load %arg13[%swap3A_127, %swap3A_128] {strides = array<i32>} : memref<80x128xf32, #tpu.memory_space<vmem>>, vector<1x16xf32>,
      %swap3A_130 = vector.shape_cast %swap3A_129 : vector<1x16xf32> to vector<16xf32>
      %swap3A_131 = vector.shape_cast %broadcast_in_dim3A_126 : vector<16xf32> to vector<1x16xf32>
      tpu.vector_store %arg13[%swap3A_127, %swap3A_128], %swap3A_131 {strides = array<i32>} : memref<80x128xf32, #tpu.memory_space<vmem>>, vector<1x16xf32>,
      %broadcast_in_dim3A_132 = arith.constant 0.000000e+00 : f32
      %broadcast_in_dim3A_133 = vector.broadcast %broadcast_in_dim3A_132 : f32 to vector<16xf32>
      %swap3A_134 = arith.index_cast %add3A_117 : i32 to index
      %swap3A_135 = arith.constant 32 : index
      %swap3A_136 = tpu.vector_load %arg13[%swap3A_134, %swap3A_135] {strides = array<i32>} : memref<80x128xf32, #tpu.memory_space<vmem>>, vector<1x16xf32>,
      %swap3A_137 = vector.shape_cast %swap3A_136 : vector<1x16xf32> to vector<16xf32>
      %swap3A_138 = vector.shape_cast %broadcast_in_dim3A_133 : vector<16xf32> to vector<1x16xf32>
      tpu.vector_store %arg13[%swap3A_134, %swap3A_135], %swap3A_138 {strides = array<i32>} : memref<80x128xf32, #tpu.memory_space<vmem>>, vector<1x16xf32>,
      %broadcast_in_dim3A_139 = arith.constant 0.000000e+00 : f32
      %broadcast_in_dim3A_140 = vector.broadcast %broadcast_in_dim3A_139 : f32 to vector<16xf32>
      %swap3A_141 = arith.index_cast %add3A_117 : i32 to index
      %swap3A_142 = arith.constant 48 : index
      %swap3A_143 = tpu.vector_load %arg13[%swap3A_141, %swap3A_142] {strides = array<i32>} : memref<80x128xf32, #tpu.memory_space<vmem>>, vector<1x16xf32>,
      %swap3A_144 = vector.shape_cast %swap3A_143 : vector<1x16xf32> to vector<16xf32>
      %swap3A_145 = vector.shape_cast %broadcast_in_dim3A_140 : vector<16xf32> to vector<1x16xf32>
      tpu.vector_store %arg13[%swap3A_141, %swap3A_142], %swap3A_145 {strides = array<i32>} : memref<80x128xf32, #tpu.memory_space<vmem>>, vector<1x16xf32>,
      %broadcast_in_dim3A_146 = arith.constant 0.000000e+00 : f32
      %broadcast_in_dim3A_147 = vector.broadcast %broadcast_in_dim3A_146 : f32 to vector<16xf32>
      %swap3A_148 = arith.index_cast %add3A_117 : i32 to index
      %swap3A_149 = arith.constant 64 : index
      %swap3A_150 = tpu.vector_load %arg13[%swap3A_148, %swap3A_149] {strides = array<i32>} : memref<80x128xf32, #tpu.memory_space<vmem>>, vector<1x16xf32>,
      %swap3A_151 = vector.shape_cast %swap3A_150 : vector<1x16xf32> to vector<16xf32>
      %swap3A_152 = vector.shape_cast %broadcast_in_dim3A_147 : vector<16xf32> to vector<1x16xf32>
      tpu.vector_store %arg13[%swap3A_148, %swap3A_149], %swap3A_152 {strides = array<i32>} : memref<80x128xf32, #tpu.memory_space<vmem>>, vector<1x16xf32>,
      %broadcast_in_dim3A_153 = arith.constant 0.000000e+00 : f32
      %broadcast_in_dim3A_154 = vector.broadcast %broadcast_in_dim3A_153 : f32 to vector<16xf32>
      %swap3A_155 = arith.index_cast %add3A_117 : i32 to index
      %swap3A_156 = arith.constant 80 : index
      %swap3A_157 = tpu.vector_load %arg13[%swap3A_155, %swap3A_156] {strides = array<i32>} : memref<80x128xf32, #tpu.memory_space<vmem>>, vector<1x16xf32>,
      %swap3A_158 = vector.shape_cast %swap3A_157 : vector<1x16xf32> to vector<16xf32>
      %swap3A_159 = vector.shape_cast %broadcast_in_dim3A_154 : vector<16xf32> to vector<1x16xf32>
      tpu.vector_store %arg13[%swap3A_155, %swap3A_156], %swap3A_159 {strides = array<i32>} : memref<80x128xf32, #tpu.memory_space<vmem>>, vector<1x16xf32>,
      %broadcast_in_dim3A_160 = arith.constant 0.000000e+00 : f32
      %broadcast_in_dim3A_161 = vector.broadcast %broadcast_in_dim3A_160 : f32 to vector<16xf32>
      %swap3A_162 = arith.index_cast %add3A_117 : i32 to index
      %swap3A_163 = arith.constant 96 : index
      %swap3A_164 = tpu.vector_load %arg13[%swap3A_162, %swap3A_163] {strides = array<i32>} : memref<80x128xf32, #tpu.memory_space<vmem>>, vector<1x16xf32>,
      %swap3A_165 = vector.shape_cast %swap3A_164 : vector<1x16xf32> to vector<16xf32>
      %swap3A_166 = vector.shape_cast %broadcast_in_dim3A_161 : vector<16xf32> to vector<1x16xf32>
      tpu.vector_store %arg13[%swap3A_162, %swap3A_163], %swap3A_166 {strides = array<i32>} : memref<80x128xf32, #tpu.memory_space<vmem>>, vector<1x16xf32>,
      %broadcast_in_dim3A_167 = arith.constant 0.000000e+00 : f32
      %broadcast_in_dim3A_168 = vector.broadcast %broadcast_in_dim3A_167 : f32 to vector<16xf32>
      %swap3A_169 = arith.index_cast %add3A_117 : i32 to index
      %swap3A_170 = arith.constant 112 : index
      %swap3A_171 = tpu.vector_load %arg13[%swap3A_169, %swap3A_170] {strides = array<i32>} : memref<80x128xf32, #tpu.memory_space<vmem>>, vector<1x16xf32>,
      %swap3A_172 = vector.shape_cast %swap3A_171 : vector<1x16xf32> to vector<16xf32>
      %swap3A_173 = vector.shape_cast %broadcast_in_dim3A_168 : vector<16xf32> to vector<1x16xf32>
      tpu.vector_store %arg13[%swap3A_169, %swap3A_170], %swap3A_173 {strides = array<i32>} : memref<80x128xf32, #tpu.memory_space<vmem>>, vector<1x16xf32>,
      %scan3A_174 = arith.constant 2 : i32
      %scan3A_175 = arith.addi %scan3A_53, %scan3A_174 : i32
      %mul3A_176 = arith.constant 1 : i32
      %mul3A_177 = arith.muli %scan3A_175, %mul3A_176 : i32
      %add3A_178 = arith.constant 0 : i32
      %add3A_179 = arith.addi %add3A_178, %mul3A_177 : i32
      %broadcast_in_dim3A_180 = arith.constant 0.000000e+00 : f32
      %broadcast_in_dim3A_181 = vector.broadcast %broadcast_in_dim3A_180 : f32 to vector<16xf32>
      %swap3A_182 = arith.index_cast %add3A_179 : i32 to index
      %swap3A_183 = arith.constant 0 : index
      %swap3A_184 = tpu.vector_load %arg13[%swap3A_182, %swap3A_183] {strides = array<i32>} : memref<80x128xf32, #tpu.memory_space<vmem>>, vector<1x16xf32>,
      %swap3A_185 = vector.shape_cast %swap3A_184 : vector<1x16xf32> to vector<16xf32>
      %swap3A_186 = vector.shape_cast %broadcast_in_dim3A_181 : vector<16xf32> to vector<1x16xf32>
      tpu.vector_store %arg13[%swap3A_182, %swap3A_183], %swap3A_186 {strides = array<i32>} : memref<80x128xf32, #tpu.memory_space<vmem>>, vector<1x16xf32>,
      %broadcast_in_dim3A_187 = arith.constant 0.000000e+00 : f32
      %broadcast_in_dim3A_188 = vector.broadcast %broadcast_in_dim3A_187 : f32 to vector<16xf32>
      %swap3A_189 = arith.index_cast %add3A_179 : i32 to index
      %swap3A_190 = arith.constant 16 : index
      %swap3A_191 = tpu.vector_load %arg13[%swap3A_189, %swap3A_190] {strides = array<i32>} : memref<80x128xf32, #tpu.memory_space<vmem>>, vector<1x16xf32>,
      %swap3A_192 = vector.shape_cast %swap3A_191 : vector<1x16xf32> to vector<16xf32>
      %swap3A_193 = vector.shape_cast %broadcast_in_dim3A_188 : vector<16xf32> to vector<1x16xf32>
      tpu.vector_store %arg13[%swap3A_189, %swap3A_190], %swap3A_193 {strides = array<i32>} : memref<80x128xf32, #tpu.memory_space<vmem>>, vector<1x16xf32>,
      %broadcast_in_dim3A_194 = arith.constant 0.000000e+00 : f32
      %broadcast_in_dim3A_195 = vector.broadcast %broadcast_in_dim3A_194 : f32 to vector<16xf32>
      %swap3A_196 = arith.index_cast %add3A_179 : i32 to index
      %swap3A_197 = arith.constant 32 : index
      %swap3A_198 = tpu.vector_load %arg13[%swap3A_196, %swap3A_197] {strides = array<i32>} : memref<80x128xf32, #tpu.memory_space<vmem>>, vector<1x16xf32>,
      %swap3A_199 = vector.shape_cast %swap3A_198 : vector<1x16xf32> to vector<16xf32>
      %swap3A_200 = vector.shape_cast %broadcast_in_dim3A_195 : vector<16xf32> to vector<1x16xf32>
      tpu.vector_store %arg13[%swap3A_196, %swap3A_197], %swap3A_200 {strides = array<i32>} : memref<80x128xf32, #tpu.memory_space<vmem>>, vector<1x16xf32>,
      %broadcast_in_dim3A_201 = arith.constant 0.000000e+00 : f32
      %broadcast_in_dim3A_202 = vector.broadcast %broadcast_in_dim3A_201 : f32 to vector<16xf32>
      %swap3A_203 = arith.index_cast %add3A_179 : i32 to index
      %swap3A_204 = arith.constant 48 : index
      %swap3A_205 = tpu.vector_load %arg13[%swap3A_203, %swap3A_204] {strides = array<i32>} : memref<80x128xf32, #tpu.memory_space<vmem>>, vector<1x16xf32>,
      %swap3A_206 = vector.shape_cast %swap3A_205 : vector<1x16xf32> to vector<16xf32>
      %swap3A_207 = vector.shape_cast %broadcast_in_dim3A_202 : vector<16xf32> to vector<1x16xf32>
      tpu.vector_store %arg13[%swap3A_203, %swap3A_204], %swap3A_207 {strides = array<i32>} : memref<80x128xf32, #tpu.memory_space<vmem>>, vector<1x16xf32>,
      %broadcast_in_dim3A_208 = arith.constant 0.000000e+00 : f32
      %broadcast_in_dim3A_209 = vector.broadcast %broadcast_in_dim3A_208 : f32 to vector<16xf32>
      %swap3A_210 = arith.index_cast %add3A_179 : i32 to index
      %swap3A_211 = arith.constant 64 : index
      %swap3A_212 = tpu.vector_load %arg13[%swap3A_210, %swap3A_211] {strides = array<i32>} : memref<80x128xf32, #tpu.memory_space<vmem>>, vector<1x16xf32>,
      %swap3A_213 = vector.shape_cast %swap3A_212 : vector<1x16xf32> to vector<16xf32>
      %swap3A_214 = vector.shape_cast %broadcast_in_dim3A_209 : vector<16xf32> to vector<1x16xf32>
      tpu.vector_store %arg13[%swap3A_210, %swap3A_211], %swap3A_214 {strides = array<i32>} : memref<80x128xf32, #tpu.memory_space<vmem>>, vector<1x16xf32>,
      %broadcast_in_dim3A_215 = arith.constant 0.000000e+00 : f32
      %broadcast_in_dim3A_216 = vector.broadcast %broadcast_in_dim3A_215 : f32 to vector<16xf32>
      %swap3A_217 = arith.index_cast %add3A_179 : i32 to index
      %swap3A_218 = arith.constant 80 : index
      %swap3A_219 = tpu.vector_load %arg13[%swap3A_217, %swap3A_218] {strides = array<i32>} : memref<80x128xf32, #tpu.memory_space<vmem>>, vector<1x16xf32>,
      %swap3A_220 = vector.shape_cast %swap3A_219 : vector<1x16xf32> to vector<16xf32>
      %swap3A_221 = vector.shape_cast %broadcast_in_dim3A_216 : vector<16xf32> to vector<1x16xf32>
      tpu.vector_store %arg13[%swap3A_217, %swap3A_218], %swap3A_221 {strides = array<i32>} : memref<80x128xf32, #tpu.memory_space<vmem>>, vector<1x16xf32>,
      %broadcast_in_dim3A_222 = arith.constant 0.000000e+00 : f32
      %broadcast_in_dim3A_223 = vector.broadcast %broadcast_in_dim3A_222 : f32 to vector<16xf32>
      %swap3A_224 = arith.index_cast %add3A_179 : i32 to index
      %swap3A_225 = arith.constant 96 : index
      %swap3A_226 = tpu.vector_load %arg13[%swap3A_224, %swap3A_225] {strides = array<i32>} : memref<80x128xf32, #tpu.memory_space<vmem>>, vector<1x16xf32>,
      %swap3A_227 = vector.shape_cast %swap3A_226 : vector<1x16xf32> to vector<16xf32>
      %swap3A_228 = vector.shape_cast %broadcast_in_dim3A_223 : vector<16xf32> to vector<1x16xf32>
      tpu.vector_store %arg13[%swap3A_224, %swap3A_225], %swap3A_228 {strides = array<i32>} : memref<80x128xf32, #tpu.memory_space<vmem>>, vector<1x16xf32>,
      %broadcast_in_dim3A_229 = arith.constant 0.000000e+00 : f32
      %broadcast_in_dim3A_230 = vector.broadcast %broadcast_in_dim3A_229 : f32 to vector<16xf32>
      %swap3A_231 = arith.index_cast %add3A_179 : i32 to index
      %swap3A_232 = arith.constant 112 : index
      %swap3A_233 = tpu.vector_load %arg13[%swap3A_231, %swap3A_232] {strides = array<i32>} : memref<80x128xf32, #tpu.memory_space<vmem>>, vector<1x16xf32>,
      %swap3A_234 = vector.shape_cast %swap3A_233 : vector<1x16xf32> to vector<16xf32>
      %swap3A_235 = vector.shape_cast %broadcast_in_dim3A_230 : vector<16xf32> to vector<1x16xf32>
      tpu.vector_store %arg13[%swap3A_231, %swap3A_232], %swap3A_235 {strides = array<i32>} : memref<80x128xf32, #tpu.memory_space<vmem>>, vector<1x16xf32>,
      %scan3A_236 = arith.constant 3 : i32
      %scan3A_237 = arith.addi %scan3A_53, %scan3A_236 : i32
      %mul3A_238 = arith.constant 1 : i32
      %mul3A_239 = arith.muli %scan3A_237, %mul3A_238 : i32
      %add3A_240 = arith.constant 0 : i32
      %add3A_241 = arith.addi %add3A_240, %mul3A_239 : i32
      %broadcast_in_dim3A_242 = arith.constant 0.000000e+00 : f32
      %broadcast_in_dim3A_243 = vector.broadcast %broadcast_in_dim3A_242 : f32 to vector<16xf32>
      %swap3A_244 = arith.index_cast %add3A_241 : i32 to index
      %swap3A_245 = arith.constant 0 : index
      %swap3A_246 = tpu.vector_load %arg13[%swap3A_244, %swap3A_245] {strides = array<i32>} : memref<80x128xf32, #tpu.memory_space<vmem>>, vector<1x16xf32>,
      %swap3A_247 = vector.shape_cast %swap3A_246 : vector<1x16xf32> to vector<16xf32>
      %swap3A_248 = vector.shape_cast %broadcast_in_dim3A_243 : vector<16xf32> to vector<1x16xf32>
      tpu.vector_store %arg13[%swap3A_244, %swap3A_245], %swap3A_248 {strides = array<i32>} : memref<80x128xf32, #tpu.memory_space<vmem>>, vector<1x16xf32>,
      %broadcast_in_dim3A_249 = arith.constant 0.000000e+00 : f32
      %broadcast_in_dim3A_250 = vector.broadcast %broadcast_in_dim3A_249 : f32 to vector<16xf32>
      %swap3A_251 = arith.index_cast %add3A_241 : i32 to index
      %swap3A_252 = arith.constant 16 : index
      %swap3A_253 = tpu.vector_load %arg13[%swap3A_251, %swap3A_252] {strides = array<i32>} : memref<80x128xf32, #tpu.memory_space<vmem>>, vector<1x16xf32>,
      %swap3A_254 = vector.shape_cast %swap3A_253 : vector<1x16xf32> to vector<16xf32>
      %swap3A_255 = vector.shape_cast %broadcast_in_dim3A_250 : vector<16xf32> to vector<1x16xf32>
      tpu.vector_store %arg13[%swap3A_251, %swap3A_252], %swap3A_255 {strides = array<i32>} : memref<80x128xf32, #tpu.memory_space<vmem>>, vector<1x16xf32>,
      %broadcast_in_dim3A_256 = arith.constant 0.000000e+00 : f32
      %broadcast_in_dim3A_257 = vector.broadcast %broadcast_in_dim3A_256 : f32 to vector<16xf32>
      %swap3A_258 = arith.index_cast %add3A_241 : i32 to index
      %swap3A_259 = arith.constant 32 : index
      %swap3A_260 = tpu.vector_load %arg13[%swap3A_258, %swap3A_259] {strides = array<i32>} : memref<80x128xf32, #tpu.memory_space<vmem>>, vector<1x16xf32>,
      %swap3A_261 = vector.shape_cast %swap3A_260 : vector<1x16xf32> to vector<16xf32>
      %swap3A_262 = vector.shape_cast %broadcast_in_dim3A_257 : vector<16xf32> to vector<1x16xf32>
      tpu.vector_store %arg13[%swap3A_258, %swap3A_259], %swap3A_262 {strides = array<i32>} : memref<80x128xf32, #tpu.memory_space<vmem>>, vector<1x16xf32>,
      %broadcast_in_dim3A_263 = arith.constant 0.000000e+00 : f32
      %broadcast_in_dim3A_264 = vector.broadcast %broadcast_in_dim3A_263 : f32 to vector<16xf32>
      %swap3A_265 = arith.index_cast %add3A_241 : i32 to index
      %swap3A_266 = arith.constant 48 : index
      %swap3A_267 = tpu.vector_load %arg13[%swap3A_265, %swap3A_266] {strides = array<i32>} : memref<80x128xf32, #tpu.memory_space<vmem>>, vector<1x16xf32>,
      %swap3A_268 = vector.shape_cast %swap3A_267 : vector<1x16xf32> to vector<16xf32>
      %swap3A_269 = vector.shape_cast %broadcast_in_dim3A_264 : vector<16xf32> to vector<1x16xf32>
      tpu.vector_store %arg13[%swap3A_265, %swap3A_266], %swap3A_269 {strides = array<i32>} : memref<80x128xf32, #tpu.memory_space<vmem>>, vector<1x16xf32>,
      %broadcast_in_dim3A_270 = arith.constant 0.000000e+00 : f32
      %broadcast_in_dim3A_271 = vector.broadcast %broadcast_in_dim3A_270 : f32 to vector<16xf32>
      %swap3A_272 = arith.index_cast %add3A_241 : i32 to index
      %swap3A_273 = arith.constant 64 : index
      %swap3A_274 = tpu.vector_load %arg13[%swap3A_272, %swap3A_273] {strides = array<i32>} : memref<80x128xf32, #tpu.memory_space<vmem>>, vector<1x16xf32>,
      %swap3A_275 = vector.shape_cast %swap3A_274 : vector<1x16xf32> to vector<16xf32>
      %swap3A_276 = vector.shape_cast %broadcast_in_dim3A_271 : vector<16xf32> to vector<1x16xf32>
      tpu.vector_store %arg13[%swap3A_272, %swap3A_273], %swap3A_276 {strides = array<i32>} : memref<80x128xf32, #tpu.memory_space<vmem>>, vector<1x16xf32>,
      %broadcast_in_dim3A_277 = arith.constant 0.000000e+00 : f32
      %broadcast_in_dim3A_278 = vector.broadcast %broadcast_in_dim3A_277 : f32 to vector<16xf32>
      %swap3A_279 = arith.index_cast %add3A_241 : i32 to index
      %swap3A_280 = arith.constant 80 : index
      %swap3A_281 = tpu.vector_load %arg13[%swap3A_279, %swap3A_280] {strides = array<i32>} : memref<80x128xf32, #tpu.memory_space<vmem>>, vector<1x16xf32>,
      %swap3A_282 = vector.shape_cast %swap3A_281 : vector<1x16xf32> to vector<16xf32>
      %swap3A_283 = vector.shape_cast %broadcast_in_dim3A_278 : vector<16xf32> to vector<1x16xf32>
      tpu.vector_store %arg13[%swap3A_279, %swap3A_280], %swap3A_283 {strides = array<i32>} : memref<80x128xf32, #tpu.memory_space<vmem>>, vector<1x16xf32>,
      %broadcast_in_dim3A_284 = arith.constant 0.000000e+00 : f32
      %broadcast_in_dim3A_285 = vector.broadcast %broadcast_in_dim3A_284 : f32 to vector<16xf32>
      %swap3A_286 = arith.index_cast %add3A_241 : i32 to index
      %swap3A_287 = arith.constant 96 : index
      %swap3A_288 = tpu.vector_load %arg13[%swap3A_286, %swap3A_287] {strides = array<i32>} : memref<80x128xf32, #tpu.memory_space<vmem>>, vector<1x16xf32>,
      %swap3A_289 = vector.shape_cast %swap3A_288 : vector<1x16xf32> to vector<16xf32>
      %swap3A_290 = vector.shape_cast %broadcast_in_dim3A_285 : vector<16xf32> to vector<1x16xf32>
      tpu.vector_store %arg13[%swap3A_286, %swap3A_287], %swap3A_290 {strides = array<i32>} : memref<80x128xf32, #tpu.memory_space<vmem>>, vector<1x16xf32>,
      %broadcast_in_dim3A_291 = arith.constant 0.000000e+00 : f32
      %broadcast_in_dim3A_292 = vector.broadcast %broadcast_in_dim3A_291 : f32 to vector<16xf32>
      %swap3A_293 = arith.index_cast %add3A_241 : i32 to index
      %swap3A_294 = arith.constant 112 : index
      %swap3A_295 = tpu.vector_load %arg13[%swap3A_293, %swap3A_294] {strides = array<i32>} : memref<80x128xf32, #tpu.memory_space<vmem>>, vector<1x16xf32>,
      %swap3A_296 = vector.shape_cast %swap3A_295 : vector<1x16xf32> to vector<16xf32>
      %swap3A_297 = vector.shape_cast %broadcast_in_dim3A_292 : vector<16xf32> to vector<1x16xf32>
      tpu.vector_store %arg13[%swap3A_293, %swap3A_294], %swap3A_297 {strides = array<i32>} : memref<80x128xf32, #tpu.memory_space<vmem>>, vector<1x16xf32>,
    }
    %scan3A_4 = arith.constant 80 : i32
    %add3A = arith.constant 0 : i32
    %add3A_5 = arith.addi %mul3A_0, %add3A : i32
    "tpu.region"() ({
      %run_scoped3A = tpu.sem_alloc : memref<!tpu.dma_semaphore, #tpu.memory_space<semaphore_mem>>
      %dma_start3A_53 = arith.constant 0 : i32
      %dma_start3A_54 = tpu.memref_slice %arg6[%add3A_5, %dma_start3A_53] : memref<10000x128xf32, #tpu.memory_space<vmem_shared>> -> memref<80x128xf32, #tpu.memory_space<vmem_shared>>
      %dma_start3A_55 = arith.constant 0 : i32
      %dma_start3A_56 = tpu.memref_slice %arg6[%add3A_5, %dma_start3A_55] : memref<10000x128xf32, #tpu.memory_space<vmem_shared>> -> memref<80x128xf32, #tpu.memory_space<vmem_shared>>
      tpu.enqueue_dma source(%arg13 : memref<80x128xf32, #tpu.memory_space<vmem>>) target(%dma_start3A_56 : memref<80x128xf32, #tpu.memory_space<vmem_shared>>) target_semaphore(%run_scoped3A : memref<!tpu.dma_semaphore, #tpu.memory_space<semaphore_mem>>)
      %dma_wait3A_57 = arith.constant 0 : i32
      %dma_wait3A_58 = tpu.memref_slice %arg6[%add3A_5, %dma_wait3A_57] : memref<10000x128xf32, #tpu.memory_space<vmem_shared>> -> memref<80x128xf32, #tpu.memory_space<vmem_shared>>
      %dma_wait3A_59 = arith.constant 0 : i32
      %dma_wait3A_60 = tpu.memref_slice %arg6[%add3A_5, %dma_wait3A_59] : memref<10000x128xf32, #tpu.memory_space<vmem_shared>> -> memref<80x128xf32, #tpu.memory_space<vmem_shared>>
      tpu.wait_dma2 semaphore(%run_scoped3A : memref<!tpu.dma_semaphore, #tpu.memory_space<semaphore_mem>>) src(%arg13 : memref<80x128xf32, #tpu.memory_space<vmem>>) dst(%dma_wait3A_60 : memref<80x128xf32, #tpu.memory_space<vmem_shared>>)
      tpu.yield
    }) : () -> ()
    %add3A_6 = arith.constant 80 : i32
    %add3A_7 = arith.addi %mul3A_0, %add3A_6 : i32
    "tpu.region"() ({
      %run_scoped3A = tpu.sem_alloc : memref<!tpu.dma_semaphore, #tpu.memory_space<semaphore_mem>>
      %dma_start3A_53 = arith.constant 0 : i32
      %dma_start3A_54 = tpu.memref_slice %arg6[%add3A_7, %dma_start3A_53] : memref<10000x128xf32, #tpu.memory_space<vmem_shared>> -> memref<80x128xf32, #tpu.memory_space<vmem_shared>>
      %dma_start3A_55 = arith.constant 0 : i32
      %dma_start3A_56 = tpu.memref_slice %arg6[%add3A_7, %dma_start3A_55] : memref<10000x128xf32, #tpu.memory_space<vmem_shared>> -> memref<80x128xf32, #tpu.memory_space<vmem_shared>>
      tpu.enqueue_dma source(%arg13 : memref<80x128xf32, #tpu.memory_space<vmem>>) target(%dma_start3A_56 : memref<80x128xf32, #tpu.memory_space<vmem_shared>>) target_semaphore(%run_scoped3A : memref<!tpu.dma_semaphore, #tpu.memory_space<semaphore_mem>>)
      %dma_wait3A_57 = arith.constant 0 : i32
      %dma_wait3A_58 = tpu.memref_slice %arg6[%add3A_7, %dma_wait3A_57] : memref<10000x128xf32, #tpu.memory_space<vmem_shared>> -> memref<80x128xf32, #tpu.memory_space<vmem_shared>>
      %dma_wait3A_59 = arith.constant 0 : i32
      %dma_wait3A_60 = tpu.memref_slice %arg6[%add3A_7, %dma_wait3A_59] : memref<10000x128xf32, #tpu.memory_space<vmem_shared>> -> memref<80x128xf32, #tpu.memory_space<vmem_shared>>
      tpu.wait_dma2 semaphore(%run_scoped3A : memref<!tpu.dma_semaphore, #tpu.memory_space<semaphore_mem>>) src(%arg13 : memref<80x128xf32, #tpu.memory_space<vmem>>) dst(%dma_wait3A_60 : memref<80x128xf32, #tpu.memory_space<vmem_shared>>)
      tpu.yield
    }) : () -> ()
    %add3A_8 = arith.constant 160 : i32
    %add3A_9 = arith.addi %mul3A_0, %add3A_8 : i32
    "tpu.region"() ({
      %run_scoped3A = tpu.sem_alloc : memref<!tpu.dma_semaphore, #tpu.memory_space<semaphore_mem>>
      %dma_start3A_53 = arith.constant 0 : i32
      %dma_start3A_54 = tpu.memref_slice %arg6[%add3A_9, %dma_start3A_53] : memref<10000x128xf32, #tpu.memory_space<vmem_shared>> -> memref<80x128xf32, #tpu.memory_space<vmem_shared>>
      %dma_start3A_55 = arith.constant 0 : i32
      %dma_start3A_56 = tpu.memref_slice %arg6[%add3A_9, %dma_start3A_55] : memref<10000x128xf32, #tpu.memory_space<vmem_shared>> -> memref<80x128xf32, #tpu.memory_space<vmem_shared>>
      tpu.enqueue_dma source(%arg13 : memref<80x128xf32, #tpu.memory_space<vmem>>) target(%dma_start3A_56 : memref<80x128xf32, #tpu.memory_space<vmem_shared>>) target_semaphore(%run_scoped3A : memref<!tpu.dma_semaphore, #tpu.memory_space<semaphore_mem>>)
      %dma_wait3A_57 = arith.constant 0 : i32
      %dma_wait3A_58 = tpu.memref_slice %arg6[%add3A_9, %dma_wait3A_57] : memref<10000x128xf32, #tpu.memory_space<vmem_shared>> -> memref<80x128xf32, #tpu.memory_space<vmem_shared>>
      %dma_wait3A_59 = arith.constant 0 : i32
      %dma_wait3A_60 = tpu.memref_slice %arg6[%add3A_9, %dma_wait3A_59] : memref<10000x128xf32, #tpu.memory_space<vmem_shared>> -> memref<80x128xf32, #tpu.memory_space<vmem_shared>>
      tpu.wait_dma2 semaphore(%run_scoped3A : memref<!tpu.dma_semaphore, #tpu.memory_space<semaphore_mem>>) src(%arg13 : memref<80x128xf32, #tpu.memory_space<vmem>>) dst(%dma_wait3A_60 : memref<80x128xf32, #tpu.memory_space<vmem_shared>>)
      tpu.yield
    }) : () -> ()
    %add3A_10 = arith.constant 240 : i32
    %add3A_11 = arith.addi %mul3A_0, %add3A_10 : i32
    "tpu.region"() ({
      %run_scoped3A = tpu.sem_alloc : memref<!tpu.dma_semaphore, #tpu.memory_space<semaphore_mem>>
      %dma_start3A_53 = arith.constant 0 : i32
      %dma_start3A_54 = tpu.memref_slice %arg6[%add3A_11, %dma_start3A_53] : memref<10000x128xf32, #tpu.memory_space<vmem_shared>> -> memref<80x128xf32, #tpu.memory_space<vmem_shared>>
      %dma_start3A_55 = arith.constant 0 : i32
      %dma_start3A_56 = tpu.memref_slice %arg6[%add3A_11, %dma_start3A_55] : memref<10000x128xf32, #tpu.memory_space<vmem_shared>> -> memref<80x128xf32, #tpu.memory_space<vmem_shared>>
      tpu.enqueue_dma source(%arg13 : memref<80x128xf32, #tpu.memory_space<vmem>>) target(%dma_start3A_56 : memref<80x128xf32, #tpu.memory_space<vmem_shared>>) target_semaphore(%run_scoped3A : memref<!tpu.dma_semaphore, #tpu.memory_space<semaphore_mem>>)
      %dma_wait3A_57 = arith.constant 0 : i32
      %dma_wait3A_58 = tpu.memref_slice %arg6[%add3A_11, %dma_wait3A_57] : memref<10000x128xf32, #tpu.memory_space<vmem_shared>> -> memref<80x128xf32, #tpu.memory_space<vmem_shared>>
      %dma_wait3A_59 = arith.constant 0 : i32
      %dma_wait3A_60 = tpu.memref_slice %arg6[%add3A_11, %dma_wait3A_59] : memref<10000x128xf32, #tpu.memory_space<vmem_shared>> -> memref<80x128xf32, #tpu.memory_space<vmem_shared>>
      tpu.wait_dma2 semaphore(%run_scoped3A : memref<!tpu.dma_semaphore, #tpu.memory_space<semaphore_mem>>) src(%arg13 : memref<80x128xf32, #tpu.memory_space<vmem>>) dst(%dma_wait3A_60 : memref<80x128xf32, #tpu.memory_space<vmem_shared>>)
      tpu.yield
    }) : () -> ()
    %add3A_12 = arith.constant 320 : i32
    %add3A_13 = arith.addi %mul3A_0, %add3A_12 : i32
    "tpu.region"() ({
      %run_scoped3A = tpu.sem_alloc : memref<!tpu.dma_semaphore, #tpu.memory_space<semaphore_mem>>
      %dma_start3A_53 = arith.constant 0 : i32
      %dma_start3A_54 = tpu.memref_slice %arg6[%add3A_13, %dma_start3A_53] : memref<10000x128xf32, #tpu.memory_space<vmem_shared>> -> memref<80x128xf32, #tpu.memory_space<vmem_shared>>
      %dma_start3A_55 = arith.constant 0 : i32
      %dma_start3A_56 = tpu.memref_slice %arg6[%add3A_13, %dma_start3A_55] : memref<10000x128xf32, #tpu.memory_space<vmem_shared>> -> memref<80x128xf32, #tpu.memory_space<vmem_shared>>
      tpu.enqueue_dma source(%arg13 : memref<80x128xf32, #tpu.memory_space<vmem>>) target(%dma_start3A_56 : memref<80x128xf32, #tpu.memory_space<vmem_shared>>) target_semaphore(%run_scoped3A : memref<!tpu.dma_semaphore, #tpu.memory_space<semaphore_mem>>)
      %dma_wait3A_57 = arith.constant 0 : i32
      %dma_wait3A_58 = tpu.memref_slice %arg6[%add3A_13, %dma_wait3A_57] : memref<10000x128xf32, #tpu.memory_space<vmem_shared>> -> memref<80x128xf32, #tpu.memory_space<vmem_shared>>
      %dma_wait3A_59 = arith.constant 0 : i32
      %dma_wait3A_60 = tpu.memref_slice %arg6[%add3A_13, %dma_wait3A_59] : memref<10000x128xf32, #tpu.memory_space<vmem_shared>> -> memref<80x128xf32, #tpu.memory_space<vmem_shared>>
      tpu.wait_dma2 semaphore(%run_scoped3A : memref<!tpu.dma_semaphore, #tpu.memory_space<semaphore_mem>>) src(%arg13 : memref<80x128xf32, #tpu.memory_space<vmem>>) dst(%dma_wait3A_60 : memref<80x128xf32, #tpu.memory_space<vmem_shared>>)
      tpu.yield
    }) : () -> ()
    %add3A_14 = arith.constant 400 : i32
    %add3A_15 = arith.addi %mul3A_0, %add3A_14 : i32
    "tpu.region"() ({
      %run_scoped3A = tpu.sem_alloc : memref<!tpu.dma_semaphore, #tpu.memory_space<semaphore_mem>>
      %dma_start3A_53 = arith.constant 0 : i32
      %dma_start3A_54 = tpu.memref_slice %arg6[%add3A_15, %dma_start3A_53] : memref<10000x128xf32, #tpu.memory_space<vmem_shared>> -> memref<80x128xf32, #tpu.memory_space<vmem_shared>>
      %dma_start3A_55 = arith.constant 0 : i32
      %dma_start3A_56 = tpu.memref_slice %arg6[%add3A_15, %dma_start3A_55] : memref<10000x128xf32, #tpu.memory_space<vmem_shared>> -> memref<80x128xf32, #tpu.memory_space<vmem_shared>>
      tpu.enqueue_dma source(%arg13 : memref<80x128xf32, #tpu.memory_space<vmem>>) target(%dma_start3A_56 : memref<80x128xf32, #tpu.memory_space<vmem_shared>>) target_semaphore(%run_scoped3A : memref<!tpu.dma_semaphore, #tpu.memory_space<semaphore_mem>>)
      %dma_wait3A_57 = arith.constant 0 : i32
      %dma_wait3A_58 = tpu.memref_slice %arg6[%add3A_15, %dma_wait3A_57] : memref<10000x128xf32, #tpu.memory_space<vmem_shared>> -> memref<80x128xf32, #tpu.memory_space<vmem_shared>>
      %dma_wait3A_59 = arith.constant 0 : i32
      %dma_wait3A_60 = tpu.memref_slice %arg6[%add3A_15, %dma_wait3A_59] : memref<10000x128xf32, #tpu.memory_space<vmem_shared>> -> memref<80x128xf32, #tpu.memory_space<vmem_shared>>
      tpu.wait_dma2 semaphore(%run_scoped3A : memref<!tpu.dma_semaphore, #tpu.memory_space<semaphore_mem>>) src(%arg13 : memref<80x128xf32, #tpu.memory_space<vmem>>) dst(%dma_wait3A_60 : memref<80x128xf32, #tpu.memory_space<vmem_shared>>)
      tpu.yield
    }) : () -> ()
    %add3A_16 = arith.constant 480 : i32
    %add3A_17 = arith.addi %mul3A_0, %add3A_16 : i32
    "tpu.region"() ({
      %run_scoped3A = tpu.sem_alloc : memref<!tpu.dma_semaphore, #tpu.memory_space<semaphore_mem>>
      %dma_start3A_53 = arith.constant 0 : i32
      %dma_start3A_54 = tpu.memref_slice %arg6[%add3A_17, %dma_start3A_53] : memref<10000x128xf32, #tpu.memory_space<vmem_shared>> -> memref<80x128xf32, #tpu.memory_space<vmem_shared>>
      %dma_start3A_55 = arith.constant 0 : i32
      %dma_start3A_56 = tpu.memref_slice %arg6[%add3A_17, %dma_start3A_55] : memref<10000x128xf32, #tpu.memory_space<vmem_shared>> -> memref<80x128xf32, #tpu.memory_space<vmem_shared>>
      tpu.enqueue_dma source(%arg13 : memref<80x128xf32, #tpu.memory_space<vmem>>) target(%dma_start3A_56 : memref<80x128xf32, #tpu.memory_space<vmem_shared>>) target_semaphore(%run_scoped3A : memref<!tpu.dma_semaphore, #tpu.memory_space<semaphore_mem>>)
      %dma_wait3A_57 = arith.constant 0 : i32
      %dma_wait3A_58 = tpu.memref_slice %arg6[%add3A_17, %dma_wait3A_57] : memref<10000x128xf32, #tpu.memory_space<vmem_shared>> -> memref<80x128xf32, #tpu.memory_space<vmem_shared>>
      %dma_wait3A_59 = arith.constant 0 : i32
      %dma_wait3A_60 = tpu.memref_slice %arg6[%add3A_17, %dma_wait3A_59] : memref<10000x128xf32, #tpu.memory_space<vmem_shared>> -> memref<80x128xf32, #tpu.memory_space<vmem_shared>>
      tpu.wait_dma2 semaphore(%run_scoped3A : memref<!tpu.dma_semaphore, #tpu.memory_space<semaphore_mem>>) src(%arg13 : memref<80x128xf32, #tpu.memory_space<vmem>>) dst(%dma_wait3A_60 : memref<80x128xf32, #tpu.memory_space<vmem_shared>>)
      tpu.yield
    }) : () -> ()
    %add3A_18 = arith.constant 624 : i32
    %add3A_19 = arith.addi %mul3A_0, %add3A_18 : i32
    %sub3A = arith.constant 64 : i32
    %sub3A_20 = arith.subi %add3A_19, %sub3A : i32
    "tpu.region"() ({
      %run_scoped3A = tpu.sem_alloc : memref<!tpu.dma_semaphore, #tpu.memory_space<semaphore_mem>>
      %dma_start3A_53 = arith.constant 0 : i32
      %dma_start3A_54 = arith.constant 0 : i32
      %dma_start3A_55 = tpu.memref_slice %arg13[%dma_start3A_53, %dma_start3A_54] : memref<80x128xf32, #tpu.memory_space<vmem>> -> memref<64x128xf32, #tpu.memory_space<vmem>>
      %dma_start3A_56 = arith.constant 0 : i32
      %dma_start3A_57 = tpu.memref_slice %arg6[%sub3A_20, %dma_start3A_56] : memref<10000x128xf32, #tpu.memory_space<vmem_shared>> -> memref<64x128xf32, #tpu.memory_space<vmem_shared>>
      %dma_start3A_58 = arith.constant 0 : i32
      %dma_start3A_59 = tpu.memref_slice %arg6[%sub3A_20, %dma_start3A_58] : memref<10000x128xf32, #tpu.memory_space<vmem_shared>> -> memref<64x128xf32, #tpu.memory_space<vmem_shared>>
      %dma_start3A_60 = arith.constant 0 : i32
      %dma_start3A_61 = arith.constant 0 : i32
      %dma_start3A_62 = tpu.memref_slice %arg13[%dma_start3A_60, %dma_start3A_61] : memref<80x128xf32, #tpu.memory_space<vmem>> -> memref<64x128xf32, #tpu.memory_space<vmem>>
      tpu.enqueue_dma source(%dma_start3A_62 : memref<64x128xf32, #tpu.memory_space<vmem>>) target(%dma_start3A_59 : memref<64x128xf32, #tpu.memory_space<vmem_shared>>) target_semaphore(%run_scoped3A : memref<!tpu.dma_semaphore, #tpu.memory_space<semaphore_mem>>)
      %dma_wait3A_63 = arith.constant 0 : i32
      %dma_wait3A_64 = arith.constant 0 : i32
      %dma_wait3A_65 = tpu.memref_slice %arg13[%dma_wait3A_63, %dma_wait3A_64] : memref<80x128xf32, #tpu.memory_space<vmem>> -> memref<64x128xf32, #tpu.memory_space<vmem>>
      %dma_wait3A_66 = arith.constant 0 : i32
      %dma_wait3A_67 = tpu.memref_slice %arg6[%sub3A_20, %dma_wait3A_66] : memref<10000x128xf32, #tpu.memory_space<vmem_shared>> -> memref<64x128xf32, #tpu.memory_space<vmem_shared>>
      %dma_wait3A_68 = arith.constant 0 : i32
      %dma_wait3A_69 = tpu.memref_slice %arg6[%sub3A_20, %dma_wait3A_68] : memref<10000x128xf32, #tpu.memory_space<vmem_shared>> -> memref<64x128xf32, #tpu.memory_space<vmem_shared>>
      %dma_wait3A_70 = arith.constant 0 : i32
      %dma_wait3A_71 = arith.constant 0 : i32
      %dma_wait3A_72 = tpu.memref_slice %arg13[%dma_wait3A_70, %dma_wait3A_71] : memref<80x128xf32, #tpu.memory_space<vmem>> -> memref<64x128xf32, #tpu.memory_space<vmem>>
      tpu.wait_dma2 semaphore(%run_scoped3A : memref<!tpu.dma_semaphore, #tpu.memory_space<semaphore_mem>>) src(%dma_wait3A_72 : memref<64x128xf32, #tpu.memory_space<vmem>>) dst(%dma_wait3A_69 : memref<64x128xf32, #tpu.memory_space<vmem_shared>>)
      tpu.yield
    }) : () -> ()
    %eq3A = arith.constant 0 : i32
    %eq3A_21 = arith.cmpi eq, %arg1, %eq3A : i32
    %convert_element_type3A = arith.extui %eq3A_21 : i1 to i32
    %cond3A = arith.constant 0 : i32
    %cond3A_22 = arith.cmpi ne, %convert_element_type3A, %cond3A : i32
    scf.if %cond3A_22 {
      "tpu.region"() ({
        %run_scoped3A = tpu.sem_alloc : memref<!tpu.dma_semaphore, #tpu.memory_space<semaphore_mem>>
        %dma_start3A_53 = arith.constant 0 : i32
        %dma_start3A_54 = arith.constant 0 : i32
        %dma_start3A_55 = tpu.memref_slice %arg13[%dma_start3A_53, %dma_start3A_54] : memref<80x128xf32, #tpu.memory_space<vmem>> -> memref<16x128xf32, #tpu.memory_space<vmem>>
        %dma_start3A_56 = arith.constant 9984 : i32
        %dma_start3A_57 = arith.constant 0 : i32
        %dma_start3A_58 = tpu.memref_slice %arg6[%dma_start3A_56, %dma_start3A_57] : memref<10000x128xf32, #tpu.memory_space<vmem_shared>> -> memref<16x128xf32, #tpu.memory_space<vmem_shared>>
        %dma_start3A_59 = arith.constant 9984 : i32
        %dma_start3A_60 = arith.constant 0 : i32
        %dma_start3A_61 = tpu.memref_slice %arg6[%dma_start3A_59, %dma_start3A_60] : memref<10000x128xf32, #tpu.memory_space<vmem_shared>> -> memref<16x128xf32, #tpu.memory_space<vmem_shared>>
        %dma_start3A_62 = arith.constant 0 : i32
        %dma_start3A_63 = arith.constant 0 : i32
        %dma_start3A_64 = tpu.memref_slice %arg13[%dma_start3A_62, %dma_start3A_63] : memref<80x128xf32, #tpu.memory_space<vmem>> -> memref<16x128xf32, #tpu.memory_space<vmem>>
        tpu.enqueue_dma source(%dma_start3A_64 : memref<16x128xf32, #tpu.memory_space<vmem>>) target(%dma_start3A_61 : memref<16x128xf32, #tpu.memory_space<vmem_shared>>) target_semaphore(%run_scoped3A : memref<!tpu.dma_semaphore, #tpu.memory_space<semaphore_mem>>)
        %dma_wait3A_65 = arith.constant 0 : i32
        %dma_wait3A_66 = arith.constant 0 : i32
        %dma_wait3A_67 = tpu.memref_slice %arg13[%dma_wait3A_65, %dma_wait3A_66] : memref<80x128xf32, #tpu.memory_space<vmem>> -> memref<16x128xf32, #tpu.memory_space<vmem>>
        %dma_wait3A_68 = arith.constant 9984 : i32
        %dma_wait3A_69 = arith.constant 0 : i32
        %dma_wait3A_70 = tpu.memref_slice %arg6[%dma_wait3A_68, %dma_wait3A_69] : memref<10000x128xf32, #tpu.memory_space<vmem_shared>> -> memref<16x128xf32, #tpu.memory_space<vmem_shared>>
        %dma_wait3A_71 = arith.constant 9984 : i32
        %dma_wait3A_72 = arith.constant 0 : i32
        %dma_wait3A_73 = tpu.memref_slice %arg6[%dma_wait3A_71, %dma_wait3A_72] : memref<10000x128xf32, #tpu.memory_space<vmem_shared>> -> memref<16x128xf32, #tpu.memory_space<vmem_shared>>
        %dma_wait3A_74 = arith.constant 0 : i32
        %dma_wait3A_75 = arith.constant 0 : i32
        %dma_wait3A_76 = tpu.memref_slice %arg13[%dma_wait3A_74, %dma_wait3A_75] : memref<80x128xf32, #tpu.memory_space<vmem>> -> memref<16x128xf32, #tpu.memory_space<vmem>>
        tpu.wait_dma2 semaphore(%run_scoped3A : memref<!tpu.dma_semaphore, #tpu.memory_space<semaphore_mem>>) src(%dma_wait3A_76 : memref<16x128xf32, #tpu.memory_space<vmem>>) dst(%dma_wait3A_73 : memref<16x128xf32, #tpu.memory_space<vmem_shared>>)
        tpu.yield
      }) : () -> ()
    } else {
    }
    %barrier3A = arith.constant 0 : index
    tpu.barrier barrier_id(%barrier3A)
    %mul3A_23 = arith.constant 160000 : i32
    %mul3A_24 = arith.muli %arg0, %mul3A_23 : i32
    %mul3A_25 = arith.constant 10000 : i32
    %mul3A_26 = arith.muli %arg1, %mul3A_25 : i32
    %add3A_27 = arith.addi %mul3A_24, %mul3A_26 : i32
    %add3A_28 = arith.constant 0 : i32
    %add3A_29 = arith.addi %add3A_27, %add3A_28 : i32
    "tpu.region"() ({
      %run_scoped3A = tpu.sem_alloc : memref<!tpu.dma_semaphore, #tpu.memory_space<semaphore_mem>>
      %dma_start3A_53 = tpu.memref_slice %arg2[%add3A_29] : memref<320000xi32, #tpu.memory_space<hbm>> -> memref<80xi32, #tpu.memory_space<hbm>>
      %dma_start3A_54 = tpu.memref_slice %arg2[%add3A_29] : memref<320000xi32, #tpu.memory_space<hbm>> -> memref<80xi32, #tpu.memory_space<hbm>>
      tpu.enqueue_dma source(%dma_start3A_54 : memref<80xi32, #tpu.memory_space<hbm>>) target(%arg7 : memref<80xi32, #tpu.memory_space<vmem>>) target_semaphore(%run_scoped3A : memref<!tpu.dma_semaphore, #tpu.memory_space<semaphore_mem>>)
      %dma_wait3A_55 = tpu.memref_slice %arg2[%add3A_29] : memref<320000xi32, #tpu.memory_space<hbm>> -> memref<80xi32, #tpu.memory_space<hbm>>
      %dma_wait3A_56 = tpu.memref_slice %arg2[%add3A_29] : memref<320000xi32, #tpu.memory_space<hbm>> -> memref<80xi32, #tpu.memory_space<hbm>>
      tpu.wait_dma2 semaphore(%run_scoped3A : memref<!tpu.dma_semaphore, #tpu.memory_space<semaphore_mem>>) src(%dma_wait3A_56 : memref<80xi32, #tpu.memory_space<hbm>>) dst(%arg7 : memref<80xi32, #tpu.memory_space<vmem>>)
      tpu.yield
    }) : () -> ()
    "tpu.region"() ({
      %run_scoped3A = tpu.sem_alloc : memref<!tpu.dma_semaphore, #tpu.memory_space<semaphore_mem>>
      %dma_start3A_53 = tpu.memref_slice %arg3[%add3A_29] : memref<320000xi32, #tpu.memory_space<hbm>> -> memref<80xi32, #tpu.memory_space<hbm>>
      %dma_start3A_54 = tpu.memref_slice %arg3[%add3A_29] : memref<320000xi32, #tpu.memory_space<hbm>> -> memref<80xi32, #tpu.memory_space<hbm>>
      tpu.enqueue_dma source(%dma_start3A_54 : memref<80xi32, #tpu.memory_space<hbm>>) target(%arg10 : memref<80xi32, #tpu.memory_space<vmem>>) target_semaphore(%run_scoped3A : memref<!tpu.dma_semaphore, #tpu.memory_space<semaphore_mem>>)
      %dma_wait3A_55 = tpu.memref_slice %arg3[%add3A_29] : memref<320000xi32, #tpu.memory_space<hbm>> -> memref<80xi32, #tpu.memory_space<hbm>>
      %dma_wait3A_56 = tpu.memref_slice %arg3[%add3A_29] : memref<320000xi32, #tpu.memory_space<hbm>> -> memref<80xi32, #tpu.memory_space<hbm>>
      tpu.wait_dma2 semaphore(%run_scoped3A : memref<!tpu.dma_semaphore, #tpu.memory_space<semaphore_mem>>) src(%dma_wait3A_56 : memref<80xi32, #tpu.memory_space<hbm>>) dst(%arg10 : memref<80xi32, #tpu.memory_space<vmem>>)
      tpu.yield
    }) : () -> ()
    %dma_start3A = arith.constant 0 : i32
    %dma_start3A_30 = arith.constant 0 : i32
    %dma_start3A_31 = tpu.memref_slice %arg4[%dma_start3A, %dma_start3A_30] : memref<10000x128xf32, #tpu.memory_space<hbm>> -> memref<10000x128xf32, #tpu.memory_space<hbm>>
    tpu.enqueue_indirect_dma source(%dma_start3A_31 : memref<10000x128xf32, #tpu.memory_space<hbm>>) target(%arg13 : memref<80x128xf32, #tpu.memory_space<vmem>>) offsets(%arg7 : memref<80xi32, #tpu.memory_space<vmem>>) semaphore(%arg16 : memref<!tpu.dma_semaphore, #tpu.memory_space<semaphore_mem>>)
    %add3A_32 = arith.constant 80 : i32
    %add3A_33 = arith.addi %add3A_27, %add3A_32 : i32
    "tpu.region"() ({
      %run_scoped3A = tpu.sem_alloc : memref<!tpu.dma_semaphore, #tpu.memory_space<semaphore_mem>>
      %dma_start3A_53 = tpu.memref_slice %arg2[%add3A_33] : memref<320000xi32, #tpu.memory_space<hbm>> -> memref<80xi32, #tpu.memory_space<hbm>>
      %dma_start3A_54 = tpu.memref_slice %arg2[%add3A_33] : memref<320000xi32, #tpu.memory_space<hbm>> -> memref<80xi32, #tpu.memory_space<hbm>>
      tpu.enqueue_dma source(%dma_start3A_54 : memref<80xi32, #tpu.memory_space<hbm>>) target(%arg8 : memref<80xi32, #tpu.memory_space<vmem>>) target_semaphore(%run_scoped3A : memref<!tpu.dma_semaphore, #tpu.memory_space<semaphore_mem>>)
      %dma_wait3A_55 = tpu.memref_slice %arg2[%add3A_33] : memref<320000xi32, #tpu.memory_space<hbm>> -> memref<80xi32, #tpu.memory_space<hbm>>
      %dma_wait3A_56 = tpu.memref_slice %arg2[%add3A_33] : memref<320000xi32, #tpu.memory_space<hbm>> -> memref<80xi32, #tpu.memory_space<hbm>>
      tpu.wait_dma2 semaphore(%run_scoped3A : memref<!tpu.dma_semaphore, #tpu.memory_space<semaphore_mem>>) src(%dma_wait3A_56 : memref<80xi32, #tpu.memory_space<hbm>>) dst(%arg8 : memref<80xi32, #tpu.memory_space<vmem>>)
      tpu.yield
    }) : () -> ()
    "tpu.region"() ({
      %run_scoped3A = tpu.sem_alloc : memref<!tpu.dma_semaphore, #tpu.memory_space<semaphore_mem>>
      %dma_start3A_53 = tpu.memref_slice %arg3[%add3A_33] : memref<320000xi32, #tpu.memory_space<hbm>> -> memref<80xi32, #tpu.memory_space<hbm>>
      %dma_start3A_54 = tpu.memref_slice %arg3[%add3A_33] : memref<320000xi32, #tpu.memory_space<hbm>> -> memref<80xi32, #tpu.memory_space<hbm>>
      tpu.enqueue_dma source(%dma_start3A_54 : memref<80xi32, #tpu.memory_space<hbm>>) target(%arg11 : memref<80xi32, #tpu.memory_space<vmem>>) target_semaphore(%run_scoped3A : memref<!tpu.dma_semaphore, #tpu.memory_space<semaphore_mem>>)
      %dma_wait3A_55 = tpu.memref_slice %arg3[%add3A_33] : memref<320000xi32, #tpu.memory_space<hbm>> -> memref<80xi32, #tpu.memory_space<hbm>>
      %dma_wait3A_56 = tpu.memref_slice %arg3[%add3A_33] : memref<320000xi32, #tpu.memory_space<hbm>> -> memref<80xi32, #tpu.memory_space<hbm>>
      tpu.wait_dma2 semaphore(%run_scoped3A : memref<!tpu.dma_semaphore, #tpu.memory_space<semaphore_mem>>) src(%dma_wait3A_56 : memref<80xi32, #tpu.memory_space<hbm>>) dst(%arg11 : memref<80xi32, #tpu.memory_space<vmem>>)
      tpu.yield
    }) : () -> ()
    %dma_start3A_34 = arith.constant 0 : i32
    %dma_start3A_35 = arith.constant 0 : i32
    %dma_start3A_36 = tpu.memref_slice %arg4[%dma_start3A_34, %dma_start3A_35] : memref<10000x128xf32, #tpu.memory_space<hbm>> -> memref<10000x128xf32, #tpu.memory_space<hbm>>
    tpu.enqueue_indirect_dma source(%dma_start3A_36 : memref<10000x128xf32, #tpu.memory_space<hbm>>) target(%arg14 : memref<80x128xf32, #tpu.memory_space<vmem>>) offsets(%arg8 : memref<80xi32, #tpu.memory_space<vmem>>) semaphore(%arg17 : memref<!tpu.dma_semaphore, #tpu.memory_space<semaphore_mem>>)
    %scan3A_37 = arith.constant 0 : i32
    %scan3A_38 = arith.constant 41 : i32
    %scan3A_39 = arith.addi %scan3A_37, %scan3A_38 : i32
    %scan3A_40 = arith.constant 1 : i32
    scf.for %scan3A_53 = %scan3A_37 to %scan3A_39 step %scan3A_40  : i32 {
      %mul3A_54 = arith.constant 1 : i32
      %mul3A_55 = arith.muli %scan3A_53, %mul3A_54 : i32
      %add3A_56 = arith.constant 0 : i32
      %add3A_57 = arith.addi %add3A_56, %mul3A_55 : i32
      %mul3A_58 = arith.constant 3 : i32
      %mul3A_59 = arith.muli %mul3A_58, %add3A_57 : i32
      %dma_wait3A_60 = arith.constant 0 : i32
      %dma_wait3A_61 = arith.constant 0 : i32
      %dma_wait3A_62 = tpu.memref_slice %arg4[%dma_wait3A_60, %dma_wait3A_61] : memref<10000x128xf32, #tpu.memory_space<hbm>> -> memref<10000x128xf32, #tpu.memory_space<hbm>>
      tpu.wait_indirect_dma semaphore(%arg16 : memref<!tpu.dma_semaphore, #tpu.memory_space<semaphore_mem>>) src(%dma_wait3A_62 : memref<10000x128xf32, #tpu.memory_space<hbm>>) dst(%arg13 : memref<80x128xf32, #tpu.memory_space<vmem>>)
      %add3A_63 = arith.constant 0 : i32
      %add3A_64 = arith.addi %mul3A_59, %add3A_63 : i32
      %add3A_65 = arith.constant 2 : i32
      %add3A_66 = arith.addi %add3A_64, %add3A_65 : i32
      %mul3A_67 = arith.constant 80 : i32
      %mul3A_68 = arith.muli %add3A_66, %mul3A_67 : i32
      %add3A_69 = arith.addi %add3A_27, %mul3A_68 : i32
      "tpu.region"() ({
        %run_scoped3A = tpu.sem_alloc : memref<!tpu.dma_semaphore, #tpu.memory_space<semaphore_mem>>
        %dma_start3A_99 = tpu.memref_slice %arg2[%add3A_69] : memref<320000xi32, #tpu.memory_space<hbm>> -> memref<80xi32, #tpu.memory_space<hbm>>
        %dma_start3A_100 = tpu.memref_slice %arg2[%add3A_69] : memref<320000xi32, #tpu.memory_space<hbm>> -> memref<80xi32, #tpu.memory_space<hbm>>
        tpu.enqueue_dma source(%dma_start3A_100 : memref<80xi32, #tpu.memory_space<hbm>>) target(%arg9 : memref<80xi32, #tpu.memory_space<vmem>>) target_semaphore(%run_scoped3A : memref<!tpu.dma_semaphore, #tpu.memory_space<semaphore_mem>>)
        %dma_wait3A_101 = tpu.memref_slice %arg2[%add3A_69] : memref<320000xi32, #tpu.memory_space<hbm>> -> memref<80xi32, #tpu.memory_space<hbm>>
        %dma_wait3A_102 = tpu.memref_slice %arg2[%add3A_69] : memref<320000xi32, #tpu.memory_space<hbm>> -> memref<80xi32, #tpu.memory_space<hbm>>
        tpu.wait_dma2 semaphore(%run_scoped3A : memref<!tpu.dma_semaphore, #tpu.memory_space<semaphore_mem>>) src(%dma_wait3A_102 : memref<80xi32, #tpu.memory_space<hbm>>) dst(%arg9 : memref<80xi32, #tpu.memory_space<vmem>>)
        tpu.yield
      }) : () -> ()
      "tpu.region"() ({
        %run_scoped3A = tpu.sem_alloc : memref<!tpu.dma_semaphore, #tpu.memory_space<semaphore_mem>>
        %dma_start3A_99 = tpu.memref_slice %arg3[%add3A_69] : memref<320000xi32, #tpu.memory_space<hbm>> -> memref<80xi32, #tpu.memory_space<hbm>>
        %dma_start3A_100 = tpu.memref_slice %arg3[%add3A_69] : memref<320000xi32, #tpu.memory_space<hbm>> -> memref<80xi32, #tpu.memory_space<hbm>>
        tpu.enqueue_dma source(%dma_start3A_100 : memref<80xi32, #tpu.memory_space<hbm>>) target(%arg12 : memref<80xi32, #tpu.memory_space<vmem>>) target_semaphore(%run_scoped3A : memref<!tpu.dma_semaphore, #tpu.memory_space<semaphore_mem>>)
        %dma_wait3A_101 = tpu.memref_slice %arg3[%add3A_69] : memref<320000xi32, #tpu.memory_space<hbm>> -> memref<80xi32, #tpu.memory_space<hbm>>
        %dma_wait3A_102 = tpu.memref_slice %arg3[%add3A_69] : memref<320000xi32, #tpu.memory_space<hbm>> -> memref<80xi32, #tpu.memory_space<hbm>>
        tpu.wait_dma2 semaphore(%run_scoped3A : memref<!tpu.dma_semaphore, #tpu.memory_space<semaphore_mem>>) src(%dma_wait3A_102 : memref<80xi32, #tpu.memory_space<hbm>>) dst(%arg12 : memref<80xi32, #tpu.memory_space<vmem>>)
        tpu.yield
      }) : () -> ()
      %dma_start3A_70 = arith.constant 0 : i32
      %dma_start3A_71 = arith.constant 0 : i32
      %dma_start3A_72 = tpu.memref_slice %arg4[%dma_start3A_70, %dma_start3A_71] : memref<10000x128xf32, #tpu.memory_space<hbm>> -> memref<10000x128xf32, #tpu.memory_space<hbm>>
      tpu.enqueue_indirect_dma source(%dma_start3A_72 : memref<10000x128xf32, #tpu.memory_space<hbm>>) target(%arg15 : memref<80x128xf32, #tpu.memory_space<vmem>>) offsets(%arg9 : memref<80xi32, #tpu.memory_space<vmem>>) semaphore(%arg18 : memref<!tpu.dma_semaphore, #tpu.memory_space<semaphore_mem>>)
      "tpu.region"() ({
        %run_scoped3A = tpu.sem_alloc : memref<!tpu.dma_semaphore, #tpu.memory_space<semaphore_mem>>
        %dma_start3A_99 = arith.constant 0 : i32
        %dma_start3A_100 = arith.constant 0 : i32
        %dma_start3A_101 = tpu.memref_slice %arg6[%dma_start3A_99, %dma_start3A_100] : memref<10000x128xf32, #tpu.memory_space<vmem_shared>> -> memref<10000x128xf32, #tpu.memory_space<vmem_shared>>
        tpu.enqueue_indirect_dma source(%arg13 : memref<80x128xf32, #tpu.memory_space<vmem>>) target(%dma_start3A_101 : memref<10000x128xf32, #tpu.memory_space<vmem_shared>>) offsets(%arg10 : memref<80xi32, #tpu.memory_space<vmem>>) semaphore(%run_scoped3A : memref<!tpu.dma_semaphore, #tpu.memory_space<semaphore_mem>>) {add = true}
        %dma_wait3A_102 = arith.constant 0 : i32
        %dma_wait3A_103 = arith.constant 0 : i32
        %dma_wait3A_104 = tpu.memref_slice %arg6[%dma_wait3A_102, %dma_wait3A_103] : memref<10000x128xf32, #tpu.memory_space<vmem_shared>> -> memref<10000x128xf32, #tpu.memory_space<vmem_shared>>
        tpu.wait_indirect_dma semaphore(%run_scoped3A : memref<!tpu.dma_semaphore, #tpu.memory_space<semaphore_mem>>) src(%arg13 : memref<80x128xf32, #tpu.memory_space<vmem>>) dst(%dma_wait3A_104 : memref<10000x128xf32, #tpu.memory_space<vmem_shared>>)
        tpu.yield
      }) : () -> ()
      %dma_wait3A_73 = arith.constant 0 : i32
      %dma_wait3A_74 = arith.constant 0 : i32
      %dma_wait3A_75 = tpu.memref_slice %arg4[%dma_wait3A_73, %dma_wait3A_74] : memref<10000x128xf32, #tpu.memory_space<hbm>> -> memref<10000x128xf32, #tpu.memory_space<hbm>>
      tpu.wait_indirect_dma semaphore(%arg17 : memref<!tpu.dma_semaphore, #tpu.memory_space<semaphore_mem>>) src(%dma_wait3A_75 : memref<10000x128xf32, #tpu.memory_space<hbm>>) dst(%arg14 : memref<80x128xf32, #tpu.memory_space<vmem>>)
      %add3A_76 = arith.constant 1 : i32
      %add3A_77 = arith.addi %mul3A_59, %add3A_76 : i32
      %add3A_78 = arith.constant 2 : i32
      %add3A_79 = arith.addi %add3A_77, %add3A_78 : i32
      %mul3A_80 = arith.constant 80 : i32
      %mul3A_81 = arith.muli %add3A_79, %mul3A_80 : i32
      %add3A_82 = arith.addi %add3A_27, %mul3A_81 : i32
      "tpu.region"() ({
        %run_scoped3A = tpu.sem_alloc : memref<!tpu.dma_semaphore, #tpu.memory_space<semaphore_mem>>
        %dma_start3A_99 = tpu.memref_slice %arg2[%add3A_82] : memref<320000xi32, #tpu.memory_space<hbm>> -> memref<80xi32, #tpu.memory_space<hbm>>
        %dma_start3A_100 = tpu.memref_slice %arg2[%add3A_82] : memref<320000xi32, #tpu.memory_space<hbm>> -> memref<80xi32, #tpu.memory_space<hbm>>
        tpu.enqueue_dma source(%dma_start3A_100 : memref<80xi32, #tpu.memory_space<hbm>>) target(%arg7 : memref<80xi32, #tpu.memory_space<vmem>>) target_semaphore(%run_scoped3A : memref<!tpu.dma_semaphore, #tpu.memory_space<semaphore_mem>>)
        %dma_wait3A_101 = tpu.memref_slice %arg2[%add3A_82] : memref<320000xi32, #tpu.memory_space<hbm>> -> memref<80xi32, #tpu.memory_space<hbm>>
        %dma_wait3A_102 = tpu.memref_slice %arg2[%add3A_82] : memref<320000xi32, #tpu.memory_space<hbm>> -> memref<80xi32, #tpu.memory_space<hbm>>
        tpu.wait_dma2 semaphore(%run_scoped3A : memref<!tpu.dma_semaphore, #tpu.memory_space<semaphore_mem>>) src(%dma_wait3A_102 : memref<80xi32, #tpu.memory_space<hbm>>) dst(%arg7 : memref<80xi32, #tpu.memory_space<vmem>>)
        tpu.yield
      }) : () -> ()
      "tpu.region"() ({
        %run_scoped3A = tpu.sem_alloc : memref<!tpu.dma_semaphore, #tpu.memory_space<semaphore_mem>>
        %dma_start3A_99 = tpu.memref_slice %arg3[%add3A_82] : memref<320000xi32, #tpu.memory_space<hbm>> -> memref<80xi32, #tpu.memory_space<hbm>>
        %dma_start3A_100 = tpu.memref_slice %arg3[%add3A_82] : memref<320000xi32, #tpu.memory_space<hbm>> -> memref<80xi32, #tpu.memory_space<hbm>>
        tpu.enqueue_dma source(%dma_start3A_100 : memref<80xi32, #tpu.memory_space<hbm>>) target(%arg10 : memref<80xi32, #tpu.memory_space<vmem>>) target_semaphore(%run_scoped3A : memref<!tpu.dma_semaphore, #tpu.memory_space<semaphore_mem>>)
        %dma_wait3A_101 = tpu.memref_slice %arg3[%add3A_82] : memref<320000xi32, #tpu.memory_space<hbm>> -> memref<80xi32, #tpu.memory_space<hbm>>
        %dma_wait3A_102 = tpu.memref_slice %arg3[%add3A_82] : memref<320000xi32, #tpu.memory_space<hbm>> -> memref<80xi32, #tpu.memory_space<hbm>>
        tpu.wait_dma2 semaphore(%run_scoped3A : memref<!tpu.dma_semaphore, #tpu.memory_space<semaphore_mem>>) src(%dma_wait3A_102 : memref<80xi32, #tpu.memory_space<hbm>>) dst(%arg10 : memref<80xi32, #tpu.memory_space<vmem>>)
        tpu.yield
      }) : () -> ()
      %dma_start3A_83 = arith.constant 0 : i32
      %dma_start3A_84 = arith.constant 0 : i32
      %dma_start3A_85 = tpu.memref_slice %arg4[%dma_start3A_83, %dma_start3A_84] : memref<10000x128xf32, #tpu.memory_space<hbm>> -> memref<10000x128xf32, #tpu.memory_space<hbm>>
      tpu.enqueue_indirect_dma source(%dma_start3A_85 : memref<10000x128xf32, #tpu.memory_space<hbm>>) target(%arg13 : memref<80x128xf32, #tpu.memory_space<vmem>>) offsets(%arg7 : memref<80xi32, #tpu.memory_space<vmem>>) semaphore(%arg16 : memref<!tpu.dma_semaphore, #tpu.memory_space<semaphore_mem>>)
      "tpu.region"() ({
        %run_scoped3A = tpu.sem_alloc : memref<!tpu.dma_semaphore, #tpu.memory_space<semaphore_mem>>
        %dma_start3A_99 = arith.constant 0 : i32
        %dma_start3A_100 = arith.constant 0 : i32
        %dma_start3A_101 = tpu.memref_slice %arg6[%dma_start3A_99, %dma_start3A_100] : memref<10000x128xf32, #tpu.memory_space<vmem_shared>> -> memref<10000x128xf32, #tpu.memory_space<vmem_shared>>
        tpu.enqueue_indirect_dma source(%arg14 : memref<80x128xf32, #tpu.memory_space<vmem>>) target(%dma_start3A_101 : memref<10000x128xf32, #tpu.memory_space<vmem_shared>>) offsets(%arg11 : memref<80xi32, #tpu.memory_space<vmem>>) semaphore(%run_scoped3A : memref<!tpu.dma_semaphore, #tpu.memory_space<semaphore_mem>>) {add = true}
        %dma_wait3A_102 = arith.constant 0 : i32
        %dma_wait3A_103 = arith.constant 0 : i32
        %dma_wait3A_104 = tpu.memref_slice %arg6[%dma_wait3A_102, %dma_wait3A_103] : memref<10000x128xf32, #tpu.memory_space<vmem_shared>> -> memref<10000x128xf32, #tpu.memory_space<vmem_shared>>
        tpu.wait_indirect_dma semaphore(%run_scoped3A : memref<!tpu.dma_semaphore, #tpu.memory_space<semaphore_mem>>) src(%arg14 : memref<80x128xf32, #tpu.memory_space<vmem>>) dst(%dma_wait3A_104 : memref<10000x128xf32, #tpu.memory_space<vmem_shared>>)
        tpu.yield
      }) : () -> ()
      %dma_wait3A_86 = arith.constant 0 : i32
      %dma_wait3A_87 = arith.constant 0 : i32
      %dma_wait3A_88 = tpu.memref_slice %arg4[%dma_wait3A_86, %dma_wait3A_87] : memref<10000x128xf32, #tpu.memory_space<hbm>> -> memref<10000x128xf32, #tpu.memory_space<hbm>>
      tpu.wait_indirect_dma semaphore(%arg18 : memref<!tpu.dma_semaphore, #tpu.memory_space<semaphore_mem>>) src(%dma_wait3A_88 : memref<10000x128xf32, #tpu.memory_space<hbm>>) dst(%arg15 : memref<80x128xf32, #tpu.memory_space<vmem>>)
      %add3A_89 = arith.constant 2 : i32
      %add3A_90 = arith.addi %mul3A_59, %add3A_89 : i32
      %add3A_91 = arith.constant 2 : i32
      %add3A_92 = arith.addi %add3A_90, %add3A_91 : i32
      %mul3A_93 = arith.constant 80 : i32
      %mul3A_94 = arith.muli %add3A_92, %mul3A_93 : i32
      %add3A_95 = arith.addi %add3A_27, %mul3A_94 : i32
      "tpu.region"() ({
        %run_scoped3A = tpu.sem_alloc : memref<!tpu.dma_semaphore, #tpu.memory_space<semaphore_mem>>
        %dma_start3A_99 = tpu.memref_slice %arg2[%add3A_95] : memref<320000xi32, #tpu.memory_space<hbm>> -> memref<80xi32, #tpu.memory_space<hbm>>
        %dma_start3A_100 = tpu.memref_slice %arg2[%add3A_95] : memref<320000xi32, #tpu.memory_space<hbm>> -> memref<80xi32, #tpu.memory_space<hbm>>
        tpu.enqueue_dma source(%dma_start3A_100 : memref<80xi32, #tpu.memory_space<hbm>>) target(%arg8 : memref<80xi32, #tpu.memory_space<vmem>>) target_semaphore(%run_scoped3A : memref<!tpu.dma_semaphore, #tpu.memory_space<semaphore_mem>>)
        %dma_wait3A_101 = tpu.memref_slice %arg2[%add3A_95] : memref<320000xi32, #tpu.memory_space<hbm>> -> memref<80xi32, #tpu.memory_space<hbm>>
        %dma_wait3A_102 = tpu.memref_slice %arg2[%add3A_95] : memref<320000xi32, #tpu.memory_space<hbm>> -> memref<80xi32, #tpu.memory_space<hbm>>
        tpu.wait_dma2 semaphore(%run_scoped3A : memref<!tpu.dma_semaphore, #tpu.memory_space<semaphore_mem>>) src(%dma_wait3A_102 : memref<80xi32, #tpu.memory_space<hbm>>) dst(%arg8 : memref<80xi32, #tpu.memory_space<vmem>>)
        tpu.yield
      }) : () -> ()
      "tpu.region"() ({
        %run_scoped3A = tpu.sem_alloc : memref<!tpu.dma_semaphore, #tpu.memory_space<semaphore_mem>>
        %dma_start3A_99 = tpu.memref_slice %arg3[%add3A_95] : memref<320000xi32, #tpu.memory_space<hbm>> -> memref<80xi32, #tpu.memory_space<hbm>>
        %dma_start3A_100 = tpu.memref_slice %arg3[%add3A_95] : memref<320000xi32, #tpu.memory_space<hbm>> -> memref<80xi32, #tpu.memory_space<hbm>>
        tpu.enqueue_dma source(%dma_start3A_100 : memref<80xi32, #tpu.memory_space<hbm>>) target(%arg11 : memref<80xi32, #tpu.memory_space<vmem>>) target_semaphore(%run_scoped3A : memref<!tpu.dma_semaphore, #tpu.memory_space<semaphore_mem>>)
        %dma_wait3A_101 = tpu.memref_slice %arg3[%add3A_95] : memref<320000xi32, #tpu.memory_space<hbm>> -> memref<80xi32, #tpu.memory_space<hbm>>
        %dma_wait3A_102 = tpu.memref_slice %arg3[%add3A_95] : memref<320000xi32, #tpu.memory_space<hbm>> -> memref<80xi32, #tpu.memory_space<hbm>>
        tpu.wait_dma2 semaphore(%run_scoped3A : memref<!tpu.dma_semaphore, #tpu.memory_space<semaphore_mem>>) src(%dma_wait3A_102 : memref<80xi32, #tpu.memory_space<hbm>>) dst(%arg11 : memref<80xi32, #tpu.memory_space<vmem>>)
        tpu.yield
      }) : () -> ()
      %dma_start3A_96 = arith.constant 0 : i32
      %dma_start3A_97 = arith.constant 0 : i32
      %dma_start3A_98 = tpu.memref_slice %arg4[%dma_start3A_96, %dma_start3A_97] : memref<10000x128xf32, #tpu.memory_space<hbm>> -> memref<10000x128xf32, #tpu.memory_space<hbm>>
      tpu.enqueue_indirect_dma source(%dma_start3A_98 : memref<10000x128xf32, #tpu.memory_space<hbm>>) target(%arg14 : memref<80x128xf32, #tpu.memory_space<vmem>>) offsets(%arg8 : memref<80xi32, #tpu.memory_space<vmem>>) semaphore(%arg17 : memref<!tpu.dma_semaphore, #tpu.memory_space<semaphore_mem>>)
      "tpu.region"() ({
        %run_scoped3A = tpu.sem_alloc : memref<!tpu.dma_semaphore, #tpu.memory_space<semaphore_mem>>
        %dma_start3A_99 = arith.constant 0 : i32
        %dma_start3A_100 = arith.constant 0 : i32
        %dma_start3A_101 = tpu.memref_slice %arg6[%dma_start3A_99, %dma_start3A_100] : memref<10000x128xf32, #tpu.memory_space<vmem_shared>> -> memref<10000x128xf32, #tpu.memory_space<vmem_shared>>
        tpu.enqueue_indirect_dma source(%arg15 : memref<80x128xf32, #tpu.memory_space<vmem>>) target(%dma_start3A_101 : memref<10000x128xf32, #tpu.memory_space<vmem_shared>>) offsets(%arg12 : memref<80xi32, #tpu.memory_space<vmem>>) semaphore(%run_scoped3A : memref<!tpu.dma_semaphore, #tpu.memory_space<semaphore_mem>>) {add = true}
        %dma_wait3A_102 = arith.constant 0 : i32
        %dma_wait3A_103 = arith.constant 0 : i32
        %dma_wait3A_104 = tpu.memref_slice %arg6[%dma_wait3A_102, %dma_wait3A_103] : memref<10000x128xf32, #tpu.memory_space<vmem_shared>> -> memref<10000x128xf32, #tpu.memory_space<vmem_shared>>
        tpu.wait_indirect_dma semaphore(%run_scoped3A : memref<!tpu.dma_semaphore, #tpu.memory_space<semaphore_mem>>) src(%arg15 : memref<80x128xf32, #tpu.memory_space<vmem>>) dst(%dma_wait3A_104 : memref<10000x128xf32, #tpu.memory_space<vmem_shared>>)
        tpu.yield
      }) : () -> ()
    }
    %scan3A_41 = arith.constant 41 : i32
    %dma_wait3A = arith.constant 0 : i32
    %dma_wait3A_42 = arith.constant 0 : i32
    %dma_wait3A_43 = tpu.memref_slice %arg4[%dma_wait3A, %dma_wait3A_42] : memref<10000x128xf32, #tpu.memory_space<hbm>> -> memref<10000x128xf32, #tpu.memory_space<hbm>>
    tpu.wait_indirect_dma semaphore(%arg16 : memref<!tpu.dma_semaphore, #tpu.memory_space<semaphore_mem>>) src(%dma_wait3A_43 : memref<10000x128xf32, #tpu.memory_space<hbm>>) dst(%arg13 : memref<80x128xf32, #tpu.memory_space<vmem>>)
    "tpu.region"() ({
      %run_scoped3A = tpu.sem_alloc : memref<!tpu.dma_semaphore, #tpu.memory_space<semaphore_mem>>
      %dma_start3A_53 = arith.constant 0 : i32
      %dma_start3A_54 = arith.constant 0 : i32
      %dma_start3A_55 = tpu.memref_slice %arg6[%dma_start3A_53, %dma_start3A_54] : memref<10000x128xf32, #tpu.memory_space<vmem_shared>> -> memref<10000x128xf32, #tpu.memory_space<vmem_shared>>
      tpu.enqueue_indirect_dma source(%arg13 : memref<80x128xf32, #tpu.memory_space<vmem>>) target(%dma_start3A_55 : memref<10000x128xf32, #tpu.memory_space<vmem_shared>>) offsets(%arg10 : memref<80xi32, #tpu.memory_space<vmem>>) semaphore(%run_scoped3A : memref<!tpu.dma_semaphore, #tpu.memory_space<semaphore_mem>>) {add = true}
      %dma_wait3A_56 = arith.constant 0 : i32
      %dma_wait3A_57 = arith.constant 0 : i32
      %dma_wait3A_58 = tpu.memref_slice %arg6[%dma_wait3A_56, %dma_wait3A_57] : memref<10000x128xf32, #tpu.memory_space<vmem_shared>> -> memref<10000x128xf32, #tpu.memory_space<vmem_shared>>
      tpu.wait_indirect_dma semaphore(%run_scoped3A : memref<!tpu.dma_semaphore, #tpu.memory_space<semaphore_mem>>) src(%arg13 : memref<80x128xf32, #tpu.memory_space<vmem>>) dst(%dma_wait3A_58 : memref<10000x128xf32, #tpu.memory_space<vmem_shared>>)
      tpu.yield
    }) : () -> ()
    %dma_wait3A_44 = arith.constant 0 : i32
    %dma_wait3A_45 = arith.constant 0 : i32
    %dma_wait3A_46 = tpu.memref_slice %arg4[%dma_wait3A_44, %dma_wait3A_45] : memref<10000x128xf32, #tpu.memory_space<hbm>> -> memref<10000x128xf32, #tpu.memory_space<hbm>>
    tpu.wait_indirect_dma semaphore(%arg17 : memref<!tpu.dma_semaphore, #tpu.memory_space<semaphore_mem>>) src(%dma_wait3A_46 : memref<10000x128xf32, #tpu.memory_space<hbm>>) dst(%arg14 : memref<80x128xf32, #tpu.memory_space<vmem>>)
    "tpu.region"() ({
      %run_scoped3A = tpu.sem_alloc : memref<!tpu.dma_semaphore, #tpu.memory_space<semaphore_mem>>
      %dma_start3A_53 = arith.constant 0 : i32
      %dma_start3A_54 = arith.constant 0 : i32
      %dma_start3A_55 = tpu.memref_slice %arg6[%dma_start3A_53, %dma_start3A_54] : memref<10000x128xf32, #tpu.memory_space<vmem_shared>> -> memref<10000x128xf32, #tpu.memory_space<vmem_shared>>
      tpu.enqueue_indirect_dma source(%arg14 : memref<80x128xf32, #tpu.memory_space<vmem>>) target(%dma_start3A_55 : memref<10000x128xf32, #tpu.memory_space<vmem_shared>>) offsets(%arg11 : memref<80xi32, #tpu.memory_space<vmem>>) semaphore(%run_scoped3A : memref<!tpu.dma_semaphore, #tpu.memory_space<semaphore_mem>>) {add = true}
      %dma_wait3A_56 = arith.constant 0 : i32
      %dma_wait3A_57 = arith.constant 0 : i32
      %dma_wait3A_58 = tpu.memref_slice %arg6[%dma_wait3A_56, %dma_wait3A_57] : memref<10000x128xf32, #tpu.memory_space<vmem_shared>> -> memref<10000x128xf32, #tpu.memory_space<vmem_shared>>
      tpu.wait_indirect_dma semaphore(%run_scoped3A : memref<!tpu.dma_semaphore, #tpu.memory_space<semaphore_mem>>) src(%arg14 : memref<80x128xf32, #tpu.memory_space<vmem>>) dst(%dma_wait3A_58 : memref<10000x128xf32, #tpu.memory_space<vmem_shared>>)
      tpu.yield
    }) : () -> ()
    %barrier3A_47 = arith.constant 0 : index
    tpu.barrier barrier_id(%barrier3A_47)
    "tpu.region"() ({
      %run_scoped3A = tpu.sem_alloc : memref<!tpu.dma_semaphore, #tpu.memory_space<semaphore_mem>>
      %dma_start3A_53 = arith.constant 0 : i32
      %dma_start3A_54 = tpu.memref_slice %arg5[%arg0, %mul3A_0, %dma_start3A_53] : memref<2x10000x128xf32, #tpu.memory_space<hbm>> -> memref<1x624x128xf32, #tpu.memory_space<hbm>>
      %dma_start3A_55 = tpu.memref_squeeze %dma_start3A_54 : memref<1x624x128xf32, #tpu.memory_space<hbm>> -> memref<624x128xf32, #tpu.memory_space<hbm>>
      %dma_start3A_56 = arith.constant 0 : i32
      %dma_start3A_57 = tpu.memref_slice %arg6[%mul3A_0, %dma_start3A_56] : memref<10000x128xf32, #tpu.memory_space<vmem_shared>> -> memref<624x128xf32, #tpu.memory_space<vmem_shared>>
      tpu.enqueue_dma source(%dma_start3A_57 : memref<624x128xf32, #tpu.memory_space<vmem_shared>>) target(%dma_start3A_55 : memref<624x128xf32, #tpu.memory_space<hbm>>) target_semaphore(%run_scoped3A : memref<!tpu.dma_semaphore, #tpu.memory_space<semaphore_mem>>)
      %dma_wait3A_58 = arith.constant 0 : i32
      %dma_wait3A_59 = tpu.memref_slice %arg5[%arg0, %mul3A_0, %dma_wait3A_58] : memref<2x10000x128xf32, #tpu.memory_space<hbm>> -> memref<1x624x128xf32, #tpu.memory_space<hbm>>
      %dma_wait3A_60 = tpu.memref_squeeze %dma_wait3A_59 : memref<1x624x128xf32, #tpu.memory_space<hbm>> -> memref<624x128xf32, #tpu.memory_space<hbm>>
      %dma_wait3A_61 = arith.constant 0 : i32
      %dma_wait3A_62 = tpu.memref_slice %arg6[%mul3A_0, %dma_wait3A_61] : memref<10000x128xf32, #tpu.memory_space<vmem_shared>> -> memref<624x128xf32, #tpu.memory_space<vmem_shared>>
      tpu.wait_dma2 semaphore(%run_scoped3A : memref<!tpu.dma_semaphore, #tpu.memory_space<semaphore_mem>>) src(%dma_wait3A_62 : memref<624x128xf32, #tpu.memory_space<vmem_shared>>) dst(%dma_wait3A_60 : memref<624x128xf32, #tpu.memory_space<hbm>>)
      tpu.yield
    }) : () -> ()
    %eq3A_48 = arith.constant 0 : i32
    %eq3A_49 = arith.cmpi eq, %arg1, %eq3A_48 : i32
    %convert_element_type3A_50 = arith.extui %eq3A_49 : i1 to i32
    %cond3A_51 = arith.constant 0 : i32
    %cond3A_52 = arith.cmpi ne, %convert_element_type3A_50, %cond3A_51 : i32
    scf.if %cond3A_52 {
      "tpu.region"() ({
        %run_scoped3A = tpu.sem_alloc : memref<!tpu.dma_semaphore, #tpu.memory_space<semaphore_mem>>
        %dma_start3A_53 = arith.constant 9984 : i32
        %dma_start3A_54 = arith.constant 0 : i32
        %dma_start3A_55 = tpu.memref_slice %arg5[%arg0, %dma_start3A_53, %dma_start3A_54] : memref<2x10000x128xf32, #tpu.memory_space<hbm>> -> memref<1x16x128xf32, #tpu.memory_space<hbm>>
        %dma_start3A_56 = tpu.memref_squeeze %dma_start3A_55 : memref<1x16x128xf32, #tpu.memory_space<hbm>> -> memref<16x128xf32, #tpu.memory_space<hbm>>
        %dma_start3A_57 = arith.constant 9984 : i32
        %dma_start3A_58 = arith.constant 0 : i32
        %dma_start3A_59 = tpu.memref_slice %arg6[%dma_start3A_57, %dma_start3A_58] : memref<10000x128xf32, #tpu.memory_space<vmem_shared>> -> memref<16x128xf32, #tpu.memory_space<vmem_shared>>
        tpu.enqueue_dma source(%dma_start3A_59 : memref<16x128xf32, #tpu.memory_space<vmem_shared>>) target(%dma_start3A_56 : memref<16x128xf32, #tpu.memory_space<hbm>>) target_semaphore(%run_scoped3A : memref<!tpu.dma_semaphore, #tpu.memory_space<semaphore_mem>>)
        %dma_wait3A_60 = arith.constant 9984 : i32
        %dma_wait3A_61 = arith.constant 0 : i32
        %dma_wait3A_62 = tpu.memref_slice %arg5[%arg0, %dma_wait3A_60, %dma_wait3A_61] : memref<2x10000x128xf32, #tpu.memory_space<hbm>> -> memref<1x16x128xf32, #tpu.memory_space<hbm>>
        %dma_wait3A_63 = tpu.memref_squeeze %dma_wait3A_62 : memref<1x16x128xf32, #tpu.memory_space<hbm>> -> memref<16x128xf32, #tpu.memory_space<hbm>>
        %dma_wait3A_64 = arith.constant 9984 : i32
        %dma_wait3A_65 = arith.constant 0 : i32
        %dma_wait3A_66 = tpu.memref_slice %arg6[%dma_wait3A_64, %dma_wait3A_65] : memref<10000x128xf32, #tpu.memory_space<vmem_shared>> -> memref<16x128xf32, #tpu.memory_space<vmem_shared>>
        tpu.wait_dma2 semaphore(%run_scoped3A : memref<!tpu.dma_semaphore, #tpu.memory_space<semaphore_mem>>) src(%dma_wait3A_66 : memref<16x128xf32, #tpu.memory_space<vmem_shared>>) dst(%dma_wait3A_63 : memref<16x128xf32, #tpu.memory_space<hbm>>)
        tpu.yield
      }) : () -> ()
    } else {
    }
    return
  }
}

module attributes {stable_mosaic.version = 14 : i64} {
  func.func @_ht1_body(%arg0: i32, %arg1: memref<2000x128xf32, #tpu.memory_space<vmem>>, %arg2: memref<2000x1xf32, #tpu.memory_space<vmem>>, %arg3: memref<2000x1xf32, #tpu.memory_space<vmem>>, %arg4: memref<128x128xf32, #tpu.memory_space<vmem>>, %arg5: memref<2000x128xf32, #tpu.memory_space<vmem>>) attributes {dimension_semantics = [#tpu.dimension_semantics<arbitrary>], iteration_bounds = array<i64: 5>, scalar_prefetch = 0 : i64, scratch_operands = 0 : i64, tpu.core_type = #tpu.core_type<tc>, window_params = [{transform_indices = @transform_0, window_bounds = array<i64: 2000, 128>}, {transform_indices = @transform_1, window_bounds = array<i64: 2000, 1>}, {transform_indices = @transform_2, window_bounds = array<i64: 2000, 1>}, {pipeline_mode = #tpu.pipeline_mode<synchronous>, transform_indices = @transform_3, window_bounds = array<i64: 128, 128>}, {transform_indices = @transform_4, window_bounds = array<i64: 2000, 128>}]} {
    %get3A = arith.constant 0 : index
    %get3A_0 = arith.constant 0 : index
    %get3A_1 = vector.load %arg1[%get3A, %get3A_0] : memref<2000x128xf32, #tpu.memory_space<vmem>>, vector<2000x128xf32>
    %get3A_2 = arith.constant 0 : index
    %get3A_3 = arith.constant 0 : index
    %get3A_4 = vector.load %arg4[%get3A_2, %get3A_3] : memref<128x128xf32, #tpu.memory_space<vmem>>, vector<128x128xf32>
    %dot_general3A = arith.constant dense<0.000000e+00> : vector<2000x128xf32>
    %dot_general3A_5 = tpu.matmul %get3A_1, %get3A_4, %dot_general3A {dimension_numbers = #tpu.dot_dimension_numbers<[1], [0], [0], [1], [0, 0, 1, 1], [], []>, transpose_lhs_hint = false} : vector<2000x128xf32>, vector<128x128xf32>, vector<2000x128xf32> -> vector<2000x128xf32>
    %get3A_6 = arith.constant 0 : index
    %get3A_7 = arith.constant 0 : index
    %get3A_8 = vector.load %arg2[%get3A_6, %get3A_7] : memref<2000x1xf32, #tpu.memory_space<vmem>>, vector<2000x1xf32>
    %add3A = arith.constant 1.000000e+00 : f32
    %add3A_9 = vector.broadcast %add3A : f32 to vector<2000x1xf32>
    %add3A_10 = arith.addf %add3A_9, %get3A_8 : vector<2000x1xf32>
    %get3A_11 = arith.constant 0 : index
    %get3A_12 = arith.constant 0 : index
    %get3A_13 = vector.load %arg3[%get3A_11, %get3A_12] : memref<2000x1xf32, #tpu.memory_space<vmem>>, vector<2000x1xf32>
    %add3A_14 = arith.addf %add3A_10, %get3A_13 : vector<2000x1xf32>
    %rsqrt3A = math.rsqrt %add3A_14 : vector<2000x1xf32>
    %mul3A = vector.broadcast %rsqrt3A : vector<2000x1xf32> to vector<2000x128xf32>
    %mul3A_15 = arith.mulf %dot_general3A_5, %mul3A : vector<2000x128xf32>
    %swap3A = arith.constant 0 : index
    %swap3A_16 = arith.constant 0 : index
    %swap3A_17 = vector.load %arg5[%swap3A, %swap3A_16] : memref<2000x128xf32, #tpu.memory_space<vmem>>, vector<2000x128xf32>
    tpu.vector_store %arg5[%swap3A, %swap3A_16], %mul3A_15 {strides = array<i32>} : memref<2000x128xf32, #tpu.memory_space<vmem>>, vector<2000x128xf32>,
    return
  }
  func.func @transform_0(%arg0: i32) -> (i32, i32) {
    %c0_i32 = arith.constant 0 : i32
    %c0_i32_0 = arith.constant 0 : i32
    return %arg0, %c0_i32 : i32, i32
  }
  func.func @transform_1(%arg0: i32) -> (i32, i32) {
    %c0_i32 = arith.constant 0 : i32
    %c0_i32_0 = arith.constant 0 : i32
    return %arg0, %c0_i32 : i32, i32
  }
  func.func @transform_2(%arg0: i32) -> (i32, i32) {
    %c0_i32 = arith.constant 0 : i32
    %c0_i32_0 = arith.constant 0 : i32
    return %arg0, %c0_i32 : i32, i32
  }
  func.func @transform_3(%arg0: i32) -> (i32, i32) {
    %c0_i32 = arith.constant 0 : i32
    %c0_i32_0 = arith.constant 0 : i32
    %c0_i32_1 = arith.constant 0 : i32
    return %c0_i32, %c0_i32_0 : i32, i32
  }
  func.func @transform_4(%arg0: i32) -> (i32, i32) {
    %c0_i32 = arith.constant 0 : i32
    %c0_i32_0 = arith.constant 0 : i32
    return %arg0, %c0_i32 : i32, i32
  }
}

module attributes {stable_mosaic.version = 14 : i64} {
  func.func @_ht2_body(%arg0: i32, %arg1: memref<2x2000x128xf32, #tpu.memory_space<vmem>>, %arg2: memref<2000x128xf32, #tpu.memory_space<vmem>>, %arg3: memref<2000x1xf32, #tpu.memory_space<vmem>>, %arg4: memref<2000x1xf32, #tpu.memory_space<vmem>>, %arg5: memref<128x128xf32, #tpu.memory_space<vmem>>, %arg6: memref<1x128xf32, #tpu.memory_space<vmem>>, %arg7: memref<2000x128xf32, #tpu.memory_space<vmem>>) attributes {dimension_semantics = [#tpu.dimension_semantics<arbitrary>], iteration_bounds = array<i64: 5>, scalar_prefetch = 0 : i64, scratch_operands = 0 : i64, tpu.core_type = #tpu.core_type<tc>, window_params = [{transform_indices = @transform_0, window_bounds = array<i64: 2, 2000, 128>}, {transform_indices = @transform_1, window_bounds = array<i64: 2000, 128>}, {transform_indices = @transform_2, window_bounds = array<i64: 2000, 1>}, {transform_indices = @transform_3, window_bounds = array<i64: 2000, 1>}, {pipeline_mode = #tpu.pipeline_mode<synchronous>, transform_indices = @transform_4, window_bounds = array<i64: 128, 128>}, {pipeline_mode = #tpu.pipeline_mode<synchronous>, transform_indices = @transform_5, window_bounds = array<i64: 1, 128>}, {transform_indices = @transform_6, window_bounds = array<i64: 2000, 128>}]} {
    %get3A = arith.constant 0 : index
    %get3A_0 = arith.constant 0 : index
    %get3A_1 = vector.load %arg3[%get3A, %get3A_0] : memref<2000x1xf32, #tpu.memory_space<vmem>>, vector<2000x1xf32>
    %add3A = arith.constant 1.000000e+00 : f32
    %add3A_2 = vector.broadcast %add3A : f32 to vector<2000x1xf32>
    %add3A_3 = arith.addf %add3A_2, %get3A_1 : vector<2000x1xf32>
    %get3A_4 = arith.constant 0 : index
    %get3A_5 = arith.constant 0 : index
    %get3A_6 = vector.load %arg4[%get3A_4, %get3A_5] : memref<2000x1xf32, #tpu.memory_space<vmem>>, vector<2000x1xf32>
    %add3A_7 = arith.addf %add3A_3, %get3A_6 : vector<2000x1xf32>
    %rsqrt3A = math.rsqrt %add3A_7 : vector<2000x1xf32>
    %get3A_8 = arith.constant 0 : index
    %get3A_9 = arith.constant 0 : index
    %get3A_10 = vector.load %arg2[%get3A_8, %get3A_9] : memref<2000x128xf32, #tpu.memory_space<vmem>>, vector<2000x128xf32>
    %get3A_11 = arith.constant 0 : index
    %get3A_12 = arith.constant 0 : index
    %get3A_13 = arith.constant 0 : index
    %get3A_14 = vector.load %arg1[%get3A_11, %get3A_12, %get3A_13] : memref<2x2000x128xf32, #tpu.memory_space<vmem>>, vector<1x2000x128xf32>
    %get3A_15 = vector.shape_cast %get3A_14 : vector<1x2000x128xf32> to vector<2000x128xf32>
    %add3A_16 = arith.addf %get3A_10, %get3A_15 : vector<2000x128xf32>
    %get3A_17 = arith.constant 1 : index
    %get3A_18 = arith.constant 0 : index
    %get3A_19 = arith.constant 0 : index
    %get3A_20 = vector.load %arg1[%get3A_17, %get3A_18, %get3A_19] : memref<2x2000x128xf32, #tpu.memory_space<vmem>>, vector<1x2000x128xf32>
    %get3A_21 = vector.shape_cast %get3A_20 : vector<1x2000x128xf32> to vector<2000x128xf32>
    %add3A_22 = arith.addf %add3A_16, %get3A_21 : vector<2000x128xf32>
    %mul3A = vector.broadcast %rsqrt3A : vector<2000x1xf32> to vector<2000x128xf32>
    %mul3A_23 = arith.mulf %mul3A, %add3A_22 : vector<2000x128xf32>
    %get3A_24 = arith.constant 0 : index
    %get3A_25 = arith.constant 0 : index
    %get3A_26 = vector.load %arg6[%get3A_24, %get3A_25] : memref<1x128xf32, #tpu.memory_space<vmem>>, vector<1x128xf32>
    %add3A_27 = vector.broadcast %get3A_26 : vector<1x128xf32> to vector<2000x128xf32>
    %add3A_28 = arith.addf %mul3A_23, %add3A_27 : vector<2000x128xf32>
    %get3A_29 = arith.constant 0 : index
    %get3A_30 = arith.constant 0 : index
    %get3A_31 = vector.load %arg5[%get3A_29, %get3A_30] : memref<128x128xf32, #tpu.memory_space<vmem>>, vector<128x128xf32>
    %dot_general3A = arith.constant dense<0.000000e+00> : vector<2000x128xf32>
    %dot_general3A_32 = tpu.matmul %add3A_28, %get3A_31, %dot_general3A {dimension_numbers = #tpu.dot_dimension_numbers<[1], [0], [0], [1], [0, 0, 1, 1], [], []>, transpose_lhs_hint = false} : vector<2000x128xf32>, vector<128x128xf32>, vector<2000x128xf32> -> vector<2000x128xf32>
    %mul3A_33 = vector.broadcast %rsqrt3A : vector<2000x1xf32> to vector<2000x128xf32>
    %mul3A_34 = arith.mulf %dot_general3A_32, %mul3A_33 : vector<2000x128xf32>
    %swap3A = arith.constant 0 : index
    %swap3A_35 = arith.constant 0 : index
    %swap3A_36 = vector.load %arg7[%swap3A, %swap3A_35] : memref<2000x128xf32, #tpu.memory_space<vmem>>, vector<2000x128xf32>
    tpu.vector_store %arg7[%swap3A, %swap3A_35], %mul3A_34 {strides = array<i32>} : memref<2000x128xf32, #tpu.memory_space<vmem>>, vector<2000x128xf32>,
    return
  }
  func.func @transform_0(%arg0: i32) -> (i32, i32, i32) {
    %c0_i32 = arith.constant 0 : i32
    %c0_i32_0 = arith.constant 0 : i32
    %c0_i32_1 = arith.constant 0 : i32
    return %c0_i32, %arg0, %c0_i32_0 : i32, i32, i32
  }
  func.func @transform_1(%arg0: i32) -> (i32, i32) {
    %c0_i32 = arith.constant 0 : i32
    %c0_i32_0 = arith.constant 0 : i32
    return %arg0, %c0_i32 : i32, i32
  }
  func.func @transform_2(%arg0: i32) -> (i32, i32) {
    %c0_i32 = arith.constant 0 : i32
    %c0_i32_0 = arith.constant 0 : i32
    return %arg0, %c0_i32 : i32, i32
  }
  func.func @transform_3(%arg0: i32) -> (i32, i32) {
    %c0_i32 = arith.constant 0 : i32
    %c0_i32_0 = arith.constant 0 : i32
    return %arg0, %c0_i32 : i32, i32
  }
  func.func @transform_4(%arg0: i32) -> (i32, i32) {
    %c0_i32 = arith.constant 0 : i32
    %c0_i32_0 = arith.constant 0 : i32
    %c0_i32_1 = arith.constant 0 : i32
    return %c0_i32, %c0_i32_0 : i32, i32
  }
  func.func @transform_5(%arg0: i32) -> (i32, i32) {
    %c0_i32 = arith.constant 0 : i32
    %c0_i32_0 = arith.constant 0 : i32
    %c0_i32_1 = arith.constant 0 : i32
    return %c0_i32, %c0_i32_0 : i32, i32
  }
  func.func @transform_6(%arg0: i32) -> (i32, i32) {
    %c0_i32 = arith.constant 0 : i32
    %c0_i32_0 = arith.constant 0 : i32
    return %arg0, %c0_i32 : i32, i32
  }
}

module attributes {stable_mosaic.version = 14 : i64} {
  func.func @_head_body(%arg0: i32, %arg1: memref<2x1000x128xf32, #tpu.memory_space<vmem>>, %arg2: memref<1000x128xf32, #tpu.memory_space<vmem>>, %arg3: memref<1000x1xf32, #tpu.memory_space<vmem>>, %arg4: memref<1000x1xf32, #tpu.memory_space<vmem>>, %arg5: memref<1x128xf32, #tpu.memory_space<vmem>>, %arg6: memref<1x1x1000xi32, #tpu.memory_space<vmem>>, %arg7: memref<64x16xf32, #tpu.memory_space<vmem>>, %arg8: memref<16x128xf32, #tpu.memory_space<vmem>>, %arg9: memref<1x128xf32, #tpu.memory_space<vmem>>, %arg10: memref<384x2xf32, #tpu.memory_space<vmem>>, %arg11: memref<1x2xf32, #tpu.memory_space<vmem>>, %arg12: memref<64x2xf32, #tpu.memory_space<vmem>>, %arg13: memref<64x128xf32, #tpu.memory_space<vmem>>, %arg14: memref<64x128xf32, #tpu.memory_space<vmem>>, %arg15: memref<64x128xf32, #tpu.memory_space<vmem>>) attributes {dimension_semantics = [#tpu.dimension_semantics<arbitrary>], iteration_bounds = array<i64: 10>, scalar_prefetch = 0 : i64, scratch_operands = 3 : i64, tpu.core_type = #tpu.core_type<tc>, window_params = [{transform_indices = @transform_0, window_bounds = array<i64: 2, 1000, 128>}, {transform_indices = @transform_1, window_bounds = array<i64: 1000, 128>}, {transform_indices = @transform_2, window_bounds = array<i64: 1000, 1>}, {transform_indices = @transform_3, window_bounds = array<i64: 1000, 1>}, {pipeline_mode = #tpu.pipeline_mode<synchronous>, transform_indices = @transform_4, window_bounds = array<i64: 1, 128>}, {transform_indices = @transform_5, window_bounds = array<i64: 1, 1, 1000>}, {pipeline_mode = #tpu.pipeline_mode<synchronous>, transform_indices = @transform_6, window_bounds = array<i64: 64, 16>}, {pipeline_mode = #tpu.pipeline_mode<synchronous>, transform_indices = @transform_7, window_bounds = array<i64: 16, 128>}, {pipeline_mode = #tpu.pipeline_mode<synchronous>, transform_indices = @transform_8, window_bounds = array<i64: 1, 128>}, {pipeline_mode = #tpu.pipeline_mode<synchronous>, transform_indices = @transform_9, window_bounds = array<i64: 384, 2>}, {pipeline_mode = #tpu.pipeline_mode<synchronous>, transform_indices = @transform_10, window_bounds = array<i64: 1, 2>}, {pipeline_mode = #tpu.pipeline_mode<synchronous>, transform_indices = @transform_11, window_bounds = array<i64: 64, 2>}]} {
    %eq3A = arith.constant 0 : i32
    %eq3A_0 = arith.cmpi eq, %arg0, %eq3A : i32
    %convert_element_type3A = arith.extui %eq3A_0 : i1 to i32
    %cond3A = arith.constant 0 : i32
    %cond3A_1 = arith.cmpi ne, %convert_element_type3A, %cond3A : i32
    scf.if %cond3A_1 {
      %broadcast_in_dim3A_579 = arith.constant 0.000000e+00 : f32
      %broadcast_in_dim3A_580 = vector.broadcast %broadcast_in_dim3A_579 : f32 to vector<64x128xf32>
      %swap3A_581 = arith.constant 0 : index
      %swap3A_582 = arith.constant 0 : index
      %swap3A_583 = vector.load %arg13[%swap3A_581, %swap3A_582] : memref<64x128xf32, #tpu.memory_space<vmem>>, vector<64x128xf32>
      tpu.vector_store %arg13[%swap3A_581, %swap3A_582], %broadcast_in_dim3A_580 {strides = array<i32>} : memref<64x128xf32, #tpu.memory_space<vmem>>, vector<64x128xf32>,
      %broadcast_in_dim3A_584 = arith.constant 0.000000e+00 : f32
      %broadcast_in_dim3A_585 = vector.broadcast %broadcast_in_dim3A_584 : f32 to vector<64x128xf32>
      %swap3A_586 = arith.constant 0 : index
      %swap3A_587 = arith.constant 0 : index
      %swap3A_588 = vector.load %arg15[%swap3A_586, %swap3A_587] : memref<64x128xf32, #tpu.memory_space<vmem>>, vector<64x128xf32>
      tpu.vector_store %arg15[%swap3A_586, %swap3A_587], %broadcast_in_dim3A_585 {strides = array<i32>} : memref<64x128xf32, #tpu.memory_space<vmem>>, vector<64x128xf32>,
      %broadcast_in_dim3A_589 = arith.constant 0xFF800000 : f32
      %broadcast_in_dim3A_590 = vector.broadcast %broadcast_in_dim3A_589 : f32 to vector<64x128xf32>
      %swap3A_591 = arith.constant 0 : index
      %swap3A_592 = arith.constant 0 : index
      %swap3A_593 = vector.load %arg14[%swap3A_591, %swap3A_592] : memref<64x128xf32, #tpu.memory_space<vmem>>, vector<64x128xf32>
      tpu.vector_store %arg14[%swap3A_591, %swap3A_592], %broadcast_in_dim3A_590 {strides = array<i32>} : memref<64x128xf32, #tpu.memory_space<vmem>>, vector<64x128xf32>,
    } else {
    }
    %get3A = arith.constant 0 : index
    %get3A_2 = arith.constant 0 : index
    %get3A_3 = vector.load %arg3[%get3A, %get3A_2] : memref<1000x1xf32, #tpu.memory_space<vmem>>, vector<1000x1xf32>
    %add3A = arith.constant 1.000000e+00 : f32
    %add3A_4 = vector.broadcast %add3A : f32 to vector<1000x1xf32>
    %add3A_5 = arith.addf %add3A_4, %get3A_3 : vector<1000x1xf32>
    %get3A_6 = arith.constant 0 : index
    %get3A_7 = arith.constant 0 : index
    %get3A_8 = vector.load %arg4[%get3A_6, %get3A_7] : memref<1000x1xf32, #tpu.memory_space<vmem>>, vector<1000x1xf32>
    %add3A_9 = arith.addf %add3A_5, %get3A_8 : vector<1000x1xf32>
    %rsqrt3A = math.rsqrt %add3A_9 : vector<1000x1xf32>
    %get3A_10 = arith.constant 0 : index
    %get3A_11 = arith.constant 0 : index
    %get3A_12 = vector.load %arg2[%get3A_10, %get3A_11] : memref<1000x128xf32, #tpu.memory_space<vmem>>, vector<1000x128xf32>
    %get3A_13 = arith.constant 0 : index
    %get3A_14 = arith.constant 0 : index
    %get3A_15 = arith.constant 0 : index
    %get3A_16 = vector.load %arg1[%get3A_13, %get3A_14, %get3A_15] : memref<2x1000x128xf32, #tpu.memory_space<vmem>>, vector<1x1000x128xf32>
    %get3A_17 = vector.shape_cast %get3A_16 : vector<1x1000x128xf32> to vector<1000x128xf32>
    %add3A_18 = arith.addf %get3A_12, %get3A_17 : vector<1000x128xf32>
    %get3A_19 = arith.constant 1 : index
    %get3A_20 = arith.constant 0 : index
    %get3A_21 = arith.constant 0 : index
    %get3A_22 = vector.load %arg1[%get3A_19, %get3A_20, %get3A_21] : memref<2x1000x128xf32, #tpu.memory_space<vmem>>, vector<1x1000x128xf32>
    %get3A_23 = vector.shape_cast %get3A_22 : vector<1x1000x128xf32> to vector<1000x128xf32>
    %add3A_24 = arith.addf %add3A_18, %get3A_23 : vector<1000x128xf32>
    %mul3A = vector.broadcast %rsqrt3A : vector<1000x1xf32> to vector<1000x128xf32>
    %mul3A_25 = arith.mulf %mul3A, %add3A_24 : vector<1000x128xf32>
    %get3A_26 = arith.constant 0 : index
    %get3A_27 = arith.constant 0 : index
    %get3A_28 = vector.load %arg5[%get3A_26, %get3A_27] : memref<1x128xf32, #tpu.memory_space<vmem>>, vector<1x128xf32>
    %add3A_29 = vector.broadcast %get3A_28 : vector<1x128xf32> to vector<1000x128xf32>
    %add3A_30 = arith.addf %mul3A_25, %add3A_29 : vector<1000x128xf32>
    %get3A_31 = arith.constant 0 : index
    %get3A_32 = arith.constant 0 : index
    %get3A_33 = arith.constant 0 : index
    %get3A_34 = vector.load %arg6[%get3A_31, %get3A_32, %get3A_33] : memref<1x1x1000xi32, #tpu.memory_space<vmem>>, vector<1x1x1000xi32>
    %get3A_35 = vector.shape_cast %get3A_34 : vector<1x1x1000xi32> to vector<1000xi32>
    %broadcast_in_dim3A = vector.shape_cast %get3A_35 : vector<1000xi32> to vector<1000x1xi32>
    %iota3A = tpu.iota {dimensions = array<i32: 1>} : vector<1000x64xi32>
    %eq3A_36 = vector.broadcast %broadcast_in_dim3A : vector<1000x1xi32> to vector<1000x64xi32>
    %eq3A_37 = arith.cmpi eq, %eq3A_36, %iota3A : vector<1000x64xi32>
    %convert_element_type3A_38 = arith.extui %eq3A_37 : vector<1000x64xi1> to vector<1000x64xi32>
    %convert_element_type3A_39 = arith.sitofp %convert_element_type3A_38 : vector<1000x64xi32> to vector<1000x64xf32>
    %get3A_40 = arith.constant 0 : index
    %get3A_41 = arith.constant 0 : index
    %get3A_42 = vector.load %arg13[%get3A_40, %get3A_41] : memref<64x128xf32, #tpu.memory_space<vmem>>, vector<64x128xf32>
    %dot_general3A = arith.constant dense<0.000000e+00> : vector<64x128xf32>
    %dot_general3A_43 = tpu.matmul %convert_element_type3A_39, %add3A_30, %dot_general3A {dimension_numbers = #tpu.dot_dimension_numbers<[0], [0], [1], [1], [0, 1, 1, 1], [], []>, transpose_lhs_hint = false} : vector<1000x64xf32>, vector<1000x128xf32>, vector<64x128xf32> -> vector<64x128xf32>
    %add3A_44 = arith.addf %get3A_42, %dot_general3A_43 : vector<64x128xf32>
    %swap3A = arith.constant 0 : index
    %swap3A_45 = arith.constant 0 : index
    %swap3A_46 = vector.load %arg13[%swap3A, %swap3A_45] : memref<64x128xf32, #tpu.memory_space<vmem>>, vector<64x128xf32>
    tpu.vector_store %arg13[%swap3A, %swap3A_45], %add3A_44 {strides = array<i32>} : memref<64x128xf32, #tpu.memory_space<vmem>>, vector<64x128xf32>,
    %get3A_47 = arith.constant 0 : index
    %get3A_48 = arith.constant 0 : index
    %get3A_49 = vector.load %arg15[%get3A_47, %get3A_48] : memref<64x128xf32, #tpu.memory_space<vmem>>, vector<64x128xf32>
    %reduce_sum3A = arith.constant dense<0.000000e+00> : vector<64xf32>
    %reduce_sum3A_50 = vector.multi_reduction <add>, %convert_element_type3A_39, %reduce_sum3A [0] : vector<1000x64xf32> to vector<64xf32>
    %broadcast_in_dim3A_51 = vector.shape_cast %reduce_sum3A_50 : vector<64xf32> to vector<64x1xf32>
    %add3A_52 = vector.broadcast %broadcast_in_dim3A_51 : vector<64x1xf32> to vector<64x128xf32>
    %add3A_53 = arith.addf %get3A_49, %add3A_52 : vector<64x128xf32>
    %swap3A_54 = arith.constant 0 : index
    %swap3A_55 = arith.constant 0 : index
    %swap3A_56 = vector.load %arg15[%swap3A_54, %swap3A_55] : memref<64x128xf32, #tpu.memory_space<vmem>>, vector<64x128xf32>
    tpu.vector_store %arg15[%swap3A_54, %swap3A_55], %add3A_53 {strides = array<i32>} : memref<64x128xf32, #tpu.memory_space<vmem>>, vector<64x128xf32>,
    %reduce_min3A = vector.shape_cast %get3A_35 : vector<1000xi32> to vector<1x1000xi32>
    %reduce_min3A_57 = arith.constant dense<2147483647> : vector<1xi32>
    %reduce_min3A_58 = vector.multi_reduction <minsi>, %reduce_min3A, %reduce_min3A_57 [1] : vector<1x1000xi32> to vector<1xi32>
    %reduce_min3A_59 = vector.shape_cast %reduce_min3A_58 : vector<1xi32> to vector<1x1xi32>
    %reduce_min3A_60 = vector.extract %reduce_min3A_59[0, 0] : i32 from vector<1x1xi32>
    %reduce_max3A = vector.shape_cast %get3A_35 : vector<1000xi32> to vector<1x1000xi32>
    %reduce_max3A_61 = arith.constant dense<-2147483648> : vector<1xi32>
    %reduce_max3A_62 = vector.multi_reduction <maxsi>, %reduce_max3A, %reduce_max3A_61 [1] : vector<1x1000xi32> to vector<1xi32>
    %reduce_max3A_63 = vector.shape_cast %reduce_max3A_62 : vector<1xi32> to vector<1x1xi32>
    %reduce_max3A_64 = vector.extract %reduce_max3A_63[0, 0] : i32 from vector<1x1xi32>
    %le3A = arith.constant 0 : i32
    %le3A_65 = arith.cmpi sle, %reduce_min3A_60, %le3A : i32
    %ge3A = arith.constant 0 : i32
    %ge3A_66 = arith.cmpi sge, %reduce_max3A_64, %ge3A : i32
    %and3A = arith.andi %le3A_65, %ge3A_66 : i1
    %convert_element_type3A_67 = arith.extui %and3A : i1 to i32
    %cond3A_68 = arith.constant 0 : i32
    %cond3A_69 = arith.cmpi ne, %convert_element_type3A_67, %cond3A_68 : i32
    scf.if %cond3A_69 {
      %eq3A_579 = arith.constant 0 : i32
      %eq3A_580 = vector.broadcast %eq3A_579 : i32 to vector<1000x1xi32>
      %eq3A_581 = arith.cmpi eq, %broadcast_in_dim3A, %eq3A_580 : vector<1000x1xi32>
      %jit3A = arith.constant 0xFF800000 : f32
      %broadcast_in_dim3A_582 = vector.shape_cast %eq3A_581 : vector<1000x1xi1> to vector<1000x1xi1>
      %broadcast_in_dim3A_583 = vector.broadcast %broadcast_in_dim3A_582 : vector<1000x1xi1> to vector<1000x128xi1>
      %broadcast_in_dim3A_584 = vector.broadcast %jit3A : f32 to vector<1000x128xf32>
      %select_n3A = arith.select %broadcast_in_dim3A_583, %add3A_30, %broadcast_in_dim3A_584 : vector<1000x128xi1>, vector<1000x128xf32>
      %reduce_max3A_585 = arith.constant dense<0xFF800000> : vector<128xf32>
      %reduce_max3A_586 = vector.multi_reduction <maximumf>, %select_n3A, %reduce_max3A_585 [0] : vector<1000x128xf32> to vector<128xf32>
      %broadcast_in_dim3A_587 = vector.shape_cast %reduce_max3A_586 : vector<128xf32> to vector<1x128xf32>
      %get3A_588 = arith.constant 0 : index
      %get3A_589 = arith.constant 0 : index
      %get3A_590 = vector.load %arg14[%get3A_588, %get3A_589] : memref<64x128xf32, #tpu.memory_space<vmem>>, vector<1x128xf32>
      %max3A = arith.maximumf %get3A_590, %broadcast_in_dim3A_587 : vector<1x128xf32>
      %swap3A_591 = arith.constant 0 : index
      %swap3A_592 = arith.constant 0 : index
      %swap3A_593 = vector.load %arg14[%swap3A_591, %swap3A_592] : memref<64x128xf32, #tpu.memory_space<vmem>>, vector<1x128xf32>
      tpu.vector_store %arg14[%swap3A_591, %swap3A_592], %max3A {strides = array<i32>} : memref<64x128xf32, #tpu.memory_space<vmem>>, vector<1x128xf32>,
    } else {
    }
    %le3A_70 = arith.constant 1 : i32
    %le3A_71 = arith.cmpi sle, %reduce_min3A_60, %le3A_70 : i32
    %ge3A_72 = arith.constant 1 : i32
    %ge3A_73 = arith.cmpi sge, %reduce_max3A_64, %ge3A_72 : i32
    %and3A_74 = arith.andi %le3A_71, %ge3A_73 : i1
    %convert_element_type3A_75 = arith.extui %and3A_74 : i1 to i32
    %cond3A_76 = arith.constant 0 : i32
    %cond3A_77 = arith.cmpi ne, %convert_element_type3A_75, %cond3A_76 : i32
    scf.if %cond3A_77 {
      %eq3A_579 = arith.constant 1 : i32
      %eq3A_580 = vector.broadcast %eq3A_579 : i32 to vector<1000x1xi32>
      %eq3A_581 = arith.cmpi eq, %broadcast_in_dim3A, %eq3A_580 : vector<1000x1xi32>
      %jit3A = arith.constant 0xFF800000 : f32
      %broadcast_in_dim3A_582 = vector.shape_cast %eq3A_581 : vector<1000x1xi1> to vector<1000x1xi1>
      %broadcast_in_dim3A_583 = vector.broadcast %broadcast_in_dim3A_582 : vector<1000x1xi1> to vector<1000x128xi1>
      %broadcast_in_dim3A_584 = vector.broadcast %jit3A : f32 to vector<1000x128xf32>
      %select_n3A = arith.select %broadcast_in_dim3A_583, %add3A_30, %broadcast_in_dim3A_584 : vector<1000x128xi1>, vector<1000x128xf32>
      %reduce_max3A_585 = arith.constant dense<0xFF800000> : vector<128xf32>
      %reduce_max3A_586 = vector.multi_reduction <maximumf>, %select_n3A, %reduce_max3A_585 [0] : vector<1000x128xf32> to vector<128xf32>
      %broadcast_in_dim3A_587 = vector.shape_cast %reduce_max3A_586 : vector<128xf32> to vector<1x128xf32>
      %get3A_588 = arith.constant 1 : index
      %get3A_589 = arith.constant 0 : index
      %get3A_590 = vector.load %arg14[%get3A_588, %get3A_589] : memref<64x128xf32, #tpu.memory_space<vmem>>, vector<1x128xf32>
      %max3A = arith.maximumf %get3A_590, %broadcast_in_dim3A_587 : vector<1x128xf32>
      %swap3A_591 = arith.constant 1 : index
      %swap3A_592 = arith.constant 0 : index
      %swap3A_593 = vector.load %arg14[%swap3A_591, %swap3A_592] : memref<64x128xf32, #tpu.memory_space<vmem>>, vector<1x128xf32>
      tpu.vector_store %arg14[%swap3A_591, %swap3A_592], %max3A {strides = array<i32>} : memref<64x128xf32, #tpu.memory_space<vmem>>, vector<1x128xf32>,
    } else {
    }
    %le3A_78 = arith.constant 2 : i32
    %le3A_79 = arith.cmpi sle, %reduce_min3A_60, %le3A_78 : i32
    %ge3A_80 = arith.constant 2 : i32
    %ge3A_81 = arith.cmpi sge, %reduce_max3A_64, %ge3A_80 : i32
    %and3A_82 = arith.andi %le3A_79, %ge3A_81 : i1
    %convert_element_type3A_83 = arith.extui %and3A_82 : i1 to i32
    %cond3A_84 = arith.constant 0 : i32
    %cond3A_85 = arith.cmpi ne, %convert_element_type3A_83, %cond3A_84 : i32
    scf.if %cond3A_85 {
      %eq3A_579 = arith.constant 2 : i32
      %eq3A_580 = vector.broadcast %eq3A_579 : i32 to vector<1000x1xi32>
      %eq3A_581 = arith.cmpi eq, %broadcast_in_dim3A, %eq3A_580 : vector<1000x1xi32>
      %jit3A = arith.constant 0xFF800000 : f32
      %broadcast_in_dim3A_582 = vector.shape_cast %eq3A_581 : vector<1000x1xi1> to vector<1000x1xi1>
      %broadcast_in_dim3A_583 = vector.broadcast %broadcast_in_dim3A_582 : vector<1000x1xi1> to vector<1000x128xi1>
      %broadcast_in_dim3A_584 = vector.broadcast %jit3A : f32 to vector<1000x128xf32>
      %select_n3A = arith.select %broadcast_in_dim3A_583, %add3A_30, %broadcast_in_dim3A_584 : vector<1000x128xi1>, vector<1000x128xf32>
      %reduce_max3A_585 = arith.constant dense<0xFF800000> : vector<128xf32>
      %reduce_max3A_586 = vector.multi_reduction <maximumf>, %select_n3A, %reduce_max3A_585 [0] : vector<1000x128xf32> to vector<128xf32>
      %broadcast_in_dim3A_587 = vector.shape_cast %reduce_max3A_586 : vector<128xf32> to vector<1x128xf32>
      %get3A_588 = arith.constant 2 : index
      %get3A_589 = arith.constant 0 : index
      %get3A_590 = vector.load %arg14[%get3A_588, %get3A_589] : memref<64x128xf32, #tpu.memory_space<vmem>>, vector<1x128xf32>
      %max3A = arith.maximumf %get3A_590, %broadcast_in_dim3A_587 : vector<1x128xf32>
      %swap3A_591 = arith.constant 2 : index
      %swap3A_592 = arith.constant 0 : index
      %swap3A_593 = vector.load %arg14[%swap3A_591, %swap3A_592] : memref<64x128xf32, #tpu.memory_space<vmem>>, vector<1x128xf32>
      tpu.vector_store %arg14[%swap3A_591, %swap3A_592], %max3A {strides = array<i32>} : memref<64x128xf32, #tpu.memory_space<vmem>>, vector<1x128xf32>,
    } else {
    }
    %le3A_86 = arith.constant 3 : i32
    %le3A_87 = arith.cmpi sle, %reduce_min3A_60, %le3A_86 : i32
    %ge3A_88 = arith.constant 3 : i32
    %ge3A_89 = arith.cmpi sge, %reduce_max3A_64, %ge3A_88 : i32
    %and3A_90 = arith.andi %le3A_87, %ge3A_89 : i1
    %convert_element_type3A_91 = arith.extui %and3A_90 : i1 to i32
    %cond3A_92 = arith.constant 0 : i32
    %cond3A_93 = arith.cmpi ne, %convert_element_type3A_91, %cond3A_92 : i32
    scf.if %cond3A_93 {
      %eq3A_579 = arith.constant 3 : i32
      %eq3A_580 = vector.broadcast %eq3A_579 : i32 to vector<1000x1xi32>
      %eq3A_581 = arith.cmpi eq, %broadcast_in_dim3A, %eq3A_580 : vector<1000x1xi32>
      %jit3A = arith.constant 0xFF800000 : f32
      %broadcast_in_dim3A_582 = vector.shape_cast %eq3A_581 : vector<1000x1xi1> to vector<1000x1xi1>
      %broadcast_in_dim3A_583 = vector.broadcast %broadcast_in_dim3A_582 : vector<1000x1xi1> to vector<1000x128xi1>
      %broadcast_in_dim3A_584 = vector.broadcast %jit3A : f32 to vector<1000x128xf32>
      %select_n3A = arith.select %broadcast_in_dim3A_583, %add3A_30, %broadcast_in_dim3A_584 : vector<1000x128xi1>, vector<1000x128xf32>
      %reduce_max3A_585 = arith.constant dense<0xFF800000> : vector<128xf32>
      %reduce_max3A_586 = vector.multi_reduction <maximumf>, %select_n3A, %reduce_max3A_585 [0] : vector<1000x128xf32> to vector<128xf32>
      %broadcast_in_dim3A_587 = vector.shape_cast %reduce_max3A_586 : vector<128xf32> to vector<1x128xf32>
      %get3A_588 = arith.constant 3 : index
      %get3A_589 = arith.constant 0 : index
      %get3A_590 = vector.load %arg14[%get3A_588, %get3A_589] : memref<64x128xf32, #tpu.memory_space<vmem>>, vector<1x128xf32>
      %max3A = arith.maximumf %get3A_590, %broadcast_in_dim3A_587 : vector<1x128xf32>
      %swap3A_591 = arith.constant 3 : index
      %swap3A_592 = arith.constant 0 : index
      %swap3A_593 = vector.load %arg14[%swap3A_591, %swap3A_592] : memref<64x128xf32, #tpu.memory_space<vmem>>, vector<1x128xf32>
      tpu.vector_store %arg14[%swap3A_591, %swap3A_592], %max3A {strides = array<i32>} : memref<64x128xf32, #tpu.memory_space<vmem>>, vector<1x128xf32>,
    } else {
    }
    %le3A_94 = arith.constant 4 : i32
    %le3A_95 = arith.cmpi sle, %reduce_min3A_60, %le3A_94 : i32
    %ge3A_96 = arith.constant 4 : i32
    %ge3A_97 = arith.cmpi sge, %reduce_max3A_64, %ge3A_96 : i32
    %and3A_98 = arith.andi %le3A_95, %ge3A_97 : i1
    %convert_element_type3A_99 = arith.extui %and3A_98 : i1 to i32
    %cond3A_100 = arith.constant 0 : i32
    %cond3A_101 = arith.cmpi ne, %convert_element_type3A_99, %cond3A_100 : i32
    scf.if %cond3A_101 {
      %eq3A_579 = arith.constant 4 : i32
      %eq3A_580 = vector.broadcast %eq3A_579 : i32 to vector<1000x1xi32>
      %eq3A_581 = arith.cmpi eq, %broadcast_in_dim3A, %eq3A_580 : vector<1000x1xi32>
      %jit3A = arith.constant 0xFF800000 : f32
      %broadcast_in_dim3A_582 = vector.shape_cast %eq3A_581 : vector<1000x1xi1> to vector<1000x1xi1>
      %broadcast_in_dim3A_583 = vector.broadcast %broadcast_in_dim3A_582 : vector<1000x1xi1> to vector<1000x128xi1>
      %broadcast_in_dim3A_584 = vector.broadcast %jit3A : f32 to vector<1000x128xf32>
      %select_n3A = arith.select %broadcast_in_dim3A_583, %add3A_30, %broadcast_in_dim3A_584 : vector<1000x128xi1>, vector<1000x128xf32>
      %reduce_max3A_585 = arith.constant dense<0xFF800000> : vector<128xf32>
      %reduce_max3A_586 = vector.multi_reduction <maximumf>, %select_n3A, %reduce_max3A_585 [0] : vector<1000x128xf32> to vector<128xf32>
      %broadcast_in_dim3A_587 = vector.shape_cast %reduce_max3A_586 : vector<128xf32> to vector<1x128xf32>
      %get3A_588 = arith.constant 4 : index
      %get3A_589 = arith.constant 0 : index
      %get3A_590 = vector.load %arg14[%get3A_588, %get3A_589] : memref<64x128xf32, #tpu.memory_space<vmem>>, vector<1x128xf32>
      %max3A = arith.maximumf %get3A_590, %broadcast_in_dim3A_587 : vector<1x128xf32>
      %swap3A_591 = arith.constant 4 : index
      %swap3A_592 = arith.constant 0 : index
      %swap3A_593 = vector.load %arg14[%swap3A_591, %swap3A_592] : memref<64x128xf32, #tpu.memory_space<vmem>>, vector<1x128xf32>
      tpu.vector_store %arg14[%swap3A_591, %swap3A_592], %max3A {strides = array<i32>} : memref<64x128xf32, #tpu.memory_space<vmem>>, vector<1x128xf32>,
    } else {
    }
    %le3A_102 = arith.constant 5 : i32
    %le3A_103 = arith.cmpi sle, %reduce_min3A_60, %le3A_102 : i32
    %ge3A_104 = arith.constant 5 : i32
    %ge3A_105 = arith.cmpi sge, %reduce_max3A_64, %ge3A_104 : i32
    %and3A_106 = arith.andi %le3A_103, %ge3A_105 : i1
    %convert_element_type3A_107 = arith.extui %and3A_106 : i1 to i32
    %cond3A_108 = arith.constant 0 : i32
    %cond3A_109 = arith.cmpi ne, %convert_element_type3A_107, %cond3A_108 : i32
    scf.if %cond3A_109 {
      %eq3A_579 = arith.constant 5 : i32
      %eq3A_580 = vector.broadcast %eq3A_579 : i32 to vector<1000x1xi32>
      %eq3A_581 = arith.cmpi eq, %broadcast_in_dim3A, %eq3A_580 : vector<1000x1xi32>
      %jit3A = arith.constant 0xFF800000 : f32
      %broadcast_in_dim3A_582 = vector.shape_cast %eq3A_581 : vector<1000x1xi1> to vector<1000x1xi1>
      %broadcast_in_dim3A_583 = vector.broadcast %broadcast_in_dim3A_582 : vector<1000x1xi1> to vector<1000x128xi1>
      %broadcast_in_dim3A_584 = vector.broadcast %jit3A : f32 to vector<1000x128xf32>
      %select_n3A = arith.select %broadcast_in_dim3A_583, %add3A_30, %broadcast_in_dim3A_584 : vector<1000x128xi1>, vector<1000x128xf32>
      %reduce_max3A_585 = arith.constant dense<0xFF800000> : vector<128xf32>
      %reduce_max3A_586 = vector.multi_reduction <maximumf>, %select_n3A, %reduce_max3A_585 [0] : vector<1000x128xf32> to vector<128xf32>
      %broadcast_in_dim3A_587 = vector.shape_cast %reduce_max3A_586 : vector<128xf32> to vector<1x128xf32>
      %get3A_588 = arith.constant 5 : index
      %get3A_589 = arith.constant 0 : index
      %get3A_590 = vector.load %arg14[%get3A_588, %get3A_589] : memref<64x128xf32, #tpu.memory_space<vmem>>, vector<1x128xf32>
      %max3A = arith.maximumf %get3A_590, %broadcast_in_dim3A_587 : vector<1x128xf32>
      %swap3A_591 = arith.constant 5 : index
      %swap3A_592 = arith.constant 0 : index
      %swap3A_593 = vector.load %arg14[%swap3A_591, %swap3A_592] : memref<64x128xf32, #tpu.memory_space<vmem>>, vector<1x128xf32>
      tpu.vector_store %arg14[%swap3A_591, %swap3A_592], %max3A {strides = array<i32>} : memref<64x128xf32, #tpu.memory_space<vmem>>, vector<1x128xf32>,
    } else {
    }
    %le3A_110 = arith.constant 6 : i32
    %le3A_111 = arith.cmpi sle, %reduce_min3A_60, %le3A_110 : i32
    %ge3A_112 = arith.constant 6 : i32
    %ge3A_113 = arith.cmpi sge, %reduce_max3A_64, %ge3A_112 : i32
    %and3A_114 = arith.andi %le3A_111, %ge3A_113 : i1
    %convert_element_type3A_115 = arith.extui %and3A_114 : i1 to i32
    %cond3A_116 = arith.constant 0 : i32
    %cond3A_117 = arith.cmpi ne, %convert_element_type3A_115, %cond3A_116 : i32
    scf.if %cond3A_117 {
      %eq3A_579 = arith.constant 6 : i32
      %eq3A_580 = vector.broadcast %eq3A_579 : i32 to vector<1000x1xi32>
      %eq3A_581 = arith.cmpi eq, %broadcast_in_dim3A, %eq3A_580 : vector<1000x1xi32>
      %jit3A = arith.constant 0xFF800000 : f32
      %broadcast_in_dim3A_582 = vector.shape_cast %eq3A_581 : vector<1000x1xi1> to vector<1000x1xi1>
      %broadcast_in_dim3A_583 = vector.broadcast %broadcast_in_dim3A_582 : vector<1000x1xi1> to vector<1000x128xi1>
      %broadcast_in_dim3A_584 = vector.broadcast %jit3A : f32 to vector<1000x128xf32>
      %select_n3A = arith.select %broadcast_in_dim3A_583, %add3A_30, %broadcast_in_dim3A_584 : vector<1000x128xi1>, vector<1000x128xf32>
      %reduce_max3A_585 = arith.constant dense<0xFF800000> : vector<128xf32>
      %reduce_max3A_586 = vector.multi_reduction <maximumf>, %select_n3A, %reduce_max3A_585 [0] : vector<1000x128xf32> to vector<128xf32>
      %broadcast_in_dim3A_587 = vector.shape_cast %reduce_max3A_586 : vector<128xf32> to vector<1x128xf32>
      %get3A_588 = arith.constant 6 : index
      %get3A_589 = arith.constant 0 : index
      %get3A_590 = vector.load %arg14[%get3A_588, %get3A_589] : memref<64x128xf32, #tpu.memory_space<vmem>>, vector<1x128xf32>
      %max3A = arith.maximumf %get3A_590, %broadcast_in_dim3A_587 : vector<1x128xf32>
      %swap3A_591 = arith.constant 6 : index
      %swap3A_592 = arith.constant 0 : index
      %swap3A_593 = vector.load %arg14[%swap3A_591, %swap3A_592] : memref<64x128xf32, #tpu.memory_space<vmem>>, vector<1x128xf32>
      tpu.vector_store %arg14[%swap3A_591, %swap3A_592], %max3A {strides = array<i32>} : memref<64x128xf32, #tpu.memory_space<vmem>>, vector<1x128xf32>,
    } else {
    }
    %le3A_118 = arith.constant 7 : i32
    %le3A_119 = arith.cmpi sle, %reduce_min3A_60, %le3A_118 : i32
    %ge3A_120 = arith.constant 7 : i32
    %ge3A_121 = arith.cmpi sge, %reduce_max3A_64, %ge3A_120 : i32
    %and3A_122 = arith.andi %le3A_119, %ge3A_121 : i1
    %convert_element_type3A_123 = arith.extui %and3A_122 : i1 to i32
    %cond3A_124 = arith.constant 0 : i32
    %cond3A_125 = arith.cmpi ne, %convert_element_type3A_123, %cond3A_124 : i32
    scf.if %cond3A_125 {
      %eq3A_579 = arith.constant 7 : i32
      %eq3A_580 = vector.broadcast %eq3A_579 : i32 to vector<1000x1xi32>
      %eq3A_581 = arith.cmpi eq, %broadcast_in_dim3A, %eq3A_580 : vector<1000x1xi32>
      %jit3A = arith.constant 0xFF800000 : f32
      %broadcast_in_dim3A_582 = vector.shape_cast %eq3A_581 : vector<1000x1xi1> to vector<1000x1xi1>
      %broadcast_in_dim3A_583 = vector.broadcast %broadcast_in_dim3A_582 : vector<1000x1xi1> to vector<1000x128xi1>
      %broadcast_in_dim3A_584 = vector.broadcast %jit3A : f32 to vector<1000x128xf32>
      %select_n3A = arith.select %broadcast_in_dim3A_583, %add3A_30, %broadcast_in_dim3A_584 : vector<1000x128xi1>, vector<1000x128xf32>
      %reduce_max3A_585 = arith.constant dense<0xFF800000> : vector<128xf32>
      %reduce_max3A_586 = vector.multi_reduction <maximumf>, %select_n3A, %reduce_max3A_585 [0] : vector<1000x128xf32> to vector<128xf32>
      %broadcast_in_dim3A_587 = vector.shape_cast %reduce_max3A_586 : vector<128xf32> to vector<1x128xf32>
      %get3A_588 = arith.constant 7 : index
      %get3A_589 = arith.constant 0 : index
      %get3A_590 = vector.load %arg14[%get3A_588, %get3A_589] : memref<64x128xf32, #tpu.memory_space<vmem>>, vector<1x128xf32>
      %max3A = arith.maximumf %get3A_590, %broadcast_in_dim3A_587 : vector<1x128xf32>
      %swap3A_591 = arith.constant 7 : index
      %swap3A_592 = arith.constant 0 : index
      %swap3A_593 = vector.load %arg14[%swap3A_591, %swap3A_592] : memref<64x128xf32, #tpu.memory_space<vmem>>, vector<1x128xf32>
      tpu.vector_store %arg14[%swap3A_591, %swap3A_592], %max3A {strides = array<i32>} : memref<64x128xf32, #tpu.memory_space<vmem>>, vector<1x128xf32>,
    } else {
    }
    %le3A_126 = arith.constant 8 : i32
    %le3A_127 = arith.cmpi sle, %reduce_min3A_60, %le3A_126 : i32
    %ge3A_128 = arith.constant 8 : i32
    %ge3A_129 = arith.cmpi sge, %reduce_max3A_64, %ge3A_128 : i32
    %and3A_130 = arith.andi %le3A_127, %ge3A_129 : i1
    %convert_element_type3A_131 = arith.extui %and3A_130 : i1 to i32
    %cond3A_132 = arith.constant 0 : i32
    %cond3A_133 = arith.cmpi ne, %convert_element_type3A_131, %cond3A_132 : i32
    scf.if %cond3A_133 {
      %eq3A_579 = arith.constant 8 : i32
      %eq3A_580 = vector.broadcast %eq3A_579 : i32 to vector<1000x1xi32>
      %eq3A_581 = arith.cmpi eq, %broadcast_in_dim3A, %eq3A_580 : vector<1000x1xi32>
      %jit3A = arith.constant 0xFF800000 : f32
      %broadcast_in_dim3A_582 = vector.shape_cast %eq3A_581 : vector<1000x1xi1> to vector<1000x1xi1>
      %broadcast_in_dim3A_583 = vector.broadcast %broadcast_in_dim3A_582 : vector<1000x1xi1> to vector<1000x128xi1>
      %broadcast_in_dim3A_584 = vector.broadcast %jit3A : f32 to vector<1000x128xf32>
      %select_n3A = arith.select %broadcast_in_dim3A_583, %add3A_30, %broadcast_in_dim3A_584 : vector<1000x128xi1>, vector<1000x128xf32>
      %reduce_max3A_585 = arith.constant dense<0xFF800000> : vector<128xf32>
      %reduce_max3A_586 = vector.multi_reduction <maximumf>, %select_n3A, %reduce_max3A_585 [0] : vector<1000x128xf32> to vector<128xf32>
      %broadcast_in_dim3A_587 = vector.shape_cast %reduce_max3A_586 : vector<128xf32> to vector<1x128xf32>
      %get3A_588 = arith.constant 8 : index
      %get3A_589 = arith.constant 0 : index
      %get3A_590 = vector.load %arg14[%get3A_588, %get3A_589] : memref<64x128xf32, #tpu.memory_space<vmem>>, vector<1x128xf32>
      %max3A = arith.maximumf %get3A_590, %broadcast_in_dim3A_587 : vector<1x128xf32>
      %swap3A_591 = arith.constant 8 : index
      %swap3A_592 = arith.constant 0 : index
      %swap3A_593 = vector.load %arg14[%swap3A_591, %swap3A_592] : memref<64x128xf32, #tpu.memory_space<vmem>>, vector<1x128xf32>
      tpu.vector_store %arg14[%swap3A_591, %swap3A_592], %max3A {strides = array<i32>} : memref<64x128xf32, #tpu.memory_space<vmem>>, vector<1x128xf32>,
    } else {
    }
    %le3A_134 = arith.constant 9 : i32
    %le3A_135 = arith.cmpi sle, %reduce_min3A_60, %le3A_134 : i32
    %ge3A_136 = arith.constant 9 : i32
    %ge3A_137 = arith.cmpi sge, %reduce_max3A_64, %ge3A_136 : i32
    %and3A_138 = arith.andi %le3A_135, %ge3A_137 : i1
    %convert_element_type3A_139 = arith.extui %and3A_138 : i1 to i32
    %cond3A_140 = arith.constant 0 : i32
    %cond3A_141 = arith.cmpi ne, %convert_element_type3A_139, %cond3A_140 : i32
    scf.if %cond3A_141 {
      %eq3A_579 = arith.constant 9 : i32
      %eq3A_580 = vector.broadcast %eq3A_579 : i32 to vector<1000x1xi32>
      %eq3A_581 = arith.cmpi eq, %broadcast_in_dim3A, %eq3A_580 : vector<1000x1xi32>
      %jit3A = arith.constant 0xFF800000 : f32
      %broadcast_in_dim3A_582 = vector.shape_cast %eq3A_581 : vector<1000x1xi1> to vector<1000x1xi1>
      %broadcast_in_dim3A_583 = vector.broadcast %broadcast_in_dim3A_582 : vector<1000x1xi1> to vector<1000x128xi1>
      %broadcast_in_dim3A_584 = vector.broadcast %jit3A : f32 to vector<1000x128xf32>
      %select_n3A = arith.select %broadcast_in_dim3A_583, %add3A_30, %broadcast_in_dim3A_584 : vector<1000x128xi1>, vector<1000x128xf32>
      %reduce_max3A_585 = arith.constant dense<0xFF800000> : vector<128xf32>
      %reduce_max3A_586 = vector.multi_reduction <maximumf>, %select_n3A, %reduce_max3A_585 [0] : vector<1000x128xf32> to vector<128xf32>
      %broadcast_in_dim3A_587 = vector.shape_cast %reduce_max3A_586 : vector<128xf32> to vector<1x128xf32>
      %get3A_588 = arith.constant 9 : index
      %get3A_589 = arith.constant 0 : index
      %get3A_590 = vector.load %arg14[%get3A_588, %get3A_589] : memref<64x128xf32, #tpu.memory_space<vmem>>, vector<1x128xf32>
      %max3A = arith.maximumf %get3A_590, %broadcast_in_dim3A_587 : vector<1x128xf32>
      %swap3A_591 = arith.constant 9 : index
      %swap3A_592 = arith.constant 0 : index
      %swap3A_593 = vector.load %arg14[%swap3A_591, %swap3A_592] : memref<64x128xf32, #tpu.memory_space<vmem>>, vector<1x128xf32>
      tpu.vector_store %arg14[%swap3A_591, %swap3A_592], %max3A {strides = array<i32>} : memref<64x128xf32, #tpu.memory_space<vmem>>, vector<1x128xf32>,
    } else {
    }
    %le3A_142 = arith.constant 10 : i32
    %le3A_143 = arith.cmpi sle, %reduce_min3A_60, %le3A_142 : i32
    %ge3A_144 = arith.constant 10 : i32
    %ge3A_145 = arith.cmpi sge, %reduce_max3A_64, %ge3A_144 : i32
    %and3A_146 = arith.andi %le3A_143, %ge3A_145 : i1
    %convert_element_type3A_147 = arith.extui %and3A_146 : i1 to i32
    %cond3A_148 = arith.constant 0 : i32
    %cond3A_149 = arith.cmpi ne, %convert_element_type3A_147, %cond3A_148 : i32
    scf.if %cond3A_149 {
      %eq3A_579 = arith.constant 10 : i32
      %eq3A_580 = vector.broadcast %eq3A_579 : i32 to vector<1000x1xi32>
      %eq3A_581 = arith.cmpi eq, %broadcast_in_dim3A, %eq3A_580 : vector<1000x1xi32>
      %jit3A = arith.constant 0xFF800000 : f32
      %broadcast_in_dim3A_582 = vector.shape_cast %eq3A_581 : vector<1000x1xi1> to vector<1000x1xi1>
      %broadcast_in_dim3A_583 = vector.broadcast %broadcast_in_dim3A_582 : vector<1000x1xi1> to vector<1000x128xi1>
      %broadcast_in_dim3A_584 = vector.broadcast %jit3A : f32 to vector<1000x128xf32>
      %select_n3A = arith.select %broadcast_in_dim3A_583, %add3A_30, %broadcast_in_dim3A_584 : vector<1000x128xi1>, vector<1000x128xf32>
      %reduce_max3A_585 = arith.constant dense<0xFF800000> : vector<128xf32>
      %reduce_max3A_586 = vector.multi_reduction <maximumf>, %select_n3A, %reduce_max3A_585 [0] : vector<1000x128xf32> to vector<128xf32>
      %broadcast_in_dim3A_587 = vector.shape_cast %reduce_max3A_586 : vector<128xf32> to vector<1x128xf32>
      %get3A_588 = arith.constant 10 : index
      %get3A_589 = arith.constant 0 : index
      %get3A_590 = vector.load %arg14[%get3A_588, %get3A_589] : memref<64x128xf32, #tpu.memory_space<vmem>>, vector<1x128xf32>
      %max3A = arith.maximumf %get3A_590, %broadcast_in_dim3A_587 : vector<1x128xf32>
      %swap3A_591 = arith.constant 10 : index
      %swap3A_592 = arith.constant 0 : index
      %swap3A_593 = vector.load %arg14[%swap3A_591, %swap3A_592] : memref<64x128xf32, #tpu.memory_space<vmem>>, vector<1x128xf32>
      tpu.vector_store %arg14[%swap3A_591, %swap3A_592], %max3A {strides = array<i32>} : memref<64x128xf32, #tpu.memory_space<vmem>>, vector<1x128xf32>,
    } else {
    }
    %le3A_150 = arith.constant 11 : i32
    %le3A_151 = arith.cmpi sle, %reduce_min3A_60, %le3A_150 : i32
    %ge3A_152 = arith.constant 11 : i32
    %ge3A_153 = arith.cmpi sge, %reduce_max3A_64, %ge3A_152 : i32
    %and3A_154 = arith.andi %le3A_151, %ge3A_153 : i1
    %convert_element_type3A_155 = arith.extui %and3A_154 : i1 to i32
    %cond3A_156 = arith.constant 0 : i32
    %cond3A_157 = arith.cmpi ne, %convert_element_type3A_155, %cond3A_156 : i32
    scf.if %cond3A_157 {
      %eq3A_579 = arith.constant 11 : i32
      %eq3A_580 = vector.broadcast %eq3A_579 : i32 to vector<1000x1xi32>
      %eq3A_581 = arith.cmpi eq, %broadcast_in_dim3A, %eq3A_580 : vector<1000x1xi32>
      %jit3A = arith.constant 0xFF800000 : f32
      %broadcast_in_dim3A_582 = vector.shape_cast %eq3A_581 : vector<1000x1xi1> to vector<1000x1xi1>
      %broadcast_in_dim3A_583 = vector.broadcast %broadcast_in_dim3A_582 : vector<1000x1xi1> to vector<1000x128xi1>
      %broadcast_in_dim3A_584 = vector.broadcast %jit3A : f32 to vector<1000x128xf32>
      %select_n3A = arith.select %broadcast_in_dim3A_583, %add3A_30, %broadcast_in_dim3A_584 : vector<1000x128xi1>, vector<1000x128xf32>
      %reduce_max3A_585 = arith.constant dense<0xFF800000> : vector<128xf32>
      %reduce_max3A_586 = vector.multi_reduction <maximumf>, %select_n3A, %reduce_max3A_585 [0] : vector<1000x128xf32> to vector<128xf32>
      %broadcast_in_dim3A_587 = vector.shape_cast %reduce_max3A_586 : vector<128xf32> to vector<1x128xf32>
      %get3A_588 = arith.constant 11 : index
      %get3A_589 = arith.constant 0 : index
      %get3A_590 = vector.load %arg14[%get3A_588, %get3A_589] : memref<64x128xf32, #tpu.memory_space<vmem>>, vector<1x128xf32>
      %max3A = arith.maximumf %get3A_590, %broadcast_in_dim3A_587 : vector<1x128xf32>
      %swap3A_591 = arith.constant 11 : index
      %swap3A_592 = arith.constant 0 : index
      %swap3A_593 = vector.load %arg14[%swap3A_591, %swap3A_592] : memref<64x128xf32, #tpu.memory_space<vmem>>, vector<1x128xf32>
      tpu.vector_store %arg14[%swap3A_591, %swap3A_592], %max3A {strides = array<i32>} : memref<64x128xf32, #tpu.memory_space<vmem>>, vector<1x128xf32>,
    } else {
    }
    %le3A_158 = arith.constant 12 : i32
    %le3A_159 = arith.cmpi sle, %reduce_min3A_60, %le3A_158 : i32
    %ge3A_160 = arith.constant 12 : i32
    %ge3A_161 = arith.cmpi sge, %reduce_max3A_64, %ge3A_160 : i32
    %and3A_162 = arith.andi %le3A_159, %ge3A_161 : i1
    %convert_element_type3A_163 = arith.extui %and3A_162 : i1 to i32
    %cond3A_164 = arith.constant 0 : i32
    %cond3A_165 = arith.cmpi ne, %convert_element_type3A_163, %cond3A_164 : i32
    scf.if %cond3A_165 {
      %eq3A_579 = arith.constant 12 : i32
      %eq3A_580 = vector.broadcast %eq3A_579 : i32 to vector<1000x1xi32>
      %eq3A_581 = arith.cmpi eq, %broadcast_in_dim3A, %eq3A_580 : vector<1000x1xi32>
      %jit3A = arith.constant 0xFF800000 : f32
      %broadcast_in_dim3A_582 = vector.shape_cast %eq3A_581 : vector<1000x1xi1> to vector<1000x1xi1>
      %broadcast_in_dim3A_583 = vector.broadcast %broadcast_in_dim3A_582 : vector<1000x1xi1> to vector<1000x128xi1>
      %broadcast_in_dim3A_584 = vector.broadcast %jit3A : f32 to vector<1000x128xf32>
      %select_n3A = arith.select %broadcast_in_dim3A_583, %add3A_30, %broadcast_in_dim3A_584 : vector<1000x128xi1>, vector<1000x128xf32>
      %reduce_max3A_585 = arith.constant dense<0xFF800000> : vector<128xf32>
      %reduce_max3A_586 = vector.multi_reduction <maximumf>, %select_n3A, %reduce_max3A_585 [0] : vector<1000x128xf32> to vector<128xf32>
      %broadcast_in_dim3A_587 = vector.shape_cast %reduce_max3A_586 : vector<128xf32> to vector<1x128xf32>
      %get3A_588 = arith.constant 12 : index
      %get3A_589 = arith.constant 0 : index
      %get3A_590 = vector.load %arg14[%get3A_588, %get3A_589] : memref<64x128xf32, #tpu.memory_space<vmem>>, vector<1x128xf32>
      %max3A = arith.maximumf %get3A_590, %broadcast_in_dim3A_587 : vector<1x128xf32>
      %swap3A_591 = arith.constant 12 : index
      %swap3A_592 = arith.constant 0 : index
      %swap3A_593 = vector.load %arg14[%swap3A_591, %swap3A_592] : memref<64x128xf32, #tpu.memory_space<vmem>>, vector<1x128xf32>
      tpu.vector_store %arg14[%swap3A_591, %swap3A_592], %max3A {strides = array<i32>} : memref<64x128xf32, #tpu.memory_space<vmem>>, vector<1x128xf32>,
    } else {
    }
    %le3A_166 = arith.constant 13 : i32
    %le3A_167 = arith.cmpi sle, %reduce_min3A_60, %le3A_166 : i32
    %ge3A_168 = arith.constant 13 : i32
    %ge3A_169 = arith.cmpi sge, %reduce_max3A_64, %ge3A_168 : i32
    %and3A_170 = arith.andi %le3A_167, %ge3A_169 : i1
    %convert_element_type3A_171 = arith.extui %and3A_170 : i1 to i32
    %cond3A_172 = arith.constant 0 : i32
    %cond3A_173 = arith.cmpi ne, %convert_element_type3A_171, %cond3A_172 : i32
    scf.if %cond3A_173 {
      %eq3A_579 = arith.constant 13 : i32
      %eq3A_580 = vector.broadcast %eq3A_579 : i32 to vector<1000x1xi32>
      %eq3A_581 = arith.cmpi eq, %broadcast_in_dim3A, %eq3A_580 : vector<1000x1xi32>
      %jit3A = arith.constant 0xFF800000 : f32
      %broadcast_in_dim3A_582 = vector.shape_cast %eq3A_581 : vector<1000x1xi1> to vector<1000x1xi1>
      %broadcast_in_dim3A_583 = vector.broadcast %broadcast_in_dim3A_582 : vector<1000x1xi1> to vector<1000x128xi1>
      %broadcast_in_dim3A_584 = vector.broadcast %jit3A : f32 to vector<1000x128xf32>
      %select_n3A = arith.select %broadcast_in_dim3A_583, %add3A_30, %broadcast_in_dim3A_584 : vector<1000x128xi1>, vector<1000x128xf32>
      %reduce_max3A_585 = arith.constant dense<0xFF800000> : vector<128xf32>
      %reduce_max3A_586 = vector.multi_reduction <maximumf>, %select_n3A, %reduce_max3A_585 [0] : vector<1000x128xf32> to vector<128xf32>
      %broadcast_in_dim3A_587 = vector.shape_cast %reduce_max3A_586 : vector<128xf32> to vector<1x128xf32>
      %get3A_588 = arith.constant 13 : index
      %get3A_589 = arith.constant 0 : index
      %get3A_590 = vector.load %arg14[%get3A_588, %get3A_589] : memref<64x128xf32, #tpu.memory_space<vmem>>, vector<1x128xf32>
      %max3A = arith.maximumf %get3A_590, %broadcast_in_dim3A_587 : vector<1x128xf32>
      %swap3A_591 = arith.constant 13 : index
      %swap3A_592 = arith.constant 0 : index
      %swap3A_593 = vector.load %arg14[%swap3A_591, %swap3A_592] : memref<64x128xf32, #tpu.memory_space<vmem>>, vector<1x128xf32>
      tpu.vector_store %arg14[%swap3A_591, %swap3A_592], %max3A {strides = array<i32>} : memref<64x128xf32, #tpu.memory_space<vmem>>, vector<1x128xf32>,
    } else {
    }
    %le3A_174 = arith.constant 14 : i32
    %le3A_175 = arith.cmpi sle, %reduce_min3A_60, %le3A_174 : i32
    %ge3A_176 = arith.constant 14 : i32
    %ge3A_177 = arith.cmpi sge, %reduce_max3A_64, %ge3A_176 : i32
    %and3A_178 = arith.andi %le3A_175, %ge3A_177 : i1
    %convert_element_type3A_179 = arith.extui %and3A_178 : i1 to i32
    %cond3A_180 = arith.constant 0 : i32
    %cond3A_181 = arith.cmpi ne, %convert_element_type3A_179, %cond3A_180 : i32
    scf.if %cond3A_181 {
      %eq3A_579 = arith.constant 14 : i32
      %eq3A_580 = vector.broadcast %eq3A_579 : i32 to vector<1000x1xi32>
      %eq3A_581 = arith.cmpi eq, %broadcast_in_dim3A, %eq3A_580 : vector<1000x1xi32>
      %jit3A = arith.constant 0xFF800000 : f32
      %broadcast_in_dim3A_582 = vector.shape_cast %eq3A_581 : vector<1000x1xi1> to vector<1000x1xi1>
      %broadcast_in_dim3A_583 = vector.broadcast %broadcast_in_dim3A_582 : vector<1000x1xi1> to vector<1000x128xi1>
      %broadcast_in_dim3A_584 = vector.broadcast %jit3A : f32 to vector<1000x128xf32>
      %select_n3A = arith.select %broadcast_in_dim3A_583, %add3A_30, %broadcast_in_dim3A_584 : vector<1000x128xi1>, vector<1000x128xf32>
      %reduce_max3A_585 = arith.constant dense<0xFF800000> : vector<128xf32>
      %reduce_max3A_586 = vector.multi_reduction <maximumf>, %select_n3A, %reduce_max3A_585 [0] : vector<1000x128xf32> to vector<128xf32>
      %broadcast_in_dim3A_587 = vector.shape_cast %reduce_max3A_586 : vector<128xf32> to vector<1x128xf32>
      %get3A_588 = arith.constant 14 : index
      %get3A_589 = arith.constant 0 : index
      %get3A_590 = vector.load %arg14[%get3A_588, %get3A_589] : memref<64x128xf32, #tpu.memory_space<vmem>>, vector<1x128xf32>
      %max3A = arith.maximumf %get3A_590, %broadcast_in_dim3A_587 : vector<1x128xf32>
      %swap3A_591 = arith.constant 14 : index
      %swap3A_592 = arith.constant 0 : index
      %swap3A_593 = vector.load %arg14[%swap3A_591, %swap3A_592] : memref<64x128xf32, #tpu.memory_space<vmem>>, vector<1x128xf32>
      tpu.vector_store %arg14[%swap3A_591, %swap3A_592], %max3A {strides = array<i32>} : memref<64x128xf32, #tpu.memory_space<vmem>>, vector<1x128xf32>,
    } else {
    }
    %le3A_182 = arith.constant 15 : i32
    %le3A_183 = arith.cmpi sle, %reduce_min3A_60, %le3A_182 : i32
    %ge3A_184 = arith.constant 15 : i32
    %ge3A_185 = arith.cmpi sge, %reduce_max3A_64, %ge3A_184 : i32
    %and3A_186 = arith.andi %le3A_183, %ge3A_185 : i1
    %convert_element_type3A_187 = arith.extui %and3A_186 : i1 to i32
    %cond3A_188 = arith.constant 0 : i32
    %cond3A_189 = arith.cmpi ne, %convert_element_type3A_187, %cond3A_188 : i32
    scf.if %cond3A_189 {
      %eq3A_579 = arith.constant 15 : i32
      %eq3A_580 = vector.broadcast %eq3A_579 : i32 to vector<1000x1xi32>
      %eq3A_581 = arith.cmpi eq, %broadcast_in_dim3A, %eq3A_580 : vector<1000x1xi32>
      %jit3A = arith.constant 0xFF800000 : f32
      %broadcast_in_dim3A_582 = vector.shape_cast %eq3A_581 : vector<1000x1xi1> to vector<1000x1xi1>
      %broadcast_in_dim3A_583 = vector.broadcast %broadcast_in_dim3A_582 : vector<1000x1xi1> to vector<1000x128xi1>
      %broadcast_in_dim3A_584 = vector.broadcast %jit3A : f32 to vector<1000x128xf32>
      %select_n3A = arith.select %broadcast_in_dim3A_583, %add3A_30, %broadcast_in_dim3A_584 : vector<1000x128xi1>, vector<1000x128xf32>
      %reduce_max3A_585 = arith.constant dense<0xFF800000> : vector<128xf32>
      %reduce_max3A_586 = vector.multi_reduction <maximumf>, %select_n3A, %reduce_max3A_585 [0] : vector<1000x128xf32> to vector<128xf32>
      %broadcast_in_dim3A_587 = vector.shape_cast %reduce_max3A_586 : vector<128xf32> to vector<1x128xf32>
      %get3A_588 = arith.constant 15 : index
      %get3A_589 = arith.constant 0 : index
      %get3A_590 = vector.load %arg14[%get3A_588, %get3A_589] : memref<64x128xf32, #tpu.memory_space<vmem>>, vector<1x128xf32>
      %max3A = arith.maximumf %get3A_590, %broadcast_in_dim3A_587 : vector<1x128xf32>
      %swap3A_591 = arith.constant 15 : index
      %swap3A_592 = arith.constant 0 : index
      %swap3A_593 = vector.load %arg14[%swap3A_591, %swap3A_592] : memref<64x128xf32, #tpu.memory_space<vmem>>, vector<1x128xf32>
      tpu.vector_store %arg14[%swap3A_591, %swap3A_592], %max3A {strides = array<i32>} : memref<64x128xf32, #tpu.memory_space<vmem>>, vector<1x128xf32>,
    } else {
    }
    %le3A_190 = arith.constant 16 : i32
    %le3A_191 = arith.cmpi sle, %reduce_min3A_60, %le3A_190 : i32
    %ge3A_192 = arith.constant 16 : i32
    %ge3A_193 = arith.cmpi sge, %reduce_max3A_64, %ge3A_192 : i32
    %and3A_194 = arith.andi %le3A_191, %ge3A_193 : i1
    %convert_element_type3A_195 = arith.extui %and3A_194 : i1 to i32
    %cond3A_196 = arith.constant 0 : i32
    %cond3A_197 = arith.cmpi ne, %convert_element_type3A_195, %cond3A_196 : i32
    scf.if %cond3A_197 {
      %eq3A_579 = arith.constant 16 : i32
      %eq3A_580 = vector.broadcast %eq3A_579 : i32 to vector<1000x1xi32>
      %eq3A_581 = arith.cmpi eq, %broadcast_in_dim3A, %eq3A_580 : vector<1000x1xi32>
      %jit3A = arith.constant 0xFF800000 : f32
      %broadcast_in_dim3A_582 = vector.shape_cast %eq3A_581 : vector<1000x1xi1> to vector<1000x1xi1>
      %broadcast_in_dim3A_583 = vector.broadcast %broadcast_in_dim3A_582 : vector<1000x1xi1> to vector<1000x128xi1>
      %broadcast_in_dim3A_584 = vector.broadcast %jit3A : f32 to vector<1000x128xf32>
      %select_n3A = arith.select %broadcast_in_dim3A_583, %add3A_30, %broadcast_in_dim3A_584 : vector<1000x128xi1>, vector<1000x128xf32>
      %reduce_max3A_585 = arith.constant dense<0xFF800000> : vector<128xf32>
      %reduce_max3A_586 = vector.multi_reduction <maximumf>, %select_n3A, %reduce_max3A_585 [0] : vector<1000x128xf32> to vector<128xf32>
      %broadcast_in_dim3A_587 = vector.shape_cast %reduce_max3A_586 : vector<128xf32> to vector<1x128xf32>
      %get3A_588 = arith.constant 16 : index
      %get3A_589 = arith.constant 0 : index
      %get3A_590 = vector.load %arg14[%get3A_588, %get3A_589] : memref<64x128xf32, #tpu.memory_space<vmem>>, vector<1x128xf32>
      %max3A = arith.maximumf %get3A_590, %broadcast_in_dim3A_587 : vector<1x128xf32>
      %swap3A_591 = arith.constant 16 : index
      %swap3A_592 = arith.constant 0 : index
      %swap3A_593 = vector.load %arg14[%swap3A_591, %swap3A_592] : memref<64x128xf32, #tpu.memory_space<vmem>>, vector<1x128xf32>
      tpu.vector_store %arg14[%swap3A_591, %swap3A_592], %max3A {strides = array<i32>} : memref<64x128xf32, #tpu.memory_space<vmem>>, vector<1x128xf32>,
    } else {
    }
    %le3A_198 = arith.constant 17 : i32
    %le3A_199 = arith.cmpi sle, %reduce_min3A_60, %le3A_198 : i32
    %ge3A_200 = arith.constant 17 : i32
    %ge3A_201 = arith.cmpi sge, %reduce_max3A_64, %ge3A_200 : i32
    %and3A_202 = arith.andi %le3A_199, %ge3A_201 : i1
    %convert_element_type3A_203 = arith.extui %and3A_202 : i1 to i32
    %cond3A_204 = arith.constant 0 : i32
    %cond3A_205 = arith.cmpi ne, %convert_element_type3A_203, %cond3A_204 : i32
    scf.if %cond3A_205 {
      %eq3A_579 = arith.constant 17 : i32
      %eq3A_580 = vector.broadcast %eq3A_579 : i32 to vector<1000x1xi32>
      %eq3A_581 = arith.cmpi eq, %broadcast_in_dim3A, %eq3A_580 : vector<1000x1xi32>
      %jit3A = arith.constant 0xFF800000 : f32
      %broadcast_in_dim3A_582 = vector.shape_cast %eq3A_581 : vector<1000x1xi1> to vector<1000x1xi1>
      %broadcast_in_dim3A_583 = vector.broadcast %broadcast_in_dim3A_582 : vector<1000x1xi1> to vector<1000x128xi1>
      %broadcast_in_dim3A_584 = vector.broadcast %jit3A : f32 to vector<1000x128xf32>
      %select_n3A = arith.select %broadcast_in_dim3A_583, %add3A_30, %broadcast_in_dim3A_584 : vector<1000x128xi1>, vector<1000x128xf32>
      %reduce_max3A_585 = arith.constant dense<0xFF800000> : vector<128xf32>
      %reduce_max3A_586 = vector.multi_reduction <maximumf>, %select_n3A, %reduce_max3A_585 [0] : vector<1000x128xf32> to vector<128xf32>
      %broadcast_in_dim3A_587 = vector.shape_cast %reduce_max3A_586 : vector<128xf32> to vector<1x128xf32>
      %get3A_588 = arith.constant 17 : index
      %get3A_589 = arith.constant 0 : index
      %get3A_590 = vector.load %arg14[%get3A_588, %get3A_589] : memref<64x128xf32, #tpu.memory_space<vmem>>, vector<1x128xf32>
      %max3A = arith.maximumf %get3A_590, %broadcast_in_dim3A_587 : vector<1x128xf32>
      %swap3A_591 = arith.constant 17 : index
      %swap3A_592 = arith.constant 0 : index
      %swap3A_593 = vector.load %arg14[%swap3A_591, %swap3A_592] : memref<64x128xf32, #tpu.memory_space<vmem>>, vector<1x128xf32>
      tpu.vector_store %arg14[%swap3A_591, %swap3A_592], %max3A {strides = array<i32>} : memref<64x128xf32, #tpu.memory_space<vmem>>, vector<1x128xf32>,
    } else {
    }
    %le3A_206 = arith.constant 18 : i32
    %le3A_207 = arith.cmpi sle, %reduce_min3A_60, %le3A_206 : i32
    %ge3A_208 = arith.constant 18 : i32
    %ge3A_209 = arith.cmpi sge, %reduce_max3A_64, %ge3A_208 : i32
    %and3A_210 = arith.andi %le3A_207, %ge3A_209 : i1
    %convert_element_type3A_211 = arith.extui %and3A_210 : i1 to i32
    %cond3A_212 = arith.constant 0 : i32
    %cond3A_213 = arith.cmpi ne, %convert_element_type3A_211, %cond3A_212 : i32
    scf.if %cond3A_213 {
      %eq3A_579 = arith.constant 18 : i32
      %eq3A_580 = vector.broadcast %eq3A_579 : i32 to vector<1000x1xi32>
      %eq3A_581 = arith.cmpi eq, %broadcast_in_dim3A, %eq3A_580 : vector<1000x1xi32>
      %jit3A = arith.constant 0xFF800000 : f32
      %broadcast_in_dim3A_582 = vector.shape_cast %eq3A_581 : vector<1000x1xi1> to vector<1000x1xi1>
      %broadcast_in_dim3A_583 = vector.broadcast %broadcast_in_dim3A_582 : vector<1000x1xi1> to vector<1000x128xi1>
      %broadcast_in_dim3A_584 = vector.broadcast %jit3A : f32 to vector<1000x128xf32>
      %select_n3A = arith.select %broadcast_in_dim3A_583, %add3A_30, %broadcast_in_dim3A_584 : vector<1000x128xi1>, vector<1000x128xf32>
      %reduce_max3A_585 = arith.constant dense<0xFF800000> : vector<128xf32>
      %reduce_max3A_586 = vector.multi_reduction <maximumf>, %select_n3A, %reduce_max3A_585 [0] : vector<1000x128xf32> to vector<128xf32>
      %broadcast_in_dim3A_587 = vector.shape_cast %reduce_max3A_586 : vector<128xf32> to vector<1x128xf32>
      %get3A_588 = arith.constant 18 : index
      %get3A_589 = arith.constant 0 : index
      %get3A_590 = vector.load %arg14[%get3A_588, %get3A_589] : memref<64x128xf32, #tpu.memory_space<vmem>>, vector<1x128xf32>
      %max3A = arith.maximumf %get3A_590, %broadcast_in_dim3A_587 : vector<1x128xf32>
      %swap3A_591 = arith.constant 18 : index
      %swap3A_592 = arith.constant 0 : index
      %swap3A_593 = vector.load %arg14[%swap3A_591, %swap3A_592] : memref<64x128xf32, #tpu.memory_space<vmem>>, vector<1x128xf32>
      tpu.vector_store %arg14[%swap3A_591, %swap3A_592], %max3A {strides = array<i32>} : memref<64x128xf32, #tpu.memory_space<vmem>>, vector<1x128xf32>,
    } else {
    }
    %le3A_214 = arith.constant 19 : i32
    %le3A_215 = arith.cmpi sle, %reduce_min3A_60, %le3A_214 : i32
    %ge3A_216 = arith.constant 19 : i32
    %ge3A_217 = arith.cmpi sge, %reduce_max3A_64, %ge3A_216 : i32
    %and3A_218 = arith.andi %le3A_215, %ge3A_217 : i1
    %convert_element_type3A_219 = arith.extui %and3A_218 : i1 to i32
    %cond3A_220 = arith.constant 0 : i32
    %cond3A_221 = arith.cmpi ne, %convert_element_type3A_219, %cond3A_220 : i32
    scf.if %cond3A_221 {
      %eq3A_579 = arith.constant 19 : i32
      %eq3A_580 = vector.broadcast %eq3A_579 : i32 to vector<1000x1xi32>
      %eq3A_581 = arith.cmpi eq, %broadcast_in_dim3A, %eq3A_580 : vector<1000x1xi32>
      %jit3A = arith.constant 0xFF800000 : f32
      %broadcast_in_dim3A_582 = vector.shape_cast %eq3A_581 : vector<1000x1xi1> to vector<1000x1xi1>
      %broadcast_in_dim3A_583 = vector.broadcast %broadcast_in_dim3A_582 : vector<1000x1xi1> to vector<1000x128xi1>
      %broadcast_in_dim3A_584 = vector.broadcast %jit3A : f32 to vector<1000x128xf32>
      %select_n3A = arith.select %broadcast_in_dim3A_583, %add3A_30, %broadcast_in_dim3A_584 : vector<1000x128xi1>, vector<1000x128xf32>
      %reduce_max3A_585 = arith.constant dense<0xFF800000> : vector<128xf32>
      %reduce_max3A_586 = vector.multi_reduction <maximumf>, %select_n3A, %reduce_max3A_585 [0] : vector<1000x128xf32> to vector<128xf32>
      %broadcast_in_dim3A_587 = vector.shape_cast %reduce_max3A_586 : vector<128xf32> to vector<1x128xf32>
      %get3A_588 = arith.constant 19 : index
      %get3A_589 = arith.constant 0 : index
      %get3A_590 = vector.load %arg14[%get3A_588, %get3A_589] : memref<64x128xf32, #tpu.memory_space<vmem>>, vector<1x128xf32>
      %max3A = arith.maximumf %get3A_590, %broadcast_in_dim3A_587 : vector<1x128xf32>
      %swap3A_591 = arith.constant 19 : index
      %swap3A_592 = arith.constant 0 : index
      %swap3A_593 = vector.load %arg14[%swap3A_591, %swap3A_592] : memref<64x128xf32, #tpu.memory_space<vmem>>, vector<1x128xf32>
      tpu.vector_store %arg14[%swap3A_591, %swap3A_592], %max3A {strides = array<i32>} : memref<64x128xf32, #tpu.memory_space<vmem>>, vector<1x128xf32>,
    } else {
    }
    %le3A_222 = arith.constant 20 : i32
    %le3A_223 = arith.cmpi sle, %reduce_min3A_60, %le3A_222 : i32
    %ge3A_224 = arith.constant 20 : i32
    %ge3A_225 = arith.cmpi sge, %reduce_max3A_64, %ge3A_224 : i32
    %and3A_226 = arith.andi %le3A_223, %ge3A_225 : i1
    %convert_element_type3A_227 = arith.extui %and3A_226 : i1 to i32
    %cond3A_228 = arith.constant 0 : i32
    %cond3A_229 = arith.cmpi ne, %convert_element_type3A_227, %cond3A_228 : i32
    scf.if %cond3A_229 {
      %eq3A_579 = arith.constant 20 : i32
      %eq3A_580 = vector.broadcast %eq3A_579 : i32 to vector<1000x1xi32>
      %eq3A_581 = arith.cmpi eq, %broadcast_in_dim3A, %eq3A_580 : vector<1000x1xi32>
      %jit3A = arith.constant 0xFF800000 : f32
      %broadcast_in_dim3A_582 = vector.shape_cast %eq3A_581 : vector<1000x1xi1> to vector<1000x1xi1>
      %broadcast_in_dim3A_583 = vector.broadcast %broadcast_in_dim3A_582 : vector<1000x1xi1> to vector<1000x128xi1>
      %broadcast_in_dim3A_584 = vector.broadcast %jit3A : f32 to vector<1000x128xf32>
      %select_n3A = arith.select %broadcast_in_dim3A_583, %add3A_30, %broadcast_in_dim3A_584 : vector<1000x128xi1>, vector<1000x128xf32>
      %reduce_max3A_585 = arith.constant dense<0xFF800000> : vector<128xf32>
      %reduce_max3A_586 = vector.multi_reduction <maximumf>, %select_n3A, %reduce_max3A_585 [0] : vector<1000x128xf32> to vector<128xf32>
      %broadcast_in_dim3A_587 = vector.shape_cast %reduce_max3A_586 : vector<128xf32> to vector<1x128xf32>
      %get3A_588 = arith.constant 20 : index
      %get3A_589 = arith.constant 0 : index
      %get3A_590 = vector.load %arg14[%get3A_588, %get3A_589] : memref<64x128xf32, #tpu.memory_space<vmem>>, vector<1x128xf32>
      %max3A = arith.maximumf %get3A_590, %broadcast_in_dim3A_587 : vector<1x128xf32>
      %swap3A_591 = arith.constant 20 : index
      %swap3A_592 = arith.constant 0 : index
      %swap3A_593 = vector.load %arg14[%swap3A_591, %swap3A_592] : memref<64x128xf32, #tpu.memory_space<vmem>>, vector<1x128xf32>
      tpu.vector_store %arg14[%swap3A_591, %swap3A_592], %max3A {strides = array<i32>} : memref<64x128xf32, #tpu.memory_space<vmem>>, vector<1x128xf32>,
    } else {
    }
    %le3A_230 = arith.constant 21 : i32
    %le3A_231 = arith.cmpi sle, %reduce_min3A_60, %le3A_230 : i32
    %ge3A_232 = arith.constant 21 : i32
    %ge3A_233 = arith.cmpi sge, %reduce_max3A_64, %ge3A_232 : i32
    %and3A_234 = arith.andi %le3A_231, %ge3A_233 : i1
    %convert_element_type3A_235 = arith.extui %and3A_234 : i1 to i32
    %cond3A_236 = arith.constant 0 : i32
    %cond3A_237 = arith.cmpi ne, %convert_element_type3A_235, %cond3A_236 : i32
    scf.if %cond3A_237 {
      %eq3A_579 = arith.constant 21 : i32
      %eq3A_580 = vector.broadcast %eq3A_579 : i32 to vector<1000x1xi32>
      %eq3A_581 = arith.cmpi eq, %broadcast_in_dim3A, %eq3A_580 : vector<1000x1xi32>
      %jit3A = arith.constant 0xFF800000 : f32
      %broadcast_in_dim3A_582 = vector.shape_cast %eq3A_581 : vector<1000x1xi1> to vector<1000x1xi1>
      %broadcast_in_dim3A_583 = vector.broadcast %broadcast_in_dim3A_582 : vector<1000x1xi1> to vector<1000x128xi1>
      %broadcast_in_dim3A_584 = vector.broadcast %jit3A : f32 to vector<1000x128xf32>
      %select_n3A = arith.select %broadcast_in_dim3A_583, %add3A_30, %broadcast_in_dim3A_584 : vector<1000x128xi1>, vector<1000x128xf32>
      %reduce_max3A_585 = arith.constant dense<0xFF800000> : vector<128xf32>
      %reduce_max3A_586 = vector.multi_reduction <maximumf>, %select_n3A, %reduce_max3A_585 [0] : vector<1000x128xf32> to vector<128xf32>
      %broadcast_in_dim3A_587 = vector.shape_cast %reduce_max3A_586 : vector<128xf32> to vector<1x128xf32>
      %get3A_588 = arith.constant 21 : index
      %get3A_589 = arith.constant 0 : index
      %get3A_590 = vector.load %arg14[%get3A_588, %get3A_589] : memref<64x128xf32, #tpu.memory_space<vmem>>, vector<1x128xf32>
      %max3A = arith.maximumf %get3A_590, %broadcast_in_dim3A_587 : vector<1x128xf32>
      %swap3A_591 = arith.constant 21 : index
      %swap3A_592 = arith.constant 0 : index
      %swap3A_593 = vector.load %arg14[%swap3A_591, %swap3A_592] : memref<64x128xf32, #tpu.memory_space<vmem>>, vector<1x128xf32>
      tpu.vector_store %arg14[%swap3A_591, %swap3A_592], %max3A {strides = array<i32>} : memref<64x128xf32, #tpu.memory_space<vmem>>, vector<1x128xf32>,
    } else {
    }
    %le3A_238 = arith.constant 22 : i32
    %le3A_239 = arith.cmpi sle, %reduce_min3A_60, %le3A_238 : i32
    %ge3A_240 = arith.constant 22 : i32
    %ge3A_241 = arith.cmpi sge, %reduce_max3A_64, %ge3A_240 : i32
    %and3A_242 = arith.andi %le3A_239, %ge3A_241 : i1
    %convert_element_type3A_243 = arith.extui %and3A_242 : i1 to i32
    %cond3A_244 = arith.constant 0 : i32
    %cond3A_245 = arith.cmpi ne, %convert_element_type3A_243, %cond3A_244 : i32
    scf.if %cond3A_245 {
      %eq3A_579 = arith.constant 22 : i32
      %eq3A_580 = vector.broadcast %eq3A_579 : i32 to vector<1000x1xi32>
      %eq3A_581 = arith.cmpi eq, %broadcast_in_dim3A, %eq3A_580 : vector<1000x1xi32>
      %jit3A = arith.constant 0xFF800000 : f32
      %broadcast_in_dim3A_582 = vector.shape_cast %eq3A_581 : vector<1000x1xi1> to vector<1000x1xi1>
      %broadcast_in_dim3A_583 = vector.broadcast %broadcast_in_dim3A_582 : vector<1000x1xi1> to vector<1000x128xi1>
      %broadcast_in_dim3A_584 = vector.broadcast %jit3A : f32 to vector<1000x128xf32>
      %select_n3A = arith.select %broadcast_in_dim3A_583, %add3A_30, %broadcast_in_dim3A_584 : vector<1000x128xi1>, vector<1000x128xf32>
      %reduce_max3A_585 = arith.constant dense<0xFF800000> : vector<128xf32>
      %reduce_max3A_586 = vector.multi_reduction <maximumf>, %select_n3A, %reduce_max3A_585 [0] : vector<1000x128xf32> to vector<128xf32>
      %broadcast_in_dim3A_587 = vector.shape_cast %reduce_max3A_586 : vector<128xf32> to vector<1x128xf32>
      %get3A_588 = arith.constant 22 : index
      %get3A_589 = arith.constant 0 : index
      %get3A_590 = vector.load %arg14[%get3A_588, %get3A_589] : memref<64x128xf32, #tpu.memory_space<vmem>>, vector<1x128xf32>
      %max3A = arith.maximumf %get3A_590, %broadcast_in_dim3A_587 : vector<1x128xf32>
      %swap3A_591 = arith.constant 22 : index
      %swap3A_592 = arith.constant 0 : index
      %swap3A_593 = vector.load %arg14[%swap3A_591, %swap3A_592] : memref<64x128xf32, #tpu.memory_space<vmem>>, vector<1x128xf32>
      tpu.vector_store %arg14[%swap3A_591, %swap3A_592], %max3A {strides = array<i32>} : memref<64x128xf32, #tpu.memory_space<vmem>>, vector<1x128xf32>,
    } else {
    }
    %le3A_246 = arith.constant 23 : i32
    %le3A_247 = arith.cmpi sle, %reduce_min3A_60, %le3A_246 : i32
    %ge3A_248 = arith.constant 23 : i32
    %ge3A_249 = arith.cmpi sge, %reduce_max3A_64, %ge3A_248 : i32
    %and3A_250 = arith.andi %le3A_247, %ge3A_249 : i1
    %convert_element_type3A_251 = arith.extui %and3A_250 : i1 to i32
    %cond3A_252 = arith.constant 0 : i32
    %cond3A_253 = arith.cmpi ne, %convert_element_type3A_251, %cond3A_252 : i32
    scf.if %cond3A_253 {
      %eq3A_579 = arith.constant 23 : i32
      %eq3A_580 = vector.broadcast %eq3A_579 : i32 to vector<1000x1xi32>
      %eq3A_581 = arith.cmpi eq, %broadcast_in_dim3A, %eq3A_580 : vector<1000x1xi32>
      %jit3A = arith.constant 0xFF800000 : f32
      %broadcast_in_dim3A_582 = vector.shape_cast %eq3A_581 : vector<1000x1xi1> to vector<1000x1xi1>
      %broadcast_in_dim3A_583 = vector.broadcast %broadcast_in_dim3A_582 : vector<1000x1xi1> to vector<1000x128xi1>
      %broadcast_in_dim3A_584 = vector.broadcast %jit3A : f32 to vector<1000x128xf32>
      %select_n3A = arith.select %broadcast_in_dim3A_583, %add3A_30, %broadcast_in_dim3A_584 : vector<1000x128xi1>, vector<1000x128xf32>
      %reduce_max3A_585 = arith.constant dense<0xFF800000> : vector<128xf32>
      %reduce_max3A_586 = vector.multi_reduction <maximumf>, %select_n3A, %reduce_max3A_585 [0] : vector<1000x128xf32> to vector<128xf32>
      %broadcast_in_dim3A_587 = vector.shape_cast %reduce_max3A_586 : vector<128xf32> to vector<1x128xf32>
      %get3A_588 = arith.constant 23 : index
      %get3A_589 = arith.constant 0 : index
      %get3A_590 = vector.load %arg14[%get3A_588, %get3A_589] : memref<64x128xf32, #tpu.memory_space<vmem>>, vector<1x128xf32>
      %max3A = arith.maximumf %get3A_590, %broadcast_in_dim3A_587 : vector<1x128xf32>
      %swap3A_591 = arith.constant 23 : index
      %swap3A_592 = arith.constant 0 : index
      %swap3A_593 = vector.load %arg14[%swap3A_591, %swap3A_592] : memref<64x128xf32, #tpu.memory_space<vmem>>, vector<1x128xf32>
      tpu.vector_store %arg14[%swap3A_591, %swap3A_592], %max3A {strides = array<i32>} : memref<64x128xf32, #tpu.memory_space<vmem>>, vector<1x128xf32>,
    } else {
    }
    %le3A_254 = arith.constant 24 : i32
    %le3A_255 = arith.cmpi sle, %reduce_min3A_60, %le3A_254 : i32
    %ge3A_256 = arith.constant 24 : i32
    %ge3A_257 = arith.cmpi sge, %reduce_max3A_64, %ge3A_256 : i32
    %and3A_258 = arith.andi %le3A_255, %ge3A_257 : i1
    %convert_element_type3A_259 = arith.extui %and3A_258 : i1 to i32
    %cond3A_260 = arith.constant 0 : i32
    %cond3A_261 = arith.cmpi ne, %convert_element_type3A_259, %cond3A_260 : i32
    scf.if %cond3A_261 {
      %eq3A_579 = arith.constant 24 : i32
      %eq3A_580 = vector.broadcast %eq3A_579 : i32 to vector<1000x1xi32>
      %eq3A_581 = arith.cmpi eq, %broadcast_in_dim3A, %eq3A_580 : vector<1000x1xi32>
      %jit3A = arith.constant 0xFF800000 : f32
      %broadcast_in_dim3A_582 = vector.shape_cast %eq3A_581 : vector<1000x1xi1> to vector<1000x1xi1>
      %broadcast_in_dim3A_583 = vector.broadcast %broadcast_in_dim3A_582 : vector<1000x1xi1> to vector<1000x128xi1>
      %broadcast_in_dim3A_584 = vector.broadcast %jit3A : f32 to vector<1000x128xf32>
      %select_n3A = arith.select %broadcast_in_dim3A_583, %add3A_30, %broadcast_in_dim3A_584 : vector<1000x128xi1>, vector<1000x128xf32>
      %reduce_max3A_585 = arith.constant dense<0xFF800000> : vector<128xf32>
      %reduce_max3A_586 = vector.multi_reduction <maximumf>, %select_n3A, %reduce_max3A_585 [0] : vector<1000x128xf32> to vector<128xf32>
      %broadcast_in_dim3A_587 = vector.shape_cast %reduce_max3A_586 : vector<128xf32> to vector<1x128xf32>
      %get3A_588 = arith.constant 24 : index
      %get3A_589 = arith.constant 0 : index
      %get3A_590 = vector.load %arg14[%get3A_588, %get3A_589] : memref<64x128xf32, #tpu.memory_space<vmem>>, vector<1x128xf32>
      %max3A = arith.maximumf %get3A_590, %broadcast_in_dim3A_587 : vector<1x128xf32>
      %swap3A_591 = arith.constant 24 : index
      %swap3A_592 = arith.constant 0 : index
      %swap3A_593 = vector.load %arg14[%swap3A_591, %swap3A_592] : memref<64x128xf32, #tpu.memory_space<vmem>>, vector<1x128xf32>
      tpu.vector_store %arg14[%swap3A_591, %swap3A_592], %max3A {strides = array<i32>} : memref<64x128xf32, #tpu.memory_space<vmem>>, vector<1x128xf32>,
    } else {
    }
    %le3A_262 = arith.constant 25 : i32
    %le3A_263 = arith.cmpi sle, %reduce_min3A_60, %le3A_262 : i32
    %ge3A_264 = arith.constant 25 : i32
    %ge3A_265 = arith.cmpi sge, %reduce_max3A_64, %ge3A_264 : i32
    %and3A_266 = arith.andi %le3A_263, %ge3A_265 : i1
    %convert_element_type3A_267 = arith.extui %and3A_266 : i1 to i32
    %cond3A_268 = arith.constant 0 : i32
    %cond3A_269 = arith.cmpi ne, %convert_element_type3A_267, %cond3A_268 : i32
    scf.if %cond3A_269 {
      %eq3A_579 = arith.constant 25 : i32
      %eq3A_580 = vector.broadcast %eq3A_579 : i32 to vector<1000x1xi32>
      %eq3A_581 = arith.cmpi eq, %broadcast_in_dim3A, %eq3A_580 : vector<1000x1xi32>
      %jit3A = arith.constant 0xFF800000 : f32
      %broadcast_in_dim3A_582 = vector.shape_cast %eq3A_581 : vector<1000x1xi1> to vector<1000x1xi1>
      %broadcast_in_dim3A_583 = vector.broadcast %broadcast_in_dim3A_582 : vector<1000x1xi1> to vector<1000x128xi1>
      %broadcast_in_dim3A_584 = vector.broadcast %jit3A : f32 to vector<1000x128xf32>
      %select_n3A = arith.select %broadcast_in_dim3A_583, %add3A_30, %broadcast_in_dim3A_584 : vector<1000x128xi1>, vector<1000x128xf32>
      %reduce_max3A_585 = arith.constant dense<0xFF800000> : vector<128xf32>
      %reduce_max3A_586 = vector.multi_reduction <maximumf>, %select_n3A, %reduce_max3A_585 [0] : vector<1000x128xf32> to vector<128xf32>
      %broadcast_in_dim3A_587 = vector.shape_cast %reduce_max3A_586 : vector<128xf32> to vector<1x128xf32>
      %get3A_588 = arith.constant 25 : index
      %get3A_589 = arith.constant 0 : index
      %get3A_590 = vector.load %arg14[%get3A_588, %get3A_589] : memref<64x128xf32, #tpu.memory_space<vmem>>, vector<1x128xf32>
      %max3A = arith.maximumf %get3A_590, %broadcast_in_dim3A_587 : vector<1x128xf32>
      %swap3A_591 = arith.constant 25 : index
      %swap3A_592 = arith.constant 0 : index
      %swap3A_593 = vector.load %arg14[%swap3A_591, %swap3A_592] : memref<64x128xf32, #tpu.memory_space<vmem>>, vector<1x128xf32>
      tpu.vector_store %arg14[%swap3A_591, %swap3A_592], %max3A {strides = array<i32>} : memref<64x128xf32, #tpu.memory_space<vmem>>, vector<1x128xf32>,
    } else {
    }
    %le3A_270 = arith.constant 26 : i32
    %le3A_271 = arith.cmpi sle, %reduce_min3A_60, %le3A_270 : i32
    %ge3A_272 = arith.constant 26 : i32
    %ge3A_273 = arith.cmpi sge, %reduce_max3A_64, %ge3A_272 : i32
    %and3A_274 = arith.andi %le3A_271, %ge3A_273 : i1
    %convert_element_type3A_275 = arith.extui %and3A_274 : i1 to i32
    %cond3A_276 = arith.constant 0 : i32
    %cond3A_277 = arith.cmpi ne, %convert_element_type3A_275, %cond3A_276 : i32
    scf.if %cond3A_277 {
      %eq3A_579 = arith.constant 26 : i32
      %eq3A_580 = vector.broadcast %eq3A_579 : i32 to vector<1000x1xi32>
      %eq3A_581 = arith.cmpi eq, %broadcast_in_dim3A, %eq3A_580 : vector<1000x1xi32>
      %jit3A = arith.constant 0xFF800000 : f32
      %broadcast_in_dim3A_582 = vector.shape_cast %eq3A_581 : vector<1000x1xi1> to vector<1000x1xi1>
      %broadcast_in_dim3A_583 = vector.broadcast %broadcast_in_dim3A_582 : vector<1000x1xi1> to vector<1000x128xi1>
      %broadcast_in_dim3A_584 = vector.broadcast %jit3A : f32 to vector<1000x128xf32>
      %select_n3A = arith.select %broadcast_in_dim3A_583, %add3A_30, %broadcast_in_dim3A_584 : vector<1000x128xi1>, vector<1000x128xf32>
      %reduce_max3A_585 = arith.constant dense<0xFF800000> : vector<128xf32>
      %reduce_max3A_586 = vector.multi_reduction <maximumf>, %select_n3A, %reduce_max3A_585 [0] : vector<1000x128xf32> to vector<128xf32>
      %broadcast_in_dim3A_587 = vector.shape_cast %reduce_max3A_586 : vector<128xf32> to vector<1x128xf32>
      %get3A_588 = arith.constant 26 : index
      %get3A_589 = arith.constant 0 : index
      %get3A_590 = vector.load %arg14[%get3A_588, %get3A_589] : memref<64x128xf32, #tpu.memory_space<vmem>>, vector<1x128xf32>
      %max3A = arith.maximumf %get3A_590, %broadcast_in_dim3A_587 : vector<1x128xf32>
      %swap3A_591 = arith.constant 26 : index
      %swap3A_592 = arith.constant 0 : index
      %swap3A_593 = vector.load %arg14[%swap3A_591, %swap3A_592] : memref<64x128xf32, #tpu.memory_space<vmem>>, vector<1x128xf32>
      tpu.vector_store %arg14[%swap3A_591, %swap3A_592], %max3A {strides = array<i32>} : memref<64x128xf32, #tpu.memory_space<vmem>>, vector<1x128xf32>,
    } else {
    }
    %le3A_278 = arith.constant 27 : i32
    %le3A_279 = arith.cmpi sle, %reduce_min3A_60, %le3A_278 : i32
    %ge3A_280 = arith.constant 27 : i32
    %ge3A_281 = arith.cmpi sge, %reduce_max3A_64, %ge3A_280 : i32
    %and3A_282 = arith.andi %le3A_279, %ge3A_281 : i1
    %convert_element_type3A_283 = arith.extui %and3A_282 : i1 to i32
    %cond3A_284 = arith.constant 0 : i32
    %cond3A_285 = arith.cmpi ne, %convert_element_type3A_283, %cond3A_284 : i32
    scf.if %cond3A_285 {
      %eq3A_579 = arith.constant 27 : i32
      %eq3A_580 = vector.broadcast %eq3A_579 : i32 to vector<1000x1xi32>
      %eq3A_581 = arith.cmpi eq, %broadcast_in_dim3A, %eq3A_580 : vector<1000x1xi32>
      %jit3A = arith.constant 0xFF800000 : f32
      %broadcast_in_dim3A_582 = vector.shape_cast %eq3A_581 : vector<1000x1xi1> to vector<1000x1xi1>
      %broadcast_in_dim3A_583 = vector.broadcast %broadcast_in_dim3A_582 : vector<1000x1xi1> to vector<1000x128xi1>
      %broadcast_in_dim3A_584 = vector.broadcast %jit3A : f32 to vector<1000x128xf32>
      %select_n3A = arith.select %broadcast_in_dim3A_583, %add3A_30, %broadcast_in_dim3A_584 : vector<1000x128xi1>, vector<1000x128xf32>
      %reduce_max3A_585 = arith.constant dense<0xFF800000> : vector<128xf32>
      %reduce_max3A_586 = vector.multi_reduction <maximumf>, %select_n3A, %reduce_max3A_585 [0] : vector<1000x128xf32> to vector<128xf32>
      %broadcast_in_dim3A_587 = vector.shape_cast %reduce_max3A_586 : vector<128xf32> to vector<1x128xf32>
      %get3A_588 = arith.constant 27 : index
      %get3A_589 = arith.constant 0 : index
      %get3A_590 = vector.load %arg14[%get3A_588, %get3A_589] : memref<64x128xf32, #tpu.memory_space<vmem>>, vector<1x128xf32>
      %max3A = arith.maximumf %get3A_590, %broadcast_in_dim3A_587 : vector<1x128xf32>
      %swap3A_591 = arith.constant 27 : index
      %swap3A_592 = arith.constant 0 : index
      %swap3A_593 = vector.load %arg14[%swap3A_591, %swap3A_592] : memref<64x128xf32, #tpu.memory_space<vmem>>, vector<1x128xf32>
      tpu.vector_store %arg14[%swap3A_591, %swap3A_592], %max3A {strides = array<i32>} : memref<64x128xf32, #tpu.memory_space<vmem>>, vector<1x128xf32>,
    } else {
    }
    %le3A_286 = arith.constant 28 : i32
    %le3A_287 = arith.cmpi sle, %reduce_min3A_60, %le3A_286 : i32
    %ge3A_288 = arith.constant 28 : i32
    %ge3A_289 = arith.cmpi sge, %reduce_max3A_64, %ge3A_288 : i32
    %and3A_290 = arith.andi %le3A_287, %ge3A_289 : i1
    %convert_element_type3A_291 = arith.extui %and3A_290 : i1 to i32
    %cond3A_292 = arith.constant 0 : i32
    %cond3A_293 = arith.cmpi ne, %convert_element_type3A_291, %cond3A_292 : i32
    scf.if %cond3A_293 {
      %eq3A_579 = arith.constant 28 : i32
      %eq3A_580 = vector.broadcast %eq3A_579 : i32 to vector<1000x1xi32>
      %eq3A_581 = arith.cmpi eq, %broadcast_in_dim3A, %eq3A_580 : vector<1000x1xi32>
      %jit3A = arith.constant 0xFF800000 : f32
      %broadcast_in_dim3A_582 = vector.shape_cast %eq3A_581 : vector<1000x1xi1> to vector<1000x1xi1>
      %broadcast_in_dim3A_583 = vector.broadcast %broadcast_in_dim3A_582 : vector<1000x1xi1> to vector<1000x128xi1>
      %broadcast_in_dim3A_584 = vector.broadcast %jit3A : f32 to vector<1000x128xf32>
      %select_n3A = arith.select %broadcast_in_dim3A_583, %add3A_30, %broadcast_in_dim3A_584 : vector<1000x128xi1>, vector<1000x128xf32>
      %reduce_max3A_585 = arith.constant dense<0xFF800000> : vector<128xf32>
      %reduce_max3A_586 = vector.multi_reduction <maximumf>, %select_n3A, %reduce_max3A_585 [0] : vector<1000x128xf32> to vector<128xf32>
      %broadcast_in_dim3A_587 = vector.shape_cast %reduce_max3A_586 : vector<128xf32> to vector<1x128xf32>
      %get3A_588 = arith.constant 28 : index
      %get3A_589 = arith.constant 0 : index
      %get3A_590 = vector.load %arg14[%get3A_588, %get3A_589] : memref<64x128xf32, #tpu.memory_space<vmem>>, vector<1x128xf32>
      %max3A = arith.maximumf %get3A_590, %broadcast_in_dim3A_587 : vector<1x128xf32>
      %swap3A_591 = arith.constant 28 : index
      %swap3A_592 = arith.constant 0 : index
      %swap3A_593 = vector.load %arg14[%swap3A_591, %swap3A_592] : memref<64x128xf32, #tpu.memory_space<vmem>>, vector<1x128xf32>
      tpu.vector_store %arg14[%swap3A_591, %swap3A_592], %max3A {strides = array<i32>} : memref<64x128xf32, #tpu.memory_space<vmem>>, vector<1x128xf32>,
    } else {
    }
    %le3A_294 = arith.constant 29 : i32
    %le3A_295 = arith.cmpi sle, %reduce_min3A_60, %le3A_294 : i32
    %ge3A_296 = arith.constant 29 : i32
    %ge3A_297 = arith.cmpi sge, %reduce_max3A_64, %ge3A_296 : i32
    %and3A_298 = arith.andi %le3A_295, %ge3A_297 : i1
    %convert_element_type3A_299 = arith.extui %and3A_298 : i1 to i32
    %cond3A_300 = arith.constant 0 : i32
    %cond3A_301 = arith.cmpi ne, %convert_element_type3A_299, %cond3A_300 : i32
    scf.if %cond3A_301 {
      %eq3A_579 = arith.constant 29 : i32
      %eq3A_580 = vector.broadcast %eq3A_579 : i32 to vector<1000x1xi32>
      %eq3A_581 = arith.cmpi eq, %broadcast_in_dim3A, %eq3A_580 : vector<1000x1xi32>
      %jit3A = arith.constant 0xFF800000 : f32
      %broadcast_in_dim3A_582 = vector.shape_cast %eq3A_581 : vector<1000x1xi1> to vector<1000x1xi1>
      %broadcast_in_dim3A_583 = vector.broadcast %broadcast_in_dim3A_582 : vector<1000x1xi1> to vector<1000x128xi1>
      %broadcast_in_dim3A_584 = vector.broadcast %jit3A : f32 to vector<1000x128xf32>
      %select_n3A = arith.select %broadcast_in_dim3A_583, %add3A_30, %broadcast_in_dim3A_584 : vector<1000x128xi1>, vector<1000x128xf32>
      %reduce_max3A_585 = arith.constant dense<0xFF800000> : vector<128xf32>
      %reduce_max3A_586 = vector.multi_reduction <maximumf>, %select_n3A, %reduce_max3A_585 [0] : vector<1000x128xf32> to vector<128xf32>
      %broadcast_in_dim3A_587 = vector.shape_cast %reduce_max3A_586 : vector<128xf32> to vector<1x128xf32>
      %get3A_588 = arith.constant 29 : index
      %get3A_589 = arith.constant 0 : index
      %get3A_590 = vector.load %arg14[%get3A_588, %get3A_589] : memref<64x128xf32, #tpu.memory_space<vmem>>, vector<1x128xf32>
      %max3A = arith.maximumf %get3A_590, %broadcast_in_dim3A_587 : vector<1x128xf32>
      %swap3A_591 = arith.constant 29 : index
      %swap3A_592 = arith.constant 0 : index
      %swap3A_593 = vector.load %arg14[%swap3A_591, %swap3A_592] : memref<64x128xf32, #tpu.memory_space<vmem>>, vector<1x128xf32>
      tpu.vector_store %arg14[%swap3A_591, %swap3A_592], %max3A {strides = array<i32>} : memref<64x128xf32, #tpu.memory_space<vmem>>, vector<1x128xf32>,
    } else {
    }
    %le3A_302 = arith.constant 30 : i32
    %le3A_303 = arith.cmpi sle, %reduce_min3A_60, %le3A_302 : i32
    %ge3A_304 = arith.constant 30 : i32
    %ge3A_305 = arith.cmpi sge, %reduce_max3A_64, %ge3A_304 : i32
    %and3A_306 = arith.andi %le3A_303, %ge3A_305 : i1
    %convert_element_type3A_307 = arith.extui %and3A_306 : i1 to i32
    %cond3A_308 = arith.constant 0 : i32
    %cond3A_309 = arith.cmpi ne, %convert_element_type3A_307, %cond3A_308 : i32
    scf.if %cond3A_309 {
      %eq3A_579 = arith.constant 30 : i32
      %eq3A_580 = vector.broadcast %eq3A_579 : i32 to vector<1000x1xi32>
      %eq3A_581 = arith.cmpi eq, %broadcast_in_dim3A, %eq3A_580 : vector<1000x1xi32>
      %jit3A = arith.constant 0xFF800000 : f32
      %broadcast_in_dim3A_582 = vector.shape_cast %eq3A_581 : vector<1000x1xi1> to vector<1000x1xi1>
      %broadcast_in_dim3A_583 = vector.broadcast %broadcast_in_dim3A_582 : vector<1000x1xi1> to vector<1000x128xi1>
      %broadcast_in_dim3A_584 = vector.broadcast %jit3A : f32 to vector<1000x128xf32>
      %select_n3A = arith.select %broadcast_in_dim3A_583, %add3A_30, %broadcast_in_dim3A_584 : vector<1000x128xi1>, vector<1000x128xf32>
      %reduce_max3A_585 = arith.constant dense<0xFF800000> : vector<128xf32>
      %reduce_max3A_586 = vector.multi_reduction <maximumf>, %select_n3A, %reduce_max3A_585 [0] : vector<1000x128xf32> to vector<128xf32>
      %broadcast_in_dim3A_587 = vector.shape_cast %reduce_max3A_586 : vector<128xf32> to vector<1x128xf32>
      %get3A_588 = arith.constant 30 : index
      %get3A_589 = arith.constant 0 : index
      %get3A_590 = vector.load %arg14[%get3A_588, %get3A_589] : memref<64x128xf32, #tpu.memory_space<vmem>>, vector<1x128xf32>
      %max3A = arith.maximumf %get3A_590, %broadcast_in_dim3A_587 : vector<1x128xf32>
      %swap3A_591 = arith.constant 30 : index
      %swap3A_592 = arith.constant 0 : index
      %swap3A_593 = vector.load %arg14[%swap3A_591, %swap3A_592] : memref<64x128xf32, #tpu.memory_space<vmem>>, vector<1x128xf32>
      tpu.vector_store %arg14[%swap3A_591, %swap3A_592], %max3A {strides = array<i32>} : memref<64x128xf32, #tpu.memory_space<vmem>>, vector<1x128xf32>,
    } else {
    }
    %le3A_310 = arith.constant 31 : i32
    %le3A_311 = arith.cmpi sle, %reduce_min3A_60, %le3A_310 : i32
    %ge3A_312 = arith.constant 31 : i32
    %ge3A_313 = arith.cmpi sge, %reduce_max3A_64, %ge3A_312 : i32
    %and3A_314 = arith.andi %le3A_311, %ge3A_313 : i1
    %convert_element_type3A_315 = arith.extui %and3A_314 : i1 to i32
    %cond3A_316 = arith.constant 0 : i32
    %cond3A_317 = arith.cmpi ne, %convert_element_type3A_315, %cond3A_316 : i32
    scf.if %cond3A_317 {
      %eq3A_579 = arith.constant 31 : i32
      %eq3A_580 = vector.broadcast %eq3A_579 : i32 to vector<1000x1xi32>
      %eq3A_581 = arith.cmpi eq, %broadcast_in_dim3A, %eq3A_580 : vector<1000x1xi32>
      %jit3A = arith.constant 0xFF800000 : f32
      %broadcast_in_dim3A_582 = vector.shape_cast %eq3A_581 : vector<1000x1xi1> to vector<1000x1xi1>
      %broadcast_in_dim3A_583 = vector.broadcast %broadcast_in_dim3A_582 : vector<1000x1xi1> to vector<1000x128xi1>
      %broadcast_in_dim3A_584 = vector.broadcast %jit3A : f32 to vector<1000x128xf32>
      %select_n3A = arith.select %broadcast_in_dim3A_583, %add3A_30, %broadcast_in_dim3A_584 : vector<1000x128xi1>, vector<1000x128xf32>
      %reduce_max3A_585 = arith.constant dense<0xFF800000> : vector<128xf32>
      %reduce_max3A_586 = vector.multi_reduction <maximumf>, %select_n3A, %reduce_max3A_585 [0] : vector<1000x128xf32> to vector<128xf32>
      %broadcast_in_dim3A_587 = vector.shape_cast %reduce_max3A_586 : vector<128xf32> to vector<1x128xf32>
      %get3A_588 = arith.constant 31 : index
      %get3A_589 = arith.constant 0 : index
      %get3A_590 = vector.load %arg14[%get3A_588, %get3A_589] : memref<64x128xf32, #tpu.memory_space<vmem>>, vector<1x128xf32>
      %max3A = arith.maximumf %get3A_590, %broadcast_in_dim3A_587 : vector<1x128xf32>
      %swap3A_591 = arith.constant 31 : index
      %swap3A_592 = arith.constant 0 : index
      %swap3A_593 = vector.load %arg14[%swap3A_591, %swap3A_592] : memref<64x128xf32, #tpu.memory_space<vmem>>, vector<1x128xf32>
      tpu.vector_store %arg14[%swap3A_591, %swap3A_592], %max3A {strides = array<i32>} : memref<64x128xf32, #tpu.memory_space<vmem>>, vector<1x128xf32>,
    } else {
    }
    %le3A_318 = arith.constant 32 : i32
    %le3A_319 = arith.cmpi sle, %reduce_min3A_60, %le3A_318 : i32
    %ge3A_320 = arith.constant 32 : i32
    %ge3A_321 = arith.cmpi sge, %reduce_max3A_64, %ge3A_320 : i32
    %and3A_322 = arith.andi %le3A_319, %ge3A_321 : i1
    %convert_element_type3A_323 = arith.extui %and3A_322 : i1 to i32
    %cond3A_324 = arith.constant 0 : i32
    %cond3A_325 = arith.cmpi ne, %convert_element_type3A_323, %cond3A_324 : i32
    scf.if %cond3A_325 {
      %eq3A_579 = arith.constant 32 : i32
      %eq3A_580 = vector.broadcast %eq3A_579 : i32 to vector<1000x1xi32>
      %eq3A_581 = arith.cmpi eq, %broadcast_in_dim3A, %eq3A_580 : vector<1000x1xi32>
      %jit3A = arith.constant 0xFF800000 : f32
      %broadcast_in_dim3A_582 = vector.shape_cast %eq3A_581 : vector<1000x1xi1> to vector<1000x1xi1>
      %broadcast_in_dim3A_583 = vector.broadcast %broadcast_in_dim3A_582 : vector<1000x1xi1> to vector<1000x128xi1>
      %broadcast_in_dim3A_584 = vector.broadcast %jit3A : f32 to vector<1000x128xf32>
      %select_n3A = arith.select %broadcast_in_dim3A_583, %add3A_30, %broadcast_in_dim3A_584 : vector<1000x128xi1>, vector<1000x128xf32>
      %reduce_max3A_585 = arith.constant dense<0xFF800000> : vector<128xf32>
      %reduce_max3A_586 = vector.multi_reduction <maximumf>, %select_n3A, %reduce_max3A_585 [0] : vector<1000x128xf32> to vector<128xf32>
      %broadcast_in_dim3A_587 = vector.shape_cast %reduce_max3A_586 : vector<128xf32> to vector<1x128xf32>
      %get3A_588 = arith.constant 32 : index
      %get3A_589 = arith.constant 0 : index
      %get3A_590 = vector.load %arg14[%get3A_588, %get3A_589] : memref<64x128xf32, #tpu.memory_space<vmem>>, vector<1x128xf32>
      %max3A = arith.maximumf %get3A_590, %broadcast_in_dim3A_587 : vector<1x128xf32>
      %swap3A_591 = arith.constant 32 : index
      %swap3A_592 = arith.constant 0 : index
      %swap3A_593 = vector.load %arg14[%swap3A_591, %swap3A_592] : memref<64x128xf32, #tpu.memory_space<vmem>>, vector<1x128xf32>
      tpu.vector_store %arg14[%swap3A_591, %swap3A_592], %max3A {strides = array<i32>} : memref<64x128xf32, #tpu.memory_space<vmem>>, vector<1x128xf32>,
    } else {
    }
    %le3A_326 = arith.constant 33 : i32
    %le3A_327 = arith.cmpi sle, %reduce_min3A_60, %le3A_326 : i32
    %ge3A_328 = arith.constant 33 : i32
    %ge3A_329 = arith.cmpi sge, %reduce_max3A_64, %ge3A_328 : i32
    %and3A_330 = arith.andi %le3A_327, %ge3A_329 : i1
    %convert_element_type3A_331 = arith.extui %and3A_330 : i1 to i32
    %cond3A_332 = arith.constant 0 : i32
    %cond3A_333 = arith.cmpi ne, %convert_element_type3A_331, %cond3A_332 : i32
    scf.if %cond3A_333 {
      %eq3A_579 = arith.constant 33 : i32
      %eq3A_580 = vector.broadcast %eq3A_579 : i32 to vector<1000x1xi32>
      %eq3A_581 = arith.cmpi eq, %broadcast_in_dim3A, %eq3A_580 : vector<1000x1xi32>
      %jit3A = arith.constant 0xFF800000 : f32
      %broadcast_in_dim3A_582 = vector.shape_cast %eq3A_581 : vector<1000x1xi1> to vector<1000x1xi1>
      %broadcast_in_dim3A_583 = vector.broadcast %broadcast_in_dim3A_582 : vector<1000x1xi1> to vector<1000x128xi1>
      %broadcast_in_dim3A_584 = vector.broadcast %jit3A : f32 to vector<1000x128xf32>
      %select_n3A = arith.select %broadcast_in_dim3A_583, %add3A_30, %broadcast_in_dim3A_584 : vector<1000x128xi1>, vector<1000x128xf32>
      %reduce_max3A_585 = arith.constant dense<0xFF800000> : vector<128xf32>
      %reduce_max3A_586 = vector.multi_reduction <maximumf>, %select_n3A, %reduce_max3A_585 [0] : vector<1000x128xf32> to vector<128xf32>
      %broadcast_in_dim3A_587 = vector.shape_cast %reduce_max3A_586 : vector<128xf32> to vector<1x128xf32>
      %get3A_588 = arith.constant 33 : index
      %get3A_589 = arith.constant 0 : index
      %get3A_590 = vector.load %arg14[%get3A_588, %get3A_589] : memref<64x128xf32, #tpu.memory_space<vmem>>, vector<1x128xf32>
      %max3A = arith.maximumf %get3A_590, %broadcast_in_dim3A_587 : vector<1x128xf32>
      %swap3A_591 = arith.constant 33 : index
      %swap3A_592 = arith.constant 0 : index
      %swap3A_593 = vector.load %arg14[%swap3A_591, %swap3A_592] : memref<64x128xf32, #tpu.memory_space<vmem>>, vector<1x128xf32>
      tpu.vector_store %arg14[%swap3A_591, %swap3A_592], %max3A {strides = array<i32>} : memref<64x128xf32, #tpu.memory_space<vmem>>, vector<1x128xf32>,
    } else {
    }
    %le3A_334 = arith.constant 34 : i32
    %le3A_335 = arith.cmpi sle, %reduce_min3A_60, %le3A_334 : i32
    %ge3A_336 = arith.constant 34 : i32
    %ge3A_337 = arith.cmpi sge, %reduce_max3A_64, %ge3A_336 : i32
    %and3A_338 = arith.andi %le3A_335, %ge3A_337 : i1
    %convert_element_type3A_339 = arith.extui %and3A_338 : i1 to i32
    %cond3A_340 = arith.constant 0 : i32
    %cond3A_341 = arith.cmpi ne, %convert_element_type3A_339, %cond3A_340 : i32
    scf.if %cond3A_341 {
      %eq3A_579 = arith.constant 34 : i32
      %eq3A_580 = vector.broadcast %eq3A_579 : i32 to vector<1000x1xi32>
      %eq3A_581 = arith.cmpi eq, %broadcast_in_dim3A, %eq3A_580 : vector<1000x1xi32>
      %jit3A = arith.constant 0xFF800000 : f32
      %broadcast_in_dim3A_582 = vector.shape_cast %eq3A_581 : vector<1000x1xi1> to vector<1000x1xi1>
      %broadcast_in_dim3A_583 = vector.broadcast %broadcast_in_dim3A_582 : vector<1000x1xi1> to vector<1000x128xi1>
      %broadcast_in_dim3A_584 = vector.broadcast %jit3A : f32 to vector<1000x128xf32>
      %select_n3A = arith.select %broadcast_in_dim3A_583, %add3A_30, %broadcast_in_dim3A_584 : vector<1000x128xi1>, vector<1000x128xf32>
      %reduce_max3A_585 = arith.constant dense<0xFF800000> : vector<128xf32>
      %reduce_max3A_586 = vector.multi_reduction <maximumf>, %select_n3A, %reduce_max3A_585 [0] : vector<1000x128xf32> to vector<128xf32>
      %broadcast_in_dim3A_587 = vector.shape_cast %reduce_max3A_586 : vector<128xf32> to vector<1x128xf32>
      %get3A_588 = arith.constant 34 : index
      %get3A_589 = arith.constant 0 : index
      %get3A_590 = vector.load %arg14[%get3A_588, %get3A_589] : memref<64x128xf32, #tpu.memory_space<vmem>>, vector<1x128xf32>
      %max3A = arith.maximumf %get3A_590, %broadcast_in_dim3A_587 : vector<1x128xf32>
      %swap3A_591 = arith.constant 34 : index
      %swap3A_592 = arith.constant 0 : index
      %swap3A_593 = vector.load %arg14[%swap3A_591, %swap3A_592] : memref<64x128xf32, #tpu.memory_space<vmem>>, vector<1x128xf32>
      tpu.vector_store %arg14[%swap3A_591, %swap3A_592], %max3A {strides = array<i32>} : memref<64x128xf32, #tpu.memory_space<vmem>>, vector<1x128xf32>,
    } else {
    }
    %le3A_342 = arith.constant 35 : i32
    %le3A_343 = arith.cmpi sle, %reduce_min3A_60, %le3A_342 : i32
    %ge3A_344 = arith.constant 35 : i32
    %ge3A_345 = arith.cmpi sge, %reduce_max3A_64, %ge3A_344 : i32
    %and3A_346 = arith.andi %le3A_343, %ge3A_345 : i1
    %convert_element_type3A_347 = arith.extui %and3A_346 : i1 to i32
    %cond3A_348 = arith.constant 0 : i32
    %cond3A_349 = arith.cmpi ne, %convert_element_type3A_347, %cond3A_348 : i32
    scf.if %cond3A_349 {
      %eq3A_579 = arith.constant 35 : i32
      %eq3A_580 = vector.broadcast %eq3A_579 : i32 to vector<1000x1xi32>
      %eq3A_581 = arith.cmpi eq, %broadcast_in_dim3A, %eq3A_580 : vector<1000x1xi32>
      %jit3A = arith.constant 0xFF800000 : f32
      %broadcast_in_dim3A_582 = vector.shape_cast %eq3A_581 : vector<1000x1xi1> to vector<1000x1xi1>
      %broadcast_in_dim3A_583 = vector.broadcast %broadcast_in_dim3A_582 : vector<1000x1xi1> to vector<1000x128xi1>
      %broadcast_in_dim3A_584 = vector.broadcast %jit3A : f32 to vector<1000x128xf32>
      %select_n3A = arith.select %broadcast_in_dim3A_583, %add3A_30, %broadcast_in_dim3A_584 : vector<1000x128xi1>, vector<1000x128xf32>
      %reduce_max3A_585 = arith.constant dense<0xFF800000> : vector<128xf32>
      %reduce_max3A_586 = vector.multi_reduction <maximumf>, %select_n3A, %reduce_max3A_585 [0] : vector<1000x128xf32> to vector<128xf32>
      %broadcast_in_dim3A_587 = vector.shape_cast %reduce_max3A_586 : vector<128xf32> to vector<1x128xf32>
      %get3A_588 = arith.constant 35 : index
      %get3A_589 = arith.constant 0 : index
      %get3A_590 = vector.load %arg14[%get3A_588, %get3A_589] : memref<64x128xf32, #tpu.memory_space<vmem>>, vector<1x128xf32>
      %max3A = arith.maximumf %get3A_590, %broadcast_in_dim3A_587 : vector<1x128xf32>
      %swap3A_591 = arith.constant 35 : index
      %swap3A_592 = arith.constant 0 : index
      %swap3A_593 = vector.load %arg14[%swap3A_591, %swap3A_592] : memref<64x128xf32, #tpu.memory_space<vmem>>, vector<1x128xf32>
      tpu.vector_store %arg14[%swap3A_591, %swap3A_592], %max3A {strides = array<i32>} : memref<64x128xf32, #tpu.memory_space<vmem>>, vector<1x128xf32>,
    } else {
    }
    %le3A_350 = arith.constant 36 : i32
    %le3A_351 = arith.cmpi sle, %reduce_min3A_60, %le3A_350 : i32
    %ge3A_352 = arith.constant 36 : i32
    %ge3A_353 = arith.cmpi sge, %reduce_max3A_64, %ge3A_352 : i32
    %and3A_354 = arith.andi %le3A_351, %ge3A_353 : i1
    %convert_element_type3A_355 = arith.extui %and3A_354 : i1 to i32
    %cond3A_356 = arith.constant 0 : i32
    %cond3A_357 = arith.cmpi ne, %convert_element_type3A_355, %cond3A_356 : i32
    scf.if %cond3A_357 {
      %eq3A_579 = arith.constant 36 : i32
      %eq3A_580 = vector.broadcast %eq3A_579 : i32 to vector<1000x1xi32>
      %eq3A_581 = arith.cmpi eq, %broadcast_in_dim3A, %eq3A_580 : vector<1000x1xi32>
      %jit3A = arith.constant 0xFF800000 : f32
      %broadcast_in_dim3A_582 = vector.shape_cast %eq3A_581 : vector<1000x1xi1> to vector<1000x1xi1>
      %broadcast_in_dim3A_583 = vector.broadcast %broadcast_in_dim3A_582 : vector<1000x1xi1> to vector<1000x128xi1>
      %broadcast_in_dim3A_584 = vector.broadcast %jit3A : f32 to vector<1000x128xf32>
      %select_n3A = arith.select %broadcast_in_dim3A_583, %add3A_30, %broadcast_in_dim3A_584 : vector<1000x128xi1>, vector<1000x128xf32>
      %reduce_max3A_585 = arith.constant dense<0xFF800000> : vector<128xf32>
      %reduce_max3A_586 = vector.multi_reduction <maximumf>, %select_n3A, %reduce_max3A_585 [0] : vector<1000x128xf32> to vector<128xf32>
      %broadcast_in_dim3A_587 = vector.shape_cast %reduce_max3A_586 : vector<128xf32> to vector<1x128xf32>
      %get3A_588 = arith.constant 36 : index
      %get3A_589 = arith.constant 0 : index
      %get3A_590 = vector.load %arg14[%get3A_588, %get3A_589] : memref<64x128xf32, #tpu.memory_space<vmem>>, vector<1x128xf32>
      %max3A = arith.maximumf %get3A_590, %broadcast_in_dim3A_587 : vector<1x128xf32>
      %swap3A_591 = arith.constant 36 : index
      %swap3A_592 = arith.constant 0 : index
      %swap3A_593 = vector.load %arg14[%swap3A_591, %swap3A_592] : memref<64x128xf32, #tpu.memory_space<vmem>>, vector<1x128xf32>
      tpu.vector_store %arg14[%swap3A_591, %swap3A_592], %max3A {strides = array<i32>} : memref<64x128xf32, #tpu.memory_space<vmem>>, vector<1x128xf32>,
    } else {
    }
    %le3A_358 = arith.constant 37 : i32
    %le3A_359 = arith.cmpi sle, %reduce_min3A_60, %le3A_358 : i32
    %ge3A_360 = arith.constant 37 : i32
    %ge3A_361 = arith.cmpi sge, %reduce_max3A_64, %ge3A_360 : i32
    %and3A_362 = arith.andi %le3A_359, %ge3A_361 : i1
    %convert_element_type3A_363 = arith.extui %and3A_362 : i1 to i32
    %cond3A_364 = arith.constant 0 : i32
    %cond3A_365 = arith.cmpi ne, %convert_element_type3A_363, %cond3A_364 : i32
    scf.if %cond3A_365 {
      %eq3A_579 = arith.constant 37 : i32
      %eq3A_580 = vector.broadcast %eq3A_579 : i32 to vector<1000x1xi32>
      %eq3A_581 = arith.cmpi eq, %broadcast_in_dim3A, %eq3A_580 : vector<1000x1xi32>
      %jit3A = arith.constant 0xFF800000 : f32
      %broadcast_in_dim3A_582 = vector.shape_cast %eq3A_581 : vector<1000x1xi1> to vector<1000x1xi1>
      %broadcast_in_dim3A_583 = vector.broadcast %broadcast_in_dim3A_582 : vector<1000x1xi1> to vector<1000x128xi1>
      %broadcast_in_dim3A_584 = vector.broadcast %jit3A : f32 to vector<1000x128xf32>
      %select_n3A = arith.select %broadcast_in_dim3A_583, %add3A_30, %broadcast_in_dim3A_584 : vector<1000x128xi1>, vector<1000x128xf32>
      %reduce_max3A_585 = arith.constant dense<0xFF800000> : vector<128xf32>
      %reduce_max3A_586 = vector.multi_reduction <maximumf>, %select_n3A, %reduce_max3A_585 [0] : vector<1000x128xf32> to vector<128xf32>
      %broadcast_in_dim3A_587 = vector.shape_cast %reduce_max3A_586 : vector<128xf32> to vector<1x128xf32>
      %get3A_588 = arith.constant 37 : index
      %get3A_589 = arith.constant 0 : index
      %get3A_590 = vector.load %arg14[%get3A_588, %get3A_589] : memref<64x128xf32, #tpu.memory_space<vmem>>, vector<1x128xf32>
      %max3A = arith.maximumf %get3A_590, %broadcast_in_dim3A_587 : vector<1x128xf32>
      %swap3A_591 = arith.constant 37 : index
      %swap3A_592 = arith.constant 0 : index
      %swap3A_593 = vector.load %arg14[%swap3A_591, %swap3A_592] : memref<64x128xf32, #tpu.memory_space<vmem>>, vector<1x128xf32>
      tpu.vector_store %arg14[%swap3A_591, %swap3A_592], %max3A {strides = array<i32>} : memref<64x128xf32, #tpu.memory_space<vmem>>, vector<1x128xf32>,
    } else {
    }
    %le3A_366 = arith.constant 38 : i32
    %le3A_367 = arith.cmpi sle, %reduce_min3A_60, %le3A_366 : i32
    %ge3A_368 = arith.constant 38 : i32
    %ge3A_369 = arith.cmpi sge, %reduce_max3A_64, %ge3A_368 : i32
    %and3A_370 = arith.andi %le3A_367, %ge3A_369 : i1
    %convert_element_type3A_371 = arith.extui %and3A_370 : i1 to i32
    %cond3A_372 = arith.constant 0 : i32
    %cond3A_373 = arith.cmpi ne, %convert_element_type3A_371, %cond3A_372 : i32
    scf.if %cond3A_373 {
      %eq3A_579 = arith.constant 38 : i32
      %eq3A_580 = vector.broadcast %eq3A_579 : i32 to vector<1000x1xi32>
      %eq3A_581 = arith.cmpi eq, %broadcast_in_dim3A, %eq3A_580 : vector<1000x1xi32>
      %jit3A = arith.constant 0xFF800000 : f32
      %broadcast_in_dim3A_582 = vector.shape_cast %eq3A_581 : vector<1000x1xi1> to vector<1000x1xi1>
      %broadcast_in_dim3A_583 = vector.broadcast %broadcast_in_dim3A_582 : vector<1000x1xi1> to vector<1000x128xi1>
      %broadcast_in_dim3A_584 = vector.broadcast %jit3A : f32 to vector<1000x128xf32>
      %select_n3A = arith.select %broadcast_in_dim3A_583, %add3A_30, %broadcast_in_dim3A_584 : vector<1000x128xi1>, vector<1000x128xf32>
      %reduce_max3A_585 = arith.constant dense<0xFF800000> : vector<128xf32>
      %reduce_max3A_586 = vector.multi_reduction <maximumf>, %select_n3A, %reduce_max3A_585 [0] : vector<1000x128xf32> to vector<128xf32>
      %broadcast_in_dim3A_587 = vector.shape_cast %reduce_max3A_586 : vector<128xf32> to vector<1x128xf32>
      %get3A_588 = arith.constant 38 : index
      %get3A_589 = arith.constant 0 : index
      %get3A_590 = vector.load %arg14[%get3A_588, %get3A_589] : memref<64x128xf32, #tpu.memory_space<vmem>>, vector<1x128xf32>
      %max3A = arith.maximumf %get3A_590, %broadcast_in_dim3A_587 : vector<1x128xf32>
      %swap3A_591 = arith.constant 38 : index
      %swap3A_592 = arith.constant 0 : index
      %swap3A_593 = vector.load %arg14[%swap3A_591, %swap3A_592] : memref<64x128xf32, #tpu.memory_space<vmem>>, vector<1x128xf32>
      tpu.vector_store %arg14[%swap3A_591, %swap3A_592], %max3A {strides = array<i32>} : memref<64x128xf32, #tpu.memory_space<vmem>>, vector<1x128xf32>,
    } else {
    }
    %le3A_374 = arith.constant 39 : i32
    %le3A_375 = arith.cmpi sle, %reduce_min3A_60, %le3A_374 : i32
    %ge3A_376 = arith.constant 39 : i32
    %ge3A_377 = arith.cmpi sge, %reduce_max3A_64, %ge3A_376 : i32
    %and3A_378 = arith.andi %le3A_375, %ge3A_377 : i1
    %convert_element_type3A_379 = arith.extui %and3A_378 : i1 to i32
    %cond3A_380 = arith.constant 0 : i32
    %cond3A_381 = arith.cmpi ne, %convert_element_type3A_379, %cond3A_380 : i32
    scf.if %cond3A_381 {
      %eq3A_579 = arith.constant 39 : i32
      %eq3A_580 = vector.broadcast %eq3A_579 : i32 to vector<1000x1xi32>
      %eq3A_581 = arith.cmpi eq, %broadcast_in_dim3A, %eq3A_580 : vector<1000x1xi32>
      %jit3A = arith.constant 0xFF800000 : f32
      %broadcast_in_dim3A_582 = vector.shape_cast %eq3A_581 : vector<1000x1xi1> to vector<1000x1xi1>
      %broadcast_in_dim3A_583 = vector.broadcast %broadcast_in_dim3A_582 : vector<1000x1xi1> to vector<1000x128xi1>
      %broadcast_in_dim3A_584 = vector.broadcast %jit3A : f32 to vector<1000x128xf32>
      %select_n3A = arith.select %broadcast_in_dim3A_583, %add3A_30, %broadcast_in_dim3A_584 : vector<1000x128xi1>, vector<1000x128xf32>
      %reduce_max3A_585 = arith.constant dense<0xFF800000> : vector<128xf32>
      %reduce_max3A_586 = vector.multi_reduction <maximumf>, %select_n3A, %reduce_max3A_585 [0] : vector<1000x128xf32> to vector<128xf32>
      %broadcast_in_dim3A_587 = vector.shape_cast %reduce_max3A_586 : vector<128xf32> to vector<1x128xf32>
      %get3A_588 = arith.constant 39 : index
      %get3A_589 = arith.constant 0 : index
      %get3A_590 = vector.load %arg14[%get3A_588, %get3A_589] : memref<64x128xf32, #tpu.memory_space<vmem>>, vector<1x128xf32>
      %max3A = arith.maximumf %get3A_590, %broadcast_in_dim3A_587 : vector<1x128xf32>
      %swap3A_591 = arith.constant 39 : index
      %swap3A_592 = arith.constant 0 : index
      %swap3A_593 = vector.load %arg14[%swap3A_591, %swap3A_592] : memref<64x128xf32, #tpu.memory_space<vmem>>, vector<1x128xf32>
      tpu.vector_store %arg14[%swap3A_591, %swap3A_592], %max3A {strides = array<i32>} : memref<64x128xf32, #tpu.memory_space<vmem>>, vector<1x128xf32>,
    } else {
    }
    %le3A_382 = arith.constant 40 : i32
    %le3A_383 = arith.cmpi sle, %reduce_min3A_60, %le3A_382 : i32
    %ge3A_384 = arith.constant 40 : i32
    %ge3A_385 = arith.cmpi sge, %reduce_max3A_64, %ge3A_384 : i32
    %and3A_386 = arith.andi %le3A_383, %ge3A_385 : i1
    %convert_element_type3A_387 = arith.extui %and3A_386 : i1 to i32
    %cond3A_388 = arith.constant 0 : i32
    %cond3A_389 = arith.cmpi ne, %convert_element_type3A_387, %cond3A_388 : i32
    scf.if %cond3A_389 {
      %eq3A_579 = arith.constant 40 : i32
      %eq3A_580 = vector.broadcast %eq3A_579 : i32 to vector<1000x1xi32>
      %eq3A_581 = arith.cmpi eq, %broadcast_in_dim3A, %eq3A_580 : vector<1000x1xi32>
      %jit3A = arith.constant 0xFF800000 : f32
      %broadcast_in_dim3A_582 = vector.shape_cast %eq3A_581 : vector<1000x1xi1> to vector<1000x1xi1>
      %broadcast_in_dim3A_583 = vector.broadcast %broadcast_in_dim3A_582 : vector<1000x1xi1> to vector<1000x128xi1>
      %broadcast_in_dim3A_584 = vector.broadcast %jit3A : f32 to vector<1000x128xf32>
      %select_n3A = arith.select %broadcast_in_dim3A_583, %add3A_30, %broadcast_in_dim3A_584 : vector<1000x128xi1>, vector<1000x128xf32>
      %reduce_max3A_585 = arith.constant dense<0xFF800000> : vector<128xf32>
      %reduce_max3A_586 = vector.multi_reduction <maximumf>, %select_n3A, %reduce_max3A_585 [0] : vector<1000x128xf32> to vector<128xf32>
      %broadcast_in_dim3A_587 = vector.shape_cast %reduce_max3A_586 : vector<128xf32> to vector<1x128xf32>
      %get3A_588 = arith.constant 40 : index
      %get3A_589 = arith.constant 0 : index
      %get3A_590 = vector.load %arg14[%get3A_588, %get3A_589] : memref<64x128xf32, #tpu.memory_space<vmem>>, vector<1x128xf32>
      %max3A = arith.maximumf %get3A_590, %broadcast_in_dim3A_587 : vector<1x128xf32>
      %swap3A_591 = arith.constant 40 : index
      %swap3A_592 = arith.constant 0 : index
      %swap3A_593 = vector.load %arg14[%swap3A_591, %swap3A_592] : memref<64x128xf32, #tpu.memory_space<vmem>>, vector<1x128xf32>
      tpu.vector_store %arg14[%swap3A_591, %swap3A_592], %max3A {strides = array<i32>} : memref<64x128xf32, #tpu.memory_space<vmem>>, vector<1x128xf32>,
    } else {
    }
    %le3A_390 = arith.constant 41 : i32
    %le3A_391 = arith.cmpi sle, %reduce_min3A_60, %le3A_390 : i32
    %ge3A_392 = arith.constant 41 : i32
    %ge3A_393 = arith.cmpi sge, %reduce_max3A_64, %ge3A_392 : i32
    %and3A_394 = arith.andi %le3A_391, %ge3A_393 : i1
    %convert_element_type3A_395 = arith.extui %and3A_394 : i1 to i32
    %cond3A_396 = arith.constant 0 : i32
    %cond3A_397 = arith.cmpi ne, %convert_element_type3A_395, %cond3A_396 : i32
    scf.if %cond3A_397 {
      %eq3A_579 = arith.constant 41 : i32
      %eq3A_580 = vector.broadcast %eq3A_579 : i32 to vector<1000x1xi32>
      %eq3A_581 = arith.cmpi eq, %broadcast_in_dim3A, %eq3A_580 : vector<1000x1xi32>
      %jit3A = arith.constant 0xFF800000 : f32
      %broadcast_in_dim3A_582 = vector.shape_cast %eq3A_581 : vector<1000x1xi1> to vector<1000x1xi1>
      %broadcast_in_dim3A_583 = vector.broadcast %broadcast_in_dim3A_582 : vector<1000x1xi1> to vector<1000x128xi1>
      %broadcast_in_dim3A_584 = vector.broadcast %jit3A : f32 to vector<1000x128xf32>
      %select_n3A = arith.select %broadcast_in_dim3A_583, %add3A_30, %broadcast_in_dim3A_584 : vector<1000x128xi1>, vector<1000x128xf32>
      %reduce_max3A_585 = arith.constant dense<0xFF800000> : vector<128xf32>
      %reduce_max3A_586 = vector.multi_reduction <maximumf>, %select_n3A, %reduce_max3A_585 [0] : vector<1000x128xf32> to vector<128xf32>
      %broadcast_in_dim3A_587 = vector.shape_cast %reduce_max3A_586 : vector<128xf32> to vector<1x128xf32>
      %get3A_588 = arith.constant 41 : index
      %get3A_589 = arith.constant 0 : index
      %get3A_590 = vector.load %arg14[%get3A_588, %get3A_589] : memref<64x128xf32, #tpu.memory_space<vmem>>, vector<1x128xf32>
      %max3A = arith.maximumf %get3A_590, %broadcast_in_dim3A_587 : vector<1x128xf32>
      %swap3A_591 = arith.constant 41 : index
      %swap3A_592 = arith.constant 0 : index
      %swap3A_593 = vector.load %arg14[%swap3A_591, %swap3A_592] : memref<64x128xf32, #tpu.memory_space<vmem>>, vector<1x128xf32>
      tpu.vector_store %arg14[%swap3A_591, %swap3A_592], %max3A {strides = array<i32>} : memref<64x128xf32, #tpu.memory_space<vmem>>, vector<1x128xf32>,
    } else {
    }
    %le3A_398 = arith.constant 42 : i32
    %le3A_399 = arith.cmpi sle, %reduce_min3A_60, %le3A_398 : i32
    %ge3A_400 = arith.constant 42 : i32
    %ge3A_401 = arith.cmpi sge, %reduce_max3A_64, %ge3A_400 : i32
    %and3A_402 = arith.andi %le3A_399, %ge3A_401 : i1
    %convert_element_type3A_403 = arith.extui %and3A_402 : i1 to i32
    %cond3A_404 = arith.constant 0 : i32
    %cond3A_405 = arith.cmpi ne, %convert_element_type3A_403, %cond3A_404 : i32
    scf.if %cond3A_405 {
      %eq3A_579 = arith.constant 42 : i32
      %eq3A_580 = vector.broadcast %eq3A_579 : i32 to vector<1000x1xi32>
      %eq3A_581 = arith.cmpi eq, %broadcast_in_dim3A, %eq3A_580 : vector<1000x1xi32>
      %jit3A = arith.constant 0xFF800000 : f32
      %broadcast_in_dim3A_582 = vector.shape_cast %eq3A_581 : vector<1000x1xi1> to vector<1000x1xi1>
      %broadcast_in_dim3A_583 = vector.broadcast %broadcast_in_dim3A_582 : vector<1000x1xi1> to vector<1000x128xi1>
      %broadcast_in_dim3A_584 = vector.broadcast %jit3A : f32 to vector<1000x128xf32>
      %select_n3A = arith.select %broadcast_in_dim3A_583, %add3A_30, %broadcast_in_dim3A_584 : vector<1000x128xi1>, vector<1000x128xf32>
      %reduce_max3A_585 = arith.constant dense<0xFF800000> : vector<128xf32>
      %reduce_max3A_586 = vector.multi_reduction <maximumf>, %select_n3A, %reduce_max3A_585 [0] : vector<1000x128xf32> to vector<128xf32>
      %broadcast_in_dim3A_587 = vector.shape_cast %reduce_max3A_586 : vector<128xf32> to vector<1x128xf32>
      %get3A_588 = arith.constant 42 : index
      %get3A_589 = arith.constant 0 : index
      %get3A_590 = vector.load %arg14[%get3A_588, %get3A_589] : memref<64x128xf32, #tpu.memory_space<vmem>>, vector<1x128xf32>
      %max3A = arith.maximumf %get3A_590, %broadcast_in_dim3A_587 : vector<1x128xf32>
      %swap3A_591 = arith.constant 42 : index
      %swap3A_592 = arith.constant 0 : index
      %swap3A_593 = vector.load %arg14[%swap3A_591, %swap3A_592] : memref<64x128xf32, #tpu.memory_space<vmem>>, vector<1x128xf32>
      tpu.vector_store %arg14[%swap3A_591, %swap3A_592], %max3A {strides = array<i32>} : memref<64x128xf32, #tpu.memory_space<vmem>>, vector<1x128xf32>,
    } else {
    }
    %le3A_406 = arith.constant 43 : i32
    %le3A_407 = arith.cmpi sle, %reduce_min3A_60, %le3A_406 : i32
    %ge3A_408 = arith.constant 43 : i32
    %ge3A_409 = arith.cmpi sge, %reduce_max3A_64, %ge3A_408 : i32
    %and3A_410 = arith.andi %le3A_407, %ge3A_409 : i1
    %convert_element_type3A_411 = arith.extui %and3A_410 : i1 to i32
    %cond3A_412 = arith.constant 0 : i32
    %cond3A_413 = arith.cmpi ne, %convert_element_type3A_411, %cond3A_412 : i32
    scf.if %cond3A_413 {
      %eq3A_579 = arith.constant 43 : i32
      %eq3A_580 = vector.broadcast %eq3A_579 : i32 to vector<1000x1xi32>
      %eq3A_581 = arith.cmpi eq, %broadcast_in_dim3A, %eq3A_580 : vector<1000x1xi32>
      %jit3A = arith.constant 0xFF800000 : f32
      %broadcast_in_dim3A_582 = vector.shape_cast %eq3A_581 : vector<1000x1xi1> to vector<1000x1xi1>
      %broadcast_in_dim3A_583 = vector.broadcast %broadcast_in_dim3A_582 : vector<1000x1xi1> to vector<1000x128xi1>
      %broadcast_in_dim3A_584 = vector.broadcast %jit3A : f32 to vector<1000x128xf32>
      %select_n3A = arith.select %broadcast_in_dim3A_583, %add3A_30, %broadcast_in_dim3A_584 : vector<1000x128xi1>, vector<1000x128xf32>
      %reduce_max3A_585 = arith.constant dense<0xFF800000> : vector<128xf32>
      %reduce_max3A_586 = vector.multi_reduction <maximumf>, %select_n3A, %reduce_max3A_585 [0] : vector<1000x128xf32> to vector<128xf32>
      %broadcast_in_dim3A_587 = vector.shape_cast %reduce_max3A_586 : vector<128xf32> to vector<1x128xf32>
      %get3A_588 = arith.constant 43 : index
      %get3A_589 = arith.constant 0 : index
      %get3A_590 = vector.load %arg14[%get3A_588, %get3A_589] : memref<64x128xf32, #tpu.memory_space<vmem>>, vector<1x128xf32>
      %max3A = arith.maximumf %get3A_590, %broadcast_in_dim3A_587 : vector<1x128xf32>
      %swap3A_591 = arith.constant 43 : index
      %swap3A_592 = arith.constant 0 : index
      %swap3A_593 = vector.load %arg14[%swap3A_591, %swap3A_592] : memref<64x128xf32, #tpu.memory_space<vmem>>, vector<1x128xf32>
      tpu.vector_store %arg14[%swap3A_591, %swap3A_592], %max3A {strides = array<i32>} : memref<64x128xf32, #tpu.memory_space<vmem>>, vector<1x128xf32>,
    } else {
    }
    %le3A_414 = arith.constant 44 : i32
    %le3A_415 = arith.cmpi sle, %reduce_min3A_60, %le3A_414 : i32
    %ge3A_416 = arith.constant 44 : i32
    %ge3A_417 = arith.cmpi sge, %reduce_max3A_64, %ge3A_416 : i32
    %and3A_418 = arith.andi %le3A_415, %ge3A_417 : i1
    %convert_element_type3A_419 = arith.extui %and3A_418 : i1 to i32
    %cond3A_420 = arith.constant 0 : i32
    %cond3A_421 = arith.cmpi ne, %convert_element_type3A_419, %cond3A_420 : i32
    scf.if %cond3A_421 {
      %eq3A_579 = arith.constant 44 : i32
      %eq3A_580 = vector.broadcast %eq3A_579 : i32 to vector<1000x1xi32>
      %eq3A_581 = arith.cmpi eq, %broadcast_in_dim3A, %eq3A_580 : vector<1000x1xi32>
      %jit3A = arith.constant 0xFF800000 : f32
      %broadcast_in_dim3A_582 = vector.shape_cast %eq3A_581 : vector<1000x1xi1> to vector<1000x1xi1>
      %broadcast_in_dim3A_583 = vector.broadcast %broadcast_in_dim3A_582 : vector<1000x1xi1> to vector<1000x128xi1>
      %broadcast_in_dim3A_584 = vector.broadcast %jit3A : f32 to vector<1000x128xf32>
      %select_n3A = arith.select %broadcast_in_dim3A_583, %add3A_30, %broadcast_in_dim3A_584 : vector<1000x128xi1>, vector<1000x128xf32>
      %reduce_max3A_585 = arith.constant dense<0xFF800000> : vector<128xf32>
      %reduce_max3A_586 = vector.multi_reduction <maximumf>, %select_n3A, %reduce_max3A_585 [0] : vector<1000x128xf32> to vector<128xf32>
      %broadcast_in_dim3A_587 = vector.shape_cast %reduce_max3A_586 : vector<128xf32> to vector<1x128xf32>
      %get3A_588 = arith.constant 44 : index
      %get3A_589 = arith.constant 0 : index
      %get3A_590 = vector.load %arg14[%get3A_588, %get3A_589] : memref<64x128xf32, #tpu.memory_space<vmem>>, vector<1x128xf32>
      %max3A = arith.maximumf %get3A_590, %broadcast_in_dim3A_587 : vector<1x128xf32>
      %swap3A_591 = arith.constant 44 : index
      %swap3A_592 = arith.constant 0 : index
      %swap3A_593 = vector.load %arg14[%swap3A_591, %swap3A_592] : memref<64x128xf32, #tpu.memory_space<vmem>>, vector<1x128xf32>
      tpu.vector_store %arg14[%swap3A_591, %swap3A_592], %max3A {strides = array<i32>} : memref<64x128xf32, #tpu.memory_space<vmem>>, vector<1x128xf32>,
    } else {
    }
    %le3A_422 = arith.constant 45 : i32
    %le3A_423 = arith.cmpi sle, %reduce_min3A_60, %le3A_422 : i32
    %ge3A_424 = arith.constant 45 : i32
    %ge3A_425 = arith.cmpi sge, %reduce_max3A_64, %ge3A_424 : i32
    %and3A_426 = arith.andi %le3A_423, %ge3A_425 : i1
    %convert_element_type3A_427 = arith.extui %and3A_426 : i1 to i32
    %cond3A_428 = arith.constant 0 : i32
    %cond3A_429 = arith.cmpi ne, %convert_element_type3A_427, %cond3A_428 : i32
    scf.if %cond3A_429 {
      %eq3A_579 = arith.constant 45 : i32
      %eq3A_580 = vector.broadcast %eq3A_579 : i32 to vector<1000x1xi32>
      %eq3A_581 = arith.cmpi eq, %broadcast_in_dim3A, %eq3A_580 : vector<1000x1xi32>
      %jit3A = arith.constant 0xFF800000 : f32
      %broadcast_in_dim3A_582 = vector.shape_cast %eq3A_581 : vector<1000x1xi1> to vector<1000x1xi1>
      %broadcast_in_dim3A_583 = vector.broadcast %broadcast_in_dim3A_582 : vector<1000x1xi1> to vector<1000x128xi1>
      %broadcast_in_dim3A_584 = vector.broadcast %jit3A : f32 to vector<1000x128xf32>
      %select_n3A = arith.select %broadcast_in_dim3A_583, %add3A_30, %broadcast_in_dim3A_584 : vector<1000x128xi1>, vector<1000x128xf32>
      %reduce_max3A_585 = arith.constant dense<0xFF800000> : vector<128xf32>
      %reduce_max3A_586 = vector.multi_reduction <maximumf>, %select_n3A, %reduce_max3A_585 [0] : vector<1000x128xf32> to vector<128xf32>
      %broadcast_in_dim3A_587 = vector.shape_cast %reduce_max3A_586 : vector<128xf32> to vector<1x128xf32>
      %get3A_588 = arith.constant 45 : index
      %get3A_589 = arith.constant 0 : index
      %get3A_590 = vector.load %arg14[%get3A_588, %get3A_589] : memref<64x128xf32, #tpu.memory_space<vmem>>, vector<1x128xf32>
      %max3A = arith.maximumf %get3A_590, %broadcast_in_dim3A_587 : vector<1x128xf32>
      %swap3A_591 = arith.constant 45 : index
      %swap3A_592 = arith.constant 0 : index
      %swap3A_593 = vector.load %arg14[%swap3A_591, %swap3A_592] : memref<64x128xf32, #tpu.memory_space<vmem>>, vector<1x128xf32>
      tpu.vector_store %arg14[%swap3A_591, %swap3A_592], %max3A {strides = array<i32>} : memref<64x128xf32, #tpu.memory_space<vmem>>, vector<1x128xf32>,
    } else {
    }
    %le3A_430 = arith.constant 46 : i32
    %le3A_431 = arith.cmpi sle, %reduce_min3A_60, %le3A_430 : i32
    %ge3A_432 = arith.constant 46 : i32
    %ge3A_433 = arith.cmpi sge, %reduce_max3A_64, %ge3A_432 : i32
    %and3A_434 = arith.andi %le3A_431, %ge3A_433 : i1
    %convert_element_type3A_435 = arith.extui %and3A_434 : i1 to i32
    %cond3A_436 = arith.constant 0 : i32
    %cond3A_437 = arith.cmpi ne, %convert_element_type3A_435, %cond3A_436 : i32
    scf.if %cond3A_437 {
      %eq3A_579 = arith.constant 46 : i32
      %eq3A_580 = vector.broadcast %eq3A_579 : i32 to vector<1000x1xi32>
      %eq3A_581 = arith.cmpi eq, %broadcast_in_dim3A, %eq3A_580 : vector<1000x1xi32>
      %jit3A = arith.constant 0xFF800000 : f32
      %broadcast_in_dim3A_582 = vector.shape_cast %eq3A_581 : vector<1000x1xi1> to vector<1000x1xi1>
      %broadcast_in_dim3A_583 = vector.broadcast %broadcast_in_dim3A_582 : vector<1000x1xi1> to vector<1000x128xi1>
      %broadcast_in_dim3A_584 = vector.broadcast %jit3A : f32 to vector<1000x128xf32>
      %select_n3A = arith.select %broadcast_in_dim3A_583, %add3A_30, %broadcast_in_dim3A_584 : vector<1000x128xi1>, vector<1000x128xf32>
      %reduce_max3A_585 = arith.constant dense<0xFF800000> : vector<128xf32>
      %reduce_max3A_586 = vector.multi_reduction <maximumf>, %select_n3A, %reduce_max3A_585 [0] : vector<1000x128xf32> to vector<128xf32>
      %broadcast_in_dim3A_587 = vector.shape_cast %reduce_max3A_586 : vector<128xf32> to vector<1x128xf32>
      %get3A_588 = arith.constant 46 : index
      %get3A_589 = arith.constant 0 : index
      %get3A_590 = vector.load %arg14[%get3A_588, %get3A_589] : memref<64x128xf32, #tpu.memory_space<vmem>>, vector<1x128xf32>
      %max3A = arith.maximumf %get3A_590, %broadcast_in_dim3A_587 : vector<1x128xf32>
      %swap3A_591 = arith.constant 46 : index
      %swap3A_592 = arith.constant 0 : index
      %swap3A_593 = vector.load %arg14[%swap3A_591, %swap3A_592] : memref<64x128xf32, #tpu.memory_space<vmem>>, vector<1x128xf32>
      tpu.vector_store %arg14[%swap3A_591, %swap3A_592], %max3A {strides = array<i32>} : memref<64x128xf32, #tpu.memory_space<vmem>>, vector<1x128xf32>,
    } else {
    }
    %le3A_438 = arith.constant 47 : i32
    %le3A_439 = arith.cmpi sle, %reduce_min3A_60, %le3A_438 : i32
    %ge3A_440 = arith.constant 47 : i32
    %ge3A_441 = arith.cmpi sge, %reduce_max3A_64, %ge3A_440 : i32
    %and3A_442 = arith.andi %le3A_439, %ge3A_441 : i1
    %convert_element_type3A_443 = arith.extui %and3A_442 : i1 to i32
    %cond3A_444 = arith.constant 0 : i32
    %cond3A_445 = arith.cmpi ne, %convert_element_type3A_443, %cond3A_444 : i32
    scf.if %cond3A_445 {
      %eq3A_579 = arith.constant 47 : i32
      %eq3A_580 = vector.broadcast %eq3A_579 : i32 to vector<1000x1xi32>
      %eq3A_581 = arith.cmpi eq, %broadcast_in_dim3A, %eq3A_580 : vector<1000x1xi32>
      %jit3A = arith.constant 0xFF800000 : f32
      %broadcast_in_dim3A_582 = vector.shape_cast %eq3A_581 : vector<1000x1xi1> to vector<1000x1xi1>
      %broadcast_in_dim3A_583 = vector.broadcast %broadcast_in_dim3A_582 : vector<1000x1xi1> to vector<1000x128xi1>
      %broadcast_in_dim3A_584 = vector.broadcast %jit3A : f32 to vector<1000x128xf32>
      %select_n3A = arith.select %broadcast_in_dim3A_583, %add3A_30, %broadcast_in_dim3A_584 : vector<1000x128xi1>, vector<1000x128xf32>
      %reduce_max3A_585 = arith.constant dense<0xFF800000> : vector<128xf32>
      %reduce_max3A_586 = vector.multi_reduction <maximumf>, %select_n3A, %reduce_max3A_585 [0] : vector<1000x128xf32> to vector<128xf32>
      %broadcast_in_dim3A_587 = vector.shape_cast %reduce_max3A_586 : vector<128xf32> to vector<1x128xf32>
      %get3A_588 = arith.constant 47 : index
      %get3A_589 = arith.constant 0 : index
      %get3A_590 = vector.load %arg14[%get3A_588, %get3A_589] : memref<64x128xf32, #tpu.memory_space<vmem>>, vector<1x128xf32>
      %max3A = arith.maximumf %get3A_590, %broadcast_in_dim3A_587 : vector<1x128xf32>
      %swap3A_591 = arith.constant 47 : index
      %swap3A_592 = arith.constant 0 : index
      %swap3A_593 = vector.load %arg14[%swap3A_591, %swap3A_592] : memref<64x128xf32, #tpu.memory_space<vmem>>, vector<1x128xf32>
      tpu.vector_store %arg14[%swap3A_591, %swap3A_592], %max3A {strides = array<i32>} : memref<64x128xf32, #tpu.memory_space<vmem>>, vector<1x128xf32>,
    } else {
    }
    %le3A_446 = arith.constant 48 : i32
    %le3A_447 = arith.cmpi sle, %reduce_min3A_60, %le3A_446 : i32
    %ge3A_448 = arith.constant 48 : i32
    %ge3A_449 = arith.cmpi sge, %reduce_max3A_64, %ge3A_448 : i32
    %and3A_450 = arith.andi %le3A_447, %ge3A_449 : i1
    %convert_element_type3A_451 = arith.extui %and3A_450 : i1 to i32
    %cond3A_452 = arith.constant 0 : i32
    %cond3A_453 = arith.cmpi ne, %convert_element_type3A_451, %cond3A_452 : i32
    scf.if %cond3A_453 {
      %eq3A_579 = arith.constant 48 : i32
      %eq3A_580 = vector.broadcast %eq3A_579 : i32 to vector<1000x1xi32>
      %eq3A_581 = arith.cmpi eq, %broadcast_in_dim3A, %eq3A_580 : vector<1000x1xi32>
      %jit3A = arith.constant 0xFF800000 : f32
      %broadcast_in_dim3A_582 = vector.shape_cast %eq3A_581 : vector<1000x1xi1> to vector<1000x1xi1>
      %broadcast_in_dim3A_583 = vector.broadcast %broadcast_in_dim3A_582 : vector<1000x1xi1> to vector<1000x128xi1>
      %broadcast_in_dim3A_584 = vector.broadcast %jit3A : f32 to vector<1000x128xf32>
      %select_n3A = arith.select %broadcast_in_dim3A_583, %add3A_30, %broadcast_in_dim3A_584 : vector<1000x128xi1>, vector<1000x128xf32>
      %reduce_max3A_585 = arith.constant dense<0xFF800000> : vector<128xf32>
      %reduce_max3A_586 = vector.multi_reduction <maximumf>, %select_n3A, %reduce_max3A_585 [0] : vector<1000x128xf32> to vector<128xf32>
      %broadcast_in_dim3A_587 = vector.shape_cast %reduce_max3A_586 : vector<128xf32> to vector<1x128xf32>
      %get3A_588 = arith.constant 48 : index
      %get3A_589 = arith.constant 0 : index
      %get3A_590 = vector.load %arg14[%get3A_588, %get3A_589] : memref<64x128xf32, #tpu.memory_space<vmem>>, vector<1x128xf32>
      %max3A = arith.maximumf %get3A_590, %broadcast_in_dim3A_587 : vector<1x128xf32>
      %swap3A_591 = arith.constant 48 : index
      %swap3A_592 = arith.constant 0 : index
      %swap3A_593 = vector.load %arg14[%swap3A_591, %swap3A_592] : memref<64x128xf32, #tpu.memory_space<vmem>>, vector<1x128xf32>
      tpu.vector_store %arg14[%swap3A_591, %swap3A_592], %max3A {strides = array<i32>} : memref<64x128xf32, #tpu.memory_space<vmem>>, vector<1x128xf32>,
    } else {
    }
    %le3A_454 = arith.constant 49 : i32
    %le3A_455 = arith.cmpi sle, %reduce_min3A_60, %le3A_454 : i32
    %ge3A_456 = arith.constant 49 : i32
    %ge3A_457 = arith.cmpi sge, %reduce_max3A_64, %ge3A_456 : i32
    %and3A_458 = arith.andi %le3A_455, %ge3A_457 : i1
    %convert_element_type3A_459 = arith.extui %and3A_458 : i1 to i32
    %cond3A_460 = arith.constant 0 : i32
    %cond3A_461 = arith.cmpi ne, %convert_element_type3A_459, %cond3A_460 : i32
    scf.if %cond3A_461 {
      %eq3A_579 = arith.constant 49 : i32
      %eq3A_580 = vector.broadcast %eq3A_579 : i32 to vector<1000x1xi32>
      %eq3A_581 = arith.cmpi eq, %broadcast_in_dim3A, %eq3A_580 : vector<1000x1xi32>
      %jit3A = arith.constant 0xFF800000 : f32
      %broadcast_in_dim3A_582 = vector.shape_cast %eq3A_581 : vector<1000x1xi1> to vector<1000x1xi1>
      %broadcast_in_dim3A_583 = vector.broadcast %broadcast_in_dim3A_582 : vector<1000x1xi1> to vector<1000x128xi1>
      %broadcast_in_dim3A_584 = vector.broadcast %jit3A : f32 to vector<1000x128xf32>
      %select_n3A = arith.select %broadcast_in_dim3A_583, %add3A_30, %broadcast_in_dim3A_584 : vector<1000x128xi1>, vector<1000x128xf32>
      %reduce_max3A_585 = arith.constant dense<0xFF800000> : vector<128xf32>
      %reduce_max3A_586 = vector.multi_reduction <maximumf>, %select_n3A, %reduce_max3A_585 [0] : vector<1000x128xf32> to vector<128xf32>
      %broadcast_in_dim3A_587 = vector.shape_cast %reduce_max3A_586 : vector<128xf32> to vector<1x128xf32>
      %get3A_588 = arith.constant 49 : index
      %get3A_589 = arith.constant 0 : index
      %get3A_590 = vector.load %arg14[%get3A_588, %get3A_589] : memref<64x128xf32, #tpu.memory_space<vmem>>, vector<1x128xf32>
      %max3A = arith.maximumf %get3A_590, %broadcast_in_dim3A_587 : vector<1x128xf32>
      %swap3A_591 = arith.constant 49 : index
      %swap3A_592 = arith.constant 0 : index
      %swap3A_593 = vector.load %arg14[%swap3A_591, %swap3A_592] : memref<64x128xf32, #tpu.memory_space<vmem>>, vector<1x128xf32>
      tpu.vector_store %arg14[%swap3A_591, %swap3A_592], %max3A {strides = array<i32>} : memref<64x128xf32, #tpu.memory_space<vmem>>, vector<1x128xf32>,
    } else {
    }
    %le3A_462 = arith.constant 50 : i32
    %le3A_463 = arith.cmpi sle, %reduce_min3A_60, %le3A_462 : i32
    %ge3A_464 = arith.constant 50 : i32
    %ge3A_465 = arith.cmpi sge, %reduce_max3A_64, %ge3A_464 : i32
    %and3A_466 = arith.andi %le3A_463, %ge3A_465 : i1
    %convert_element_type3A_467 = arith.extui %and3A_466 : i1 to i32
    %cond3A_468 = arith.constant 0 : i32
    %cond3A_469 = arith.cmpi ne, %convert_element_type3A_467, %cond3A_468 : i32
    scf.if %cond3A_469 {
      %eq3A_579 = arith.constant 50 : i32
      %eq3A_580 = vector.broadcast %eq3A_579 : i32 to vector<1000x1xi32>
      %eq3A_581 = arith.cmpi eq, %broadcast_in_dim3A, %eq3A_580 : vector<1000x1xi32>
      %jit3A = arith.constant 0xFF800000 : f32
      %broadcast_in_dim3A_582 = vector.shape_cast %eq3A_581 : vector<1000x1xi1> to vector<1000x1xi1>
      %broadcast_in_dim3A_583 = vector.broadcast %broadcast_in_dim3A_582 : vector<1000x1xi1> to vector<1000x128xi1>
      %broadcast_in_dim3A_584 = vector.broadcast %jit3A : f32 to vector<1000x128xf32>
      %select_n3A = arith.select %broadcast_in_dim3A_583, %add3A_30, %broadcast_in_dim3A_584 : vector<1000x128xi1>, vector<1000x128xf32>
      %reduce_max3A_585 = arith.constant dense<0xFF800000> : vector<128xf32>
      %reduce_max3A_586 = vector.multi_reduction <maximumf>, %select_n3A, %reduce_max3A_585 [0] : vector<1000x128xf32> to vector<128xf32>
      %broadcast_in_dim3A_587 = vector.shape_cast %reduce_max3A_586 : vector<128xf32> to vector<1x128xf32>
      %get3A_588 = arith.constant 50 : index
      %get3A_589 = arith.constant 0 : index
      %get3A_590 = vector.load %arg14[%get3A_588, %get3A_589] : memref<64x128xf32, #tpu.memory_space<vmem>>, vector<1x128xf32>
      %max3A = arith.maximumf %get3A_590, %broadcast_in_dim3A_587 : vector<1x128xf32>
      %swap3A_591 = arith.constant 50 : index
      %swap3A_592 = arith.constant 0 : index
      %swap3A_593 = vector.load %arg14[%swap3A_591, %swap3A_592] : memref<64x128xf32, #tpu.memory_space<vmem>>, vector<1x128xf32>
      tpu.vector_store %arg14[%swap3A_591, %swap3A_592], %max3A {strides = array<i32>} : memref<64x128xf32, #tpu.memory_space<vmem>>, vector<1x128xf32>,
    } else {
    }
    %le3A_470 = arith.constant 51 : i32
    %le3A_471 = arith.cmpi sle, %reduce_min3A_60, %le3A_470 : i32
    %ge3A_472 = arith.constant 51 : i32
    %ge3A_473 = arith.cmpi sge, %reduce_max3A_64, %ge3A_472 : i32
    %and3A_474 = arith.andi %le3A_471, %ge3A_473 : i1
    %convert_element_type3A_475 = arith.extui %and3A_474 : i1 to i32
    %cond3A_476 = arith.constant 0 : i32
    %cond3A_477 = arith.cmpi ne, %convert_element_type3A_475, %cond3A_476 : i32
    scf.if %cond3A_477 {
      %eq3A_579 = arith.constant 51 : i32
      %eq3A_580 = vector.broadcast %eq3A_579 : i32 to vector<1000x1xi32>
      %eq3A_581 = arith.cmpi eq, %broadcast_in_dim3A, %eq3A_580 : vector<1000x1xi32>
      %jit3A = arith.constant 0xFF800000 : f32
      %broadcast_in_dim3A_582 = vector.shape_cast %eq3A_581 : vector<1000x1xi1> to vector<1000x1xi1>
      %broadcast_in_dim3A_583 = vector.broadcast %broadcast_in_dim3A_582 : vector<1000x1xi1> to vector<1000x128xi1>
      %broadcast_in_dim3A_584 = vector.broadcast %jit3A : f32 to vector<1000x128xf32>
      %select_n3A = arith.select %broadcast_in_dim3A_583, %add3A_30, %broadcast_in_dim3A_584 : vector<1000x128xi1>, vector<1000x128xf32>
      %reduce_max3A_585 = arith.constant dense<0xFF800000> : vector<128xf32>
      %reduce_max3A_586 = vector.multi_reduction <maximumf>, %select_n3A, %reduce_max3A_585 [0] : vector<1000x128xf32> to vector<128xf32>
      %broadcast_in_dim3A_587 = vector.shape_cast %reduce_max3A_586 : vector<128xf32> to vector<1x128xf32>
      %get3A_588 = arith.constant 51 : index
      %get3A_589 = arith.constant 0 : index
      %get3A_590 = vector.load %arg14[%get3A_588, %get3A_589] : memref<64x128xf32, #tpu.memory_space<vmem>>, vector<1x128xf32>
      %max3A = arith.maximumf %get3A_590, %broadcast_in_dim3A_587 : vector<1x128xf32>
      %swap3A_591 = arith.constant 51 : index
      %swap3A_592 = arith.constant 0 : index
      %swap3A_593 = vector.load %arg14[%swap3A_591, %swap3A_592] : memref<64x128xf32, #tpu.memory_space<vmem>>, vector<1x128xf32>
      tpu.vector_store %arg14[%swap3A_591, %swap3A_592], %max3A {strides = array<i32>} : memref<64x128xf32, #tpu.memory_space<vmem>>, vector<1x128xf32>,
    } else {
    }
    %le3A_478 = arith.constant 52 : i32
    %le3A_479 = arith.cmpi sle, %reduce_min3A_60, %le3A_478 : i32
    %ge3A_480 = arith.constant 52 : i32
    %ge3A_481 = arith.cmpi sge, %reduce_max3A_64, %ge3A_480 : i32
    %and3A_482 = arith.andi %le3A_479, %ge3A_481 : i1
    %convert_element_type3A_483 = arith.extui %and3A_482 : i1 to i32
    %cond3A_484 = arith.constant 0 : i32
    %cond3A_485 = arith.cmpi ne, %convert_element_type3A_483, %cond3A_484 : i32
    scf.if %cond3A_485 {
      %eq3A_579 = arith.constant 52 : i32
      %eq3A_580 = vector.broadcast %eq3A_579 : i32 to vector<1000x1xi32>
      %eq3A_581 = arith.cmpi eq, %broadcast_in_dim3A, %eq3A_580 : vector<1000x1xi32>
      %jit3A = arith.constant 0xFF800000 : f32
      %broadcast_in_dim3A_582 = vector.shape_cast %eq3A_581 : vector<1000x1xi1> to vector<1000x1xi1>
      %broadcast_in_dim3A_583 = vector.broadcast %broadcast_in_dim3A_582 : vector<1000x1xi1> to vector<1000x128xi1>
      %broadcast_in_dim3A_584 = vector.broadcast %jit3A : f32 to vector<1000x128xf32>
      %select_n3A = arith.select %broadcast_in_dim3A_583, %add3A_30, %broadcast_in_dim3A_584 : vector<1000x128xi1>, vector<1000x128xf32>
      %reduce_max3A_585 = arith.constant dense<0xFF800000> : vector<128xf32>
      %reduce_max3A_586 = vector.multi_reduction <maximumf>, %select_n3A, %reduce_max3A_585 [0] : vector<1000x128xf32> to vector<128xf32>
      %broadcast_in_dim3A_587 = vector.shape_cast %reduce_max3A_586 : vector<128xf32> to vector<1x128xf32>
      %get3A_588 = arith.constant 52 : index
      %get3A_589 = arith.constant 0 : index
      %get3A_590 = vector.load %arg14[%get3A_588, %get3A_589] : memref<64x128xf32, #tpu.memory_space<vmem>>, vector<1x128xf32>
      %max3A = arith.maximumf %get3A_590, %broadcast_in_dim3A_587 : vector<1x128xf32>
      %swap3A_591 = arith.constant 52 : index
      %swap3A_592 = arith.constant 0 : index
      %swap3A_593 = vector.load %arg14[%swap3A_591, %swap3A_592] : memref<64x128xf32, #tpu.memory_space<vmem>>, vector<1x128xf32>
      tpu.vector_store %arg14[%swap3A_591, %swap3A_592], %max3A {strides = array<i32>} : memref<64x128xf32, #tpu.memory_space<vmem>>, vector<1x128xf32>,
    } else {
    }
    %le3A_486 = arith.constant 53 : i32
    %le3A_487 = arith.cmpi sle, %reduce_min3A_60, %le3A_486 : i32
    %ge3A_488 = arith.constant 53 : i32
    %ge3A_489 = arith.cmpi sge, %reduce_max3A_64, %ge3A_488 : i32
    %and3A_490 = arith.andi %le3A_487, %ge3A_489 : i1
    %convert_element_type3A_491 = arith.extui %and3A_490 : i1 to i32
    %cond3A_492 = arith.constant 0 : i32
    %cond3A_493 = arith.cmpi ne, %convert_element_type3A_491, %cond3A_492 : i32
    scf.if %cond3A_493 {
      %eq3A_579 = arith.constant 53 : i32
      %eq3A_580 = vector.broadcast %eq3A_579 : i32 to vector<1000x1xi32>
      %eq3A_581 = arith.cmpi eq, %broadcast_in_dim3A, %eq3A_580 : vector<1000x1xi32>
      %jit3A = arith.constant 0xFF800000 : f32
      %broadcast_in_dim3A_582 = vector.shape_cast %eq3A_581 : vector<1000x1xi1> to vector<1000x1xi1>
      %broadcast_in_dim3A_583 = vector.broadcast %broadcast_in_dim3A_582 : vector<1000x1xi1> to vector<1000x128xi1>
      %broadcast_in_dim3A_584 = vector.broadcast %jit3A : f32 to vector<1000x128xf32>
      %select_n3A = arith.select %broadcast_in_dim3A_583, %add3A_30, %broadcast_in_dim3A_584 : vector<1000x128xi1>, vector<1000x128xf32>
      %reduce_max3A_585 = arith.constant dense<0xFF800000> : vector<128xf32>
      %reduce_max3A_586 = vector.multi_reduction <maximumf>, %select_n3A, %reduce_max3A_585 [0] : vector<1000x128xf32> to vector<128xf32>
      %broadcast_in_dim3A_587 = vector.shape_cast %reduce_max3A_586 : vector<128xf32> to vector<1x128xf32>
      %get3A_588 = arith.constant 53 : index
      %get3A_589 = arith.constant 0 : index
      %get3A_590 = vector.load %arg14[%get3A_588, %get3A_589] : memref<64x128xf32, #tpu.memory_space<vmem>>, vector<1x128xf32>
      %max3A = arith.maximumf %get3A_590, %broadcast_in_dim3A_587 : vector<1x128xf32>
      %swap3A_591 = arith.constant 53 : index
      %swap3A_592 = arith.constant 0 : index
      %swap3A_593 = vector.load %arg14[%swap3A_591, %swap3A_592] : memref<64x128xf32, #tpu.memory_space<vmem>>, vector<1x128xf32>
      tpu.vector_store %arg14[%swap3A_591, %swap3A_592], %max3A {strides = array<i32>} : memref<64x128xf32, #tpu.memory_space<vmem>>, vector<1x128xf32>,
    } else {
    }
    %le3A_494 = arith.constant 54 : i32
    %le3A_495 = arith.cmpi sle, %reduce_min3A_60, %le3A_494 : i32
    %ge3A_496 = arith.constant 54 : i32
    %ge3A_497 = arith.cmpi sge, %reduce_max3A_64, %ge3A_496 : i32
    %and3A_498 = arith.andi %le3A_495, %ge3A_497 : i1
    %convert_element_type3A_499 = arith.extui %and3A_498 : i1 to i32
    %cond3A_500 = arith.constant 0 : i32
    %cond3A_501 = arith.cmpi ne, %convert_element_type3A_499, %cond3A_500 : i32
    scf.if %cond3A_501 {
      %eq3A_579 = arith.constant 54 : i32
      %eq3A_580 = vector.broadcast %eq3A_579 : i32 to vector<1000x1xi32>
      %eq3A_581 = arith.cmpi eq, %broadcast_in_dim3A, %eq3A_580 : vector<1000x1xi32>
      %jit3A = arith.constant 0xFF800000 : f32
      %broadcast_in_dim3A_582 = vector.shape_cast %eq3A_581 : vector<1000x1xi1> to vector<1000x1xi1>
      %broadcast_in_dim3A_583 = vector.broadcast %broadcast_in_dim3A_582 : vector<1000x1xi1> to vector<1000x128xi1>
      %broadcast_in_dim3A_584 = vector.broadcast %jit3A : f32 to vector<1000x128xf32>
      %select_n3A = arith.select %broadcast_in_dim3A_583, %add3A_30, %broadcast_in_dim3A_584 : vector<1000x128xi1>, vector<1000x128xf32>
      %reduce_max3A_585 = arith.constant dense<0xFF800000> : vector<128xf32>
      %reduce_max3A_586 = vector.multi_reduction <maximumf>, %select_n3A, %reduce_max3A_585 [0] : vector<1000x128xf32> to vector<128xf32>
      %broadcast_in_dim3A_587 = vector.shape_cast %reduce_max3A_586 : vector<128xf32> to vector<1x128xf32>
      %get3A_588 = arith.constant 54 : index
      %get3A_589 = arith.constant 0 : index
      %get3A_590 = vector.load %arg14[%get3A_588, %get3A_589] : memref<64x128xf32, #tpu.memory_space<vmem>>, vector<1x128xf32>
      %max3A = arith.maximumf %get3A_590, %broadcast_in_dim3A_587 : vector<1x128xf32>
      %swap3A_591 = arith.constant 54 : index
      %swap3A_592 = arith.constant 0 : index
      %swap3A_593 = vector.load %arg14[%swap3A_591, %swap3A_592] : memref<64x128xf32, #tpu.memory_space<vmem>>, vector<1x128xf32>
      tpu.vector_store %arg14[%swap3A_591, %swap3A_592], %max3A {strides = array<i32>} : memref<64x128xf32, #tpu.memory_space<vmem>>, vector<1x128xf32>,
    } else {
    }
    %le3A_502 = arith.constant 55 : i32
    %le3A_503 = arith.cmpi sle, %reduce_min3A_60, %le3A_502 : i32
    %ge3A_504 = arith.constant 55 : i32
    %ge3A_505 = arith.cmpi sge, %reduce_max3A_64, %ge3A_504 : i32
    %and3A_506 = arith.andi %le3A_503, %ge3A_505 : i1
    %convert_element_type3A_507 = arith.extui %and3A_506 : i1 to i32
    %cond3A_508 = arith.constant 0 : i32
    %cond3A_509 = arith.cmpi ne, %convert_element_type3A_507, %cond3A_508 : i32
    scf.if %cond3A_509 {
      %eq3A_579 = arith.constant 55 : i32
      %eq3A_580 = vector.broadcast %eq3A_579 : i32 to vector<1000x1xi32>
      %eq3A_581 = arith.cmpi eq, %broadcast_in_dim3A, %eq3A_580 : vector<1000x1xi32>
      %jit3A = arith.constant 0xFF800000 : f32
      %broadcast_in_dim3A_582 = vector.shape_cast %eq3A_581 : vector<1000x1xi1> to vector<1000x1xi1>
      %broadcast_in_dim3A_583 = vector.broadcast %broadcast_in_dim3A_582 : vector<1000x1xi1> to vector<1000x128xi1>
      %broadcast_in_dim3A_584 = vector.broadcast %jit3A : f32 to vector<1000x128xf32>
      %select_n3A = arith.select %broadcast_in_dim3A_583, %add3A_30, %broadcast_in_dim3A_584 : vector<1000x128xi1>, vector<1000x128xf32>
      %reduce_max3A_585 = arith.constant dense<0xFF800000> : vector<128xf32>
      %reduce_max3A_586 = vector.multi_reduction <maximumf>, %select_n3A, %reduce_max3A_585 [0] : vector<1000x128xf32> to vector<128xf32>
      %broadcast_in_dim3A_587 = vector.shape_cast %reduce_max3A_586 : vector<128xf32> to vector<1x128xf32>
      %get3A_588 = arith.constant 55 : index
      %get3A_589 = arith.constant 0 : index
      %get3A_590 = vector.load %arg14[%get3A_588, %get3A_589] : memref<64x128xf32, #tpu.memory_space<vmem>>, vector<1x128xf32>
      %max3A = arith.maximumf %get3A_590, %broadcast_in_dim3A_587 : vector<1x128xf32>
      %swap3A_591 = arith.constant 55 : index
      %swap3A_592 = arith.constant 0 : index
      %swap3A_593 = vector.load %arg14[%swap3A_591, %swap3A_592] : memref<64x128xf32, #tpu.memory_space<vmem>>, vector<1x128xf32>
      tpu.vector_store %arg14[%swap3A_591, %swap3A_592], %max3A {strides = array<i32>} : memref<64x128xf32, #tpu.memory_space<vmem>>, vector<1x128xf32>,
    } else {
    }
    %le3A_510 = arith.constant 56 : i32
    %le3A_511 = arith.cmpi sle, %reduce_min3A_60, %le3A_510 : i32
    %ge3A_512 = arith.constant 56 : i32
    %ge3A_513 = arith.cmpi sge, %reduce_max3A_64, %ge3A_512 : i32
    %and3A_514 = arith.andi %le3A_511, %ge3A_513 : i1
    %convert_element_type3A_515 = arith.extui %and3A_514 : i1 to i32
    %cond3A_516 = arith.constant 0 : i32
    %cond3A_517 = arith.cmpi ne, %convert_element_type3A_515, %cond3A_516 : i32
    scf.if %cond3A_517 {
      %eq3A_579 = arith.constant 56 : i32
      %eq3A_580 = vector.broadcast %eq3A_579 : i32 to vector<1000x1xi32>
      %eq3A_581 = arith.cmpi eq, %broadcast_in_dim3A, %eq3A_580 : vector<1000x1xi32>
      %jit3A = arith.constant 0xFF800000 : f32
      %broadcast_in_dim3A_582 = vector.shape_cast %eq3A_581 : vector<1000x1xi1> to vector<1000x1xi1>
      %broadcast_in_dim3A_583 = vector.broadcast %broadcast_in_dim3A_582 : vector<1000x1xi1> to vector<1000x128xi1>
      %broadcast_in_dim3A_584 = vector.broadcast %jit3A : f32 to vector<1000x128xf32>
      %select_n3A = arith.select %broadcast_in_dim3A_583, %add3A_30, %broadcast_in_dim3A_584 : vector<1000x128xi1>, vector<1000x128xf32>
      %reduce_max3A_585 = arith.constant dense<0xFF800000> : vector<128xf32>
      %reduce_max3A_586 = vector.multi_reduction <maximumf>, %select_n3A, %reduce_max3A_585 [0] : vector<1000x128xf32> to vector<128xf32>
      %broadcast_in_dim3A_587 = vector.shape_cast %reduce_max3A_586 : vector<128xf32> to vector<1x128xf32>
      %get3A_588 = arith.constant 56 : index
      %get3A_589 = arith.constant 0 : index
      %get3A_590 = vector.load %arg14[%get3A_588, %get3A_589] : memref<64x128xf32, #tpu.memory_space<vmem>>, vector<1x128xf32>
      %max3A = arith.maximumf %get3A_590, %broadcast_in_dim3A_587 : vector<1x128xf32>
      %swap3A_591 = arith.constant 56 : index
      %swap3A_592 = arith.constant 0 : index
      %swap3A_593 = vector.load %arg14[%swap3A_591, %swap3A_592] : memref<64x128xf32, #tpu.memory_space<vmem>>, vector<1x128xf32>
      tpu.vector_store %arg14[%swap3A_591, %swap3A_592], %max3A {strides = array<i32>} : memref<64x128xf32, #tpu.memory_space<vmem>>, vector<1x128xf32>,
    } else {
    }
    %le3A_518 = arith.constant 57 : i32
    %le3A_519 = arith.cmpi sle, %reduce_min3A_60, %le3A_518 : i32
    %ge3A_520 = arith.constant 57 : i32
    %ge3A_521 = arith.cmpi sge, %reduce_max3A_64, %ge3A_520 : i32
    %and3A_522 = arith.andi %le3A_519, %ge3A_521 : i1
    %convert_element_type3A_523 = arith.extui %and3A_522 : i1 to i32
    %cond3A_524 = arith.constant 0 : i32
    %cond3A_525 = arith.cmpi ne, %convert_element_type3A_523, %cond3A_524 : i32
    scf.if %cond3A_525 {
      %eq3A_579 = arith.constant 57 : i32
      %eq3A_580 = vector.broadcast %eq3A_579 : i32 to vector<1000x1xi32>
      %eq3A_581 = arith.cmpi eq, %broadcast_in_dim3A, %eq3A_580 : vector<1000x1xi32>
      %jit3A = arith.constant 0xFF800000 : f32
      %broadcast_in_dim3A_582 = vector.shape_cast %eq3A_581 : vector<1000x1xi1> to vector<1000x1xi1>
      %broadcast_in_dim3A_583 = vector.broadcast %broadcast_in_dim3A_582 : vector<1000x1xi1> to vector<1000x128xi1>
      %broadcast_in_dim3A_584 = vector.broadcast %jit3A : f32 to vector<1000x128xf32>
      %select_n3A = arith.select %broadcast_in_dim3A_583, %add3A_30, %broadcast_in_dim3A_584 : vector<1000x128xi1>, vector<1000x128xf32>
      %reduce_max3A_585 = arith.constant dense<0xFF800000> : vector<128xf32>
      %reduce_max3A_586 = vector.multi_reduction <maximumf>, %select_n3A, %reduce_max3A_585 [0] : vector<1000x128xf32> to vector<128xf32>
      %broadcast_in_dim3A_587 = vector.shape_cast %reduce_max3A_586 : vector<128xf32> to vector<1x128xf32>
      %get3A_588 = arith.constant 57 : index
      %get3A_589 = arith.constant 0 : index
      %get3A_590 = vector.load %arg14[%get3A_588, %get3A_589] : memref<64x128xf32, #tpu.memory_space<vmem>>, vector<1x128xf32>
      %max3A = arith.maximumf %get3A_590, %broadcast_in_dim3A_587 : vector<1x128xf32>
      %swap3A_591 = arith.constant 57 : index
      %swap3A_592 = arith.constant 0 : index
      %swap3A_593 = vector.load %arg14[%swap3A_591, %swap3A_592] : memref<64x128xf32, #tpu.memory_space<vmem>>, vector<1x128xf32>
      tpu.vector_store %arg14[%swap3A_591, %swap3A_592], %max3A {strides = array<i32>} : memref<64x128xf32, #tpu.memory_space<vmem>>, vector<1x128xf32>,
    } else {
    }
    %le3A_526 = arith.constant 58 : i32
    %le3A_527 = arith.cmpi sle, %reduce_min3A_60, %le3A_526 : i32
    %ge3A_528 = arith.constant 58 : i32
    %ge3A_529 = arith.cmpi sge, %reduce_max3A_64, %ge3A_528 : i32
    %and3A_530 = arith.andi %le3A_527, %ge3A_529 : i1
    %convert_element_type3A_531 = arith.extui %and3A_530 : i1 to i32
    %cond3A_532 = arith.constant 0 : i32
    %cond3A_533 = arith.cmpi ne, %convert_element_type3A_531, %cond3A_532 : i32
    scf.if %cond3A_533 {
      %eq3A_579 = arith.constant 58 : i32
      %eq3A_580 = vector.broadcast %eq3A_579 : i32 to vector<1000x1xi32>
      %eq3A_581 = arith.cmpi eq, %broadcast_in_dim3A, %eq3A_580 : vector<1000x1xi32>
      %jit3A = arith.constant 0xFF800000 : f32
      %broadcast_in_dim3A_582 = vector.shape_cast %eq3A_581 : vector<1000x1xi1> to vector<1000x1xi1>
      %broadcast_in_dim3A_583 = vector.broadcast %broadcast_in_dim3A_582 : vector<1000x1xi1> to vector<1000x128xi1>
      %broadcast_in_dim3A_584 = vector.broadcast %jit3A : f32 to vector<1000x128xf32>
      %select_n3A = arith.select %broadcast_in_dim3A_583, %add3A_30, %broadcast_in_dim3A_584 : vector<1000x128xi1>, vector<1000x128xf32>
      %reduce_max3A_585 = arith.constant dense<0xFF800000> : vector<128xf32>
      %reduce_max3A_586 = vector.multi_reduction <maximumf>, %select_n3A, %reduce_max3A_585 [0] : vector<1000x128xf32> to vector<128xf32>
      %broadcast_in_dim3A_587 = vector.shape_cast %reduce_max3A_586 : vector<128xf32> to vector<1x128xf32>
      %get3A_588 = arith.constant 58 : index
      %get3A_589 = arith.constant 0 : index
      %get3A_590 = vector.load %arg14[%get3A_588, %get3A_589] : memref<64x128xf32, #tpu.memory_space<vmem>>, vector<1x128xf32>
      %max3A = arith.maximumf %get3A_590, %broadcast_in_dim3A_587 : vector<1x128xf32>
      %swap3A_591 = arith.constant 58 : index
      %swap3A_592 = arith.constant 0 : index
      %swap3A_593 = vector.load %arg14[%swap3A_591, %swap3A_592] : memref<64x128xf32, #tpu.memory_space<vmem>>, vector<1x128xf32>
      tpu.vector_store %arg14[%swap3A_591, %swap3A_592], %max3A {strides = array<i32>} : memref<64x128xf32, #tpu.memory_space<vmem>>, vector<1x128xf32>,
    } else {
    }
    %le3A_534 = arith.constant 59 : i32
    %le3A_535 = arith.cmpi sle, %reduce_min3A_60, %le3A_534 : i32
    %ge3A_536 = arith.constant 59 : i32
    %ge3A_537 = arith.cmpi sge, %reduce_max3A_64, %ge3A_536 : i32
    %and3A_538 = arith.andi %le3A_535, %ge3A_537 : i1
    %convert_element_type3A_539 = arith.extui %and3A_538 : i1 to i32
    %cond3A_540 = arith.constant 0 : i32
    %cond3A_541 = arith.cmpi ne, %convert_element_type3A_539, %cond3A_540 : i32
    scf.if %cond3A_541 {
      %eq3A_579 = arith.constant 59 : i32
      %eq3A_580 = vector.broadcast %eq3A_579 : i32 to vector<1000x1xi32>
      %eq3A_581 = arith.cmpi eq, %broadcast_in_dim3A, %eq3A_580 : vector<1000x1xi32>
      %jit3A = arith.constant 0xFF800000 : f32
      %broadcast_in_dim3A_582 = vector.shape_cast %eq3A_581 : vector<1000x1xi1> to vector<1000x1xi1>
      %broadcast_in_dim3A_583 = vector.broadcast %broadcast_in_dim3A_582 : vector<1000x1xi1> to vector<1000x128xi1>
      %broadcast_in_dim3A_584 = vector.broadcast %jit3A : f32 to vector<1000x128xf32>
      %select_n3A = arith.select %broadcast_in_dim3A_583, %add3A_30, %broadcast_in_dim3A_584 : vector<1000x128xi1>, vector<1000x128xf32>
      %reduce_max3A_585 = arith.constant dense<0xFF800000> : vector<128xf32>
      %reduce_max3A_586 = vector.multi_reduction <maximumf>, %select_n3A, %reduce_max3A_585 [0] : vector<1000x128xf32> to vector<128xf32>
      %broadcast_in_dim3A_587 = vector.shape_cast %reduce_max3A_586 : vector<128xf32> to vector<1x128xf32>
      %get3A_588 = arith.constant 59 : index
      %get3A_589 = arith.constant 0 : index
      %get3A_590 = vector.load %arg14[%get3A_588, %get3A_589] : memref<64x128xf32, #tpu.memory_space<vmem>>, vector<1x128xf32>
      %max3A = arith.maximumf %get3A_590, %broadcast_in_dim3A_587 : vector<1x128xf32>
      %swap3A_591 = arith.constant 59 : index
      %swap3A_592 = arith.constant 0 : index
      %swap3A_593 = vector.load %arg14[%swap3A_591, %swap3A_592] : memref<64x128xf32, #tpu.memory_space<vmem>>, vector<1x128xf32>
      tpu.vector_store %arg14[%swap3A_591, %swap3A_592], %max3A {strides = array<i32>} : memref<64x128xf32, #tpu.memory_space<vmem>>, vector<1x128xf32>,
    } else {
    }
    %le3A_542 = arith.constant 60 : i32
    %le3A_543 = arith.cmpi sle, %reduce_min3A_60, %le3A_542 : i32
    %ge3A_544 = arith.constant 60 : i32
    %ge3A_545 = arith.cmpi sge, %reduce_max3A_64, %ge3A_544 : i32
    %and3A_546 = arith.andi %le3A_543, %ge3A_545 : i1
    %convert_element_type3A_547 = arith.extui %and3A_546 : i1 to i32
    %cond3A_548 = arith.constant 0 : i32
    %cond3A_549 = arith.cmpi ne, %convert_element_type3A_547, %cond3A_548 : i32
    scf.if %cond3A_549 {
      %eq3A_579 = arith.constant 60 : i32
      %eq3A_580 = vector.broadcast %eq3A_579 : i32 to vector<1000x1xi32>
      %eq3A_581 = arith.cmpi eq, %broadcast_in_dim3A, %eq3A_580 : vector<1000x1xi32>
      %jit3A = arith.constant 0xFF800000 : f32
      %broadcast_in_dim3A_582 = vector.shape_cast %eq3A_581 : vector<1000x1xi1> to vector<1000x1xi1>
      %broadcast_in_dim3A_583 = vector.broadcast %broadcast_in_dim3A_582 : vector<1000x1xi1> to vector<1000x128xi1>
      %broadcast_in_dim3A_584 = vector.broadcast %jit3A : f32 to vector<1000x128xf32>
      %select_n3A = arith.select %broadcast_in_dim3A_583, %add3A_30, %broadcast_in_dim3A_584 : vector<1000x128xi1>, vector<1000x128xf32>
      %reduce_max3A_585 = arith.constant dense<0xFF800000> : vector<128xf32>
      %reduce_max3A_586 = vector.multi_reduction <maximumf>, %select_n3A, %reduce_max3A_585 [0] : vector<1000x128xf32> to vector<128xf32>
      %broadcast_in_dim3A_587 = vector.shape_cast %reduce_max3A_586 : vector<128xf32> to vector<1x128xf32>
      %get3A_588 = arith.constant 60 : index
      %get3A_589 = arith.constant 0 : index
      %get3A_590 = vector.load %arg14[%get3A_588, %get3A_589] : memref<64x128xf32, #tpu.memory_space<vmem>>, vector<1x128xf32>
      %max3A = arith.maximumf %get3A_590, %broadcast_in_dim3A_587 : vector<1x128xf32>
      %swap3A_591 = arith.constant 60 : index
      %swap3A_592 = arith.constant 0 : index
      %swap3A_593 = vector.load %arg14[%swap3A_591, %swap3A_592] : memref<64x128xf32, #tpu.memory_space<vmem>>, vector<1x128xf32>
      tpu.vector_store %arg14[%swap3A_591, %swap3A_592], %max3A {strides = array<i32>} : memref<64x128xf32, #tpu.memory_space<vmem>>, vector<1x128xf32>,
    } else {
    }
    %le3A_550 = arith.constant 61 : i32
    %le3A_551 = arith.cmpi sle, %reduce_min3A_60, %le3A_550 : i32
    %ge3A_552 = arith.constant 61 : i32
    %ge3A_553 = arith.cmpi sge, %reduce_max3A_64, %ge3A_552 : i32
    %and3A_554 = arith.andi %le3A_551, %ge3A_553 : i1
    %convert_element_type3A_555 = arith.extui %and3A_554 : i1 to i32
    %cond3A_556 = arith.constant 0 : i32
    %cond3A_557 = arith.cmpi ne, %convert_element_type3A_555, %cond3A_556 : i32
    scf.if %cond3A_557 {
      %eq3A_579 = arith.constant 61 : i32
      %eq3A_580 = vector.broadcast %eq3A_579 : i32 to vector<1000x1xi32>
      %eq3A_581 = arith.cmpi eq, %broadcast_in_dim3A, %eq3A_580 : vector<1000x1xi32>
      %jit3A = arith.constant 0xFF800000 : f32
      %broadcast_in_dim3A_582 = vector.shape_cast %eq3A_581 : vector<1000x1xi1> to vector<1000x1xi1>
      %broadcast_in_dim3A_583 = vector.broadcast %broadcast_in_dim3A_582 : vector<1000x1xi1> to vector<1000x128xi1>
      %broadcast_in_dim3A_584 = vector.broadcast %jit3A : f32 to vector<1000x128xf32>
      %select_n3A = arith.select %broadcast_in_dim3A_583, %add3A_30, %broadcast_in_dim3A_584 : vector<1000x128xi1>, vector<1000x128xf32>
      %reduce_max3A_585 = arith.constant dense<0xFF800000> : vector<128xf32>
      %reduce_max3A_586 = vector.multi_reduction <maximumf>, %select_n3A, %reduce_max3A_585 [0] : vector<1000x128xf32> to vector<128xf32>
      %broadcast_in_dim3A_587 = vector.shape_cast %reduce_max3A_586 : vector<128xf32> to vector<1x128xf32>
      %get3A_588 = arith.constant 61 : index
      %get3A_589 = arith.constant 0 : index
      %get3A_590 = vector.load %arg14[%get3A_588, %get3A_589] : memref<64x128xf32, #tpu.memory_space<vmem>>, vector<1x128xf32>
      %max3A = arith.maximumf %get3A_590, %broadcast_in_dim3A_587 : vector<1x128xf32>
      %swap3A_591 = arith.constant 61 : index
      %swap3A_592 = arith.constant 0 : index
      %swap3A_593 = vector.load %arg14[%swap3A_591, %swap3A_592] : memref<64x128xf32, #tpu.memory_space<vmem>>, vector<1x128xf32>
      tpu.vector_store %arg14[%swap3A_591, %swap3A_592], %max3A {strides = array<i32>} : memref<64x128xf32, #tpu.memory_space<vmem>>, vector<1x128xf32>,
    } else {
    }
    %le3A_558 = arith.constant 62 : i32
    %le3A_559 = arith.cmpi sle, %reduce_min3A_60, %le3A_558 : i32
    %ge3A_560 = arith.constant 62 : i32
    %ge3A_561 = arith.cmpi sge, %reduce_max3A_64, %ge3A_560 : i32
    %and3A_562 = arith.andi %le3A_559, %ge3A_561 : i1
    %convert_element_type3A_563 = arith.extui %and3A_562 : i1 to i32
    %cond3A_564 = arith.constant 0 : i32
    %cond3A_565 = arith.cmpi ne, %convert_element_type3A_563, %cond3A_564 : i32
    scf.if %cond3A_565 {
      %eq3A_579 = arith.constant 62 : i32
      %eq3A_580 = vector.broadcast %eq3A_579 : i32 to vector<1000x1xi32>
      %eq3A_581 = arith.cmpi eq, %broadcast_in_dim3A, %eq3A_580 : vector<1000x1xi32>
      %jit3A = arith.constant 0xFF800000 : f32
      %broadcast_in_dim3A_582 = vector.shape_cast %eq3A_581 : vector<1000x1xi1> to vector<1000x1xi1>
      %broadcast_in_dim3A_583 = vector.broadcast %broadcast_in_dim3A_582 : vector<1000x1xi1> to vector<1000x128xi1>
      %broadcast_in_dim3A_584 = vector.broadcast %jit3A : f32 to vector<1000x128xf32>
      %select_n3A = arith.select %broadcast_in_dim3A_583, %add3A_30, %broadcast_in_dim3A_584 : vector<1000x128xi1>, vector<1000x128xf32>
      %reduce_max3A_585 = arith.constant dense<0xFF800000> : vector<128xf32>
      %reduce_max3A_586 = vector.multi_reduction <maximumf>, %select_n3A, %reduce_max3A_585 [0] : vector<1000x128xf32> to vector<128xf32>
      %broadcast_in_dim3A_587 = vector.shape_cast %reduce_max3A_586 : vector<128xf32> to vector<1x128xf32>
      %get3A_588 = arith.constant 62 : index
      %get3A_589 = arith.constant 0 : index
      %get3A_590 = vector.load %arg14[%get3A_588, %get3A_589] : memref<64x128xf32, #tpu.memory_space<vmem>>, vector<1x128xf32>
      %max3A = arith.maximumf %get3A_590, %broadcast_in_dim3A_587 : vector<1x128xf32>
      %swap3A_591 = arith.constant 62 : index
      %swap3A_592 = arith.constant 0 : index
      %swap3A_593 = vector.load %arg14[%swap3A_591, %swap3A_592] : memref<64x128xf32, #tpu.memory_space<vmem>>, vector<1x128xf32>
      tpu.vector_store %arg14[%swap3A_591, %swap3A_592], %max3A {strides = array<i32>} : memref<64x128xf32, #tpu.memory_space<vmem>>, vector<1x128xf32>,
    } else {
    }
    %le3A_566 = arith.constant 63 : i32
    %le3A_567 = arith.cmpi sle, %reduce_min3A_60, %le3A_566 : i32
    %ge3A_568 = arith.constant 63 : i32
    %ge3A_569 = arith.cmpi sge, %reduce_max3A_64, %ge3A_568 : i32
    %and3A_570 = arith.andi %le3A_567, %ge3A_569 : i1
    %convert_element_type3A_571 = arith.extui %and3A_570 : i1 to i32
    %cond3A_572 = arith.constant 0 : i32
    %cond3A_573 = arith.cmpi ne, %convert_element_type3A_571, %cond3A_572 : i32
    scf.if %cond3A_573 {
      %eq3A_579 = arith.constant 63 : i32
      %eq3A_580 = vector.broadcast %eq3A_579 : i32 to vector<1000x1xi32>
      %eq3A_581 = arith.cmpi eq, %broadcast_in_dim3A, %eq3A_580 : vector<1000x1xi32>
      %jit3A = arith.constant 0xFF800000 : f32
      %broadcast_in_dim3A_582 = vector.shape_cast %eq3A_581 : vector<1000x1xi1> to vector<1000x1xi1>
      %broadcast_in_dim3A_583 = vector.broadcast %broadcast_in_dim3A_582 : vector<1000x1xi1> to vector<1000x128xi1>
      %broadcast_in_dim3A_584 = vector.broadcast %jit3A : f32 to vector<1000x128xf32>
      %select_n3A = arith.select %broadcast_in_dim3A_583, %add3A_30, %broadcast_in_dim3A_584 : vector<1000x128xi1>, vector<1000x128xf32>
      %reduce_max3A_585 = arith.constant dense<0xFF800000> : vector<128xf32>
      %reduce_max3A_586 = vector.multi_reduction <maximumf>, %select_n3A, %reduce_max3A_585 [0] : vector<1000x128xf32> to vector<128xf32>
      %broadcast_in_dim3A_587 = vector.shape_cast %reduce_max3A_586 : vector<128xf32> to vector<1x128xf32>
      %get3A_588 = arith.constant 63 : index
      %get3A_589 = arith.constant 0 : index
      %get3A_590 = vector.load %arg14[%get3A_588, %get3A_589] : memref<64x128xf32, #tpu.memory_space<vmem>>, vector<1x128xf32>
      %max3A = arith.maximumf %get3A_590, %broadcast_in_dim3A_587 : vector<1x128xf32>
      %swap3A_591 = arith.constant 63 : index
      %swap3A_592 = arith.constant 0 : index
      %swap3A_593 = vector.load %arg14[%swap3A_591, %swap3A_592] : memref<64x128xf32, #tpu.memory_space<vmem>>, vector<1x128xf32>
      tpu.vector_store %arg14[%swap3A_591, %swap3A_592], %max3A {strides = array<i32>} : memref<64x128xf32, #tpu.memory_space<vmem>>, vector<1x128xf32>,
    } else {
    }
    %eq3A_574 = arith.constant 9 : i32
    %eq3A_575 = arith.cmpi eq, %arg0, %eq3A_574 : i32
    %convert_element_type3A_576 = arith.extui %eq3A_575 : i1 to i32
    %cond3A_577 = arith.constant 0 : i32
    %cond3A_578 = arith.cmpi ne, %convert_element_type3A_576, %cond3A_577 : i32
    scf.if %cond3A_578 {
      %get3A_579 = arith.constant 0 : index
      %get3A_580 = arith.constant 0 : index
      %get3A_581 = vector.load %arg15[%get3A_579, %get3A_580] : memref<64x128xf32, #tpu.memory_space<vmem>>, vector<64x128xf32>
      %get3A_582 = arith.constant 0 : index
      %get3A_583 = arith.constant 0 : index
      %get3A_584 = vector.load %arg13[%get3A_582, %get3A_583] : memref<64x128xf32, #tpu.memory_space<vmem>>, vector<64x128xf32>
      %max3A = arith.constant 1.000000e+00 : f32
      %max3A_585 = vector.broadcast %max3A : f32 to vector<64x128xf32>
      %max3A_586 = arith.maximumf %get3A_581, %max3A_585 : vector<64x128xf32>
      %div3A = arith.divf %get3A_584, %max3A_586 : vector<64x128xf32>
      %gt3A = arith.constant 0.000000e+00 : f32
      %gt3A_587 = vector.broadcast %gt3A : f32 to vector<64x128xf32>
      %gt3A_588 = arith.cmpf ogt, %get3A_581, %gt3A_587 : vector<64x128xf32>
      %get3A_589 = arith.constant 0 : index
      %get3A_590 = arith.constant 0 : index
      %get3A_591 = vector.load %arg14[%get3A_589, %get3A_590] : memref<64x128xf32, #tpu.memory_space<vmem>>, vector<64x128xf32>
      %jit3A = arith.constant 0.000000e+00 : f32
      %broadcast_in_dim3A_592 = vector.broadcast %jit3A : f32 to vector<64x128xf32>
      %select_n3A = arith.select %gt3A_588, %get3A_591, %broadcast_in_dim3A_592 : vector<64x128xi1>, vector<64x128xf32>
      %get3A_593 = arith.constant 0 : index
      %get3A_594 = arith.constant 0 : index
      %get3A_595 = vector.load %arg7[%get3A_593, %get3A_594] : memref<64x16xf32, #tpu.memory_space<vmem>>, vector<64x16xf32>
      %get3A_596 = arith.constant 0 : index
      %get3A_597 = arith.constant 0 : index
      %get3A_598 = vector.load %arg8[%get3A_596, %get3A_597] : memref<16x128xf32, #tpu.memory_space<vmem>>, vector<16x128xf32>
      %dot_general3A_599 = arith.constant dense<0.000000e+00> : vector<64x128xf32>
      %dot_general3A_600 = tpu.matmul %get3A_595, %get3A_598, %dot_general3A_599 {dimension_numbers = #tpu.dot_dimension_numbers<[1], [0], [0], [1], [0, 0, 1, 1], [], []>, transpose_lhs_hint = false} : vector<64x16xf32>, vector<16x128xf32>, vector<64x128xf32> -> vector<64x128xf32>
      %get3A_601 = arith.constant 0 : index
      %get3A_602 = arith.constant 0 : index
      %get3A_603 = vector.load %arg9[%get3A_601, %get3A_602] : memref<1x128xf32, #tpu.memory_space<vmem>>, vector<1x128xf32>
      %add3A_604 = vector.broadcast %get3A_603 : vector<1x128xf32> to vector<64x128xf32>
      %add3A_605 = arith.addf %dot_general3A_600, %add3A_604 : vector<64x128xf32>
      %concatenate3A = tpu.concatenate %div3A, %select_n3A, %add3A_605 in 1 : vector<64x128xf32>, vector<64x128xf32>, vector<64x128xf32> -> vector<64x384xf32>
      %get3A_606 = arith.constant 0 : index
      %get3A_607 = arith.constant 0 : index
      %get3A_608 = vector.load %arg10[%get3A_606, %get3A_607] : memref<384x2xf32, #tpu.memory_space<vmem>>, vector<384x2xf32>
      %dot_general3A_609 = arith.constant dense<0.000000e+00> : vector<64x2xf32>
      %dot_general3A_610 = tpu.matmul %concatenate3A, %get3A_608, %dot_general3A_609 {dimension_numbers = #tpu.dot_dimension_numbers<[1], [0], [0], [1], [0, 0, 1, 1], [], []>, transpose_lhs_hint = false} : vector<64x384xf32>, vector<384x2xf32>, vector<64x2xf32> -> vector<64x2xf32>
      %get3A_611 = arith.constant 0 : index
      %get3A_612 = arith.constant 0 : index
      %get3A_613 = vector.load %arg11[%get3A_611, %get3A_612] : memref<1x2xf32, #tpu.memory_space<vmem>>, vector<1x2xf32>
      %add3A_614 = vector.broadcast %get3A_613 : vector<1x2xf32> to vector<64x2xf32>
      %add3A_615 = arith.addf %dot_general3A_610, %add3A_614 : vector<64x2xf32>
      %reduce_max3A_616 = arith.constant dense<0xFF800000> : vector<64xf32>
      %reduce_max3A_617 = vector.multi_reduction <maximumf>, %add3A_615, %reduce_max3A_616 [1] : vector<64x2xf32> to vector<64xf32>
      %broadcast_in_dim3A_618 = vector.shape_cast %reduce_max3A_617 : vector<64xf32> to vector<64x1xf32>
      %sub3A = vector.broadcast %broadcast_in_dim3A_618 : vector<64x1xf32> to vector<64x2xf32>
      %sub3A_619 = arith.subf %add3A_615, %sub3A : vector<64x2xf32>
      %exp3A = math.exp %sub3A_619 : vector<64x2xf32>
      %reduce_sum3A_620 = arith.constant dense<0.000000e+00> : vector<64xf32>
      %reduce_sum3A_621 = vector.multi_reduction <add>, %exp3A, %reduce_sum3A_620 [1] : vector<64x2xf32> to vector<64xf32>
      %broadcast_in_dim3A_622 = vector.shape_cast %reduce_sum3A_621 : vector<64xf32> to vector<64x1xf32>
      %log3A = math.log %broadcast_in_dim3A_622 : vector<64x1xf32>
      %add3A_623 = arith.addf %log3A, %broadcast_in_dim3A_618 : vector<64x1xf32>
      %sub3A_624 = vector.broadcast %add3A_623 : vector<64x1xf32> to vector<64x2xf32>
      %sub3A_625 = arith.subf %add3A_615, %sub3A_624 : vector<64x2xf32>
      %swap3A_626 = arith.constant 0 : index
      %swap3A_627 = arith.constant 0 : index
      %swap3A_628 = vector.load %arg12[%swap3A_626, %swap3A_627] : memref<64x2xf32, #tpu.memory_space<vmem>>, vector<64x2xf32>
      tpu.vector_store %arg12[%swap3A_626, %swap3A_627], %sub3A_625 {strides = array<i32>} : memref<64x2xf32, #tpu.memory_space<vmem>>, vector<64x2xf32>,
    } else {
    }
    return
  }
  func.func @transform_0(%arg0: i32) -> (i32, i32, i32) {
    %c0_i32 = arith.constant 0 : i32
    %c0_i32_0 = arith.constant 0 : i32
    %c0_i32_1 = arith.constant 0 : i32
    return %c0_i32, %arg0, %c0_i32_0 : i32, i32, i32
  }
  func.func @transform_1(%arg0: i32) -> (i32, i32) {
    %c0_i32 = arith.constant 0 : i32
    %c0_i32_0 = arith.constant 0 : i32
    return %arg0, %c0_i32 : i32, i32
  }
  func.func @transform_2(%arg0: i32) -> (i32, i32) {
    %c0_i32 = arith.constant 0 : i32
    %c0_i32_0 = arith.constant 0 : i32
    return %arg0, %c0_i32 : i32, i32
  }
  func.func @transform_3(%arg0: i32) -> (i32, i32) {
    %c0_i32 = arith.constant 0 : i32
    %c0_i32_0 = arith.constant 0 : i32
    return %arg0, %c0_i32 : i32, i32
  }
  func.func @transform_4(%arg0: i32) -> (i32, i32) {
    %c0_i32 = arith.constant 0 : i32
    %c0_i32_0 = arith.constant 0 : i32
    %c0_i32_1 = arith.constant 0 : i32
    return %c0_i32, %c0_i32_0 : i32, i32
  }
  func.func @transform_5(%arg0: i32) -> (i32, i32, i32) {
    %c0_i32 = arith.constant 0 : i32
    %c0_i32_0 = arith.constant 0 : i32
    %c0_i32_1 = arith.constant 0 : i32
    return %arg0, %c0_i32, %c0_i32_0 : i32, i32, i32
  }
  func.func @transform_6(%arg0: i32) -> (i32, i32) {
    %c0_i32 = arith.constant 0 : i32
    %c0_i32_0 = arith.constant 0 : i32
    %c0_i32_1 = arith.constant 0 : i32
    return %c0_i32, %c0_i32_0 : i32, i32
  }
  func.func @transform_7(%arg0: i32) -> (i32, i32) {
    %c0_i32 = arith.constant 0 : i32
    %c0_i32_0 = arith.constant 0 : i32
    %c0_i32_1 = arith.constant 0 : i32
    return %c0_i32, %c0_i32_0 : i32, i32
  }
  func.func @transform_8(%arg0: i32) -> (i32, i32) {
    %c0_i32 = arith.constant 0 : i32
    %c0_i32_0 = arith.constant 0 : i32
    %c0_i32_1 = arith.constant 0 : i32
    return %c0_i32, %c0_i32_0 : i32, i32
  }
  func.func @transform_9(%arg0: i32) -> (i32, i32) {
    %c0_i32 = arith.constant 0 : i32
    %c0_i32_0 = arith.constant 0 : i32
    %c0_i32_1 = arith.constant 0 : i32
    return %c0_i32, %c0_i32_0 : i32, i32
  }
  func.func @transform_10(%arg0: i32) -> (i32, i32) {
    %c0_i32 = arith.constant 0 : i32
    %c0_i32_0 = arith.constant 0 : i32
    %c0_i32_1 = arith.constant 0 : i32
    return %c0_i32, %c0_i32_0 : i32, i32
  }
  func.func @transform_11(%arg0: i32) -> (i32, i32) {
    %c0_i32 = arith.constant 0 : i32
    %c0_i32_0 = arith.constant 0 : i32
    %c0_i32_1 = arith.constant 0 : i32
    return %c0_i32, %c0_i32_0 : i32, i32
  }
}

</mosaic_0001>

<sc_bundles>
// kernel: kernel.11.cloned.1.call-start
scs
__scs_entry_jumppad:
0x0: {  	(pc) =	sbr.rel $0x88, $3  }
0x1: {  	(tag) =	ssettag $0x0;
	lr =	simm.s32 $0x1  }
0x2: {  	[smem:$0x3F95] =	sst lr;
	_ =	strace $0xD0000000  }
0x3: {  	_ = 	snop  }
0x4: {  	_ = 	snop  }
0x5: {  	_ = 	snop  }
0x6: {  	_ = 	snop  }
0x7: {  	_ = 	snop  }
__scs_overlays_trampoline_lowered:
0x8: {  	[smem:$0x3FA4] =	sst s0  }
0x9: {  	[smem:$0x3FA5] =	sst s1  }
0xa: {  	[smem:$0x3FA6] =	sst s2  }
0xb: {  	[smem:$0x3FA7] =	sst s3  }
0xc: {  	[smem:$0x3FA8] =	sst s4  }
0xd: {  	[smem:$0x3FA9] =	sst s5  }
0xe: {  	[smem:$0x3FAA] =	sst s6  }
0xf: {  	[smem:$0x3FAB] =	sst s7  }
0x10: {  	[smem:$0x3FAC] =	sst s8  }
0x11: {  	[smem:$0x3FAD] =	sst s9;
	s0 =	simm.s32 @!p0 $0x0  }
0x12: {  	s1 =	sld [smem:$0x3F93];
	s0 =	simm.s32 @p0 $0x1  }
0x13: {  	[smem:$0x3FAE] =	sst s0;
	s0 =	simm.s32 @!p1 $0x0  }
0x14: {  	s2 =	sld [smem:$0x3F92];
	s0 =	simm.s32 @p1 $0x1  }
0x15: {  	[smem:$0x3FAF] =	sst s0;
	s0 =	simm.s32 @!p2 $0x0  }
0x16: {  	s3 =	sld [smem:$0x3FDB];
	s0 =	simm.s32 @p2 $0x1  }
0x17: {  	s4 =	simm.s32 $0x1BF5;
	[smem:$0x3FB1] =	sst s0  }
0x18: {  	s0 =	sld [smem:$0x3F94];
	_ =	swait.ge [sflag:s4], $0x0  }
0x19: {  	s7 =	sld [smem:$0x3F95]  }
0x1a: {  	s8 =	sadd.s32 $0xFFFFE003, lr  }
0x1b: {  	s9 =	sadd.s32 $0xFFFFFEF7, lr;
	s5 =	simm.s32 $0xFFFFFFFF;
	p2 =	slt.u32 s8, $0xFFFFF086  }
0x1c: {  	p1 =	slt.u32 s9, $0xF7A;
	s5 =	simm.s32 @!p2 $0x0  }
0x1d: {  	s5 =	simm.s32 @p1 $0x1;
	p0 =	seq.s32 s7, s2  }
0x1e: {  	s7 =	smul.u32 @!p0 $0xF7A, s2;
	p2 =	seq.s32 @!p0 s5, $0x0  }
0x1f: {  	s9 =	smul.u32 $0xF7A, s1;
	s8 =	simm.s32 @!p0 $0x1BF5;
	p2 =	por !p2, p0  }
0x20: {  	[sflag:s8] =	ssyncset.s32 @!p0 $0xFFFFF086;
	s6 =	sadd.s32 @!p0 s3, s7;
	s7 =	simm.s32 @!p0 $0x108  }
0x21: {  	s3 =	sadd.s32 s3, s9;
	s6 =	sadd.s32 @!p0 $0x88, s6;
	s7 =	simm.s32 @p2 $0x1082  }
0x22: {  	[simem:s7], [sflag:s8] =	dma.local @!p0 [hbm:s6], $0xF7A  }
0x23: {  	s9 =	sor.u32 $0xD0000000, s2;
	s6 =	simm.s32 $0x108;
	_ =	swait.ge @!p0 [sflag:s8], $0x0  }
0x24: {  	s3 =	sadd.s32 $0x88, s3;
	s6 =	simm.s32 @!p1 $0x1082;
	[sflag:s4] =	ssyncset.s32 $0xFFFFF086  }
0x25: {  	[simem:s6], [sflag:s4] =	dma.local [hbm:s3], $0xF7A  }
0x26: {  	[smem:$0x3F95] =	sst s1;
	(tag) =	ssettag s2;
	_ =	strace s9  }
0x27: {  	s1 =	sld [smem:$0x3FA5]  }
0x28: {  	s2 =	sld [smem:$0x3FA6]  }
0x29: {  	s4 =	sld [smem:$0x3FA8]  }
0x2a: {  	p0 =	seq.s32 s5, $0x0;
	s5 =	sld [smem:$0x3FA9]  }
0x2b: {  	s6 =	sld [smem:$0x3FAA]  }
0x2c: {  	s7 =	sld [smem:$0x3FAB]  }
0x2d: {  	s3 =	simm.s32 $0x108;
	s8 =	sld [smem:$0x3FAC]  }
0x2e: {  	s3 =	simm.s32 @!p0 $0x1082;
	s9 =	sld [smem:$0x3FAD]  }
0x2f: {  	lr =	sadd.s32 s0, s3;
	s0 =	sld [smem:$0x3FA4]  }
0x30: {  	s3 =	sld [smem:$0x3FA7]  }
0x31: {  	[smem:$0x3FB0] =	sst s10  }
0x32: {  	s10 =	sld [smem:$0x3FAE];
	_ =	sdelay $0x3  }
0x33: {  	p0 =	seq.s32 s10, $0x1;
	s10 =	sld [smem:$0x3FB0];
	_ =	sdelay $0x3  }
0x34: {  	[smem:$0x3FB0] =	sst s10  }
0x35: {  	s10 =	sld [smem:$0x3FAF];
	_ =	sdelay $0x3  }
0x36: {  	p1 =	seq.s32 s10, $0x1;
	s10 =	sld [smem:$0x3FB0];
	_ =	sdelay $0x3  }
0x37: {  	[smem:$0x3FB0] =	sst s10  }
0x38: {  	s10 =	sld [smem:$0x3FB1]  }
0x39: {  	_ = 	snop;
	(pc) =	sbr.ind lr, $3  }
0x3a: {  	_ = 	snop  }
0x3b: {  	_ = 	snop  }
0x3c: {  	p2 =	seq.s32 s10, $0x1;
	s10 =	sld [smem:$0x3FB0]  }
0x3d: {  	_ =	shalt  }
0x3e: {  	_ =	shalt  }
0x3f: {  	_ =	shalt  }
0x40: {  	_ =	shalt  }
0x41: {  	_ =	shalt  }
0x42: {  	_ =	shalt  }
0x43: {  	_ =	shalt  }
0x44: {  	_ =	shalt  }
0x45: {  	_ =	shalt  }
0x46: {  	_ =	shalt  }
0x47: {  	_ =	shalt  }
0x48: {  	_ =	shalt  }
0x49: {  	_ =	shalt  }
0x4a: {  	_ =	shalt  }
0x4b: {  	_ =	shalt  }
0x4c: {  	_ =	shalt  }
0x4d: {  	_ =	shalt  }
0x4e: {  	_ =	shalt  }
0x4f: {  	_ =	shalt  }
0x50: {  	_ =	shalt  }
0x51: {  	_ =	shalt  }
0x52: {  	_ =	shalt  }
0x53: {  	_ =	shalt  }
0x54: {  	_ =	shalt  }
0x55: {  	_ =	shalt  }
0x56: {  	_ =	shalt  }
0x57: {  	_ =	shalt  }
0x58: {  	_ =	shalt  }
0x59: {  	_ =	shalt  }
0x5a: {  	_ =	shalt  }
0x5b: {  	_ =	shalt  }
0x5c: {  	_ =	shalt  }
0x5d: {  	_ =	shalt  }
0x5e: {  	_ =	shalt  }
0x5f: {  	_ =	shalt  }
0x60: {  	_ =	shalt  }
0x61: {  	_ =	shalt  }
0x62: {  	_ =	shalt  }
0x63: {  	_ =	shalt  }
0x64: {  	_ =	shalt  }
0x65: {  	_ =	shalt  }
0x66: {  	_ =	shalt  }
0x67: {  	_ =	shalt  }
0x68: {  	_ =	shalt  }
0x69: {  	_ =	shalt  }
0x6a: {  	_ =	shalt  }
0x6b: {  	_ =	shalt  }
0x6c: {  	_ =	shalt  }
0x6d: {  	_ =	shalt  }
0x6e: {  	_ =	shalt  }
0x6f: {  	_ =	shalt  }
0x70: {  	_ =	shalt  }
0x71: {  	_ =	shalt  }
0x72: {  	_ =	shalt  }
0x73: {  	_ =	shalt  }
0x74: {  	_ =	shalt  }
0x75: {  	_ =	shalt  }
0x76: {  	_ =	shalt  }
0x77: {  	_ =	shalt  }
0x78: {  	_ =	shalt  }
0x79: {  	_ =	shalt  }
0x7a: {  	_ =	shalt  }
0x7b: {  	_ =	shalt  }
0x7c: {  	_ =	shalt  }
0x7d: {  	_ =	shalt  }
0x7e: {  	_ =	shalt  }
0x7f: {  	_ =	shalt  }
0x80: {  	_ =	shalt  }
0x81: {  	_ =	shalt  }
0x82: {  	_ =	shalt  }
0x83: {  	_ =	shalt  }
0x84: {  	_ =	shalt  }
0x85: {  	_ =	shalt  }
0x86: {  	_ =	shalt  }
0x87: {  	_ =	shalt  }
.Lfunc_end0:
.L_simem_size_0:
called_computation.1_lowered:
.L_overlay_start_0:
0x88: {  	s2 =	sld [smem:$0x3FD9]  }
0x89: {  	s3 =	sld [smem:$0x3FFE];
	_ =	sdelay $0x1  }
0x8a: {  	s1 =	srdreg.scid  }
0x8b: {  	s0 =	sand.u32 $0x1, s1  }
0x8c: {  	s16 =	sshll.u32 s0, $0xA;
	s2 =	sadd.s32 s3, s2  }
0x8d: {  	s2 =	sadd.s32 s2, s16  }
0x8e: {  	[smem:$0x3FBC] =	sst s2  }
0x8f: {  	_ = 	snop  }
0x90: {  	(tm) =	ssettm $0x1  }
0x91: {  	s17 =	sld [smem:$0x3FFB];
	_ =	sdelay $0x3  }
0x92: {  	_ =	strace s17  }
0x93: {  	s2 =	sld [smem:$0x3FFC];
	_ =	sdelay $0x3  }
0x94: {  	_ =	strace s2  }
0x95: {  	s2 =	sld [smem:$0x3FFD];
	_ =	sdelay $0x3  }
0x96: {  	_ =	strace s2  }
0x97: {  	_ =	strace $0x8FFFFFFF  }
0x98: {  	s18 =	sld [smem:$0x3FDB];
	_ =	sdelay $0x1  }
0x99: {  	s19 =	simm.s32 $_scs_section_size  }
0x9a: {  	s4 =	simm.s32 $_size__tile_overlayer_lowered;
	s5 =	simm.s32 $_tile_overlayer_lowered  }
0x9b: {  	s22 =	simm.s32 $0x1BFF;
	s21 =	sshll.u32 s5, $0x1;
	s2 =	sadd.s32 s19, s18  }
0x9c: {  	s6 =	simm.s32 $0x0;
	s20 =	sshll.u32 s4, $0x1;
	s4 =	sadd.s32 s21, s2  }
0x9d: {  	[timem:s6], [sflag:s22] =	dma.local [hbm:s4], s20  }
0x9e: {  	_ =	swait.ge [sflag:s22], s20  }
0x9f: {  	s3 =	ssub.s32 $0x0, s20;
	[sflag:s22] =	ssyncset.done $0x0  }
0xa0: {  	[sflag:s22] =	ssyncadd.s32 s3;
	_ =	sdelay $0x1  }
0xa1: {  	s23 =	simm.s32 $0x1B8B  }
0xa2: {  	_ =	swait.ge [sflag:s23], $0x1  }
0xa3: {  	[sflag:s23] =	ssyncset.done $0x0  }
0xa4: {  	s25 =	simm.s32 $0x1B8E;
	s24 =	sld [smem:$0x3FFE];
	[sflag:s23] =	ssyncadd.s32 $0xFFFFFFFF  }
0xa5: {  	s26 =	simm.s32 $execute0_lowered;
	[smem:$0x3FD2] =	sst s25  }
0xa6: {  	s4 =	sshll.u32 s26, $0x1;
	_ =	strace $0x80000049;
	[dreg:$0x1] =	wrdreg $0xFFFFFFFF  }
0xa7: {  	s28 =	simm.s32 $_size_execute0_lowered;
	s2 =	sadd.s32 s2, s4;
	[dreg:$0x0] =	wrdreg $0x0  }
0xa8: {  	s4 =	sshll.u32 s28, $0x1;
	[dreg:$0x2] =	wrdreg s2  }
0xa9: {  	[dreg:$0x3] =	wrdreg s4  }
0xaa: {  	[dreg:$0x4] =	wrdreg $0xC0  }
0xab: {  	_ =	task [dreg:s6], $0x5FFFF  }
0xac: {  	[dreg:$0x1] =	wrdreg $0xFFFFFFFF  }
0xad: {  	[dreg:$0x0] =	wrdreg $0x60  }
0xae: {  	[dreg:$0x2] =	wrdreg s24  }
0xaf: {  	[dreg:$0x3] =	wrdreg $0x0  }
0xb0: {  	[dreg:$0x4] =	wrdreg $0x9  }
0xb1: {  	_ =	task.clear_ibuf [dreg:s6], $0x5FFFF;
	_ =	strace $0x90000049  }
0xb2: {  	s29 =	simm.s32 $0x9;
	_ =	strace $0x8000004B  }
0xb3: {  	_ =	swait.ge [sflag:s29], $0x1  }
0xb4: {  	[sflag:s29] =	ssyncadd.s32 $0xFFFFFFFF  }
0xb5: {  	_ =	strace $0x9000004B  }
0xb6: {  	_ =	sfence  }
0xb7: {  	s30 =	sld [smem:$0x0];
	_ =	sdelay $0x2  }
0xb8: {  	s31 =	sshll.u32 s1, $0xD;
	s1 =	sshrl.u32 s1, $0x2  }
0xb9: {  	s3 =	sand.u32 $0x4000, s31;
	s1 =	sadd.s32 s1, s30  }
0xba: {  	s0 =	sor.u32 s3, s0;
	s1 =	sshll.u32 s1, $0x11  }
0xbb: {  	s0 =	sor.u32 s1, s0  }
0xbc: {  	s0 =	sadd.s32 $0x8F2B, s0  }
0xbd: {  	[sflag:s0] =	ssyncadd.remote.s32 $0x1  }
0xbe: {  	_ =	sfence.sel $0xFFFF  }
0xbf: {  	[dreg:$0x0] =	wrdreg $0xFFFFFFFF;
	(pc) =	sbr.abs _section_cstart, $3  }
0xc0: {  	[dreg:$0x1] =	wrdreg $0xFFFFFFFF  }
0xc1: {  	_ =	task.clear_ibuf [dreg:s6], $0x2FFFF;
	_ =	strace $0x9FFFFFFF  }
0xc2: {  	(tm) =	ssettm $0x7FFFFFFF  }
0xc3: {  	_ =	shalt  }
tec
execute0_lowered:
.L_overlay_start_1:
0x0: {  	(tag) =	ssettag $0x1  }
0x1: {  	s0 =	rddreg [dreg:$0x0]  }
0x2: {  	s1 =	rddreg [dreg:$0x1];
	s2 =	simm.s32 $0x0  }
0x3: {  	s12 =	stileid.u32;
	s3 =	srdreg.scid;
	s28 =	simm.s32 $0x4  }
0x4: {  	s29 =	simm.s32 $0x13880;
	s30 =	simm.s32 $0x13A00;
	s31 =	simm.s32 $0x50  }
0x5: {  	[smem:$0x7FF] =	sst s2;
	s7 =	smul.u32 $0x4E000, s12;
	s4 =	sadd.s32 $0xCE00, s0  }
0x6: {  	s5 =	sadd.s32 $0x3000, s0;
	s3 =	sand.u32 $0x1, s3;
	s26 =	smul.u32 $0x2710, s12  }
0x7: {  	s6 =	sadd.s32 $0x16C00, s0;
	s0 =	sadd.s32 $0x3DE00, s0;
	s16 =	smul.u32 $0x13800, s12  }
0x8: {  	p0 =	sne.s32 s12, $0x0;
	s12 =	simm.s32 $0x18B80;
	_ =	strace $0x8000004A  }
0x9: {  	s8 =	ssub.s32 $0x2, s3;
	s24 =	smul.u32 $0x27100, s3;
	s7 =	sshrl.u32 s7, $0x2  }
0xa: {  	s3 =	smul.u32 $0x138800, s3;
	s9 =	sshrl.u32 s8, $0x1;
	s7 =	sadd.s32 s7, s1  }
0xb: {  	s8 =	ssub.s32 s8, s9;
	s9 =	sadd.s32 s26, s24;
	s23 =	sadd.s32 $0x2800, s7  }
0xc: {  	s19 =	sadd.s32 s16, s3;
	s10 =	sadd.s32 $0x5000, s7;
	[dreg:$0x5] =	wrdreg s23  }
0xd: {  	s3 =	sshrl.u32 s3, $0x3;
	s25 =	sadd.s32 $0x7800, s7;
	[dreg:$0x6] =	wrdreg s10  }
0xe: {  	s16 =	simm.s32 $0x0;
	s11 =	sadd.s32 $0xA000, s7;
	[dreg:$0x7] =	wrdreg s25  }
0xf: {  	s13 =	sadd.s32 $0xC800, s7;
	s14 =	sadd.s32 $0xF000, s7;
	[dreg:$0x8] =	wrdreg s11  }
0x10: {  	s15 =	sadd.s32 $0x11800, s7;
	s20 =	sadd.s32 $0x140, s9;
	[dreg:$0x9] =	wrdreg s13  }
0x11: {  	s22 =	smax.u32 s8, $0x1;
	s8 =	simm.s32 $0x16380;
	[dreg:$0xa] =	wrdreg s14  }
0x12: {  	[dreg:$0xb] =	wrdreg s15;
	s15 =	sadd.s32 $0x138000, s1;
	s10 =	sshrl.u32 s9, $0x3  }
0x13: {  	s21 =	sshrl.u32 s20, $0x3;
	s25 =	sadd.s32 $0xA0, s9;
	s11 =	simm.s32 $0x13B00  }
0x14: {  	s14 =	simm.s32 $0x3;
	s13 =	sadd.s32 s4, s10;
	s17 =	sadd.s32 s5, s10  }
0x15: {  	s10 =	sadd.s32 $0xA, s10;
	s23 =	sadd.s32 s21, s5;
	[dreg:$0xc] =	wrdreg s13  }
0x16: {  	s24 =	sadd.s32 s21, s4;
	s26 =	sshrl.u32 s25, $0x3;
	[dreg:$0xd] =	wrdreg s17  }
0x17: {  	s18 =	sadd.s32 s4, s10;
	s10 =	sadd.s32 s5, s10;
	[dreg:$0x3] =	wrdreg s23  }
0x18: {  	[dreg:$0x4] =	wrdreg s24;
	s24 =	sadd.s32 s26, s5;
	s25 =	sadd.s32 s26, s4  }
0x19: {  	s26 =	simm.s32 $0x13B80;
	s13 =	simm.s32 $0x2;
	[dreg:$0xe] =	wrdreg s18  }
0x1a: {  	[dreg:$0xf] =	wrdreg s10;
	s10 =	sshrl.u32 s19, $0x3;
	s18 =	sadd.s32 $0xF0, s9  }
0x1b: {  	s9 =	simm.s32 $0x1;
	s10 =	sadd.s32 s0, s10;
	s0 =	sadd.s32 s0, s3  }
0x1c: {  	s3 =	simm.s32 $0x13A80;
	[dreg:$0x10] =	wrdreg s10;
	s0 =	sadd.s32 $0x27000, s0  }
0x1d: {  	v0 =	vimm.f32 $0.0e+00;
	s10 =	simm.s32 $0x13980;
	[dreg:$0x11] =	wrdreg s0;
	s0 =	simm.s32 $0x13900  }
.LBB2_1:
0x1e: {  	s17 =	simm.s32 $0x13C80  }
0x1f: {  	[tilespmem:s17+$0xFFFFFF00] =	vst v0  }
0x20: {  	[tilespmem:s17+$0xF0] =	vst v0  }
0x21: {  	[tilespmem:s17+$0xE0] =	vst v0  }
0x22: {  	[tilespmem:s17+$0xD0] =	vst v0  }
0x23: {  	[tilespmem:s17+$0xC0] =	vst v0  }
0x24: {  	[tilespmem:s17+$0xB0] =	vst v0  }
0x25: {  	[tilespmem:s17+$0xA0] =	vst v0  }
0x26: {  	[tilespmem:s17+$0x90] =	vst v0  }
0x27: {  	[tilespmem:s17+$0x80] =	vst v0  }
0x28: {  	[tilespmem:s17+$0x70] =	vst v0  }
0x29: {  	[tilespmem:s17+$0x60] =	vst v0  }
0x2a: {  	[tilespmem:s17+$0x50] =	vst v0  }
0x2b: {  	[tilespmem:s17+$0x40] =	vst v0  }
0x2c: {  	[tilespmem:s17+$0x30] =	vst v0  }
0x2d: {  	[tilespmem:s17+$0x20] =	vst v0  }
0x2e: {  	[tilespmem:s17+$0x10] =	vst v0  }
0x2f: {  	[tilespmem:s17+$0x0] =	vst v0  }
0x30: {  	[tilespmem:s17+$0xFFFFFFF0] =	vst v0  }
0x31: {  	[tilespmem:s17+$0xFFFFFFE0] =	vst v0  }
0x32: {  	[tilespmem:s17+$0xFFFFFFD0] =	vst v0  }
0x33: {  	[tilespmem:s17+$0xFFFFFFC0] =	vst v0  }
0x34: {  	[tilespmem:s17+$0xFFFFFFB0] =	vst v0  }
0x35: {  	[tilespmem:s17+$0xFFFFFFA0] =	vst v0  }
0x36: {  	[tilespmem:s17+$0xFFFFFF90] =	vst v0  }
0x37: {  	[tilespmem:s17+$0xFFFFFF80] =	vst v0  }
0x38: {  	[tilespmem:s17+$0xFFFFFF70] =	vst v0  }
0x39: {  	[tilespmem:s17+$0xFFFFFF60] =	vst v0  }
0x3a: {  	[tilespmem:s17+$0xFFFFFF50] =	vst v0  }
0x3b: {  	[tilespmem:s17+$0xFFFFFF40] =	vst v0  }
0x3c: {  	[tilespmem:s17+$0xFFFFFF30] =	vst v0  }
0x3d: {  	s19 =	simm.s32 $0x0;
	[tilespmem:s17+$0xFFFFFF20] =	vst v0  }
.LBB2_2:
0x3e: {  	s19 =	sadd.s32 $0x4, s19;
	[tilespmem:s17+$0xFFFFFF10] =	vst v0;
	s17 =	sadd.s32 $0x200, s17  }
0x3f: {  	[tilespmem:s17+$0xFFFFFF00] =	vst v0;
	p1 =	slt.u32 s19, $0x4C  }
0x40: {  	[tilespmem:s17+$0xF0] =	vst v0  }
0x41: {  	[tilespmem:s17+$0xE0] =	vst v0  }
0x42: {  	[tilespmem:s17+$0xD0] =	vst v0  }
0x43: {  	[tilespmem:s17+$0xC0] =	vst v0  }
0x44: {  	[tilespmem:s17+$0xB0] =	vst v0  }
0x45: {  	[tilespmem:s17+$0xA0] =	vst v0  }
0x46: {  	[tilespmem:s17+$0x90] =	vst v0  }
0x47: {  	[tilespmem:s17+$0x80] =	vst v0  }
0x48: {  	[tilespmem:s17+$0x70] =	vst v0  }
0x49: {  	[tilespmem:s17+$0x60] =	vst v0  }
0x4a: {  	[tilespmem:s17+$0x50] =	vst v0  }
0x4b: {  	[tilespmem:s17+$0x40] =	vst v0  }
0x4c: {  	[tilespmem:s17+$0x30] =	vst v0  }
0x4d: {  	[tilespmem:s17+$0x20] =	vst v0  }
0x4e: {  	[tilespmem:s17+$0x10] =	vst v0  }
0x4f: {  	[tilespmem:s17+$0x0] =	vst v0  }
0x50: {  	[tilespmem:s17+$0xFFFFFFF0] =	vst v0  }
0x51: {  	[tilespmem:s17+$0xFFFFFFE0] =	vst v0  }
0x52: {  	[tilespmem:s17+$0xFFFFFFD0] =	vst v0  }
0x53: {  	[tilespmem:s17+$0xFFFFFFC0] =	vst v0  }
0x54: {  	[tilespmem:s17+$0xFFFFFFB0] =	vst v0  }
0x55: {  	[tilespmem:s17+$0xFFFFFFA0] =	vst v0  }
0x56: {  	[tilespmem:s17+$0xFFFFFF90] =	vst v0  }
0x57: {  	[tilespmem:s17+$0xFFFFFF80] =	vst v0  }
0x58: {  	[tilespmem:s17+$0xFFFFFF70] =	vst v0  }
.Ltmp0:
0x59: {  	[tilespmem:s17+$0xFFFFFF60] =	vst v0;
	(pc) =	sbr.rel @p1 .LBB2_2-.Ltmp0, $4  }
0x5a: {  	[tilespmem:s17+$0xFFFFFF50] =	vst v0  }
0x5b: {  	[tilespmem:s17+$0xFFFFFF40] =	vst v0  }
0x5c: {  	[tilespmem:s17+$0xFFFFFF30] =	vst v0  }
0x5d: {  	[tilespmem:s17+$0xFFFFFF20] =	vst v0  }
0x5e: {  	[tilespmem:s17+$0xFFFFFF10] =	vst v0  }
0x5f: {  	[spmem:s7] =	stream.linear.scatter [tilespmem:s26], [sflag:$0x4], $0x2800, $0x38;
	[tilespmem:$0x1B380] =	vst v63  }
0x60: {  	_ =	swait.ge [sflag:s28], $0x2800  }
0x61: {  	[sflag:s28] =	ssyncset.done $0x0  }
0x62: {  	s21 =	rddreg [dreg:$0x5];
	[sflag:s28] =	ssyncadd.s32 $0xFFFFD800  }
0x63: {  	[spmem:s21] =	stream.linear.scatter [tilespmem:s26], [sflag:$0x4], $0x2800, $0x38;
	[tilespmem:$0x1B380] =	vst v63  }
0x64: {  	_ =	swait.ge [sflag:s28], $0x2800  }
0x65: {  	[sflag:s28] =	ssyncset.done $0x0  }
0x66: {  	s23 =	rddreg [dreg:$0x6];
	[sflag:s28] =	ssyncadd.s32 $0xFFFFD800  }
0x67: {  	[spmem:s23] =	stream.linear.scatter [tilespmem:s26], [sflag:$0x4], $0x2800, $0x38;
	[tilespmem:$0x1B380] =	vst v63  }
0x68: {  	_ =	swait.ge [sflag:s28], $0x2800  }
0x69: {  	[sflag:s28] =	ssyncset.done $0x0  }
0x6a: {  	s19 =	rddreg [dreg:$0x7];
	[sflag:s28] =	ssyncadd.s32 $0xFFFFD800  }
0x6b: {  	[spmem:s19] =	stream.linear.scatter [tilespmem:s26], [sflag:$0x4], $0x2800, $0x38;
	[tilespmem:$0x1B380] =	vst v63  }
0x6c: {  	_ =	swait.ge [sflag:s28], $0x2800  }
0x6d: {  	[sflag:s28] =	ssyncset.done $0x0  }
0x6e: {  	s20 =	rddreg [dreg:$0x8];
	[sflag:s28] =	ssyncadd.s32 $0xFFFFD800  }
0x6f: {  	[spmem:s20] =	stream.linear.scatter [tilespmem:s26], [sflag:$0x4], $0x2800, $0x38;
	[tilespmem:$0x1B380] =	vst v63  }
0x70: {  	_ =	swait.ge [sflag:s28], $0x2800  }
0x71: {  	[sflag:s28] =	ssyncset.done $0x0  }
0x72: {  	s21 =	rddreg [dreg:$0x9];
	[sflag:s28] =	ssyncadd.s32 $0xFFFFD800  }
0x73: {  	[spmem:s21] =	stream.linear.scatter [tilespmem:s26], [sflag:$0x4], $0x2800, $0x38;
	[tilespmem:$0x1B380] =	vst v63  }
0x74: {  	_ =	swait.ge [sflag:s28], $0x2800  }
0x75: {  	[sflag:s28] =	ssyncset.done $0x0  }
0x76: {  	s23 =	rddreg [dreg:$0xa];
	[sflag:s28] =	ssyncadd.s32 $0xFFFFD800  }
0x77: {  	[spmem:s23] =	stream.linear.scatter [tilespmem:s26], [sflag:$0x4], $0x2800, $0x38;
	[tilespmem:$0x1B380] =	vst v63  }
0x78: {  	_ =	swait.ge [sflag:s28], $0x2800  }
0x79: {  	[sflag:s28] =	ssyncset.done $0x0  }
0x7a: {  	s19 =	rddreg [dreg:$0xb];
	[sflag:s28] =	ssyncadd.s32 $0xFFFFD800  }
0x7b: {  	[spmem:s19] =	stream.linear.scatter [tilespmem:s26], [sflag:$0x4], $0x2000, $0x38;
	[tilespmem:$0x1B380] =	vst v63  }
0x7c: {  	_ =	swait.ge [sflag:s28], $0x2000  }
0x7d: {  	[sflag:s28] =	ssyncset.done $0x0  }
0x7e: {  	s17 =	simm.s32 @!p0 $0x13B80;
	[sflag:s28] =	ssyncadd.s32 $0xFFFFE000  }
0x7f: {  	[spmem:s15] =	stream.linear.scatter @!p0 [tilespmem:s17], [sflag:$0x4], $0x800, $0x38;
	[tilespmem:$0x1B380] =	vst v63  }
0x80: {  	s17 =	simm.s32 @!p0 $0x4  }
0x81: {  	_ =	swait.ge @!p0 [sflag:s17], $0x800  }
0x82: {  	[sflag:s17] =	ssyncset.done @!p0 $0x0  }
0x83: {  	[sflag:s17] =	ssyncadd.s32 @!p0 $0xFFFFF800  }
0x84: {  	[bflag:$0x0] =	sbarrier.arrive $0xFFFF  }
0x85: {  	s17 =	simm.s32 $0x0;
	s19 =	rddreg [dreg:$0xc]  }
0x86: {  	[tilespmem:s29], [sflag:$0x4] =	stream.linear.gather [hbm4b:s19+s17], $0x50, $0x38;
	[tilespmem:$0x1B380] =	vst v63  }
0x87: {  	_ =	swait.ge [sflag:s28], $0x50  }
0x88: {  	[sflag:s28] =	ssyncset.done $0x0  }
0x89: {  	s20 =	rddreg [dreg:$0xd];
	[sflag:s28] =	ssyncadd.s32 $0xFFFFFFB0  }
0x8a: {  	[tilespmem:s30], [sflag:$0x4] =	stream.linear.gather [hbm4b:s20+s17], $0x50, $0x38;
	[tilespmem:$0x1B380] =	vst v63  }
0x8b: {  	_ =	swait.ge [sflag:s28], $0x50  }
0x8c: {  	[sflag:s28] =	ssyncset.done $0x0  }
0x8d: {  	[sflag:s28] =	ssyncadd.s32 $0xFFFFFFB0  }
0x8e: {  	[tilespmem:s26], [sflag:$0x1] =	stream.indirect.gather [hbm4b:s6+s31], $0x80, s29, s31, $0xb8;
	[tilespmem:$0x1B380] =	vst v63  }
0x8f: {  	s21 =	rddreg [dreg:$0xe]  }
0x90: {  	[tilespmem:s0], [sflag:$0x4] =	stream.linear.gather [hbm4b:s21+s17], $0x50, $0x38;
	[tilespmem:$0x1B380] =	vst v63  }
0x91: {  	_ =	swait.ge [sflag:s28], $0x50  }
0x92: {  	[sflag:s28] =	ssyncset.done $0x0  }
0x93: {  	s23 =	rddreg [dreg:$0xf];
	[sflag:s28] =	ssyncadd.s32 $0xFFFFFFB0  }
0x94: {  	[tilespmem:s3], [sflag:$0x4] =	stream.linear.gather [hbm4b:s23+s17], $0x50, $0x38;
	[tilespmem:$0x1B380] =	vst v63  }
0x95: {  	_ =	swait.ge [sflag:s28], $0x50  }
0x96: {  	[sflag:s28] =	ssyncset.done $0x0  }
0x97: {  	[sflag:s28] =	ssyncadd.s32 $0xFFFFFFB0  }
0x98: {  	[tilespmem:s8], [sflag:$0x2] =	stream.indirect.gather [hbm4b:s6+s31], $0x80, s0, s31, $0xb8;
	[tilespmem:$0x1B380] =	vst v63  }
0x99: {  	_ =	swait.ge [sflag:s9], $0x2800  }
0x9a: {  	[sflag:s9] =	ssyncset.done $0x0  }
0x9b: {  	s20 =	sadd.s32 $0x0, s25;
	[sflag:s9] =	ssyncadd.s32 $0xFFFFD800  }
0x9c: {  	[tilespmem:s10], [sflag:$0x4] =	stream.linear.gather [hbm4b:s20+s2], $0x50, $0x38;
	[tilespmem:$0x1B380] =	vst v63  }
0x9d: {  	_ =	swait.ge [sflag:s28], $0x50  }
0x9e: {  	[sflag:s28] =	ssyncset.done $0x0  }
0x9f: {  	s21 =	sadd.s32 $0x0, s24;
	[sflag:s28] =	ssyncadd.s32 $0xFFFFFFB0  }
0xa0: {  	[tilespmem:s11], [sflag:$0x4] =	stream.linear.gather [hbm4b:s21+s2], $0x50, $0x38;
	[tilespmem:$0x1B380] =	vst v63  }
0xa1: {  	_ =	swait.ge [sflag:s28], $0x50  }
0xa2: {  	[sflag:s28] =	ssyncset.done $0x0  }
0xa3: {  	[sflag:s28] =	ssyncadd.s32 $0xFFFFFFB0  }
0xa4: {  	[tilespmem:s12], [sflag:$0x3] =	stream.indirect.gather [hbm4b:s6+s31], $0x80, s10, s31, $0xb8;
	[tilespmem:$0x1B380] =	vst v63  }
0xa5: {  	_ = 	snop  }
0xa6: {  	[spmem:s1] =	stream.indirect.scatter.add.f32 [tilespmem:s26], [sflag:$0x4], $0x80, s30, s31, $0xb8;
	[tilespmem:$0x1B380] =	vst v63  }
0xa7: {  	_ =	swait.ge [sflag:s28], $0x2800  }
0xa8: {  	[sflag:s28] =	ssyncset.done $0x0  }
0xa9: {  	[sflag:s28] =	ssyncadd.s32 $0xFFFFD800  }
0xaa: {  	_ =	swait.ge [sflag:s13], $0x2800  }
0xab: {  	s23 =	sshrl.u32 s18, $0x3;
	[sflag:s13] =	ssyncset.done $0x0  }
0xac: {  	s20 =	sadd.s32 s4, s23;
	[sflag:s13] =	ssyncadd.s32 $0xFFFFD800  }
0xad: {  	[tilespmem:s29], [sflag:$0x4] =	stream.linear.gather [hbm4b:s20+s2], $0x50, $0x38;
	[tilespmem:$0x1B380] =	vst v63  }
0xae: {  	_ =	swait.ge [sflag:s28], $0x50  }
0xaf: {  	[sflag:s28] =	ssyncset.done $0x0  }
0xb0: {  	s17 =	sadd.s32 s5, s23;
	[sflag:s28] =	ssyncadd.s32 $0xFFFFFFB0  }
0xb1: {  	[tilespmem:s30], [sflag:$0x4] =	stream.linear.gather [hbm4b:s17+s2], $0x50, $0x38;
	[tilespmem:$0x1B380] =	vst v63  }
0xb2: {  	_ =	swait.ge [sflag:s28], $0x50  }
0xb3: {  	[sflag:s28] =	ssyncset.done $0x0  }
0xb4: {  	[sflag:s28] =	ssyncadd.s32 $0xFFFFFFB0  }
0xb5: {  	[tilespmem:s26], [sflag:$0x1] =	stream.indirect.gather [hbm4b:s6+s31], $0x80, s29, s31, $0xb8;
	[tilespmem:$0x1B380] =	vst v63  }
0xb6: {  	_ = 	snop  }
0xb7: {  	[spmem:s1] =	stream.indirect.scatter.add.f32 [tilespmem:s8], [sflag:$0x4], $0x80, s3, s31, $0xb8;
	[tilespmem:$0x1B380] =	vst v63  }
0xb8: {  	_ =	swait.ge [sflag:s28], $0x2800  }
0xb9: {  	[sflag:s28] =	ssyncset.done $0x0  }
0xba: {  	[sflag:s28] =	ssyncadd.s32 $0xFFFFD800  }
0xbb: {  	_ =	swait.ge [sflag:s14], $0x2800  }
0xbc: {  	s21 =	rddreg [dreg:$0x4];
	[sflag:s14] =	ssyncset.done $0x0  }
0xbd: {  	[sflag:s14] =	ssyncadd.s32 $0xFFFFD800;
	s17 =	sadd.s32 $0x0, s21  }
0xbe: {  	[tilespmem:s0], [sflag:$0x4] =	stream.linear.gather [hbm4b:s17+s2], $0x50, $0x38;
	[tilespmem:$0x1B380] =	vst v63  }
0xbf: {  	_ =	swait.ge [sflag:s28], $0x50  }
0xc0: {  	s23 =	rddreg [dreg:$0x3];
	[sflag:s28] =	ssyncset.done $0x0  }
0xc1: {  	[sflag:s28] =	ssyncadd.s32 $0xFFFFFFB0;
	s17 =	sadd.s32 $0x0, s23  }
0xc2: {  	[tilespmem:s3], [sflag:$0x4] =	stream.linear.gather [hbm4b:s17+s2], $0x50, $0x38;
	[tilespmem:$0x1B380] =	vst v63  }
0xc3: {  	_ =	swait.ge [sflag:s28], $0x50  }
0xc4: {  	[sflag:s28] =	ssyncset.done $0x0  }
0xc5: {  	[sflag:s28] =	ssyncadd.s32 $0xFFFFFFB0  }
0xc6: {  	[tilespmem:s8], [sflag:$0x2] =	stream.indirect.gather [hbm4b:s6+s31], $0x80, s0, s31, $0xb8;
	[tilespmem:$0x1B380] =	vst v63  }
0xc7: {  	_ = 	snop  }
0xc8: {  	[spmem:s1] =	stream.indirect.scatter.add.f32 [tilespmem:s12], [sflag:$0x4], $0x80, s11, s31, $0xb8;
	[tilespmem:$0x1B380] =	vst v63  }
0xc9: {  	_ =	swait.ge [sflag:s28], $0x2800  }
0xca: {  	s23 =	smov.u32 s18;
	s17 =	simm.s32 $0x1E;
	[sflag:s28] =	ssyncset.done $0x0  }
.LBB2_4:
0xcb: {  	[sflag:s28] =	ssyncadd.s32 $0xFFFFD800  }
0xcc: {  	_ =	swait.ge [sflag:s9], $0x2800  }
0xcd: {  	s19 =	smov.u32 s17;
	[sflag:s9] =	ssyncset.done $0x0  }
0xce: {  	s20 =	sadd.s32 s19, s25;
	[sflag:s9] =	ssyncadd.s32 $0xFFFFD800  }
0xcf: {  	[tilespmem:s10], [sflag:$0x4] =	stream.linear.gather [hbm4b:s20+s2], $0x50, $0x38;
	[tilespmem:$0x1B380] =	vst v63  }
0xd0: {  	_ =	swait.ge [sflag:s28], $0x50  }
0xd1: {  	[sflag:s28] =	ssyncset.done $0x0  }
0xd2: {  	s21 =	sadd.s32 s19, s24;
	[sflag:s28] =	ssyncadd.s32 $0xFFFFFFB0  }
0xd3: {  	[tilespmem:s11], [sflag:$0x4] =	stream.linear.gather [hbm4b:s21+s2], $0x50, $0x38;
	[tilespmem:$0x1B380] =	vst v63  }
0xd4: {  	_ =	swait.ge [sflag:s28], $0x50  }
0xd5: {  	[sflag:s28] =	ssyncset.done $0x0  }
0xd6: {  	[sflag:s28] =	ssyncadd.s32 $0xFFFFFFB0  }
0xd7: {  	[tilespmem:s12], [sflag:$0x3] =	stream.indirect.gather [hbm4b:s6+s31], $0x80, s10, s31, $0xb8;
	[tilespmem:$0x1B380] =	vst v63  }
0xd8: {  	_ = 	snop  }
0xd9: {  	[spmem:s1] =	stream.indirect.scatter.add.f32 [tilespmem:s26], [sflag:$0x4], $0x80, s30, s31, $0xb8;
	[tilespmem:$0x1B380] =	vst v63  }
0xda: {  	_ =	swait.ge [sflag:s28], $0x2800  }
0xdb: {  	[sflag:s28] =	ssyncset.done $0x0  }
0xdc: {  	[sflag:s28] =	ssyncadd.s32 $0xFFFFD800  }
0xdd: {  	s23 =	sadd.s32 $0xF0, s23;
	_ =	swait.ge [sflag:s13], $0x2800  }
0xde: {  	s20 =	sshrl.u32 s23, $0x3;
	[sflag:s13] =	ssyncset.done $0x0  }
0xdf: {  	s21 =	sadd.s32 s4, s20;
	[sflag:s13] =	ssyncadd.s32 $0xFFFFD800  }
0xe0: {  	[tilespmem:s29], [sflag:$0x4] =	stream.linear.gather [hbm4b:s21+s2], $0x50, $0x38;
	[tilespmem:$0x1B380] =	vst v63  }
0xe1: {  	_ =	swait.ge [sflag:s28], $0x50  }
0xe2: {  	[sflag:s28] =	ssyncset.done $0x0  }
0xe3: {  	s20 =	sadd.s32 s5, s20;
	[sflag:s28] =	ssyncadd.s32 $0xFFFFFFB0  }
0xe4: {  	[tilespmem:s30], [sflag:$0x4] =	stream.linear.gather [hbm4b:s20+s2], $0x50, $0x38;
	[tilespmem:$0x1B380] =	vst v63  }
0xe5: {  	_ =	swait.ge [sflag:s28], $0x50  }
0xe6: {  	[sflag:s28] =	ssyncset.done $0x0  }
0xe7: {  	[sflag:s28] =	ssyncadd.s32 $0xFFFFFFB0  }
0xe8: {  	[tilespmem:s26], [sflag:$0x1] =	stream.indirect.gather [hbm4b:s6+s31], $0x80, s29, s31, $0xb8;
	[tilespmem:$0x1B380] =	vst v63  }
0xe9: {  	_ = 	snop  }
0xea: {  	[spmem:s1] =	stream.indirect.scatter.add.f32 [tilespmem:s8], [sflag:$0x4], $0x80, s3, s31, $0xb8;
	[tilespmem:$0x1B380] =	vst v63  }
0xeb: {  	_ =	swait.ge [sflag:s28], $0x2800  }
0xec: {  	[sflag:s28] =	ssyncset.done $0x0  }
0xed: {  	[sflag:s28] =	ssyncadd.s32 $0xFFFFD800  }
0xee: {  	_ =	swait.ge [sflag:s14], $0x2800  }
0xef: {  	s21 =	rddreg [dreg:$0x4];
	[sflag:s14] =	ssyncset.done $0x0  }
0xf0: {  	[sflag:s14] =	ssyncadd.s32 $0xFFFFD800;
	s20 =	sadd.s32 s19, s21  }
0xf1: {  	[tilespmem:s0], [sflag:$0x4] =	stream.linear.gather [hbm4b:s20+s2], $0x50, $0x38;
	[tilespmem:$0x1B380] =	vst v63  }
0xf2: {  	_ =	swait.ge [sflag:s28], $0x50  }
0xf3: {  	s21 =	rddreg [dreg:$0x3];
	[sflag:s28] =	ssyncset.done $0x0  }
0xf4: {  	[sflag:s28] =	ssyncadd.s32 $0xFFFFFFB0;
	s19 =	sadd.s32 s19, s21  }
0xf5: {  	[tilespmem:s3], [sflag:$0x4] =	stream.linear.gather [hbm4b:s19+s2], $0x50, $0x38;
	[tilespmem:$0x1B380] =	vst v63  }
0xf6: {  	_ =	swait.ge [sflag:s28], $0x50  }
0xf7: {  	[sflag:s28] =	ssyncset.done $0x0  }
0xf8: {  	p1 =	sne.s32 s17, $0x4B0;
	[sflag:s28] =	ssyncadd.s32 $0xFFFFFFB0  }
0xf9: {  	[tilespmem:s8], [sflag:$0x2] =	stream.indirect.gather [hbm4b:s6+s31], $0x80, s0, s31, $0xb8;
	[tilespmem:$0x1B380] =	vst v63  }
.Ltmp1:
0xfa: {  	_ = 	snop;
	(pc) =	sbr.rel @p1 .LBB2_4-.Ltmp1, $4  }
0xfb: {  	_ = 	snop  }
0xfc: {  	[spmem:s1] =	stream.indirect.scatter.add.f32 [tilespmem:s12], [sflag:$0x4], $0x80, s11, s31, $0xb8;
	[tilespmem:$0x1B380] =	vst v63  }
0xfd: {  	_ =	swait.ge [sflag:s28], $0x2800  }
0xfe: {  	s17 =	sadd.s32 $0x1E, s17;
	[sflag:s28] =	ssyncset.done $0x0  }
0xff: {  	[sflag:s28] =	ssyncadd.s32 $0xFFFFD800  }
0x100: {  	_ =	swait.ge [sflag:s9], $0x2800  }
0x101: {  	[sflag:s9] =	ssyncset.done $0x0  }
0x102: {  	[sflag:s9] =	ssyncadd.s32 $0xFFFFD800  }
0x103: {  	[spmem:s1] =	stream.indirect.scatter.add.f32 [tilespmem:s26], [sflag:$0x4], $0x80, s30, s31, $0xb8;
	[tilespmem:$0x1B380] =	vst v63  }
0x104: {  	_ =	swait.ge [sflag:s28], $0x2800  }
0x105: {  	[sflag:s28] =	ssyncset.done $0x0  }
0x106: {  	[sflag:s28] =	ssyncadd.s32 $0xFFFFD800  }
0x107: {  	_ =	swait.ge [sflag:s13], $0x2800  }
0x108: {  	[sflag:s13] =	ssyncset.done $0x0  }
0x109: {  	[sflag:s13] =	ssyncadd.s32 $0xFFFFD800  }
0x10a: {  	[spmem:s1] =	stream.indirect.scatter.add.f32 [tilespmem:s8], [sflag:$0x4], $0x80, s3, s31, $0xb8;
	[tilespmem:$0x1B380] =	vst v63  }
0x10b: {  	_ =	swait.ge [sflag:s28], $0x2800  }
0x10c: {  	[sflag:s28] =	ssyncset.done $0x0  }
0x10d: {  	s17 =	stileid.u32;
	[sflag:s28] =	ssyncadd.s32 $0xFFFFD800  }
0x10e: {  	s17 =	sshll.u32 s17, $0x6;
	[bflag:$0x0] =	sbarrier.arrive $0xFFFF  }
0x10f: {  	s19 =	sshrl.u32 s7, $0x3;
	s17 =	sor.u32 $0x1C04, s17;
	s20 =	rddreg [dreg:$0x10]  }
0x110: {  	[hbm:s20], [sflag:s17] =	dma.local [spmem:s19], $0x2700  }
0x111: {  	s16 =	sadd.s32 $0x1, s16;
	_ =	swait.ge [sflag:s28], $0x2700  }
0x112: {  	p1 =	sne.s32 s16, s22;
	[sflag:s28] =	ssyncset.done $0x0  }
0x113: {  	s19 =	sshrl.u32 @!p0 s15, $0x3;
	s20 =	rddreg [dreg:$0x11];
	[sflag:s28] =	ssyncadd.s32 $0xFFFFD900  }
0x114: {  	[hbm:s20], [sflag:s17] =	dma.local @!p0 [spmem:s19], $0x100  }
.Ltmp2:
0x115: {  	_ = 	snop;
	(pc) =	sbr.rel @p1 .LBB2_1-.Ltmp2, $4  }
0x116: {  	s17 =	simm.s32 @!p0 $0x4  }
0x117: {  	_ =	swait.ge @!p0 [sflag:s17], $0x100  }
0x118: {  	[sflag:s17] =	ssyncset.done @!p0 $0x0  }
0x119: {  	[sflag:s17] =	ssyncadd.s32 @!p0 $0xFFFFFF00  }
0x11a: {  	_ =	sfence.sel $0x180000  }
0x11b: {  	[bflag:$0x0] =	sbarrier.arrive $0xFFFF  }
0x11c: {  	_ =	strace $0x9000004A  }
0x11d: {  	[bflag:$0x2] =	sbarrier.arrive $0xFFFF  }
0x11e: {  	s0 =	rddreg [dreg:$0x2]  }
0x11f: {  	s0 =	sadd.s32 @!p0 $0x100000, s0  }
0x120: {  	[sflag:s0] =	ssyncadd.tile.s32 @!p0 $0x1;
	_ =	shalt  }
.Lfunc_end2:
_tile_overlayer_lowered:
.L_overlay_start_2:
0x121: {  	(tag) =	ssettag $0x2  }
0x122: {  	s0 =	rddreg [dreg:$0x0];
	s2 =	stileid.u32  }
0x123: {  	s1 =	rddreg [dreg:$0x1];
	p0 =	sne.s32 s2, $0x0  }
0x124: {  	s3 =	rddreg [dreg:$0x2];
	[bflag:$0x3] =	sbarrier.arrive $0xFFFF;
	s2 =	simm.s32 @!p0 $0x1C04  }
0x125: {  	[timem:s3], [sflag:s2] =	dma.local @!p0 [hbm:s0], s1  }
0x126: {  	s0 =	simm.s32 @!p0 $0x4  }
0x127: {  	_ =	swait.ge @!p0 [sflag:s0], s1  }
0x128: {  	s1 =	ssub.s32 @!p0 $0x0, s1;
	[sflag:s0] =	ssyncset.done @!p0 $0x0  }
0x129: {  	[sflag:s0] =	ssyncadd.s32 @!p0 s1  }
0x12a: {  	[bflag:$0x3] =	sbarrier.arrive $0xFFFF  }
0x12b: {  	_ =	shalt  }

// kernel: kernel.14.cloned.1.call-start
scs
__scs_entry_jumppad:
0x0: {  	(pc) =	sbr.rel $0x88, $3  }
0x1: {  	(tag) =	ssettag $0x0;
	lr =	simm.s32 $0x1  }
0x2: {  	[smem:$0x3F95] =	sst lr;
	_ =	strace $0xD0000000  }
0x3: {  	_ = 	snop  }
0x4: {  	_ = 	snop  }
0x5: {  	_ = 	snop  }
0x6: {  	_ = 	snop  }
0x7: {  	_ = 	snop  }
__scs_overlays_trampoline_lowered:
0x8: {  	[smem:$0x3FA4] =	sst s0  }
0x9: {  	[smem:$0x3FA5] =	sst s1  }
0xa: {  	[smem:$0x3FA6] =	sst s2  }
0xb: {  	[smem:$0x3FA7] =	sst s3  }
0xc: {  	[smem:$0x3FA8] =	sst s4  }
0xd: {  	[smem:$0x3FA9] =	sst s5  }
0xe: {  	[smem:$0x3FAA] =	sst s6  }
0xf: {  	[smem:$0x3FAB] =	sst s7  }
0x10: {  	[smem:$0x3FAC] =	sst s8  }
0x11: {  	[smem:$0x3FAD] =	sst s9;
	s0 =	simm.s32 @!p0 $0x0  }
0x12: {  	s1 =	sld [smem:$0x3F93];
	s0 =	simm.s32 @p0 $0x1  }
0x13: {  	[smem:$0x3FAE] =	sst s0;
	s0 =	simm.s32 @!p1 $0x0  }
0x14: {  	s2 =	sld [smem:$0x3F92];
	s0 =	simm.s32 @p1 $0x1  }
0x15: {  	[smem:$0x3FAF] =	sst s0;
	s0 =	simm.s32 @!p2 $0x0  }
0x16: {  	s3 =	sld [smem:$0x3FDB];
	s0 =	simm.s32 @p2 $0x1  }
0x17: {  	s4 =	simm.s32 $0x1BF5;
	[smem:$0x3FB1] =	sst s0  }
0x18: {  	s0 =	sld [smem:$0x3F94];
	_ =	swait.ge [sflag:s4], $0x0  }
0x19: {  	s7 =	sld [smem:$0x3F95]  }
0x1a: {  	s8 =	sadd.s32 $0xFFFFE003, lr  }
0x1b: {  	s9 =	sadd.s32 $0xFFFFFEF7, lr;
	s5 =	simm.s32 $0xFFFFFFFF;
	p2 =	slt.u32 s8, $0xFFFFF086  }
0x1c: {  	p1 =	slt.u32 s9, $0xF7A;
	s5 =	simm.s32 @!p2 $0x0  }
0x1d: {  	s5 =	simm.s32 @p1 $0x1;
	p0 =	seq.s32 s7, s2  }
0x1e: {  	s7 =	smul.u32 @!p0 $0xF7A, s2;
	p2 =	seq.s32 @!p0 s5, $0x0  }
0x1f: {  	s9 =	smul.u32 $0xF7A, s1;
	s8 =	simm.s32 @!p0 $0x1BF5;
	p2 =	por !p2, p0  }
0x20: {  	[sflag:s8] =	ssyncset.s32 @!p0 $0xFFFFF086;
	s6 =	sadd.s32 @!p0 s3, s7;
	s7 =	simm.s32 @!p0 $0x108  }
0x21: {  	s3 =	sadd.s32 s3, s9;
	s6 =	sadd.s32 @!p0 $0x88, s6;
	s7 =	simm.s32 @p2 $0x1082  }
0x22: {  	[simem:s7], [sflag:s8] =	dma.local @!p0 [hbm:s6], $0xF7A  }
0x23: {  	s9 =	sor.u32 $0xD0000000, s2;
	s6 =	simm.s32 $0x108;
	_ =	swait.ge @!p0 [sflag:s8], $0x0  }
0x24: {  	s3 =	sadd.s32 $0x88, s3;
	s6 =	simm.s32 @!p1 $0x1082;
	[sflag:s4] =	ssyncset.s32 $0xFFFFF086  }
0x25: {  	[simem:s6], [sflag:s4] =	dma.local [hbm:s3], $0xF7A  }
0x26: {  	[smem:$0x3F95] =	sst s1;
	(tag) =	ssettag s2;
	_ =	strace s9  }
0x27: {  	s1 =	sld [smem:$0x3FA5]  }
0x28: {  	s2 =	sld [smem:$0x3FA6]  }
0x29: {  	s4 =	sld [smem:$0x3FA8]  }
0x2a: {  	p0 =	seq.s32 s5, $0x0;
	s5 =	sld [smem:$0x3FA9]  }
0x2b: {  	s6 =	sld [smem:$0x3FAA]  }
0x2c: {  	s7 =	sld [smem:$0x3FAB]  }
0x2d: {  	s3 =	simm.s32 $0x108;
	s8 =	sld [smem:$0x3FAC]  }
0x2e: {  	s3 =	simm.s32 @!p0 $0x1082;
	s9 =	sld [smem:$0x3FAD]  }
0x2f: {  	lr =	sadd.s32 s0, s3;
	s0 =	sld [smem:$0x3FA4]  }
0x30: {  	s3 =	sld [smem:$0x3FA7]  }
0x31: {  	[smem:$0x3FB0] =	sst s10  }
0x32: {  	s10 =	sld [smem:$0x3FAE];
	_ =	sdelay $0x3  }
0x33: {  	p0 =	seq.s32 s10, $0x1;
	s10 =	sld [smem:$0x3FB0];
	_ =	sdelay $0x3  }
0x34: {  	[smem:$0x3FB0] =	sst s10  }
0x35: {  	s10 =	sld [smem:$0x3FAF];
	_ =	sdelay $0x3  }
0x36: {  	p1 =	seq.s32 s10, $0x1;
	s10 =	sld [smem:$0x3FB0];
	_ =	sdelay $0x3  }
0x37: {  	[smem:$0x3FB0] =	sst s10  }
0x38: {  	s10 =	sld [smem:$0x3FB1]  }
0x39: {  	_ = 	snop;
	(pc) =	sbr.ind lr, $3  }
0x3a: {  	_ = 	snop  }
0x3b: {  	_ = 	snop  }
0x3c: {  	p2 =	seq.s32 s10, $0x1;
	s10 =	sld [smem:$0x3FB0]  }
0x3d: {  	_ =	shalt  }
0x3e: {  	_ =	shalt  }
0x3f: {  	_ =	shalt  }
0x40: {  	_ =	shalt  }
0x41: {  	_ =	shalt  }
0x42: {  	_ =	shalt  }
0x43: {  	_ =	shalt  }
0x44: {  	_ =	shalt  }
0x45: {  	_ =	shalt  }
0x46: {  	_ =	shalt  }
0x47: {  	_ =	shalt  }
0x48: {  	_ =	shalt  }
0x49: {  	_ =	shalt  }
0x4a: {  	_ =	shalt  }
0x4b: {  	_ =	shalt  }
0x4c: {  	_ =	shalt  }
0x4d: {  	_ =	shalt  }
0x4e: {  	_ =	shalt  }
0x4f: {  	_ =	shalt  }
0x50: {  	_ =	shalt  }
0x51: {  	_ =	shalt  }
0x52: {  	_ =	shalt  }
0x53: {  	_ =	shalt  }
0x54: {  	_ =	shalt  }
0x55: {  	_ =	shalt  }
0x56: {  	_ =	shalt  }
0x57: {  	_ =	shalt  }
0x58: {  	_ =	shalt  }
0x59: {  	_ =	shalt  }
0x5a: {  	_ =	shalt  }
0x5b: {  	_ =	shalt  }
0x5c: {  	_ =	shalt  }
0x5d: {  	_ =	shalt  }
0x5e: {  	_ =	shalt  }
0x5f: {  	_ =	shalt  }
0x60: {  	_ =	shalt  }
0x61: {  	_ =	shalt  }
0x62: {  	_ =	shalt  }
0x63: {  	_ =	shalt  }
0x64: {  	_ =	shalt  }
0x65: {  	_ =	shalt  }
0x66: {  	_ =	shalt  }
0x67: {  	_ =	shalt  }
0x68: {  	_ =	shalt  }
0x69: {  	_ =	shalt  }
0x6a: {  	_ =	shalt  }
0x6b: {  	_ =	shalt  }
0x6c: {  	_ =	shalt  }
0x6d: {  	_ =	shalt  }
0x6e: {  	_ =	shalt  }
0x6f: {  	_ =	shalt  }
0x70: {  	_ =	shalt  }
0x71: {  	_ =	shalt  }
0x72: {  	_ =	shalt  }
0x73: {  	_ =	shalt  }
0x74: {  	_ =	shalt  }
0x75: {  	_ =	shalt  }
0x76: {  	_ =	shalt  }
0x77: {  	_ =	shalt  }
0x78: {  	_ =	shalt  }
0x79: {  	_ =	shalt  }
0x7a: {  	_ =	shalt  }
0x7b: {  	_ =	shalt  }
0x7c: {  	_ =	shalt  }
0x7d: {  	_ =	shalt  }
0x7e: {  	_ =	shalt  }
0x7f: {  	_ =	shalt  }
0x80: {  	_ =	shalt  }
0x81: {  	_ =	shalt  }
0x82: {  	_ =	shalt  }
0x83: {  	_ =	shalt  }
0x84: {  	_ =	shalt  }
0x85: {  	_ =	shalt  }
0x86: {  	_ =	shalt  }
0x87: {  	_ =	shalt  }
.Lfunc_end0:
.L_simem_size_0:
called_computation.2_lowered:
.L_overlay_start_0:
0x88: {  	s2 =	sld [smem:$0x3FD9]  }
0x89: {  	s3 =	sld [smem:$0x3FFE];
	_ =	sdelay $0x1  }
0x8a: {  	s1 =	srdreg.scid  }
0x8b: {  	s0 =	sand.u32 $0x1, s1  }
0x8c: {  	s16 =	sshll.u32 s0, $0xA;
	s2 =	sadd.s32 s3, s2  }
0x8d: {  	s2 =	sadd.s32 s2, s16  }
0x8e: {  	[smem:$0x3FBC] =	sst s2  }
0x8f: {  	_ = 	snop  }
0x90: {  	(tm) =	ssettm $0x1  }
0x91: {  	s17 =	sld [smem:$0x3FFB];
	_ =	sdelay $0x3  }
0x92: {  	_ =	strace s17  }
0x93: {  	s2 =	sld [smem:$0x3FFC];
	_ =	sdelay $0x3  }
0x94: {  	_ =	strace s2  }
0x95: {  	s2 =	sld [smem:$0x3FFD];
	_ =	sdelay $0x3  }
0x96: {  	_ =	strace s2  }
0x97: {  	_ =	strace $0x8FFFFFFF  }
0x98: {  	s18 =	sld [smem:$0x3FDB];
	_ =	sdelay $0x1  }
0x99: {  	s19 =	simm.s32 $_scs_section_size  }
0x9a: {  	s4 =	simm.s32 $_size__tile_overlayer_lowered;
	s5 =	simm.s32 $_tile_overlayer_lowered  }
0x9b: {  	s22 =	simm.s32 $0x1BFF;
	s21 =	sshll.u32 s5, $0x1;
	s2 =	sadd.s32 s19, s18  }
0x9c: {  	s6 =	simm.s32 $0x0;
	s20 =	sshll.u32 s4, $0x1;
	s4 =	sadd.s32 s21, s2  }
0x9d: {  	[timem:s6], [sflag:s22] =	dma.local [hbm:s4], s20  }
0x9e: {  	_ =	swait.ge [sflag:s22], s20  }
0x9f: {  	s3 =	ssub.s32 $0x0, s20;
	[sflag:s22] =	ssyncset.done $0x0  }
0xa0: {  	[sflag:s22] =	ssyncadd.s32 s3;
	_ =	sdelay $0x1  }
0xa1: {  	s23 =	simm.s32 $0x1B8B  }
0xa2: {  	_ =	swait.ge [sflag:s23], $0x1  }
0xa3: {  	[sflag:s23] =	ssyncset.done $0x0  }
0xa4: {  	s25 =	simm.s32 $0x1B8E;
	s24 =	sld [smem:$0x3FFE];
	[sflag:s23] =	ssyncadd.s32 $0xFFFFFFFF  }
0xa5: {  	s26 =	simm.s32 $execute0_lowered;
	[smem:$0x3FD2] =	sst s25  }
0xa6: {  	s4 =	sshll.u32 s26, $0x1;
	_ =	strace $0x8000004C;
	[dreg:$0x1] =	wrdreg $0xFFFFFFFF  }
0xa7: {  	s28 =	simm.s32 $_size_execute0_lowered;
	s2 =	sadd.s32 s2, s4;
	[dreg:$0x0] =	wrdreg $0x0  }
0xa8: {  	s4 =	sshll.u32 s28, $0x1;
	[dreg:$0x2] =	wrdreg s2  }
0xa9: {  	[dreg:$0x3] =	wrdreg s4  }
0xaa: {  	[dreg:$0x4] =	wrdreg $0xC0  }
0xab: {  	_ =	task [dreg:s6], $0x5FFFF  }
0xac: {  	[dreg:$0x1] =	wrdreg $0xFFFFFFFF  }
0xad: {  	[dreg:$0x0] =	wrdreg $0x60  }
0xae: {  	[dreg:$0x2] =	wrdreg s24  }
0xaf: {  	[dreg:$0x3] =	wrdreg $0x0  }
0xb0: {  	[dreg:$0x4] =	wrdreg $0x9  }
0xb1: {  	_ =	task.clear_ibuf [dreg:s6], $0x5FFFF;
	_ =	strace $0x9000004C  }
0xb2: {  	s29 =	simm.s32 $0x9;
	_ =	strace $0x8000004E  }
0xb3: {  	_ =	swait.ge [sflag:s29], $0x1  }
0xb4: {  	[sflag:s29] =	ssyncadd.s32 $0xFFFFFFFF  }
0xb5: {  	_ =	strace $0x9000004E  }
0xb6: {  	_ =	sfence  }
0xb7: {  	s30 =	sld [smem:$0x0];
	_ =	sdelay $0x2  }
0xb8: {  	s31 =	sshll.u32 s1, $0xD;
	s1 =	sshrl.u32 s1, $0x2  }
0xb9: {  	s3 =	sand.u32 $0x4000, s31;
	s1 =	sadd.s32 s1, s30  }
0xba: {  	s0 =	sor.u32 s3, s0;
	s1 =	sshll.u32 s1, $0x11  }
0xbb: {  	s0 =	sor.u32 s1, s0  }
0xbc: {  	s0 =	sadd.s32 $0x8F2B, s0  }
0xbd: {  	[sflag:s0] =	ssyncadd.remote.s32 $0x1  }
0xbe: {  	_ =	sfence.sel $0xFFFF  }
0xbf: {  	[dreg:$0x0] =	wrdreg $0xFFFFFFFF;
	(pc) =	sbr.abs _section_cstart, $3  }
0xc0: {  	[dreg:$0x1] =	wrdreg $0xFFFFFFFF  }
0xc1: {  	_ =	task.clear_ibuf [dreg:s6], $0x2FFFF;
	_ =	strace $0x9FFFFFFF  }
0xc2: {  	(tm) =	ssettm $0x7FFFFFFF  }
0xc3: {  	_ =	shalt  }
tec
execute0_lowered:
.L_overlay_start_1:
0x0: {  	(tag) =	ssettag $0x1  }
0x1: {  	s0 =	rddreg [dreg:$0x0]  }
0x2: {  	s1 =	rddreg [dreg:$0x1];
	s2 =	simm.s32 $0x0  }
0x3: {  	s12 =	stileid.u32;
	s3 =	srdreg.scid;
	s28 =	simm.s32 $0x4  }
0x4: {  	s29 =	simm.s32 $0x13880;
	s30 =	simm.s32 $0x13A00;
	s31 =	simm.s32 $0x50  }
0x5: {  	[smem:$0x7FF] =	sst s2;
	s7 =	smul.u32 $0x4E000, s12;
	s4 =	sadd.s32 $0xCE00, s0  }
0x6: {  	s5 =	sadd.s32 $0x3000, s0;
	s3 =	sand.u32 $0x1, s3;
	s26 =	smul.u32 $0x2710, s12  }
0x7: {  	s6 =	sadd.s32 $0x16C00, s0;
	s0 =	sadd.s32 $0x3DE00, s0;
	s16 =	smul.u32 $0x13800, s12  }
0x8: {  	p0 =	sne.s32 s12, $0x0;
	s12 =	simm.s32 $0x18B80;
	_ =	strace $0x8000004D  }
0x9: {  	s8 =	ssub.s32 $0x2, s3;
	s24 =	smul.u32 $0x27100, s3;
	s7 =	sshrl.u32 s7, $0x2  }
0xa: {  	s3 =	smul.u32 $0x138800, s3;
	s9 =	sshrl.u32 s8, $0x1;
	s7 =	sadd.s32 s7, s1  }
0xb: {  	s8 =	ssub.s32 s8, s9;
	s9 =	sadd.s32 s26, s24;
	s23 =	sadd.s32 $0x2800, s7  }
0xc: {  	s19 =	sadd.s32 s16, s3;
	s10 =	sadd.s32 $0x5000, s7;
	[dreg:$0x5] =	wrdreg s23  }
0xd: {  	s3 =	sshrl.u32 s3, $0x3;
	s25 =	sadd.s32 $0x7800, s7;
	[dreg:$0x6] =	wrdreg s10  }
0xe: {  	s16 =	simm.s32 $0x0;
	s11 =	sadd.s32 $0xA000, s7;
	[dreg:$0x7] =	wrdreg s25  }
0xf: {  	s13 =	sadd.s32 $0xC800, s7;
	s14 =	sadd.s32 $0xF000, s7;
	[dreg:$0x8] =	wrdreg s11  }
0x10: {  	s15 =	sadd.s32 $0x11800, s7;
	s20 =	sadd.s32 $0x140, s9;
	[dreg:$0x9] =	wrdreg s13  }
0x11: {  	s22 =	smax.u32 s8, $0x1;
	s8 =	simm.s32 $0x16380;
	[dreg:$0xa] =	wrdreg s14  }
0x12: {  	[dreg:$0xb] =	wrdreg s15;
	s15 =	sadd.s32 $0x138000, s1;
	s10 =	sshrl.u32 s9, $0x3  }
0x13: {  	s21 =	sshrl.u32 s20, $0x3;
	s25 =	sadd.s32 $0xA0, s9;
	s11 =	simm.s32 $0x13B00  }
0x14: {  	s14 =	simm.s32 $0x3;
	s13 =	sadd.s32 s4, s10;
	s17 =	sadd.s32 s5, s10  }
0x15: {  	s10 =	sadd.s32 $0xA, s10;
	s23 =	sadd.s32 s21, s5;
	[dreg:$0xc] =	wrdreg s13  }
0x16: {  	s24 =	sadd.s32 s21, s4;
	s26 =	sshrl.u32 s25, $0x3;
	[dreg:$0xd] =	wrdreg s17  }
0x17: {  	s18 =	sadd.s32 s4, s10;
	s10 =	sadd.s32 s5, s10;
	[dreg:$0x3] =	wrdreg s23  }
0x18: {  	[dreg:$0x4] =	wrdreg s24;
	s24 =	sadd.s32 s26, s5;
	s25 =	sadd.s32 s26, s4  }
0x19: {  	s26 =	simm.s32 $0x13B80;
	s13 =	simm.s32 $0x2;
	[dreg:$0xe] =	wrdreg s18  }
0x1a: {  	[dreg:$0xf] =	wrdreg s10;
	s10 =	sshrl.u32 s19, $0x3;
	s18 =	sadd.s32 $0xF0, s9  }
0x1b: {  	s9 =	simm.s32 $0x1;
	s10 =	sadd.s32 s0, s10;
	s0 =	sadd.s32 s0, s3  }
0x1c: {  	s3 =	simm.s32 $0x13A80;
	[dreg:$0x10] =	wrdreg s10;
	s0 =	sadd.s32 $0x27000, s0  }
0x1d: {  	v0 =	vimm.f32 $0.0e+00;
	s10 =	simm.s32 $0x13980;
	[dreg:$0x11] =	wrdreg s0;
	s0 =	simm.s32 $0x13900  }
.LBB2_1:
0x1e: {  	s17 =	simm.s32 $0x13C80  }
0x1f: {  	[tilespmem:s17+$0xFFFFFF00] =	vst v0  }
0x20: {  	[tilespmem:s17+$0xF0] =	vst v0  }
0x21: {  	[tilespmem:s17+$0xE0] =	vst v0  }
0x22: {  	[tilespmem:s17+$0xD0] =	vst v0  }
0x23: {  	[tilespmem:s17+$0xC0] =	vst v0  }
0x24: {  	[tilespmem:s17+$0xB0] =	vst v0  }
0x25: {  	[tilespmem:s17+$0xA0] =	vst v0  }
0x26: {  	[tilespmem:s17+$0x90] =	vst v0  }
0x27: {  	[tilespmem:s17+$0x80] =	vst v0  }
0x28: {  	[tilespmem:s17+$0x70] =	vst v0  }
0x29: {  	[tilespmem:s17+$0x60] =	vst v0  }
0x2a: {  	[tilespmem:s17+$0x50] =	vst v0  }
0x2b: {  	[tilespmem:s17+$0x40] =	vst v0  }
0x2c: {  	[tilespmem:s17+$0x30] =	vst v0  }
0x2d: {  	[tilespmem:s17+$0x20] =	vst v0  }
0x2e: {  	[tilespmem:s17+$0x10] =	vst v0  }
0x2f: {  	[tilespmem:s17+$0x0] =	vst v0  }
0x30: {  	[tilespmem:s17+$0xFFFFFFF0] =	vst v0  }
0x31: {  	[tilespmem:s17+$0xFFFFFFE0] =	vst v0  }
0x32: {  	[tilespmem:s17+$0xFFFFFFD0] =	vst v0  }
0x33: {  	[tilespmem:s17+$0xFFFFFFC0] =	vst v0  }
0x34: {  	[tilespmem:s17+$0xFFFFFFB0] =	vst v0  }
0x35: {  	[tilespmem:s17+$0xFFFFFFA0] =	vst v0  }
0x36: {  	[tilespmem:s17+$0xFFFFFF90] =	vst v0  }
0x37: {  	[tilespmem:s17+$0xFFFFFF80] =	vst v0  }
0x38: {  	[tilespmem:s17+$0xFFFFFF70] =	vst v0  }
0x39: {  	[tilespmem:s17+$0xFFFFFF60] =	vst v0  }
0x3a: {  	[tilespmem:s17+$0xFFFFFF50] =	vst v0  }
0x3b: {  	[tilespmem:s17+$0xFFFFFF40] =	vst v0  }
0x3c: {  	[tilespmem:s17+$0xFFFFFF30] =	vst v0  }
0x3d: {  	s19 =	simm.s32 $0x0;
	[tilespmem:s17+$0xFFFFFF20] =	vst v0  }
.LBB2_2:
0x3e: {  	s19 =	sadd.s32 $0x4, s19;
	[tilespmem:s17+$0xFFFFFF10] =	vst v0;
	s17 =	sadd.s32 $0x200, s17  }
0x3f: {  	[tilespmem:s17+$0xFFFFFF00] =	vst v0;
	p1 =	slt.u32 s19, $0x4C  }
0x40: {  	[tilespmem:s17+$0xF0] =	vst v0  }
0x41: {  	[tilespmem:s17+$0xE0] =	vst v0  }
0x42: {  	[tilespmem:s17+$0xD0] =	vst v0  }
0x43: {  	[tilespmem:s17+$0xC0] =	vst v0  }
0x44: {  	[tilespmem:s17+$0xB0] =	vst v0  }
0x45: {  	[tilespmem:s17+$0xA0] =	vst v0  }
0x46: {  	[tilespmem:s17+$0x90] =	vst v0  }
0x47: {  	[tilespmem:s17+$0x80] =	vst v0  }
0x48: {  	[tilespmem:s17+$0x70] =	vst v0  }
0x49: {  	[tilespmem:s17+$0x60] =	vst v0  }
0x4a: {  	[tilespmem:s17+$0x50] =	vst v0  }
0x4b: {  	[tilespmem:s17+$0x40] =	vst v0  }
0x4c: {  	[tilespmem:s17+$0x30] =	vst v0  }
0x4d: {  	[tilespmem:s17+$0x20] =	vst v0  }
0x4e: {  	[tilespmem:s17+$0x10] =	vst v0  }
0x4f: {  	[tilespmem:s17+$0x0] =	vst v0  }
0x50: {  	[tilespmem:s17+$0xFFFFFFF0] =	vst v0  }
0x51: {  	[tilespmem:s17+$0xFFFFFFE0] =	vst v0  }
0x52: {  	[tilespmem:s17+$0xFFFFFFD0] =	vst v0  }
0x53: {  	[tilespmem:s17+$0xFFFFFFC0] =	vst v0  }
0x54: {  	[tilespmem:s17+$0xFFFFFFB0] =	vst v0  }
0x55: {  	[tilespmem:s17+$0xFFFFFFA0] =	vst v0  }
0x56: {  	[tilespmem:s17+$0xFFFFFF90] =	vst v0  }
0x57: {  	[tilespmem:s17+$0xFFFFFF80] =	vst v0  }
0x58: {  	[tilespmem:s17+$0xFFFFFF70] =	vst v0  }
.Ltmp0:
0x59: {  	[tilespmem:s17+$0xFFFFFF60] =	vst v0;
	(pc) =	sbr.rel @p1 .LBB2_2-.Ltmp0, $4  }
0x5a: {  	[tilespmem:s17+$0xFFFFFF50] =	vst v0  }
0x5b: {  	[tilespmem:s17+$0xFFFFFF40] =	vst v0  }
0x5c: {  	[tilespmem:s17+$0xFFFFFF30] =	vst v0  }
0x5d: {  	[tilespmem:s17+$0xFFFFFF20] =	vst v0  }
0x5e: {  	[tilespmem:s17+$0xFFFFFF10] =	vst v0  }
0x5f: {  	[spmem:s7] =	stream.linear.scatter [tilespmem:s26], [sflag:$0x4], $0x2800, $0x38;
	[tilespmem:$0x1B380] =	vst v63  }
0x60: {  	_ =	swait.ge [sflag:s28], $0x2800  }
0x61: {  	[sflag:s28] =	ssyncset.done $0x0  }
0x62: {  	s21 =	rddreg [dreg:$0x5];
	[sflag:s28] =	ssyncadd.s32 $0xFFFFD800  }
0x63: {  	[spmem:s21] =	stream.linear.scatter [tilespmem:s26], [sflag:$0x4], $0x2800, $0x38;
	[tilespmem:$0x1B380] =	vst v63  }
0x64: {  	_ =	swait.ge [sflag:s28], $0x2800  }
0x65: {  	[sflag:s28] =	ssyncset.done $0x0  }
0x66: {  	s23 =	rddreg [dreg:$0x6];
	[sflag:s28] =	ssyncadd.s32 $0xFFFFD800  }
0x67: {  	[spmem:s23] =	stream.linear.scatter [tilespmem:s26], [sflag:$0x4], $0x2800, $0x38;
	[tilespmem:$0x1B380] =	vst v63  }
0x68: {  	_ =	swait.ge [sflag:s28], $0x2800  }
0x69: {  	[sflag:s28] =	ssyncset.done $0x0  }
0x6a: {  	s19 =	rddreg [dreg:$0x7];
	[sflag:s28] =	ssyncadd.s32 $0xFFFFD800  }
0x6b: {  	[spmem:s19] =	stream.linear.scatter [tilespmem:s26], [sflag:$0x4], $0x2800, $0x38;
	[tilespmem:$0x1B380] =	vst v63  }
0x6c: {  	_ =	swait.ge [sflag:s28], $0x2800  }
0x6d: {  	[sflag:s28] =	ssyncset.done $0x0  }
0x6e: {  	s20 =	rddreg [dreg:$0x8];
	[sflag:s28] =	ssyncadd.s32 $0xFFFFD800  }
0x6f: {  	[spmem:s20] =	stream.linear.scatter [tilespmem:s26], [sflag:$0x4], $0x2800, $0x38;
	[tilespmem:$0x1B380] =	vst v63  }
0x70: {  	_ =	swait.ge [sflag:s28], $0x2800  }
0x71: {  	[sflag:s28] =	ssyncset.done $0x0  }
0x72: {  	s21 =	rddreg [dreg:$0x9];
	[sflag:s28] =	ssyncadd.s32 $0xFFFFD800  }
0x73: {  	[spmem:s21] =	stream.linear.scatter [tilespmem:s26], [sflag:$0x4], $0x2800, $0x38;
	[tilespmem:$0x1B380] =	vst v63  }
0x74: {  	_ =	swait.ge [sflag:s28], $0x2800  }
0x75: {  	[sflag:s28] =	ssyncset.done $0x0  }
0x76: {  	s23 =	rddreg [dreg:$0xa];
	[sflag:s28] =	ssyncadd.s32 $0xFFFFD800  }
0x77: {  	[spmem:s23] =	stream.linear.scatter [tilespmem:s26], [sflag:$0x4], $0x2800, $0x38;
	[tilespmem:$0x1B380] =	vst v63  }
0x78: {  	_ =	swait.ge [sflag:s28], $0x2800  }
0x79: {  	[sflag:s28] =	ssyncset.done $0x0  }
0x7a: {  	s19 =	rddreg [dreg:$0xb];
	[sflag:s28] =	ssyncadd.s32 $0xFFFFD800  }
0x7b: {  	[spmem:s19] =	stream.linear.scatter [tilespmem:s26], [sflag:$0x4], $0x2000, $0x38;
	[tilespmem:$0x1B380] =	vst v63  }
0x7c: {  	_ =	swait.ge [sflag:s28], $0x2000  }
0x7d: {  	[sflag:s28] =	ssyncset.done $0x0  }
0x7e: {  	s17 =	simm.s32 @!p0 $0x13B80;
	[sflag:s28] =	ssyncadd.s32 $0xFFFFE000  }
0x7f: {  	[spmem:s15] =	stream.linear.scatter @!p0 [tilespmem:s17], [sflag:$0x4], $0x800, $0x38;
	[tilespmem:$0x1B380] =	vst v63  }
0x80: {  	s17 =	simm.s32 @!p0 $0x4  }
0x81: {  	_ =	swait.ge @!p0 [sflag:s17], $0x800  }
0x82: {  	[sflag:s17] =	ssyncset.done @!p0 $0x0  }
0x83: {  	[sflag:s17] =	ssyncadd.s32 @!p0 $0xFFFFF800  }
0x84: {  	[bflag:$0x0] =	sbarrier.arrive $0xFFFF  }
0x85: {  	s17 =	simm.s32 $0x0;
	s19 =	rddreg [dreg:$0xc]  }
0x86: {  	[tilespmem:s29], [sflag:$0x4] =	stream.linear.gather [hbm4b:s19+s17], $0x50, $0x38;
	[tilespmem:$0x1B380] =	vst v63  }
0x87: {  	_ =	swait.ge [sflag:s28], $0x50  }
0x88: {  	[sflag:s28] =	ssyncset.done $0x0  }
0x89: {  	s20 =	rddreg [dreg:$0xd];
	[sflag:s28] =	ssyncadd.s32 $0xFFFFFFB0  }
0x8a: {  	[tilespmem:s30], [sflag:$0x4] =	stream.linear.gather [hbm4b:s20+s17], $0x50, $0x38;
	[tilespmem:$0x1B380] =	vst v63  }
0x8b: {  	_ =	swait.ge [sflag:s28], $0x50  }
0x8c: {  	[sflag:s28] =	ssyncset.done $0x0  }
0x8d: {  	[sflag:s28] =	ssyncadd.s32 $0xFFFFFFB0  }
0x8e: {  	[tilespmem:s26], [sflag:$0x1] =	stream.indirect.gather [hbm4b:s6+s31], $0x80, s29, s31, $0xb8;
	[tilespmem:$0x1B380] =	vst v63  }
0x8f: {  	s21 =	rddreg [dreg:$0xe]  }
0x90: {  	[tilespmem:s0], [sflag:$0x4] =	stream.linear.gather [hbm4b:s21+s17], $0x50, $0x38;
	[tilespmem:$0x1B380] =	vst v63  }
0x91: {  	_ =	swait.ge [sflag:s28], $0x50  }
0x92: {  	[sflag:s28] =	ssyncset.done $0x0  }
0x93: {  	s23 =	rddreg [dreg:$0xf];
	[sflag:s28] =	ssyncadd.s32 $0xFFFFFFB0  }
0x94: {  	[tilespmem:s3], [sflag:$0x4] =	stream.linear.gather [hbm4b:s23+s17], $0x50, $0x38;
	[tilespmem:$0x1B380] =	vst v63  }
0x95: {  	_ =	swait.ge [sflag:s28], $0x50  }
0x96: {  	[sflag:s28] =	ssyncset.done $0x0  }
0x97: {  	[sflag:s28] =	ssyncadd.s32 $0xFFFFFFB0  }
0x98: {  	[tilespmem:s8], [sflag:$0x2] =	stream.indirect.gather [hbm4b:s6+s31], $0x80, s0, s31, $0xb8;
	[tilespmem:$0x1B380] =	vst v63  }
0x99: {  	_ =	swait.ge [sflag:s9], $0x2800  }
0x9a: {  	[sflag:s9] =	ssyncset.done $0x0  }
0x9b: {  	s20 =	sadd.s32 $0x0, s25;
	[sflag:s9] =	ssyncadd.s32 $0xFFFFD800  }
0x9c: {  	[tilespmem:s10], [sflag:$0x4] =	stream.linear.gather [hbm4b:s20+s2], $0x50, $0x38;
	[tilespmem:$0x1B380] =	vst v63  }
0x9d: {  	_ =	swait.ge [sflag:s28], $0x50  }
0x9e: {  	[sflag:s28] =	ssyncset.done $0x0  }
0x9f: {  	s21 =	sadd.s32 $0x0, s24;
	[sflag:s28] =	ssyncadd.s32 $0xFFFFFFB0  }
0xa0: {  	[tilespmem:s11], [sflag:$0x4] =	stream.linear.gather [hbm4b:s21+s2], $0x50, $0x38;
	[tilespmem:$0x1B380] =	vst v63  }
0xa1: {  	_ =	swait.ge [sflag:s28], $0x50  }
0xa2: {  	[sflag:s28] =	ssyncset.done $0x0  }
0xa3: {  	[sflag:s28] =	ssyncadd.s32 $0xFFFFFFB0  }
0xa4: {  	[tilespmem:s12], [sflag:$0x3] =	stream.indirect.gather [hbm4b:s6+s31], $0x80, s10, s31, $0xb8;
	[tilespmem:$0x1B380] =	vst v63  }
0xa5: {  	_ = 	snop  }
0xa6: {  	[spmem:s1] =	stream.indirect.scatter.add.f32 [tilespmem:s26], [sflag:$0x4], $0x80, s30, s31, $0xb8;
	[tilespmem:$0x1B380] =	vst v63  }
0xa7: {  	_ =	swait.ge [sflag:s28], $0x2800  }
0xa8: {  	[sflag:s28] =	ssyncset.done $0x0  }
0xa9: {  	[sflag:s28] =	ssyncadd.s32 $0xFFFFD800  }
0xaa: {  	_ =	swait.ge [sflag:s13], $0x2800  }
0xab: {  	s23 =	sshrl.u32 s18, $0x3;
	[sflag:s13] =	ssyncset.done $0x0  }
0xac: {  	s20 =	sadd.s32 s4, s23;
	[sflag:s13] =	ssyncadd.s32 $0xFFFFD800  }
0xad: {  	[tilespmem:s29], [sflag:$0x4] =	stream.linear.gather [hbm4b:s20+s2], $0x50, $0x38;
	[tilespmem:$0x1B380] =	vst v63  }
0xae: {  	_ =	swait.ge [sflag:s28], $0x50  }
0xaf: {  	[sflag:s28] =	ssyncset.done $0x0  }
0xb0: {  	s17 =	sadd.s32 s5, s23;
	[sflag:s28] =	ssyncadd.s32 $0xFFFFFFB0  }
0xb1: {  	[tilespmem:s30], [sflag:$0x4] =	stream.linear.gather [hbm4b:s17+s2], $0x50, $0x38;
	[tilespmem:$0x1B380] =	vst v63  }
0xb2: {  	_ =	swait.ge [sflag:s28], $0x50  }
0xb3: {  	[sflag:s28] =	ssyncset.done $0x0  }
0xb4: {  	[sflag:s28] =	ssyncadd.s32 $0xFFFFFFB0  }
0xb5: {  	[tilespmem:s26], [sflag:$0x1] =	stream.indirect.gather [hbm4b:s6+s31], $0x80, s29, s31, $0xb8;
	[tilespmem:$0x1B380] =	vst v63  }
0xb6: {  	_ = 	snop  }
0xb7: {  	[spmem:s1] =	stream.indirect.scatter.add.f32 [tilespmem:s8], [sflag:$0x4], $0x80, s3, s31, $0xb8;
	[tilespmem:$0x1B380] =	vst v63  }
0xb8: {  	_ =	swait.ge [sflag:s28], $0x2800  }
0xb9: {  	[sflag:s28] =	ssyncset.done $0x0  }
0xba: {  	[sflag:s28] =	ssyncadd.s32 $0xFFFFD800  }
0xbb: {  	_ =	swait.ge [sflag:s14], $0x2800  }
0xbc: {  	s21 =	rddreg [dreg:$0x4];
	[sflag:s14] =	ssyncset.done $0x0  }
0xbd: {  	[sflag:s14] =	ssyncadd.s32 $0xFFFFD800;
	s17 =	sadd.s32 $0x0, s21  }
0xbe: {  	[tilespmem:s0], [sflag:$0x4] =	stream.linear.gather [hbm4b:s17+s2], $0x50, $0x38;
	[tilespmem:$0x1B380] =	vst v63  }
0xbf: {  	_ =	swait.ge [sflag:s28], $0x50  }
0xc0: {  	s23 =	rddreg [dreg:$0x3];
	[sflag:s28] =	ssyncset.done $0x0  }
0xc1: {  	[sflag:s28] =	ssyncadd.s32 $0xFFFFFFB0;
	s17 =	sadd.s32 $0x0, s23  }
0xc2: {  	[tilespmem:s3], [sflag:$0x4] =	stream.linear.gather [hbm4b:s17+s2], $0x50, $0x38;
	[tilespmem:$0x1B380] =	vst v63  }
0xc3: {  	_ =	swait.ge [sflag:s28], $0x50  }
0xc4: {  	[sflag:s28] =	ssyncset.done $0x0  }
0xc5: {  	[sflag:s28] =	ssyncadd.s32 $0xFFFFFFB0  }
0xc6: {  	[tilespmem:s8], [sflag:$0x2] =	stream.indirect.gather [hbm4b:s6+s31], $0x80, s0, s31, $0xb8;
	[tilespmem:$0x1B380] =	vst v63  }
0xc7: {  	_ = 	snop  }
0xc8: {  	[spmem:s1] =	stream.indirect.scatter.add.f32 [tilespmem:s12], [sflag:$0x4], $0x80, s11, s31, $0xb8;
	[tilespmem:$0x1B380] =	vst v63  }
0xc9: {  	_ =	swait.ge [sflag:s28], $0x2800  }
0xca: {  	s23 =	smov.u32 s18;
	s17 =	simm.s32 $0x1E;
	[sflag:s28] =	ssyncset.done $0x0  }
.LBB2_4:
0xcb: {  	[sflag:s28] =	ssyncadd.s32 $0xFFFFD800  }
0xcc: {  	_ =	swait.ge [sflag:s9], $0x2800  }
0xcd: {  	s19 =	smov.u32 s17;
	[sflag:s9] =	ssyncset.done $0x0  }
0xce: {  	s20 =	sadd.s32 s19, s25;
	[sflag:s9] =	ssyncadd.s32 $0xFFFFD800  }
0xcf: {  	[tilespmem:s10], [sflag:$0x4] =	stream.linear.gather [hbm4b:s20+s2], $0x50, $0x38;
	[tilespmem:$0x1B380] =	vst v63  }
0xd0: {  	_ =	swait.ge [sflag:s28], $0x50  }
0xd1: {  	[sflag:s28] =	ssyncset.done $0x0  }
0xd2: {  	s21 =	sadd.s32 s19, s24;
	[sflag:s28] =	ssyncadd.s32 $0xFFFFFFB0  }
0xd3: {  	[tilespmem:s11], [sflag:$0x4] =	stream.linear.gather [hbm4b:s21+s2], $0x50, $0x38;
	[tilespmem:$0x1B380] =	vst v63  }
0xd4: {  	_ =	swait.ge [sflag:s28], $0x50  }
0xd5: {  	[sflag:s28] =	ssyncset.done $0x0  }
0xd6: {  	[sflag:s28] =	ssyncadd.s32 $0xFFFFFFB0  }
0xd7: {  	[tilespmem:s12], [sflag:$0x3] =	stream.indirect.gather [hbm4b:s6+s31], $0x80, s10, s31, $0xb8;
	[tilespmem:$0x1B380] =	vst v63  }
0xd8: {  	_ = 	snop  }
0xd9: {  	[spmem:s1] =	stream.indirect.scatter.add.f32 [tilespmem:s26], [sflag:$0x4], $0x80, s30, s31, $0xb8;
	[tilespmem:$0x1B380] =	vst v63  }
0xda: {  	_ =	swait.ge [sflag:s28], $0x2800  }
0xdb: {  	[sflag:s28] =	ssyncset.done $0x0  }
0xdc: {  	[sflag:s28] =	ssyncadd.s32 $0xFFFFD800  }
0xdd: {  	s23 =	sadd.s32 $0xF0, s23;
	_ =	swait.ge [sflag:s13], $0x2800  }
0xde: {  	s20 =	sshrl.u32 s23, $0x3;
	[sflag:s13] =	ssyncset.done $0x0  }
0xdf: {  	s21 =	sadd.s32 s4, s20;
	[sflag:s13] =	ssyncadd.s32 $0xFFFFD800  }
0xe0: {  	[tilespmem:s29], [sflag:$0x4] =	stream.linear.gather [hbm4b:s21+s2], $0x50, $0x38;
	[tilespmem:$0x1B380] =	vst v63  }
0xe1: {  	_ =	swait.ge [sflag:s28], $0x50  }
0xe2: {  	[sflag:s28] =	ssyncset.done $0x0  }
0xe3: {  	s20 =	sadd.s32 s5, s20;
	[sflag:s28] =	ssyncadd.s32 $0xFFFFFFB0  }
0xe4: {  	[tilespmem:s30], [sflag:$0x4] =	stream.linear.gather [hbm4b:s20+s2], $0x50, $0x38;
	[tilespmem:$0x1B380] =	vst v63  }
0xe5: {  	_ =	swait.ge [sflag:s28], $0x50  }
0xe6: {  	[sflag:s28] =	ssyncset.done $0x0  }
0xe7: {  	[sflag:s28] =	ssyncadd.s32 $0xFFFFFFB0  }
0xe8: {  	[tilespmem:s26], [sflag:$0x1] =	stream.indirect.gather [hbm4b:s6+s31], $0x80, s29, s31, $0xb8;
	[tilespmem:$0x1B380] =	vst v63  }
0xe9: {  	_ = 	snop  }
0xea: {  	[spmem:s1] =	stream.indirect.scatter.add.f32 [tilespmem:s8], [sflag:$0x4], $0x80, s3, s31, $0xb8;
	[tilespmem:$0x1B380] =	vst v63  }
0xeb: {  	_ =	swait.ge [sflag:s28], $0x2800  }
0xec: {  	[sflag:s28] =	ssyncset.done $0x0  }
0xed: {  	[sflag:s28] =	ssyncadd.s32 $0xFFFFD800  }
0xee: {  	_ =	swait.ge [sflag:s14], $0x2800  }
0xef: {  	s21 =	rddreg [dreg:$0x4];
	[sflag:s14] =	ssyncset.done $0x0  }
0xf0: {  	[sflag:s14] =	ssyncadd.s32 $0xFFFFD800;
	s20 =	sadd.s32 s19, s21  }
0xf1: {  	[tilespmem:s0], [sflag:$0x4] =	stream.linear.gather [hbm4b:s20+s2], $0x50, $0x38;
	[tilespmem:$0x1B380] =	vst v63  }
0xf2: {  	_ =	swait.ge [sflag:s28], $0x50  }
0xf3: {  	s21 =	rddreg [dreg:$0x3];
	[sflag:s28] =	ssyncset.done $0x0  }
0xf4: {  	[sflag:s28] =	ssyncadd.s32 $0xFFFFFFB0;
	s19 =	sadd.s32 s19, s21  }
0xf5: {  	[tilespmem:s3], [sflag:$0x4] =	stream.linear.gather [hbm4b:s19+s2], $0x50, $0x38;
	[tilespmem:$0x1B380] =	vst v63  }
0xf6: {  	_ =	swait.ge [sflag:s28], $0x50  }
0xf7: {  	[sflag:s28] =	ssyncset.done $0x0  }
0xf8: {  	p1 =	sne.s32 s17, $0x4B0;
	[sflag:s28] =	ssyncadd.s32 $0xFFFFFFB0  }
0xf9: {  	[tilespmem:s8], [sflag:$0x2] =	stream.indirect.gather [hbm4b:s6+s31], $0x80, s0, s31, $0xb8;
	[tilespmem:$0x1B380] =	vst v63  }
.Ltmp1:
0xfa: {  	_ = 	snop;
	(pc) =	sbr.rel @p1 .LBB2_4-.Ltmp1, $4  }
0xfb: {  	_ = 	snop  }
0xfc: {  	[spmem:s1] =	stream.indirect.scatter.add.f32 [tilespmem:s12], [sflag:$0x4], $0x80, s11, s31, $0xb8;
	[tilespmem:$0x1B380] =	vst v63  }
0xfd: {  	_ =	swait.ge [sflag:s28], $0x2800  }
0xfe: {  	s17 =	sadd.s32 $0x1E, s17;
	[sflag:s28] =	ssyncset.done $0x0  }
0xff: {  	[sflag:s28] =	ssyncadd.s32 $0xFFFFD800  }
0x100: {  	_ =	swait.ge [sflag:s9], $0x2800  }
0x101: {  	[sflag:s9] =	ssyncset.done $0x0  }
0x102: {  	[sflag:s9] =	ssyncadd.s32 $0xFFFFD800  }
0x103: {  	[spmem:s1] =	stream.indirect.scatter.add.f32 [tilespmem:s26], [sflag:$0x4], $0x80, s30, s31, $0xb8;
	[tilespmem:$0x1B380] =	vst v63  }
0x104: {  	_ =	swait.ge [sflag:s28], $0x2800  }
0x105: {  	[sflag:s28] =	ssyncset.done $0x0  }
0x106: {  	[sflag:s28] =	ssyncadd.s32 $0xFFFFD800  }
0x107: {  	_ =	swait.ge [sflag:s13], $0x2800  }
0x108: {  	[sflag:s13] =	ssyncset.done $0x0  }
0x109: {  	[sflag:s13] =	ssyncadd.s32 $0xFFFFD800  }
0x10a: {  	[spmem:s1] =	stream.indirect.scatter.add.f32 [tilespmem:s8], [sflag:$0x4], $0x80, s3, s31, $0xb8;
	[tilespmem:$0x1B380] =	vst v63  }
0x10b: {  	_ =	swait.ge [sflag:s28], $0x2800  }
0x10c: {  	[sflag:s28] =	ssyncset.done $0x0  }
0x10d: {  	s17 =	stileid.u32;
	[sflag:s28] =	ssyncadd.s32 $0xFFFFD800  }
0x10e: {  	s17 =	sshll.u32 s17, $0x6;
	[bflag:$0x0] =	sbarrier.arrive $0xFFFF  }
0x10f: {  	s19 =	sshrl.u32 s7, $0x3;
	s17 =	sor.u32 $0x1C04, s17;
	s20 =	rddreg [dreg:$0x10]  }
0x110: {  	[hbm:s20], [sflag:s17] =	dma.local [spmem:s19], $0x2700  }
0x111: {  	s16 =	sadd.s32 $0x1, s16;
	_ =	swait.ge [sflag:s28], $0x2700  }
0x112: {  	p1 =	sne.s32 s16, s22;
	[sflag:s28] =	ssyncset.done $0x0  }
0x113: {  	s19 =	sshrl.u32 @!p0 s15, $0x3;
	s20 =	rddreg [dreg:$0x11];
	[sflag:s28] =	ssyncadd.s32 $0xFFFFD900  }
0x114: {  	[hbm:s20], [sflag:s17] =	dma.local @!p0 [spmem:s19], $0x100  }
.Ltmp2:
0x115: {  	_ = 	snop;
	(pc) =	sbr.rel @p1 .LBB2_1-.Ltmp2, $4  }
0x116: {  	s17 =	simm.s32 @!p0 $0x4  }
0x117: {  	_ =	swait.ge @!p0 [sflag:s17], $0x100  }
0x118: {  	[sflag:s17] =	ssyncset.done @!p0 $0x0  }
0x119: {  	[sflag:s17] =	ssyncadd.s32 @!p0 $0xFFFFFF00  }
0x11a: {  	_ =	sfence.sel $0x180000  }
0x11b: {  	[bflag:$0x0] =	sbarrier.arrive $0xFFFF  }
0x11c: {  	_ =	strace $0x9000004D  }
0x11d: {  	[bflag:$0x2] =	sbarrier.arrive $0xFFFF  }
0x11e: {  	s0 =	rddreg [dreg:$0x2]  }
0x11f: {  	s0 =	sadd.s32 @!p0 $0x100000, s0  }
0x120: {  	[sflag:s0] =	ssyncadd.tile.s32 @!p0 $0x1;
	_ =	shalt  }
.Lfunc_end2:
_tile_overlayer_lowered:
.L_overlay_start_2:
0x121: {  	(tag) =	ssettag $0x2  }
0x122: {  	s0 =	rddreg [dreg:$0x0];
	s2 =	stileid.u32  }
0x123: {  	s1 =	rddreg [dreg:$0x1];
	p0 =	sne.s32 s2, $0x0  }
0x124: {  	s3 =	rddreg [dreg:$0x2];
	[bflag:$0x3] =	sbarrier.arrive $0xFFFF;
	s2 =	simm.s32 @!p0 $0x1C04  }
0x125: {  	[timem:s3], [sflag:s2] =	dma.local @!p0 [hbm:s0], s1  }
0x126: {  	s0 =	simm.s32 @!p0 $0x4  }
0x127: {  	_ =	swait.ge @!p0 [sflag:s0], s1  }
0x128: {  	s1 =	ssub.s32 @!p0 $0x0, s1;
	[sflag:s0] =	ssyncset.done @!p0 $0x0  }
0x129: {  	[sflag:s0] =	ssyncadd.s32 @!p0 s1  }
0x12a: {  	[bflag:$0x3] =	sbarrier.arrive $0xFFFF  }
0x12b: {  	_ =	shalt  }

// kernel: kernel.8.cloned.1.call-start
scs
__scs_entry_jumppad:
0x0: {  	(pc) =	sbr.rel $0x88, $3  }
0x1: {  	(tag) =	ssettag $0x0;
	lr =	simm.s32 $0x1  }
0x2: {  	[smem:$0x3F95] =	sst lr;
	_ =	strace $0xD0000000  }
0x3: {  	_ = 	snop  }
0x4: {  	_ = 	snop  }
0x5: {  	_ = 	snop  }
0x6: {  	_ = 	snop  }
0x7: {  	_ = 	snop  }
__scs_overlays_trampoline_lowered:
0x8: {  	[smem:$0x3FA4] =	sst s0  }
0x9: {  	[smem:$0x3FA5] =	sst s1  }
0xa: {  	[smem:$0x3FA6] =	sst s2  }
0xb: {  	[smem:$0x3FA7] =	sst s3  }
0xc: {  	[smem:$0x3FA8] =	sst s4  }
0xd: {  	[smem:$0x3FA9] =	sst s5  }
0xe: {  	[smem:$0x3FAA] =	sst s6  }
0xf: {  	[smem:$0x3FAB] =	sst s7  }
0x10: {  	[smem:$0x3FAC] =	sst s8  }
0x11: {  	[smem:$0x3FAD] =	sst s9;
	s0 =	simm.s32 @!p0 $0x0  }
0x12: {  	s1 =	sld [smem:$0x3F93];
	s0 =	simm.s32 @p0 $0x1  }
0x13: {  	[smem:$0x3FAE] =	sst s0;
	s0 =	simm.s32 @!p1 $0x0  }
0x14: {  	s2 =	sld [smem:$0x3F92];
	s0 =	simm.s32 @p1 $0x1  }
0x15: {  	[smem:$0x3FAF] =	sst s0;
	s0 =	simm.s32 @!p2 $0x0  }
0x16: {  	s3 =	sld [smem:$0x3FDB];
	s0 =	simm.s32 @p2 $0x1  }
0x17: {  	s4 =	simm.s32 $0x1BF5;
	[smem:$0x3FB1] =	sst s0  }
0x18: {  	s0 =	sld [smem:$0x3F94];
	_ =	swait.ge [sflag:s4], $0x0  }
0x19: {  	s7 =	sld [smem:$0x3F95]  }
0x1a: {  	s8 =	sadd.s32 $0xFFFFE003, lr  }
0x1b: {  	s9 =	sadd.s32 $0xFFFFFEF7, lr;
	s5 =	simm.s32 $0xFFFFFFFF;
	p2 =	slt.u32 s8, $0xFFFFF086  }
0x1c: {  	p1 =	slt.u32 s9, $0xF7A;
	s5 =	simm.s32 @!p2 $0x0  }
0x1d: {  	s5 =	simm.s32 @p1 $0x1;
	p0 =	seq.s32 s7, s2  }
0x1e: {  	s7 =	smul.u32 @!p0 $0xF7A, s2;
	p2 =	seq.s32 @!p0 s5, $0x0  }
0x1f: {  	s9 =	smul.u32 $0xF7A, s1;
	s8 =	simm.s32 @!p0 $0x1BF5;
	p2 =	por !p2, p0  }
0x20: {  	[sflag:s8] =	ssyncset.s32 @!p0 $0xFFFFF086;
	s6 =	sadd.s32 @!p0 s3, s7;
	s7 =	simm.s32 @!p0 $0x108  }
0x21: {  	s3 =	sadd.s32 s3, s9;
	s6 =	sadd.s32 @!p0 $0x88, s6;
	s7 =	simm.s32 @p2 $0x1082  }
0x22: {  	[simem:s7], [sflag:s8] =	dma.local @!p0 [hbm:s6], $0xF7A  }
0x23: {  	s9 =	sor.u32 $0xD0000000, s2;
	s6 =	simm.s32 $0x108;
	_ =	swait.ge @!p0 [sflag:s8], $0x0  }
0x24: {  	s3 =	sadd.s32 $0x88, s3;
	s6 =	simm.s32 @!p1 $0x1082;
	[sflag:s4] =	ssyncset.s32 $0xFFFFF086  }
0x25: {  	[simem:s6], [sflag:s4] =	dma.local [hbm:s3], $0xF7A  }
0x26: {  	[smem:$0x3F95] =	sst s1;
	(tag) =	ssettag s2;
	_ =	strace s9  }
0x27: {  	s1 =	sld [smem:$0x3FA5]  }
0x28: {  	s2 =	sld [smem:$0x3FA6]  }
0x29: {  	s4 =	sld [smem:$0x3FA8]  }
0x2a: {  	p0 =	seq.s32 s5, $0x0;
	s5 =	sld [smem:$0x3FA9]  }
0x2b: {  	s6 =	sld [smem:$0x3FAA]  }
0x2c: {  	s7 =	sld [smem:$0x3FAB]  }
0x2d: {  	s3 =	simm.s32 $0x108;
	s8 =	sld [smem:$0x3FAC]  }
0x2e: {  	s3 =	simm.s32 @!p0 $0x1082;
	s9 =	sld [smem:$0x3FAD]  }
0x2f: {  	lr =	sadd.s32 s0, s3;
	s0 =	sld [smem:$0x3FA4]  }
0x30: {  	s3 =	sld [smem:$0x3FA7]  }
0x31: {  	[smem:$0x3FB0] =	sst s10  }
0x32: {  	s10 =	sld [smem:$0x3FAE];
	_ =	sdelay $0x3  }
0x33: {  	p0 =	seq.s32 s10, $0x1;
	s10 =	sld [smem:$0x3FB0];
	_ =	sdelay $0x3  }
0x34: {  	[smem:$0x3FB0] =	sst s10  }
0x35: {  	s10 =	sld [smem:$0x3FAF];
	_ =	sdelay $0x3  }
0x36: {  	p1 =	seq.s32 s10, $0x1;
	s10 =	sld [smem:$0x3FB0];
	_ =	sdelay $0x3  }
0x37: {  	[smem:$0x3FB0] =	sst s10  }
0x38: {  	s10 =	sld [smem:$0x3FB1]  }
0x39: {  	_ = 	snop;
	(pc) =	sbr.ind lr, $3  }
0x3a: {  	_ = 	snop  }
0x3b: {  	_ = 	snop  }
0x3c: {  	p2 =	seq.s32 s10, $0x1;
	s10 =	sld [smem:$0x3FB0]  }
0x3d: {  	_ =	shalt  }
0x3e: {  	_ =	shalt  }
0x3f: {  	_ =	shalt  }
0x40: {  	_ =	shalt  }
0x41: {  	_ =	shalt  }
0x42: {  	_ =	shalt  }
0x43: {  	_ =	shalt  }
0x44: {  	_ =	shalt  }
0x45: {  	_ =	shalt  }
0x46: {  	_ =	shalt  }
0x47: {  	_ =	shalt  }
0x48: {  	_ =	shalt  }
0x49: {  	_ =	shalt  }
0x4a: {  	_ =	shalt  }
0x4b: {  	_ =	shalt  }
0x4c: {  	_ =	shalt  }
0x4d: {  	_ =	shalt  }
0x4e: {  	_ =	shalt  }
0x4f: {  	_ =	shalt  }
0x50: {  	_ =	shalt  }
0x51: {  	_ =	shalt  }
0x52: {  	_ =	shalt  }
0x53: {  	_ =	shalt  }
0x54: {  	_ =	shalt  }
0x55: {  	_ =	shalt  }
0x56: {  	_ =	shalt  }
0x57: {  	_ =	shalt  }
0x58: {  	_ =	shalt  }
0x59: {  	_ =	shalt  }
0x5a: {  	_ =	shalt  }
0x5b: {  	_ =	shalt  }
0x5c: {  	_ =	shalt  }
0x5d: {  	_ =	shalt  }
0x5e: {  	_ =	shalt  }
0x5f: {  	_ =	shalt  }
0x60: {  	_ =	shalt  }
0x61: {  	_ =	shalt  }
0x62: {  	_ =	shalt  }
0x63: {  	_ =	shalt  }
0x64: {  	_ =	shalt  }
0x65: {  	_ =	shalt  }
0x66: {  	_ =	shalt  }
0x67: {  	_ =	shalt  }
0x68: {  	_ =	shalt  }
0x69: {  	_ =	shalt  }
0x6a: {  	_ =	shalt  }
0x6b: {  	_ =	shalt  }
0x6c: {  	_ =	shalt  }
0x6d: {  	_ =	shalt  }
0x6e: {  	_ =	shalt  }
0x6f: {  	_ =	shalt  }
0x70: {  	_ =	shalt  }
0x71: {  	_ =	shalt  }
0x72: {  	_ =	shalt  }
0x73: {  	_ =	shalt  }
0x74: {  	_ =	shalt  }
0x75: {  	_ =	shalt  }
0x76: {  	_ =	shalt  }
0x77: {  	_ =	shalt  }
0x78: {  	_ =	shalt  }
0x79: {  	_ =	shalt  }
0x7a: {  	_ =	shalt  }
0x7b: {  	_ =	shalt  }
0x7c: {  	_ =	shalt  }
0x7d: {  	_ =	shalt  }
0x7e: {  	_ =	shalt  }
0x7f: {  	_ =	shalt  }
0x80: {  	_ =	shalt  }
0x81: {  	_ =	shalt  }
0x82: {  	_ =	shalt  }
0x83: {  	_ =	shalt  }
0x84: {  	_ =	shalt  }
0x85: {  	_ =	shalt  }
0x86: {  	_ =	shalt  }
0x87: {  	_ =	shalt  }
.Lfunc_end0:
.L_simem_size_0:
called_computation_lowered:
.L_overlay_start_0:
0x88: {  	s2 =	sld [smem:$0x3FD9]  }
0x89: {  	s3 =	sld [smem:$0x3FFE];
	_ =	sdelay $0x1  }
0x8a: {  	s1 =	srdreg.scid  }
0x8b: {  	s0 =	sand.u32 $0x1, s1  }
0x8c: {  	s16 =	sshll.u32 s0, $0xA;
	s2 =	sadd.s32 s3, s2  }
0x8d: {  	s2 =	sadd.s32 s2, s16  }
0x8e: {  	[smem:$0x3FBC] =	sst s2  }
0x8f: {  	_ = 	snop  }
0x90: {  	(tm) =	ssettm $0x1  }
0x91: {  	s17 =	sld [smem:$0x3FFB];
	_ =	sdelay $0x3  }
0x92: {  	_ =	strace s17  }
0x93: {  	s2 =	sld [smem:$0x3FFC];
	_ =	sdelay $0x3  }
0x94: {  	_ =	strace s2  }
0x95: {  	s2 =	sld [smem:$0x3FFD];
	_ =	sdelay $0x3  }
0x96: {  	_ =	strace s2  }
0x97: {  	_ =	strace $0x8FFFFFFF  }
0x98: {  	s18 =	sld [smem:$0x3FDB];
	_ =	sdelay $0x1  }
0x99: {  	s19 =	simm.s32 $_scs_section_size  }
0x9a: {  	s4 =	simm.s32 $_size__tile_overlayer_lowered;
	s5 =	simm.s32 $_tile_overlayer_lowered  }
0x9b: {  	s22 =	simm.s32 $0x1BFF;
	s21 =	sshll.u32 s5, $0x1;
	s2 =	sadd.s32 s19, s18  }
0x9c: {  	s6 =	simm.s32 $0x0;
	s20 =	sshll.u32 s4, $0x1;
	s4 =	sadd.s32 s21, s2  }
0x9d: {  	[timem:s6], [sflag:s22] =	dma.local [hbm:s4], s20  }
0x9e: {  	_ =	swait.ge [sflag:s22], s20  }
0x9f: {  	s3 =	ssub.s32 $0x0, s20;
	[sflag:s22] =	ssyncset.done $0x0  }
0xa0: {  	[sflag:s22] =	ssyncadd.s32 s3;
	_ =	sdelay $0x1  }
0xa1: {  	s23 =	simm.s32 $0x1B8B  }
0xa2: {  	_ =	swait.ge [sflag:s23], $0x1  }
0xa3: {  	[sflag:s23] =	ssyncset.done $0x0  }
0xa4: {  	s25 =	simm.s32 $0x1B8E;
	s24 =	sld [smem:$0x3FFE];
	[sflag:s23] =	ssyncadd.s32 $0xFFFFFFFF  }
0xa5: {  	s26 =	simm.s32 $execute0_lowered;
	[smem:$0x3FD2] =	sst s25  }
0xa6: {  	s4 =	sshll.u32 s26, $0x1;
	_ =	strace $0x80000046;
	[dreg:$0x1] =	wrdreg $0xFFFFFFFF  }
0xa7: {  	s28 =	simm.s32 $_size_execute0_lowered;
	s2 =	sadd.s32 s2, s4;
	[dreg:$0x0] =	wrdreg $0x0  }
0xa8: {  	s4 =	sshll.u32 s28, $0x1;
	[dreg:$0x2] =	wrdreg s2  }
0xa9: {  	[dreg:$0x3] =	wrdreg s4  }
0xaa: {  	[dreg:$0x4] =	wrdreg $0xC0  }
0xab: {  	_ =	task [dreg:s6], $0x5FFFF  }
0xac: {  	[dreg:$0x1] =	wrdreg $0xFFFFFFFF  }
0xad: {  	[dreg:$0x0] =	wrdreg $0x60  }
0xae: {  	[dreg:$0x2] =	wrdreg s24  }
0xaf: {  	[dreg:$0x3] =	wrdreg $0x0  }
0xb0: {  	[dreg:$0x4] =	wrdreg $0x9  }
0xb1: {  	_ =	task.clear_ibuf [dreg:s6], $0x5FFFF;
	_ =	strace $0x90000046  }
0xb2: {  	s29 =	simm.s32 $0x9;
	_ =	strace $0x80000048  }
0xb3: {  	_ =	swait.ge [sflag:s29], $0x1  }
0xb4: {  	[sflag:s29] =	ssyncadd.s32 $0xFFFFFFFF  }
0xb5: {  	_ =	strace $0x90000048  }
0xb6: {  	_ =	sfence  }
0xb7: {  	s30 =	sld [smem:$0x0];
	_ =	sdelay $0x2  }
0xb8: {  	s31 =	sshll.u32 s1, $0xD;
	s1 =	sshrl.u32 s1, $0x2  }
0xb9: {  	s3 =	sand.u32 $0x4000, s31;
	s1 =	sadd.s32 s1, s30  }
0xba: {  	s0 =	sor.u32 s3, s0;
	s1 =	sshll.u32 s1, $0x11  }
0xbb: {  	s0 =	sor.u32 s1, s0  }
0xbc: {  	s0 =	sadd.s32 $0x8F2B, s0  }
0xbd: {  	[sflag:s0] =	ssyncadd.remote.s32 $0x1  }
0xbe: {  	_ =	sfence.sel $0xFFFF  }
0xbf: {  	[dreg:$0x0] =	wrdreg $0xFFFFFFFF;
	(pc) =	sbr.abs _section_cstart, $3  }
0xc0: {  	[dreg:$0x1] =	wrdreg $0xFFFFFFFF  }
0xc1: {  	_ =	task.clear_ibuf [dreg:s6], $0x2FFFF;
	_ =	strace $0x9FFFFFFF  }
0xc2: {  	(tm) =	ssettm $0x7FFFFFFF  }
0xc3: {  	_ =	shalt  }
tec
execute0_lowered:
.L_overlay_start_1:
0x0: {  	(tag) =	ssettag $0x1  }
0x1: {  	s0 =	rddreg [dreg:$0x0]  }
0x2: {  	s1 =	rddreg [dreg:$0x1]  }
0x3: {  	s3 =	srdreg.scid;
	s26 =	stileid.u32;
	s2 =	simm.s32 $0x0  }
0x4: {  	s25 =	simm.s32 $0x4E90;
	s28 =	simm.s32 $0x2710;
	s30 =	simm.s32 $0x0  }
0x5: {  	s3 =	sand.u32 $0x1, s3;
	s5 =	smul.u32 $0x270, s26;
	[smem:$0x7FF] =	sst s2  }
0x6: {  	s9 =	smul.u32 $0x2710, s26;
	p0 =	sne.s32 s26, $0xF;
	s26 =	simm.s32 $0x1  }
0x7: {  	s4 =	smul.u32 $0x2710, s3;
	_ =	strace $0x80000047;
	s6 =	ssub.s32 $0x2, s3  }
0x8: {  	s7 =	smul.u32 $0x27100, s3;
	s3 =	sadd.s32 $0x3000, s0;
	s8 =	sshrl.u32 s6, $0x1  }
0x9: {  	s31 =	sadd.s32 s9, s1;
	s4 =	sadd.s32 s5, s4;
	s24 =	ssub.s32 s6, s8  }
0xa: {  	[dreg:$0x3] =	wrdreg s31;
	s6 =	sadd.s32 s5, s1;
	s4 =	sshrl.u32 s4, $0x3  }
0xb: {  	s1 =	sadd.s32 $0x2710, s6;
	s8 =	sadd.s32 $0x4E20, s6;
	s10 =	sadd.s32 $0x9C40, s6  }
0xc: {  	s11 =	sadd.s32 $0xC350, s6;
	s12 =	sadd.s32 $0xEA60, s6;
	s13 =	sadd.s32 $0x11170, s6  }
0xd: {  	s14 =	sadd.s32 $0x13880, s6;
	s15 =	sadd.s32 $0x15F90, s6;
	s16 =	sadd.s32 $0x186A0, s6  }
0xe: {  	s17 =	sadd.s32 $0x1ADB0, s6;
	s18 =	sadd.s32 $0x1D4C0, s6;
	s19 =	sadd.s32 $0x1FBD0, s6  }
0xf: {  	s20 =	sadd.s32 $0x222E0, s6;
	s21 =	sadd.s32 $0x249F0, s6;
	s24 =	smax.u32 s24, $0x1  }
0x10: {  	s0 =	sadd.s32 s4, s0;
	s4 =	sadd.s32 s9, s7;
	[dreg:$0x4] =	wrdreg s1  }
0x11: {  	v0 =	vimm.f32 $0.0e+00;
	v1 =	vimm.f32 $1.000000000e+00;
	s9 =	sadd.s32 $0x7530, s6;
	s22 =	sadd.s32 $0x16C00, s0;
	s23 =	sadd.s32 $0x16C4E, s0  }
.LBB2_1:
0x12: {  	s0 =	simm.s32 $0x2750  }
0x13: {  	[tilespmem:s0+$0xFFFFFFC0] =	vst v0  }
0x14: {  	[tilespmem:s0+$0x30] =	vst v0  }
0x15: {  	[tilespmem:s0+$0x20] =	vst v0  }
0x16: {  	[tilespmem:s0+$0x10] =	vst v0  }
0x17: {  	[tilespmem:s0+$0x0] =	vst v0  }
0x18: {  	[tilespmem:s0+$0xFFFFFFF0] =	vst v0  }
0x19: {  	s1 =	simm.s32 $0x0;
	[tilespmem:s0+$0xFFFFFFE0] =	vst v0  }
.LBB2_2:
0x1a: {  	s1 =	sadd.s32 $0x8, s1;
	[tilespmem:s0+$0xFFFFFFD0] =	vst v0;
	s0 =	sadd.s32 $0x80, s0  }
0x1b: {  	[tilespmem:s0+$0xFFFFFFC0] =	vst v0;
	p1 =	slt.u32 s1, $0x268  }
0x1c: {  	[tilespmem:s0+$0x30] =	vst v0  }
.Ltmp0:
0x1d: {  	[tilespmem:s0+$0x20] =	vst v0;
	(pc) =	sbr.rel @p1 .LBB2_2-.Ltmp0, $4  }
0x1e: {  	[tilespmem:s0+$0x10] =	vst v0  }
0x1f: {  	[tilespmem:s0+$0x0] =	vst v0  }
0x20: {  	[tilespmem:s0+$0xFFFFFFF0] =	vst v0  }
0x21: {  	[tilespmem:s0+$0xFFFFFFE0] =	vst v0  }
0x22: {  	[tilespmem:s0+$0xFFFFFFD0] =	vst v0  }
0x23: {  	s0 =	simm.s32 $0x0;
	[tilespmem:$0x4E10] =	vst v0  }
.LBB2_4:
0x24: {  	s1 =	smul.u32 $0x7D0, s0;
	_ =	sdelay $0x1  }
0x25: {  	s1 =	sadd.s32 s1, s4  }
0x26: {  	s1 =	sshrl.u32 s1, $0x3  }
0x27: {  	s1 =	sadd.s32 s3, s1  }
0x28: {  	[tilespmem:s25], [sflag:$0x1] =	stream.linear.gather [hbm4b:s1+s2], $0x7D0, $0x38;
	[tilespmem:$0x7E90] =	vst v63  }
0x29: {  	_ =	swait.ge [sflag:s26], $0x7D0  }
0x2a: {  	[sflag:s26] =	ssyncset.done $0x0  }
0x2b: {  	s5 =	simm.s32 $0x4ED0;
	s1 =	simm.s32 $0xFFFFFFF8;
	[sflag:s26] =	ssyncadd.s32 $0xFFFFF830  }
.LBB2_5:
0x2c: {  	v2 =	vld [tilespmem:s5+$0xFFFFFFC0];
	_ =	sdelay $0x7  }
0x2d: {  	[tilespmem:v2+s28+$0x0] =	vst.idx.add.f32.msk $0xffff, v1  }
0x2e: {  	v2 =	vld [tilespmem:s5+$0xFFFFFFD0];
	_ =	sdelay $0x7  }
0x2f: {  	[tilespmem:v2+s28+$0x0] =	vst.idx.add.f32.msk $0xffff, v1  }
0x30: {  	v2 =	vld [tilespmem:s5+$0xFFFFFFE0];
	_ =	sdelay $0x7  }
0x31: {  	[tilespmem:v2+s28+$0x0] =	vst.idx.add.f32.msk $0xffff, v1  }
0x32: {  	v2 =	vld [tilespmem:s5+$0xFFFFFFF0];
	_ =	sdelay $0x7  }
0x33: {  	[tilespmem:v2+s28+$0x0] =	vst.idx.add.f32.msk $0xffff, v1  }
0x34: {  	v2 =	vld [tilespmem:s5+$0x0];
	_ =	sdelay $0x7  }
0x35: {  	[tilespmem:v2+s28+$0x0] =	vst.idx.add.f32.msk $0xffff, v1  }
0x36: {  	v2 =	vld [tilespmem:s5+$0x10];
	_ =	sdelay $0x7  }
0x37: {  	[tilespmem:v2+s28+$0x0] =	vst.idx.add.f32.msk $0xffff, v1  }
0x38: {  	v2 =	vld [tilespmem:s5+$0x20];
	_ =	sdelay $0x7  }
0x39: {  	[tilespmem:v2+s28+$0x0] =	vst.idx.add.f32.msk $0xffff, v1  }
0x3a: {  	v2 =	vld [tilespmem:s5+$0x30];
	_ =	sdelay $0x1  }
0x3b: {  	s1 =	sadd.s32 $0x8, s1  }
0x3c: {  	p1 =	slt.u32 s1, $0x70  }
.Ltmp1:
0x3d: {  	_ = 	snop;
	(pc) =	sbr.rel @p1 .LBB2_5-.Ltmp1, $2  }
0x3e: {  	_ =	sdelay $0x2  }
0x3f: {  	s5 =	sadd.s32 $0x80, s5;
	[tilespmem:v2+s28+$0x0] =	vst.idx.add.f32.msk $0xffff, v1  }
0x40: {  	v2 =	vld [tilespmem:$0x5610];
	_ =	sdelay $0x7  }
0x41: {  	[tilespmem:v2+s28+$0x0] =	vst.idx.add.f32.msk $0xffff, v1  }
0x42: {  	v2 =	vld [tilespmem:$0x5620];
	_ =	sdelay $0x7  }
0x43: {  	[tilespmem:v2+s28+$0x0] =	vst.idx.add.f32.msk $0xffff, v1  }
0x44: {  	v2 =	vld [tilespmem:$0x5630];
	_ =	sdelay $0x7  }
0x45: {  	[tilespmem:v2+s28+$0x0] =	vst.idx.add.f32.msk $0xffff, v1  }
0x46: {  	v2 =	vld [tilespmem:$0x5640];
	_ =	sdelay $0x7  }
0x47: {  	[tilespmem:v2+s28+$0x0] =	vst.idx.add.f32.msk $0xffff, v1  }
0x48: {  	v2 =	vld [tilespmem:$0x5650];
	_ =	sdelay $0x1  }
0x49: {  	s0 =	sadd.s32 $0x1, s0  }
0x4a: {  	p1 =	sne.s32 s0, $0x5  }
.Ltmp2:
0x4b: {  	_ = 	snop;
	(pc) =	sbr.rel @p1 .LBB2_4-.Ltmp2, $2  }
0x4c: {  	_ =	sdelay $0x2  }
0x4d: {  	[tilespmem:v2+s28+$0x0] =	vst.idx.add.f32.msk $0xffff, v1  }
0x4e: {  	s0 =	rddreg [dreg:$0x3]  }
0x4f: {  	[spmem:s0] =	stream.linear.scatter [tilespmem:s28], [sflag:$0x1], $0x2710, $0x38;
	[tilespmem:$0x7E90] =	vst v63  }
0x50: {  	_ =	swait.ge [sflag:s26], $0x2710  }
0x51: {  	[sflag:s26] =	ssyncset.done $0x0  }
0x52: {  	[sflag:s26] =	ssyncadd.s32 $0xFFFFD8F0  }
0x53: {  	s5 =	simm.s32 $0x5690;
	[bflag:$0x0] =	sbarrier.arrive $0xFFFF  }
0x54: {  	[tilespmem:s5], [sflag:$0x1] =	stream.linear.gather [spmem:s6], $0x280, $0x38;
	[tilespmem:$0x7E90] =	vst v63  }
0x55: {  	_ =	swait.ge [sflag:s26], $0x280  }
0x56: {  	[sflag:s26] =	ssyncset.done $0x0  }
0x57: {  	s1 =	simm.s32 $0x5910;
	s7 =	rddreg [dreg:$0x4];
	[sflag:s26] =	ssyncadd.s32 $0xFFFFFD80  }
0x58: {  	[tilespmem:s1], [sflag:$0x1] =	stream.linear.gather [spmem:s7], $0x280, $0x38;
	[tilespmem:$0x7E90] =	vst v63  }
0x59: {  	_ =	swait.ge [sflag:s26], $0x280  }
0x5a: {  	[sflag:s26] =	ssyncset.done $0x0  }
0x5b: {  	s1 =	simm.s32 $0x5B90;
	[sflag:s26] =	ssyncadd.s32 $0xFFFFFD80  }
0x5c: {  	[tilespmem:s1], [sflag:$0x1] =	stream.linear.gather [spmem:s8], $0x280, $0x38;
	[tilespmem:$0x7E90] =	vst v63  }
0x5d: {  	_ =	swait.ge [sflag:s26], $0x280  }
0x5e: {  	[sflag:s26] =	ssyncset.done $0x0  }
0x5f: {  	s5 =	simm.s32 $0x5E10;
	[sflag:s26] =	ssyncadd.s32 $0xFFFFFD80  }
0x60: {  	[tilespmem:s5], [sflag:$0x1] =	stream.linear.gather [spmem:s9], $0x280, $0x38;
	[tilespmem:$0x7E90] =	vst v63  }
0x61: {  	_ =	swait.ge [sflag:s26], $0x280  }
0x62: {  	[sflag:s26] =	ssyncset.done $0x0  }
0x63: {  	s7 =	simm.s32 $0x6090;
	[sflag:s26] =	ssyncadd.s32 $0xFFFFFD80  }
0x64: {  	[tilespmem:s7], [sflag:$0x1] =	stream.linear.gather [spmem:s10], $0x280, $0x38;
	[tilespmem:$0x7E90] =	vst v63  }
0x65: {  	_ =	swait.ge [sflag:s26], $0x280  }
0x66: {  	[sflag:s26] =	ssyncset.done $0x0  }
0x67: {  	s1 =	simm.s32 $0x6310;
	[sflag:s26] =	ssyncadd.s32 $0xFFFFFD80  }
0x68: {  	[tilespmem:s1], [sflag:$0x1] =	stream.linear.gather [spmem:s11], $0x280, $0x38;
	[tilespmem:$0x7E90] =	vst v63  }
0x69: {  	_ =	swait.ge [sflag:s26], $0x280  }
0x6a: {  	[sflag:s26] =	ssyncset.done $0x0  }
0x6b: {  	s5 =	simm.s32 $0x6590;
	[sflag:s26] =	ssyncadd.s32 $0xFFFFFD80  }
0x6c: {  	[tilespmem:s5], [sflag:$0x1] =	stream.linear.gather [spmem:s12], $0x280, $0x38;
	[tilespmem:$0x7E90] =	vst v63  }
0x6d: {  	_ =	swait.ge [sflag:s26], $0x280  }
0x6e: {  	[sflag:s26] =	ssyncset.done $0x0  }
0x6f: {  	s7 =	simm.s32 $0x6810;
	[sflag:s26] =	ssyncadd.s32 $0xFFFFFD80  }
0x70: {  	[tilespmem:s7], [sflag:$0x1] =	stream.linear.gather [spmem:s13], $0x280, $0x38;
	[tilespmem:$0x7E90] =	vst v63  }
0x71: {  	_ =	swait.ge [sflag:s26], $0x280  }
0x72: {  	[sflag:s26] =	ssyncset.done $0x0  }
0x73: {  	s1 =	simm.s32 $0x6A90;
	[sflag:s26] =	ssyncadd.s32 $0xFFFFFD80  }
0x74: {  	[tilespmem:s1], [sflag:$0x1] =	stream.linear.gather [spmem:s14], $0x280, $0x38;
	[tilespmem:$0x7E90] =	vst v63  }
0x75: {  	_ =	swait.ge [sflag:s26], $0x280  }
0x76: {  	[sflag:s26] =	ssyncset.done $0x0  }
0x77: {  	s5 =	simm.s32 $0x6D10;
	[sflag:s26] =	ssyncadd.s32 $0xFFFFFD80  }
0x78: {  	[tilespmem:s5], [sflag:$0x1] =	stream.linear.gather [spmem:s15], $0x280, $0x38;
	[tilespmem:$0x7E90] =	vst v63  }
0x79: {  	_ =	swait.ge [sflag:s26], $0x280  }
0x7a: {  	[sflag:s26] =	ssyncset.done $0x0  }
0x7b: {  	s7 =	simm.s32 $0x6F90;
	[sflag:s26] =	ssyncadd.s32 $0xFFFFFD80  }
0x7c: {  	[tilespmem:s7], [sflag:$0x1] =	stream.linear.gather [spmem:s16], $0x280, $0x38;
	[tilespmem:$0x7E90] =	vst v63  }
0x7d: {  	_ =	swait.ge [sflag:s26], $0x280  }
0x7e: {  	[sflag:s26] =	ssyncset.done $0x0  }
0x7f: {  	s1 =	simm.s32 $0x7210;
	[sflag:s26] =	ssyncadd.s32 $0xFFFFFD80  }
0x80: {  	[tilespmem:s1], [sflag:$0x1] =	stream.linear.gather [spmem:s17], $0x280, $0x38;
	[tilespmem:$0x7E90] =	vst v63  }
0x81: {  	_ =	swait.ge [sflag:s26], $0x280  }
0x82: {  	[sflag:s26] =	ssyncset.done $0x0  }
0x83: {  	s5 =	simm.s32 $0x7490;
	[sflag:s26] =	ssyncadd.s32 $0xFFFFFD80  }
0x84: {  	[tilespmem:s5], [sflag:$0x1] =	stream.linear.gather [spmem:s18], $0x280, $0x38;
	[tilespmem:$0x7E90] =	vst v63  }
0x85: {  	_ =	swait.ge [sflag:s26], $0x280  }
0x86: {  	[sflag:s26] =	ssyncset.done $0x0  }
0x87: {  	s7 =	simm.s32 $0x7710;
	[sflag:s26] =	ssyncadd.s32 $0xFFFFFD80  }
0x88: {  	[tilespmem:s7], [sflag:$0x1] =	stream.linear.gather [spmem:s19], $0x280, $0x38;
	[tilespmem:$0x7E90] =	vst v63  }
0x89: {  	_ =	swait.ge [sflag:s26], $0x280  }
0x8a: {  	[sflag:s26] =	ssyncset.done $0x0  }
0x8b: {  	s1 =	simm.s32 $0x7990;
	[sflag:s26] =	ssyncadd.s32 $0xFFFFFD80  }
0x8c: {  	[tilespmem:s1], [sflag:$0x1] =	stream.linear.gather [spmem:s20], $0x280, $0x38;
	[tilespmem:$0x7E90] =	vst v63  }
0x8d: {  	_ =	swait.ge [sflag:s26], $0x280  }
0x8e: {  	[sflag:s26] =	ssyncset.done $0x0  }
0x8f: {  	s5 =	simm.s32 $0x7C10;
	[sflag:s26] =	ssyncadd.s32 $0xFFFFFD80  }
0x90: {  	[tilespmem:s5], [sflag:$0x1] =	stream.linear.gather [spmem:s21], $0x280, $0x38;
	[tilespmem:$0x7E90] =	vst v63  }
0x91: {  	_ =	swait.ge [sflag:s26], $0x280  }
0x92: {  	[sflag:s26] =	ssyncset.done $0x0  }
0x93: {  	s31 =	simm.s32 $0x6AA0;
	[sflag:s26] =	ssyncadd.s32 $0xFFFFFD80  }
0x94: {  	s0 =	simm.s32 $0x0;
	v2 =	vld [tilespmem:s31+$0xFFFFEBF0]  }
0x95: {  	s7 =	sand.u32 $0x3C0, s0  }
0x96: {  	v3 =	vld [tilespmem:s7+$0x5910];
	_ =	sdelay $0x1  }
0x97: {  	v4 =	vld [tilespmem:s7+$0x5B90]  }
0x98: {  	v2 =	vadd.f32 $0.0e+00, v2  }
0x99: {  	v5 =	vld [tilespmem:s7+$0x5E10]  }
0x9a: {  	v2 =	vadd.f32 v3, v2  }
0x9b: {  	v3 =	vld [tilespmem:s7+$0x6090]  }
0x9c: {  	v2 =	vadd.f32 v4, v2  }
0x9d: {  	v26 =	vld [tilespmem:s7+$0x6310]  }
0x9e: {  	v2 =	vadd.f32 v5, v2  }
0x9f: {  	v27 =	vld [tilespmem:s7+$0x6590]  }
0xa0: {  	v2 =	vadd.f32 v3, v2  }
0xa1: {  	v3 =	vld [tilespmem:s7+$0x6810]  }
0xa2: {  	v2 =	vadd.f32 v26, v2  }
0xa3: {  	v28 =	vld [tilespmem:s7+$0x6A90]  }
0xa4: {  	v2 =	vadd.f32 v27, v2  }
0xa5: {  	v29 =	vld [tilespmem:s7+$0x6D10]  }
0xa6: {  	v2 =	vadd.f32 v3, v2  }
0xa7: {  	v3 =	vld [tilespmem:s7+$0x6F90]  }
0xa8: {  	v2 =	vadd.f32 v28, v2  }
0xa9: {  	v30 =	vld [tilespmem:s7+$0x7210]  }
0xaa: {  	v2 =	vadd.f32 v29, v2  }
0xab: {  	v31 =	vld [tilespmem:s7+$0x7490]  }
0xac: {  	v2 =	vadd.f32 v3, v2  }
0xad: {  	v3 =	vld [tilespmem:s7+$0x7710]  }
0xae: {  	v2 =	vadd.f32 v30, v2  }
0xaf: {  	v32 =	vld [tilespmem:s7+$0x7990]  }
0xb0: {  	v2 =	vadd.f32 v31, v2  }
0xb1: {  	v33 =	vld [tilespmem:s7+$0x7C10]  }
0xb2: {  	v2 =	vadd.f32 v3, v2;
	_ =	sdelay $0x1  }
0xb3: {  	v2 =	vadd.f32 v32, v2;
	_ =	sdelay $0x1  }
0xb4: {  	v2 =	vadd.f32 v33, v2  }
0xb5: {  	s1 =	simm.s32 $0x2730  }
0xb6: {  	[tilespmem:s1+$0xFFFFFFE0] =	vst v2  }
0xb7: {  	v2 =	vld [tilespmem:s31+$0xFFFFEC00];
	_ =	sdelay $0x1  }
0xb8: {  	v3 =	vld [tilespmem:s31+$0xFFFFEE80];
	_ =	sdelay $0x1  }
0xb9: {  	v34 =	vld [tilespmem:s31+$0xFFFFF100]  }
0xba: {  	v2 =	vadd.f32 $0.0e+00, v2  }
0xbb: {  	v35 =	vld [tilespmem:s31+$0xFFFFF380]  }
0xbc: {  	v2 =	vadd.f32 v3, v2  }
0xbd: {  	v3 =	vld [tilespmem:s31+$0xFFFFF600]  }
0xbe: {  	v2 =	vadd.f32 v34, v2  }
0xbf: {  	v36 =	vld [tilespmem:s31+$0xFFFFF880]  }
0xc0: {  	v2 =	vadd.f32 v35, v2  }
0xc1: {  	v37 =	vld [tilespmem:s31+$0xFFFFFB00]  }
0xc2: {  	v2 =	vadd.f32 v3, v2  }
0xc3: {  	v3 =	vld [tilespmem:s31+$0xFFFFFD80]  }
0xc4: {  	v2 =	vadd.f32 v36, v2  }
0xc5: {  	v38 =	vld [tilespmem:s31+$0x0]  }
0xc6: {  	v2 =	vadd.f32 v37, v2  }
0xc7: {  	v39 =	vld [tilespmem:s31+$0x280]  }
0xc8: {  	v2 =	vadd.f32 v3, v2  }
0xc9: {  	v3 =	vld [tilespmem:s31+$0x500]  }
0xca: {  	v2 =	vadd.f32 v38, v2  }
0xcb: {  	v40 =	vld [tilespmem:s31+$0x780]  }
0xcc: {  	v2 =	vadd.f32 v39, v2  }
0xcd: {  	v41 =	vld [tilespmem:s31+$0xA00]  }
0xce: {  	v2 =	vadd.f32 v3, v2  }
0xcf: {  	v3 =	vld [tilespmem:s31+$0xC80]  }
0xd0: {  	v2 =	vadd.f32 v40, v2  }
0xd1: {  	v42 =	vld [tilespmem:s31+$0xF00]  }
0xd2: {  	v2 =	vadd.f32 v41, v2  }
0xd3: {  	v43 =	vld [tilespmem:s31+$0x1180]  }
0xd4: {  	v2 =	vadd.f32 v3, v2;
	_ =	sdelay $0x1  }
0xd5: {  	v2 =	vadd.f32 v42, v2;
	_ =	sdelay $0x1  }
0xd6: {  	v2 =	vadd.f32 v43, v2;
	_ =	sdelay $0x1  }
0xd7: {  	[tilespmem:s1+$0xFFFFFFF0] =	vst v2  }
0xd8: {  	v2 =	vld [tilespmem:s31+$0xFFFFEC10];
	_ =	sdelay $0x1  }
0xd9: {  	v3 =	vld [tilespmem:s31+$0xFFFFEE90];
	_ =	sdelay $0x1  }
0xda: {  	v44 =	vld [tilespmem:s31+$0xFFFFF110]  }
0xdb: {  	v2 =	vadd.f32 $0.0e+00, v2  }
0xdc: {  	v45 =	vld [tilespmem:s31+$0xFFFFF390]  }
0xdd: {  	v2 =	vadd.f32 v3, v2  }
0xde: {  	v3 =	vld [tilespmem:s31+$0xFFFFF610]  }
0xdf: {  	v2 =	vadd.f32 v44, v2  }
0xe0: {  	v46 =	vld [tilespmem:s31+$0xFFFFF890]  }
0xe1: {  	v2 =	vadd.f32 v45, v2  }
0xe2: {  	v47 =	vld [tilespmem:s31+$0xFFFFFB10]  }
0xe3: {  	v2 =	vadd.f32 v3, v2  }
0xe4: {  	v3 =	vld [tilespmem:s31+$0xFFFFFD90]  }
0xe5: {  	v2 =	vadd.f32 v46, v2  }
0xe6: {  	v48 =	vld [tilespmem:s31+$0x10]  }
0xe7: {  	v2 =	vadd.f32 v47, v2  }
0xe8: {  	v49 =	vld [tilespmem:s31+$0x290]  }
0xe9: {  	v2 =	vadd.f32 v3, v2  }
0xea: {  	v3 =	vld [tilespmem:s31+$0x510]  }
0xeb: {  	v2 =	vadd.f32 v48, v2  }
0xec: {  	v50 =	vld [tilespmem:s31+$0x790]  }
0xed: {  	v2 =	vadd.f32 v49, v2  }
0xee: {  	v51 =	vld [tilespmem:s31+$0xA10]  }
0xef: {  	v2 =	vadd.f32 v3, v2  }
0xf0: {  	v3 =	vld [tilespmem:s31+$0xC90]  }
0xf1: {  	v2 =	vadd.f32 v50, v2  }
0xf2: {  	v52 =	vld [tilespmem:s31+$0xF10]  }
0xf3: {  	v2 =	vadd.f32 v51, v2  }
0xf4: {  	v53 =	vld [tilespmem:s31+$0x1190]  }
0xf5: {  	v2 =	vadd.f32 v3, v2;
	_ =	sdelay $0x1  }
0xf6: {  	v2 =	vadd.f32 v52, v2;
	_ =	sdelay $0x1  }
0xf7: {  	v2 =	vadd.f32 v53, v2;
	_ =	sdelay $0x1  }
0xf8: {  	[tilespmem:s1+$0x0] =	vst v2  }
0xf9: {  	v2 =	vld [tilespmem:s31+$0xFFFFEC20];
	_ =	sdelay $0x1  }
0xfa: {  	v3 =	vld [tilespmem:s31+$0xFFFFEEA0];
	_ =	sdelay $0x1  }
0xfb: {  	v54 =	vld [tilespmem:s31+$0xFFFFF120]  }
0xfc: {  	v2 =	vadd.f32 $0.0e+00, v2  }
0xfd: {  	v55 =	vld [tilespmem:s31+$0xFFFFF3A0]  }
0xfe: {  	v2 =	vadd.f32 v3, v2  }
0xff: {  	v3 =	vld [tilespmem:s31+$0xFFFFF620]  }
0x100: {  	v2 =	vadd.f32 v54, v2  }
0x101: {  	v56 =	vld [tilespmem:s31+$0xFFFFF8A0]  }
0x102: {  	v2 =	vadd.f32 v55, v2  }
0x103: {  	v57 =	vld [tilespmem:s31+$0xFFFFFB20]  }
0x104: {  	v2 =	vadd.f32 v3, v2  }
0x105: {  	v3 =	vld [tilespmem:s31+$0xFFFFFDA0]  }
0x106: {  	v2 =	vadd.f32 v56, v2  }
0x107: {  	v58 =	vld [tilespmem:s31+$0x20]  }
0x108: {  	v2 =	vadd.f32 v57, v2  }
0x109: {  	v59 =	vld [tilespmem:s31+$0x2A0]  }
0x10a: {  	v2 =	vadd.f32 v3, v2  }
0x10b: {  	v3 =	vld [tilespmem:s31+$0x520]  }
0x10c: {  	v2 =	vadd.f32 v58, v2  }
0x10d: {  	v60 =	vld [tilespmem:s31+$0x7A0]  }
0x10e: {  	v2 =	vadd.f32 v59, v2  }
0x10f: {  	v61 =	vld [tilespmem:s31+$0xA20]  }
0x110: {  	v2 =	vadd.f32 v3, v2  }
0x111: {  	v3 =	vld [tilespmem:s31+$0xCA0]  }
0x112: {  	v2 =	vadd.f32 v60, v2  }
0x113: {  	v62 =	vld [tilespmem:s31+$0xF20]  }
0x114: {  	v2 =	vadd.f32 v61, v2  }
0x115: {  	v63 =	vld [tilespmem:s31+$0x11A0]  }
0x116: {  	v2 =	vadd.f32 v3, v2;
	_ =	sdelay $0x1  }
0x117: {  	v2 =	vadd.f32 v62, v2;
	_ =	sdelay $0x1  }
0x118: {  	v2 =	vadd.f32 v63, v2  }
0x119: {  	s29 =	simm.s32 $0x0;
	s5 =	simm.s32 $0x2770  }
.LBB2_8:
0x11a: {  	s29 =	sadd.s32 $0x4, s29;
	[tilespmem:s1+$0x10] =	vst v2;
	s31 =	sadd.s32 $0x40, s31;
	s0 =	sadd.s32 $0x40, s0  }
0x11b: {  	s1 =	smov.u32 s5;
	v2 =	vld [tilespmem:s31+$0xFFFFEBF0];
	p1 =	slt.u32 s29, $0x24  }
0x11c: {  	s7 =	sand.u32 $0x3C0, s0  }
0x11d: {  	v3 =	vld [tilespmem:s7+$0x5910];
	_ =	sdelay $0x1  }
0x11e: {  	v4 =	vld [tilespmem:s7+$0x5B90]  }
0x11f: {  	v2 =	vadd.f32 $0.0e+00, v2  }
0x120: {  	v5 =	vld [tilespmem:s7+$0x5E10]  }
0x121: {  	v2 =	vadd.f32 v3, v2  }
0x122: {  	v3 =	vld [tilespmem:s7+$0x6090]  }
0x123: {  	v2 =	vadd.f32 v4, v2  }
0x124: {  	v4 =	vld [tilespmem:s7+$0x6310]  }
0x125: {  	v2 =	vadd.f32 v5, v2  }
0x126: {  	v5 =	vld [tilespmem:s7+$0x6590]  }
0x127: {  	v2 =	vadd.f32 v3, v2  }
0x128: {  	v3 =	vld [tilespmem:s7+$0x6810]  }
0x129: {  	v2 =	vadd.f32 v4, v2  }
0x12a: {  	v4 =	vld [tilespmem:s7+$0x6A90]  }
0x12b: {  	v2 =	vadd.f32 v5, v2  }
0x12c: {  	v5 =	vld [tilespmem:s7+$0x6D10]  }
0x12d: {  	v2 =	vadd.f32 v3, v2  }
0x12e: {  	v3 =	vld [tilespmem:s7+$0x6F90]  }
0x12f: {  	v2 =	vadd.f32 v4, v2  }
0x130: {  	v4 =	vld [tilespmem:s7+$0x7210]  }
0x131: {  	v2 =	vadd.f32 v5, v2  }
0x132: {  	v5 =	vld [tilespmem:s7+$0x7490]  }
0x133: {  	v2 =	vadd.f32 v3, v2  }
0x134: {  	v3 =	vld [tilespmem:s7+$0x7710]  }
0x135: {  	v2 =	vadd.f32 v4, v2  }
0x136: {  	v4 =	vld [tilespmem:s7+$0x7990]  }
0x137: {  	v2 =	vadd.f32 v5, v2  }
0x138: {  	v5 =	vld [tilespmem:s7+$0x7C10]  }
0x139: {  	v2 =	vadd.f32 v3, v2;
	_ =	sdelay $0x1  }
0x13a: {  	v2 =	vadd.f32 v4, v2;
	_ =	sdelay $0x1  }
0x13b: {  	v2 =	vadd.f32 v5, v2;
	_ =	sdelay $0x1  }
0x13c: {  	[tilespmem:s5+$0xFFFFFFE0] =	vst v2  }
0x13d: {  	v2 =	vld [tilespmem:s31+$0xFFFFEC00];
	_ =	sdelay $0x1  }
0x13e: {  	v3 =	vld [tilespmem:s31+$0xFFFFEE80];
	_ =	sdelay $0x1  }
0x13f: {  	v4 =	vld [tilespmem:s31+$0xFFFFF100]  }
0x140: {  	v2 =	vadd.f32 $0.0e+00, v2  }
0x141: {  	v5 =	vld [tilespmem:s31+$0xFFFFF380]  }
0x142: {  	v2 =	vadd.f32 v3, v2  }
0x143: {  	v3 =	vld [tilespmem:s31+$0xFFFFF600]  }
0x144: {  	v2 =	vadd.f32 v4, v2  }
0x145: {  	v4 =	vld [tilespmem:s31+$0xFFFFF880]  }
0x146: {  	v2 =	vadd.f32 v5, v2  }
0x147: {  	v5 =	vld [tilespmem:s31+$0xFFFFFB00]  }
0x148: {  	v2 =	vadd.f32 v3, v2  }
0x149: {  	v3 =	vld [tilespmem:s31+$0xFFFFFD80]  }
0x14a: {  	v2 =	vadd.f32 v4, v2  }
0x14b: {  	v4 =	vld [tilespmem:s31+$0x0]  }
0x14c: {  	v2 =	vadd.f32 v5, v2  }
0x14d: {  	v5 =	vld [tilespmem:s31+$0x280]  }
0x14e: {  	v2 =	vadd.f32 v3, v2  }
0x14f: {  	v3 =	vld [tilespmem:s31+$0x500]  }
0x150: {  	v2 =	vadd.f32 v4, v2  }
0x151: {  	v4 =	vld [tilespmem:s31+$0x780]  }
0x152: {  	v2 =	vadd.f32 v5, v2  }
0x153: {  	v5 =	vld [tilespmem:s31+$0xA00]  }
0x154: {  	v2 =	vadd.f32 v3, v2  }
0x155: {  	v3 =	vld [tilespmem:s31+$0xC80]  }
0x156: {  	v2 =	vadd.f32 v4, v2  }
0x157: {  	v4 =	vld [tilespmem:s31+$0xF00]  }
0x158: {  	v2 =	vadd.f32 v5, v2  }
0x159: {  	v5 =	vld [tilespmem:s31+$0x1180]  }
0x15a: {  	v2 =	vadd.f32 v3, v2;
	_ =	sdelay $0x1  }
0x15b: {  	v2 =	vadd.f32 v4, v2;
	_ =	sdelay $0x1  }
0x15c: {  	v2 =	vadd.f32 v5, v2;
	_ =	sdelay $0x1  }
0x15d: {  	[tilespmem:s5+$0xFFFFFFF0] =	vst v2  }
0x15e: {  	v2 =	vld [tilespmem:s31+$0xFFFFEC10];
	_ =	sdelay $0x1  }
0x15f: {  	v3 =	vld [tilespmem:s31+$0xFFFFEE90];
	_ =	sdelay $0x1  }
0x160: {  	v4 =	vld [tilespmem:s31+$0xFFFFF110]  }
0x161: {  	v2 =	vadd.f32 $0.0e+00, v2  }
0x162: {  	v5 =	vld [tilespmem:s31+$0xFFFFF390]  }
0x163: {  	v2 =	vadd.f32 v3, v2  }
0x164: {  	v3 =	vld [tilespmem:s31+$0xFFFFF610]  }
0x165: {  	v2 =	vadd.f32 v4, v2  }
0x166: {  	v4 =	vld [tilespmem:s31+$0xFFFFF890]  }
0x167: {  	v2 =	vadd.f32 v5, v2  }
0x168: {  	v5 =	vld [tilespmem:s31+$0xFFFFFB10]  }
0x169: {  	v2 =	vadd.f32 v3, v2  }
0x16a: {  	v3 =	vld [tilespmem:s31+$0xFFFFFD90]  }
0x16b: {  	v2 =	vadd.f32 v4, v2  }
0x16c: {  	v4 =	vld [tilespmem:s31+$0x10]  }
0x16d: {  	v2 =	vadd.f32 v5, v2  }
0x16e: {  	v5 =	vld [tilespmem:s31+$0x290]  }
0x16f: {  	v2 =	vadd.f32 v3, v2  }
0x170: {  	v3 =	vld [tilespmem:s31+$0x510]  }
0x171: {  	v2 =	vadd.f32 v4, v2  }
0x172: {  	v4 =	vld [tilespmem:s31+$0x790]  }
0x173: {  	v2 =	vadd.f32 v5, v2  }
0x174: {  	v5 =	vld [tilespmem:s31+$0xA10]  }
0x175: {  	v2 =	vadd.f32 v3, v2  }
0x176: {  	v3 =	vld [tilespmem:s31+$0xC90]  }
0x177: {  	v2 =	vadd.f32 v4, v2  }
0x178: {  	v4 =	vld [tilespmem:s31+$0xF10]  }
0x179: {  	v2 =	vadd.f32 v5, v2  }
0x17a: {  	v5 =	vld [tilespmem:s31+$0x1190]  }
0x17b: {  	v2 =	vadd.f32 v3, v2;
	_ =	sdelay $0x1  }
0x17c: {  	v2 =	vadd.f32 v4, v2;
	_ =	sdelay $0x1  }
0x17d: {  	v2 =	vadd.f32 v5, v2;
	_ =	sdelay $0x1  }
0x17e: {  	[tilespmem:s5+$0x0] =	vst v2  }
0x17f: {  	v2 =	vld [tilespmem:s31+$0xFFFFEC20]  }
0x180: {  	v3 =	vld [tilespmem:s31+$0xFFFFEEA0]  }
0x181: {  	v4 =	vld [tilespmem:s31+$0xFFFFF120]  }
0x182: {  	v5 =	vld [tilespmem:s31+$0xFFFFF3A0]  }
0x183: {  	v6 =	vld [tilespmem:s31+$0xFFFFF620]  }
0x184: {  	v2 =	vadd.f32 $0.0e+00, v2;
	v7 =	vld [tilespmem:s31+$0xFFFFF8A0]  }
0x185: {  	v8 =	vld [tilespmem:s31+$0xFFFFFB20]  }
0x186: {  	v2 =	vadd.f32 v3, v2;
	v3 =	vld [tilespmem:s31+$0xFFFFFDA0]  }
0x187: {  	v9 =	vld [tilespmem:s31+$0x20]  }
0x188: {  	v2 =	vadd.f32 v4, v2;
	v4 =	vld [tilespmem:s31+$0x2A0]  }
0x189: {  	v10 =	vld [tilespmem:s31+$0x520]  }
0x18a: {  	v2 =	vadd.f32 v5, v2;
	v5 =	vld [tilespmem:s31+$0x7A0]  }
0x18b: {  	v11 =	vld [tilespmem:s31+$0xA20]  }
0x18c: {  	v2 =	vadd.f32 v6, v2;
	v6 =	vld [tilespmem:s31+$0xCA0]  }
0x18d: {  	v12 =	vld [tilespmem:s31+$0xF20]  }
0x18e: {  	v2 =	vadd.f32 v7, v2;
	v7 =	vld [tilespmem:s31+$0x11A0];
	_ =	sdelay $0x1  }
0x18f: {  	v2 =	vadd.f32 v8, v2;
	_ =	sdelay $0x1  }
0x190: {  	v2 =	vadd.f32 v3, v2;
	_ =	sdelay $0x1  }
0x191: {  	v2 =	vadd.f32 v9, v2;
	_ =	sdelay $0x1  }
0x192: {  	v2 =	vadd.f32 v4, v2;
	_ =	sdelay $0x1  }
0x193: {  	v2 =	vadd.f32 v10, v2;
	_ =	sdelay $0x1  }
0x194: {  	v2 =	vadd.f32 v5, v2;
	_ =	sdelay $0x1  }
0x195: {  	v2 =	vadd.f32 v11, v2;
	_ =	sdelay $0x1  }
0x196: {  	v2 =	vadd.f32 v6, v2  }
.Ltmp3:
0x197: {  	(pc) =	sbr.rel @p1 .LBB2_8-.Ltmp3, $3  }
0x198: {  	v2 =	vadd.f32 v12, v2;
	_ =	sdelay $0x1  }
0x199: {  	v2 =	vadd.f32 v7, v2  }
0x19a: {  	s5 =	sadd.s32 $0x40, s5  }
0x19b: {  	[tilespmem:s1+$0x10] =	vst v2  }
0x19c: {  	[hbm4b:s22+s2] =	stream.linear.scatter [tilespmem:s28], [sflag:$0x1], $0x270, $0x38;
	[tilespmem:$0x7E90] =	vst v63  }
0x19d: {  	_ =	swait.ge [sflag:s26], $0x270  }
0x19e: {  	s0 =	simm.s32 @!p0 $0x0;
	s30 =	sadd.s32 $0x1, s30;
	[sflag:s26] =	ssyncset.done $0x0  }
0x19f: {  	s1 =	simm.s32 @!p0 $0x2980;
	p1 =	sne.s32 s30, s24;
	[sflag:s26] =	ssyncadd.s32 $0xFFFFFD90  }
0x1a0: {  	[hbm4b:s23+s0] =	stream.linear.scatter @!p0 [tilespmem:s1], [sflag:$0x1], $0x10, $0x38;
	[tilespmem:$0x7E90] =	vst v63  }
.Ltmp4:
0x1a1: {  	_ = 	snop;
	(pc) =	sbr.rel @p1 .LBB2_1-.Ltmp4, $4  }
0x1a2: {  	s0 =	simm.s32 @!p0 $0x1  }
0x1a3: {  	_ =	swait.ge @!p0 [sflag:s0], $0x10  }
0x1a4: {  	[sflag:s0] =	ssyncset.done @!p0 $0x0  }
0x1a5: {  	[sflag:s0] =	ssyncadd.s32 @!p0 $0xFFFFFFF0  }
0x1a6: {  	_ =	sfence.sel $0x180000  }
0x1a7: {  	[bflag:$0x0] =	sbarrier.arrive $0xFFFF  }
0x1a8: {  	_ =	strace $0x90000047  }
0x1a9: {  	s0 =	stileid.u32;
	[bflag:$0x2] =	sbarrier.arrive $0xFFFF  }
0x1aa: {  	p0 =	sne.s32 s0, $0x0;
	s0 =	rddreg [dreg:$0x2]  }
0x1ab: {  	s0 =	sadd.s32 @!p0 $0x100000, s0  }
0x1ac: {  	[sflag:s0] =	ssyncadd.tile.s32 @!p0 $0x1;
	_ =	shalt  }
.Lfunc_end2:
_tile_overlayer_lowered:
.L_overlay_start_2:
0x1ad: {  	(tag) =	ssettag $0x2  }
0x1ae: {  	s0 =	rddreg [dreg:$0x0];
	s2 =	stileid.u32  }
0x1af: {  	s1 =	rddreg [dreg:$0x1];
	p0 =	sne.s32 s2, $0x0  }
0x1b0: {  	s3 =	rddreg [dreg:$0x2];
	[bflag:$0x3] =	sbarrier.arrive $0xFFFF;
	s2 =	simm.s32 @!p0 $0x1C01  }
0x1b1: {  	[timem:s3], [sflag:s2] =	dma.local @!p0 [hbm:s0], s1  }
0x1b2: {  	s0 =	simm.s32 @!p0 $0x1  }
0x1b3: {  	_ =	swait.ge @!p0 [sflag:s0], s1  }
0x1b4: {  	s1 =	ssub.s32 @!p0 $0x0, s1;
	[sflag:s0] =	ssyncset.done @!p0 $0x0  }
0x1b5: {  	[sflag:s0] =	ssyncadd.s32 @!p0 s1  }
0x1b6: {  	[bflag:$0x3] =	sbarrier.arrive $0xFFFF  }
0x1b7: {  	_ =	shalt  }

</sc_bundles>
